<compile_context>
chip_gen: v7x
topology: tpu7x:2x2x1
jax: 0.10.2.dev20260603
libtpu: 0.0.44.dev20260713+nightly
codegen_flags: <defaults>
</compile_context>

<pallas_src>
import functools

import jax
import jax.numpy as jnp
from jax import lax
from jax.experimental import pallas as pl
from jax.experimental.pallas import tpu as pltpu
from jax.experimental.pallas import tpu_sc as plsc

N = 10000
D = 128
E = 320000
N_PAD = 10240
NW = 32
EPW = 10240
E_PAD = NW * EPW
CHUNK = 128
ROWS_PER_SC = N_PAD // 16

_mesh = plsc.VectorSubcoreMesh(core_axis_name="c", subcore_axis_name="s")
_sc_params = pltpu.CompilerParams(needs_layout_passes=False)


@functools.partial(
    pl.kernel,
    out_type=jax.ShapeDtypeStruct((2, N_PAD), jnp.float32),
    mesh=_mesh,
    compiler_params=_sc_params,
    scratch_types=[
        pltpu.VMEM((CHUNK,), jnp.int32),
        pltpu.VMEM((N_PAD,), jnp.float32),
        pltpu.VMEM((ROWS_PER_SC,), jnp.float32),
        pltpu.VMEM((ROWS_PER_SC,), jnp.float32),
        pltpu.VMEM_SHARED((16, N_PAD), jnp.float32),
    ],
)
def _deg_kernel(dst_hbm, out_hbm, idx_v, hist_v, col_v, buf_v, slab):
    cid = lax.axis_index("c")
    sid = lax.axis_index("s")
    wid = sid * 2 + cid
    zero16 = jnp.zeros((16,), jnp.float32)
    ones16 = jnp.ones((16,), jnp.float32)

    def zero_hist(i, carry):
        hist_v[pl.ds(i * 16, 16)] = zero16
        return carry

    lax.fori_loop(0, N_PAD // 16, zero_hist, 0)

    def chunk_body(ci, carry):
        base = wid * EPW + ci * CHUNK
        pltpu.sync_copy(dst_hbm.at[pl.ds(base, CHUNK)], idx_v)

        def inner(j, c2):
            idx = idx_v[pl.ds(j * 16, 16)]
            plsc.addupdate_scatter(hist_v, [idx], ones16)
            return c2

        lax.fori_loop(0, CHUNK // 16, inner, 0)
        return carry

    lax.fori_loop(0, EPW // CHUNK, chunk_body, 0)

    pltpu.sync_copy(hist_v, slab.at[sid])
    plsc.subcore_barrier()

    col0 = sid * ROWS_PER_SC

    def zero_col(i, carry):
        col_v[pl.ds(i * 16, 16)] = zero16
        return carry

    lax.fori_loop(0, ROWS_PER_SC // 16, zero_col, 0)

    def row_body(r, carry):
        pltpu.sync_copy(slab.at[r, pl.ds(col0, ROWS_PER_SC)], buf_v)

        def addv(i, c2):
            col_v[pl.ds(i * 16, 16)] = (
                col_v[pl.ds(i * 16, 16)] + buf_v[pl.ds(i * 16, 16)]
            )
            return c2

        lax.fori_loop(0, ROWS_PER_SC // 16, addv, 0)
        return carry

    lax.fori_loop(0, 16, row_body, 0)
    pltpu.sync_copy(col_v, out_hbm.at[cid, pl.ds(col0, ROWS_PER_SC)])


NCHUNK_TOT = E_PAD // CHUNK
NBUF = 2
C0 = 156
C1 = 4
assert 16 * (C0 + C1) == NCHUNK_TOT
assert C0 % (2 * NBUF) == 0 and C1 % (2 * NBUF) == 0



@functools.partial(
    pl.kernel,
    out_type=jax.ShapeDtypeStruct((2, N_PAD, D), jnp.float32),
    mesh=_mesh,
    compiler_params=_sc_params,
    scratch_types=(
        [pltpu.VMEM((2, NBUF, CHUNK), jnp.int32),
         pltpu.VMEM((2, NBUF, CHUNK), jnp.int32)]
        + [pltpu.VMEM((CHUNK, D), jnp.float32) for _ in range(NBUF)]
        + [pltpu.VMEM_SHARED((N_PAD, D), jnp.float32)]
        + [pltpu.SemaphoreType.DMA for _ in range(2 + 2 * NBUF)]
    ),
)
def _agg_kernel(h_hbm, src_hbm, dst_hbm, out_hbm, sidx_v, didx_v, *rest):
    rows = rest[:NBUF]
    acc_sh = rest[NBUF]
    isem = rest[NBUF + 1:NBUF + 3]
    gsem = rest[NBUF + 3:NBUF + 3 + NBUF]
    ssem = rest[NBUF + 3 + NBUF:]
    cid = lax.axis_index("c")
    sid = lax.axis_index("s")
    r0 = sid * ROWS_PER_SC
    row0 = jnp.where(cid == 0, sid * C0, 16 * C0 + sid * C1)
    ngroup = jnp.where(cid == 0, C0 // NBUF, C1 // NBUF)

    @pl.when(cid == 0)
    def _():
        pltpu.sync_copy(h_hbm.at[pl.ds(r0, ROWS_PER_SC)],
                        acc_sh.at[pl.ds(r0, ROWS_PER_SC)])

    @pl.when(cid == 1)
    def _():
        zero16 = jnp.zeros((16,), jnp.float32)

        def zrow(i, carry):
            for j in range(D // 16):
                rows[0][i, pl.ds(j * 16, 16)] = zero16
            return carry

        lax.fori_loop(0, CHUNK, zrow, 0)
        for k in range(ROWS_PER_SC // CHUNK):
            pltpu.sync_copy(rows[0], acc_sh.at[pl.ds(r0 + k * CHUNK, CHUNK)])

    plsc.subcore_barrier()

    def load_idx(g, p):
        blk = pl.ds(row0 + g * NBUF, NBUF)
        pltpu.async_copy(src_hbm.at[blk], sidx_v.at[p], isem[p])
        pltpu.async_copy(dst_hbm.at[blk], didx_v.at[p], isem[p])

    def wait_idx(p):
        pltpu.make_async_copy(src_hbm.at[pl.ds(0, NBUF)], sidx_v.at[p],
                              isem[p]).wait()
        pltpu.make_async_copy(dst_hbm.at[pl.ds(0, NBUF)], didx_v.at[p],
                              isem[p]).wait()

    load_idx(0, 0)
    load_idx(1, 1)
    wait_idx(0)
    for b in range(NBUF):
        pltpu.async_copy(h_hbm.at[sidx_v.at[0, b]], rows[b], gsem[b])

    def half_body(g, p):
        pnext = 1 - p
        for b in range(NBUF):
            pltpu.make_async_copy(h_hbm.at[sidx_v.at[p, b]], rows[b],
                                  gsem[b]).wait()
            pltpu.async_copy(rows[b], acc_sh.at[didx_v.at[p, b]], ssem[b],
                             add=True)
        @pl.when(g + 1 < ngroup)
        def _():
            wait_idx(pnext)
            for b in range(NBUF):
                pltpu.make_async_copy(rows[b], acc_sh.at[didx_v.at[p, b]],
                                      ssem[b]).wait()
                pltpu.async_copy(h_hbm.at[sidx_v.at[pnext, b]], rows[b],
                                 gsem[b])

        @pl.when(g + 2 < ngroup)
        def _():
            load_idx(g + 2, p)

    def group_body(q, carry):
        half_body(2 * q, 0)
        half_body(2 * q + 1, 1)
        return carry

    lax.fori_loop(0, ngroup // 2, group_body, 0)
    for b in range(NBUF):
        pltpu.make_async_copy(rows[b], acc_sh.at[didx_v.at[0, b]],
                              ssem[b]).wait()

    plsc.subcore_barrier()

    @pl.when(cid == 0)
    def _():
        pltpu.sync_copy(acc_sh.at[pl.ds(r0, ROWS_PER_SC)],
                        out_hbm.at[cid, pl.ds(r0, ROWS_PER_SC)])

    @pl.when(cid == 1)
    def _():
        pltpu.sync_copy(acc_sh.at[pl.ds(r0, 80)],
                        out_hbm.at[cid, pl.ds(r0, 80)])


_BLK = 1024
_GRID = N_PAD // _BLK


def _h_body(p_ref, x_ref, w_ref, o_ref):
    deg = 1.0 + p_ref[0] + p_ref[1]
    dinv = lax.rsqrt(deg)
    h = lax.dot_general(x_ref[...], w_ref[...], (((1,), (1,)), ((), ())),
                        preferred_element_type=jnp.float32,
                        precision=lax.Precision.HIGHEST)
    o_ref[...] = dinv * h


def _first_layer(p, x_pad, W1):
    return pl.pallas_call(
        _h_body,
        grid=(_GRID,),
        in_specs=[
            pl.BlockSpec((2, _BLK, 1), lambda i: (0, i, 0)),
            pl.BlockSpec((_BLK, D), lambda i: (i, 0)),
            pl.BlockSpec((D, D), lambda i: (0, 0)),
        ],
        out_specs=pl.BlockSpec((_BLK, D), lambda i: (i, 0)),
        out_shape=jax.ShapeDtypeStruct((N_PAD, D), jnp.float32),
    )(p, x_pad, W1)


def _mid_body(p_ref, acc_ref, b_ref, w_ref, o_ref):
    deg = 1.0 + p_ref[0] + p_ref[1]
    dinv = lax.rsqrt(deg)
    agg = acc_ref[0] + acc_ref[1]
    x2 = dinv * agg + b_ref[...]
    h2 = lax.dot_general(x2, w_ref[...], (((1,), (1,)), ((), ())),
                         preferred_element_type=jnp.float32,
                         precision=lax.Precision.HIGHEST)
    o_ref[...] = dinv * h2


def _mid_layer(p, acc, b1, W2):
    return pl.pallas_call(
        _mid_body,
        grid=(_GRID,),
        in_specs=[
            pl.BlockSpec((2, _BLK, 1), lambda i: (0, i, 0)),
            pl.BlockSpec((2, _BLK, D), lambda i: (0, i, 0)),
            pl.BlockSpec((1, D), lambda i: (0, 0)),
            pl.BlockSpec((D, D), lambda i: (0, 0)),
        ],
        out_specs=pl.BlockSpec((_BLK, D), lambda i: (i, 0)),
        out_shape=jax.ShapeDtypeStruct((N_PAD, D), jnp.float32),
    )(p, acc, b1, W2)


def _final_body(p_ref, acc_ref, b_ref, o_ref):
    deg = 1.0 + p_ref[0] + p_ref[1]
    dinv = lax.rsqrt(deg)
    agg = acc_ref[0] + acc_ref[1]
    o_ref[...] = dinv * agg + b_ref[...]


def _final_layer(p, acc, b2):
    return pl.pallas_call(
        _final_body,
        grid=(_GRID,),
        in_specs=[
            pl.BlockSpec((2, _BLK, 1), lambda i: (0, i, 0)),
            pl.BlockSpec((2, _BLK, D), lambda i: (0, i, 0)),
            pl.BlockSpec((1, D), lambda i: (0, 0)),
        ],
        out_specs=pl.BlockSpec((_BLK, D), lambda i: (i, 0)),
        out_shape=jax.ShapeDtypeStruct((N_PAD, D), jnp.float32),
    )(p, acc, b2)


@jax.jit
def kernel(x, edge_index, W1, b1, W2, b2):
    src = edge_index[0].astype(jnp.int32)
    dst = edge_index[1].astype(jnp.int32)
    pad = jnp.full((E_PAD - E,), N, jnp.int32)
    src_pad = jnp.concatenate([src, pad])
    dst_pad = jnp.concatenate([dst, pad])
    src_m = src_pad.reshape(NCHUNK_TOT, CHUNK)
    dst_m = dst_pad.reshape(NCHUNK_TOT, CHUNK)
    x_pad = jnp.pad(x, ((0, N_PAD - N), (0, 0)))
    b1r = b1.reshape(1, D)
    b2r = b2.reshape(1, D)

    p = _deg_kernel(dst_pad)
    pcol = p.reshape(2, N_PAD, 1)

    h1 = _first_layer(pcol, x_pad, W1)
    acc1 = _agg_kernel(h1, src_m, dst_m)
    h2 = _mid_layer(pcol, acc1, b1r, W2)
    acc2 = _agg_kernel(h2, src_m, dst_m)
    out = _final_layer(pcol, acc2, b2r)
    return out[:N]

# --- scband reference (transcript-rebuilt; emitter-appended) ---
"""Pipeline reference for scband-geo-layer-37830071943363 (READ-ONLY COPY).

The authoritative reference and input builder live on the scoring server;
editing this copy changes nothing except your own understanding.
"""

import jax, jax.numpy as jnp
import numpy as np

N_NODES = 10000
N_EDGES = 320000
D = 128


def setup_inputs(seed: int = 0) -> dict:
    key = jax.random.key(seed)
    k1, k2, k3, k4 = jax.random.split(key, 4)
    x = jax.random.normal(k1, (N_NODES, D), dtype=jnp.float32)
    edge_index = jax.random.randint(k2, (2, N_EDGES), 0, N_NODES, dtype=jnp.int64)
    # GCNConv layer 0: lin.weight [out, in], bias [out]
    W1 = jax.random.normal(k3, (D, D), dtype=jnp.float32) * (1.0 / np.sqrt(D))
    b1 = jnp.zeros((D,), dtype=jnp.float32)
    # GCNConv layer 1
    W2 = jax.random.normal(k4, (D, D), dtype=jnp.float32) * (1.0 / np.sqrt(D))
    b2 = jnp.zeros((D,), dtype=jnp.float32)
    return {"x": x, "edge_index": edge_index, "W1": W1, "b1": b1, "W2": W2, "b2": b2}


def _gcn_conv(x, src, dst, norm, W, b):
    # PyG GCNConv: x' = D^{-1/2}(A+I)D^{-1/2} (X W^T) + b
    h = x @ W.T
    msg = norm[:, None] * jnp.take(h, src, axis=0)
    out = jnp.zeros((x.shape[0], W.shape[0]), dtype=x.dtype).at[dst].add(msg)
    return out + b


def reference(x, edge_index, W1, b1, W2, b2):
    N = x.shape[0]
    loop = jnp.arange(N, dtype=edge_index.dtype)
    src = jnp.concatenate([edge_index[0], loop])
    dst = jnp.concatenate([edge_index[1], loop])
    # symmetric normalization with self-loops (deg computed on dst, as in PyG gcn_norm)
    deg = jnp.zeros((N,), dtype=x.dtype).at[dst].add(1.0)
    dinv = jnp.where(deg > 0, jax.lax.rsqrt(deg), 0.0)
    norm = dinv[src] * dinv[dst]
    h = _gcn_conv(x, src, dst, norm, W1, b1)
    h = _gcn_conv(h, src, dst, norm, W2, b2)
    return h

if __name__ == "__main__":
    import jax
    _d = setup_inputs()
    print(jax.jit(kernel)(*tuple(_d.values())))

</pallas_src>

<mosaic_0001>
#map = affine_map<(d0, d1) -> (0, 0)>
#map1 = affine_map<(d0, d1) -> (0, 0, 0)>
module attributes {stable_mosaic.version = 14 : i64} {
  func.func @_agg_kernel(%arg0: i32, %arg1: i32, %arg2: memref<10240x128xf32, #tpu.memory_space<hbm>>, %arg3: memref<2560x128xi32, #tpu.memory_space<hbm>>, %arg4: memref<2560x128xi32, #tpu.memory_space<hbm>>, %arg5: memref<2x10240x128xf32, #tpu.memory_space<hbm>>, %arg6: memref<2x2x128xi32, #tpu.memory_space<vmem>>, %arg7: memref<2x2x128xi32, #tpu.memory_space<vmem>>, %arg8: memref<128x128xf32, #tpu.memory_space<vmem>>, %arg9: memref<128x128xf32, #tpu.memory_space<vmem>>, %arg10: memref<10240x128xf32, #tpu.memory_space<vmem_shared>>, %arg11: memref<!tpu.dma_semaphore, #tpu.memory_space<semaphore_mem>>, %arg12: memref<!tpu.dma_semaphore, #tpu.memory_space<semaphore_mem>>, %arg13: memref<!tpu.dma_semaphore, #tpu.memory_space<semaphore_mem>>, %arg14: memref<!tpu.dma_semaphore, #tpu.memory_space<semaphore_mem>>, %arg15: memref<!tpu.dma_semaphore, #tpu.memory_space<semaphore_mem>>, %arg16: memref<!tpu.dma_semaphore, #tpu.memory_space<semaphore_mem>>) attributes {dimension_semantics = [#tpu.dimension_semantics<core_parallel>, #tpu.dimension_semantics<subcore_parallel>], iteration_bounds = array<i64: 2, 16>, scalar_prefetch = 0 : i64, scratch_operands = 11 : i64, tpu.core_type = #tpu.core_type<sc_vector_subcore>, window_params = [{transform_indices = #map}, {transform_indices = #map}, {transform_indices = #map}, {transform_indices = #map1}]} {
    %mul3A = arith.constant 640 : i32
    %mul3A_0 = arith.muli %arg1, %mul3A : i32
    %eq3A = arith.constant 0 : i32
    %eq3A_1 = arith.cmpi eq, %arg0, %eq3A : i32
    %mul3A_2 = arith.constant 156 : i32
    %mul3A_3 = arith.muli %arg1, %mul3A_2 : i32
    %mul3A_4 = arith.constant 4 : i32
    %mul3A_5 = arith.muli %arg1, %mul3A_4 : i32
    %add3A = arith.constant 2496 : i32
    %add3A_6 = arith.addi %add3A, %mul3A_5 : i32
    %select_n3A = arith.select %eq3A_1, %mul3A_3, %add3A_6 : i32
    %eq3A_7 = arith.constant 0 : i32
    %eq3A_8 = arith.cmpi eq, %arg0, %eq3A_7 : i32
    %jit3A = arith.constant 78 : i32
    %jit3A_9 = arith.constant 2 : i32
    %select_n3A_10 = arith.select %eq3A_8, %jit3A, %jit3A_9 : i32
    %eq3A_11 = arith.constant 0 : i32
    %eq3A_12 = arith.cmpi eq, %arg0, %eq3A_11 : i32
    %convert_element_type3A = arith.extui %eq3A_12 : i1 to i32
    %cond3A = arith.constant 0 : i32
    %cond3A_13 = arith.cmpi ne, %convert_element_type3A, %cond3A : i32
    scf.if %cond3A_13 {
      "tpu.region"() ({
        %run_scoped3A = tpu.sem_alloc : memref<!tpu.dma_semaphore, #tpu.memory_space<semaphore_mem>>
        %dma_start3A_173 = arith.constant 0 : i32
        %dma_start3A_174 = tpu.memref_slice %arg10[%mul3A_0, %dma_start3A_173] : memref<10240x128xf32, #tpu.memory_space<vmem_shared>> -> memref<640x128xf32, #tpu.memory_space<vmem_shared>>
        %dma_start3A_175 = arith.constant 0 : i32
        %dma_start3A_176 = tpu.memref_slice %arg2[%mul3A_0, %dma_start3A_175] : memref<10240x128xf32, #tpu.memory_space<hbm>> -> memref<640x128xf32, #tpu.memory_space<hbm>>
        tpu.enqueue_dma source(%dma_start3A_176 : memref<640x128xf32, #tpu.memory_space<hbm>>) target(%dma_start3A_174 : memref<640x128xf32, #tpu.memory_space<vmem_shared>>) target_semaphore(%run_scoped3A : memref<!tpu.dma_semaphore, #tpu.memory_space<semaphore_mem>>)
        %dma_wait3A_177 = arith.constant 0 : i32
        %dma_wait3A_178 = tpu.memref_slice %arg10[%mul3A_0, %dma_wait3A_177] : memref<10240x128xf32, #tpu.memory_space<vmem_shared>> -> memref<640x128xf32, #tpu.memory_space<vmem_shared>>
        %dma_wait3A_179 = arith.constant 0 : i32
        %dma_wait3A_180 = tpu.memref_slice %arg2[%mul3A_0, %dma_wait3A_179] : memref<10240x128xf32, #tpu.memory_space<hbm>> -> memref<640x128xf32, #tpu.memory_space<hbm>>
        tpu.wait_dma2 semaphore(%run_scoped3A : memref<!tpu.dma_semaphore, #tpu.memory_space<semaphore_mem>>) src(%dma_wait3A_180 : memref<640x128xf32, #tpu.memory_space<hbm>>) dst(%dma_wait3A_178 : memref<640x128xf32, #tpu.memory_space<vmem_shared>>)
        tpu.yield
      }) : () -> ()
    } else {
    }
    %eq3A_14 = arith.constant 1 : i32
    %eq3A_15 = arith.cmpi eq, %arg0, %eq3A_14 : i32
    %convert_element_type3A_16 = arith.extui %eq3A_15 : i1 to i32
    %cond3A_17 = arith.constant 0 : i32
    %cond3A_18 = arith.cmpi ne, %convert_element_type3A_16, %cond3A_17 : i32
    scf.if %cond3A_18 {
      %broadcast_in_dim3A = arith.constant 0.000000e+00 : f32
      %broadcast_in_dim3A_173 = vector.broadcast %broadcast_in_dim3A : f32 to vector<16xf32>
      %scan3A = arith.constant 0 : i32
      %scan3A_174 = arith.constant 0 : i32
      %scan3A_175 = arith.constant 128 : i32
      %scan3A_176 = arith.addi %scan3A_174, %scan3A_175 : i32
      %scan3A_177 = arith.constant 1 : i32
      scf.for %scan3A_189 = %scan3A_174 to %scan3A_176 step %scan3A_177  : i32 {
        %swap3A = arith.index_cast %scan3A_189 : i32 to index
        %swap3A_190 = arith.constant 0 : index
        %swap3A_191 = tpu.vector_load %arg8[%swap3A, %swap3A_190] {strides = array<i32>} : memref<128x128xf32, #tpu.memory_space<vmem>>, vector<16xf32>,
        tpu.vector_store %arg8[%swap3A, %swap3A_190], %broadcast_in_dim3A_173 {strides = array<i32>} : memref<128x128xf32, #tpu.memory_space<vmem>>, vector<16xf32>,
        %swap3A_192 = arith.index_cast %scan3A_189 : i32 to index
        %swap3A_193 = arith.constant 16 : index
        %swap3A_194 = tpu.vector_load %arg8[%swap3A_192, %swap3A_193] {strides = array<i32>} : memref<128x128xf32, #tpu.memory_space<vmem>>, vector<16xf32>,
        tpu.vector_store %arg8[%swap3A_192, %swap3A_193], %broadcast_in_dim3A_173 {strides = array<i32>} : memref<128x128xf32, #tpu.memory_space<vmem>>, vector<16xf32>,
        %swap3A_195 = arith.index_cast %scan3A_189 : i32 to index
        %swap3A_196 = arith.constant 32 : index
        %swap3A_197 = tpu.vector_load %arg8[%swap3A_195, %swap3A_196] {strides = array<i32>} : memref<128x128xf32, #tpu.memory_space<vmem>>, vector<16xf32>,
        tpu.vector_store %arg8[%swap3A_195, %swap3A_196], %broadcast_in_dim3A_173 {strides = array<i32>} : memref<128x128xf32, #tpu.memory_space<vmem>>, vector<16xf32>,
        %swap3A_198 = arith.index_cast %scan3A_189 : i32 to index
        %swap3A_199 = arith.constant 48 : index
        %swap3A_200 = tpu.vector_load %arg8[%swap3A_198, %swap3A_199] {strides = array<i32>} : memref<128x128xf32, #tpu.memory_space<vmem>>, vector<16xf32>,
        tpu.vector_store %arg8[%swap3A_198, %swap3A_199], %broadcast_in_dim3A_173 {strides = array<i32>} : memref<128x128xf32, #tpu.memory_space<vmem>>, vector<16xf32>,
        %swap3A_201 = arith.index_cast %scan3A_189 : i32 to index
        %swap3A_202 = arith.constant 64 : index
        %swap3A_203 = tpu.vector_load %arg8[%swap3A_201, %swap3A_202] {strides = array<i32>} : memref<128x128xf32, #tpu.memory_space<vmem>>, vector<16xf32>,
        tpu.vector_store %arg8[%swap3A_201, %swap3A_202], %broadcast_in_dim3A_173 {strides = array<i32>} : memref<128x128xf32, #tpu.memory_space<vmem>>, vector<16xf32>,
        %swap3A_204 = arith.index_cast %scan3A_189 : i32 to index
        %swap3A_205 = arith.constant 80 : index
        %swap3A_206 = tpu.vector_load %arg8[%swap3A_204, %swap3A_205] {strides = array<i32>} : memref<128x128xf32, #tpu.memory_space<vmem>>, vector<16xf32>,
        tpu.vector_store %arg8[%swap3A_204, %swap3A_205], %broadcast_in_dim3A_173 {strides = array<i32>} : memref<128x128xf32, #tpu.memory_space<vmem>>, vector<16xf32>,
        %swap3A_207 = arith.index_cast %scan3A_189 : i32 to index
        %swap3A_208 = arith.constant 96 : index
        %swap3A_209 = tpu.vector_load %arg8[%swap3A_207, %swap3A_208] {strides = array<i32>} : memref<128x128xf32, #tpu.memory_space<vmem>>, vector<16xf32>,
        tpu.vector_store %arg8[%swap3A_207, %swap3A_208], %broadcast_in_dim3A_173 {strides = array<i32>} : memref<128x128xf32, #tpu.memory_space<vmem>>, vector<16xf32>,
        %swap3A_210 = arith.index_cast %scan3A_189 : i32 to index
        %swap3A_211 = arith.constant 112 : index
        %swap3A_212 = tpu.vector_load %arg8[%swap3A_210, %swap3A_211] {strides = array<i32>} : memref<128x128xf32, #tpu.memory_space<vmem>>, vector<16xf32>,
        tpu.vector_store %arg8[%swap3A_210, %swap3A_211], %broadcast_in_dim3A_173 {strides = array<i32>} : memref<128x128xf32, #tpu.memory_space<vmem>>, vector<16xf32>,
      }
      %scan3A_178 = arith.constant 128 : i32
      %add3A_179 = arith.constant 0 : i32
      %add3A_180 = arith.addi %mul3A_0, %add3A_179 : i32
      "tpu.region"() ({
        %run_scoped3A = tpu.sem_alloc : memref<!tpu.dma_semaphore, #tpu.memory_space<semaphore_mem>>
        %dma_start3A_189 = arith.constant 0 : i32
        %dma_start3A_190 = tpu.memref_slice %arg10[%add3A_180, %dma_start3A_189] : memref<10240x128xf32, #tpu.memory_space<vmem_shared>> -> memref<128x128xf32, #tpu.memory_space<vmem_shared>>
        %dma_start3A_191 = arith.constant 0 : i32
        %dma_start3A_192 = tpu.memref_slice %arg10[%add3A_180, %dma_start3A_191] : memref<10240x128xf32, #tpu.memory_space<vmem_shared>> -> memref<128x128xf32, #tpu.memory_space<vmem_shared>>
        tpu.enqueue_dma source(%arg8 : memref<128x128xf32, #tpu.memory_space<vmem>>) target(%dma_start3A_192 : memref<128x128xf32, #tpu.memory_space<vmem_shared>>) target_semaphore(%run_scoped3A : memref<!tpu.dma_semaphore, #tpu.memory_space<semaphore_mem>>)
        %dma_wait3A_193 = arith.constant 0 : i32
        %dma_wait3A_194 = tpu.memref_slice %arg10[%add3A_180, %dma_wait3A_193] : memref<10240x128xf32, #tpu.memory_space<vmem_shared>> -> memref<128x128xf32, #tpu.memory_space<vmem_shared>>
        %dma_wait3A_195 = arith.constant 0 : i32
        %dma_wait3A_196 = tpu.memref_slice %arg10[%add3A_180, %dma_wait3A_195] : memref<10240x128xf32, #tpu.memory_space<vmem_shared>> -> memref<128x128xf32, #tpu.memory_space<vmem_shared>>
        tpu.wait_dma2 semaphore(%run_scoped3A : memref<!tpu.dma_semaphore, #tpu.memory_space<semaphore_mem>>) src(%arg8 : memref<128x128xf32, #tpu.memory_space<vmem>>) dst(%dma_wait3A_196 : memref<128x128xf32, #tpu.memory_space<vmem_shared>>)
        tpu.yield
      }) : () -> ()
      %add3A_181 = arith.constant 128 : i32
      %add3A_182 = arith.addi %mul3A_0, %add3A_181 : i32
      "tpu.region"() ({
        %run_scoped3A = tpu.sem_alloc : memref<!tpu.dma_semaphore, #tpu.memory_space<semaphore_mem>>
        %dma_start3A_189 = arith.constant 0 : i32
        %dma_start3A_190 = tpu.memref_slice %arg10[%add3A_182, %dma_start3A_189] : memref<10240x128xf32, #tpu.memory_space<vmem_shared>> -> memref<128x128xf32, #tpu.memory_space<vmem_shared>>
        %dma_start3A_191 = arith.constant 0 : i32
        %dma_start3A_192 = tpu.memref_slice %arg10[%add3A_182, %dma_start3A_191] : memref<10240x128xf32, #tpu.memory_space<vmem_shared>> -> memref<128x128xf32, #tpu.memory_space<vmem_shared>>
        tpu.enqueue_dma source(%arg8 : memref<128x128xf32, #tpu.memory_space<vmem>>) target(%dma_start3A_192 : memref<128x128xf32, #tpu.memory_space<vmem_shared>>) target_semaphore(%run_scoped3A : memref<!tpu.dma_semaphore, #tpu.memory_space<semaphore_mem>>)
        %dma_wait3A_193 = arith.constant 0 : i32
        %dma_wait3A_194 = tpu.memref_slice %arg10[%add3A_182, %dma_wait3A_193] : memref<10240x128xf32, #tpu.memory_space<vmem_shared>> -> memref<128x128xf32, #tpu.memory_space<vmem_shared>>
        %dma_wait3A_195 = arith.constant 0 : i32
        %dma_wait3A_196 = tpu.memref_slice %arg10[%add3A_182, %dma_wait3A_195] : memref<10240x128xf32, #tpu.memory_space<vmem_shared>> -> memref<128x128xf32, #tpu.memory_space<vmem_shared>>
        tpu.wait_dma2 semaphore(%run_scoped3A : memref<!tpu.dma_semaphore, #tpu.memory_space<semaphore_mem>>) src(%arg8 : memref<128x128xf32, #tpu.memory_space<vmem>>) dst(%dma_wait3A_196 : memref<128x128xf32, #tpu.memory_space<vmem_shared>>)
        tpu.yield
      }) : () -> ()
      %add3A_183 = arith.constant 256 : i32
      %add3A_184 = arith.addi %mul3A_0, %add3A_183 : i32
      "tpu.region"() ({
        %run_scoped3A = tpu.sem_alloc : memref<!tpu.dma_semaphore, #tpu.memory_space<semaphore_mem>>
        %dma_start3A_189 = arith.constant 0 : i32
        %dma_start3A_190 = tpu.memref_slice %arg10[%add3A_184, %dma_start3A_189] : memref<10240x128xf32, #tpu.memory_space<vmem_shared>> -> memref<128x128xf32, #tpu.memory_space<vmem_shared>>
        %dma_start3A_191 = arith.constant 0 : i32
        %dma_start3A_192 = tpu.memref_slice %arg10[%add3A_184, %dma_start3A_191] : memref<10240x128xf32, #tpu.memory_space<vmem_shared>> -> memref<128x128xf32, #tpu.memory_space<vmem_shared>>
        tpu.enqueue_dma source(%arg8 : memref<128x128xf32, #tpu.memory_space<vmem>>) target(%dma_start3A_192 : memref<128x128xf32, #tpu.memory_space<vmem_shared>>) target_semaphore(%run_scoped3A : memref<!tpu.dma_semaphore, #tpu.memory_space<semaphore_mem>>)
        %dma_wait3A_193 = arith.constant 0 : i32
        %dma_wait3A_194 = tpu.memref_slice %arg10[%add3A_184, %dma_wait3A_193] : memref<10240x128xf32, #tpu.memory_space<vmem_shared>> -> memref<128x128xf32, #tpu.memory_space<vmem_shared>>
        %dma_wait3A_195 = arith.constant 0 : i32
        %dma_wait3A_196 = tpu.memref_slice %arg10[%add3A_184, %dma_wait3A_195] : memref<10240x128xf32, #tpu.memory_space<vmem_shared>> -> memref<128x128xf32, #tpu.memory_space<vmem_shared>>
        tpu.wait_dma2 semaphore(%run_scoped3A : memref<!tpu.dma_semaphore, #tpu.memory_space<semaphore_mem>>) src(%arg8 : memref<128x128xf32, #tpu.memory_space<vmem>>) dst(%dma_wait3A_196 : memref<128x128xf32, #tpu.memory_space<vmem_shared>>)
        tpu.yield
      }) : () -> ()
      %add3A_185 = arith.constant 384 : i32
      %add3A_186 = arith.addi %mul3A_0, %add3A_185 : i32
      "tpu.region"() ({
        %run_scoped3A = tpu.sem_alloc : memref<!tpu.dma_semaphore, #tpu.memory_space<semaphore_mem>>
        %dma_start3A_189 = arith.constant 0 : i32
        %dma_start3A_190 = tpu.memref_slice %arg10[%add3A_186, %dma_start3A_189] : memref<10240x128xf32, #tpu.memory_space<vmem_shared>> -> memref<128x128xf32, #tpu.memory_space<vmem_shared>>
        %dma_start3A_191 = arith.constant 0 : i32
        %dma_start3A_192 = tpu.memref_slice %arg10[%add3A_186, %dma_start3A_191] : memref<10240x128xf32, #tpu.memory_space<vmem_shared>> -> memref<128x128xf32, #tpu.memory_space<vmem_shared>>
        tpu.enqueue_dma source(%arg8 : memref<128x128xf32, #tpu.memory_space<vmem>>) target(%dma_start3A_192 : memref<128x128xf32, #tpu.memory_space<vmem_shared>>) target_semaphore(%run_scoped3A : memref<!tpu.dma_semaphore, #tpu.memory_space<semaphore_mem>>)
        %dma_wait3A_193 = arith.constant 0 : i32
        %dma_wait3A_194 = tpu.memref_slice %arg10[%add3A_186, %dma_wait3A_193] : memref<10240x128xf32, #tpu.memory_space<vmem_shared>> -> memref<128x128xf32, #tpu.memory_space<vmem_shared>>
        %dma_wait3A_195 = arith.constant 0 : i32
        %dma_wait3A_196 = tpu.memref_slice %arg10[%add3A_186, %dma_wait3A_195] : memref<10240x128xf32, #tpu.memory_space<vmem_shared>> -> memref<128x128xf32, #tpu.memory_space<vmem_shared>>
        tpu.wait_dma2 semaphore(%run_scoped3A : memref<!tpu.dma_semaphore, #tpu.memory_space<semaphore_mem>>) src(%arg8 : memref<128x128xf32, #tpu.memory_space<vmem>>) dst(%dma_wait3A_196 : memref<128x128xf32, #tpu.memory_space<vmem_shared>>)
        tpu.yield
      }) : () -> ()
      %add3A_187 = arith.constant 512 : i32
      %add3A_188 = arith.addi %mul3A_0, %add3A_187 : i32
      "tpu.region"() ({
        %run_scoped3A = tpu.sem_alloc : memref<!tpu.dma_semaphore, #tpu.memory_space<semaphore_mem>>
        %dma_start3A_189 = arith.constant 0 : i32
        %dma_start3A_190 = tpu.memref_slice %arg10[%add3A_188, %dma_start3A_189] : memref<10240x128xf32, #tpu.memory_space<vmem_shared>> -> memref<128x128xf32, #tpu.memory_space<vmem_shared>>
        %dma_start3A_191 = arith.constant 0 : i32
        %dma_start3A_192 = tpu.memref_slice %arg10[%add3A_188, %dma_start3A_191] : memref<10240x128xf32, #tpu.memory_space<vmem_shared>> -> memref<128x128xf32, #tpu.memory_space<vmem_shared>>
        tpu.enqueue_dma source(%arg8 : memref<128x128xf32, #tpu.memory_space<vmem>>) target(%dma_start3A_192 : memref<128x128xf32, #tpu.memory_space<vmem_shared>>) target_semaphore(%run_scoped3A : memref<!tpu.dma_semaphore, #tpu.memory_space<semaphore_mem>>)
        %dma_wait3A_193 = arith.constant 0 : i32
        %dma_wait3A_194 = tpu.memref_slice %arg10[%add3A_188, %dma_wait3A_193] : memref<10240x128xf32, #tpu.memory_space<vmem_shared>> -> memref<128x128xf32, #tpu.memory_space<vmem_shared>>
        %dma_wait3A_195 = arith.constant 0 : i32
        %dma_wait3A_196 = tpu.memref_slice %arg10[%add3A_188, %dma_wait3A_195] : memref<10240x128xf32, #tpu.memory_space<vmem_shared>> -> memref<128x128xf32, #tpu.memory_space<vmem_shared>>
        tpu.wait_dma2 semaphore(%run_scoped3A : memref<!tpu.dma_semaphore, #tpu.memory_space<semaphore_mem>>) src(%arg8 : memref<128x128xf32, #tpu.memory_space<vmem>>) dst(%dma_wait3A_196 : memref<128x128xf32, #tpu.memory_space<vmem_shared>>)
        tpu.yield
      }) : () -> ()
    } else {
    }
    %barrier3A = arith.constant 0 : index
    tpu.barrier barrier_id(%barrier3A)
    %add3A_19 = arith.constant 0 : i32
    %add3A_20 = arith.addi %select_n3A, %add3A_19 : i32
    %dma_start3A = arith.constant 0 : i32
    %dma_start3A_21 = arith.constant 0 : i32
    %dma_start3A_22 = arith.constant 0 : i32
    %dma_start3A_23 = tpu.memref_slice %arg6[%dma_start3A, %dma_start3A_21, %dma_start3A_22] : memref<2x2x128xi32, #tpu.memory_space<vmem>> -> memref<1x2x128xi32, #tpu.memory_space<vmem>>
    %dma_start3A_24 = tpu.memref_squeeze %dma_start3A_23 : memref<1x2x128xi32, #tpu.memory_space<vmem>> -> memref<2x128xi32, #tpu.memory_space<vmem>>
    %dma_start3A_25 = arith.constant 0 : i32
    %dma_start3A_26 = tpu.memref_slice %arg3[%add3A_20, %dma_start3A_25] : memref<2560x128xi32, #tpu.memory_space<hbm>> -> memref<2x128xi32, #tpu.memory_space<hbm>>
    %dma_start3A_27 = arith.constant 0 : i32
    %dma_start3A_28 = arith.constant 0 : i32
    %dma_start3A_29 = tpu.memref_slice %arg6[%dma_start3A, %dma_start3A_27, %dma_start3A_28] : memref<2x2x128xi32, #tpu.memory_space<vmem>> -> memref<1x2x128xi32, #tpu.memory_space<vmem>>
    %dma_start3A_30 = tpu.memref_squeeze %dma_start3A_29 : memref<1x2x128xi32, #tpu.memory_space<vmem>> -> memref<2x128xi32, #tpu.memory_space<vmem>>
    %dma_start3A_31 = arith.constant 0 : i32
    %dma_start3A_32 = tpu.memref_slice %arg3[%add3A_20, %dma_start3A_31] : memref<2560x128xi32, #tpu.memory_space<hbm>> -> memref<2x128xi32, #tpu.memory_space<hbm>>
    tpu.enqueue_dma source(%dma_start3A_32 : memref<2x128xi32, #tpu.memory_space<hbm>>) target(%dma_start3A_30 : memref<2x128xi32, #tpu.memory_space<vmem>>) target_semaphore(%arg11 : memref<!tpu.dma_semaphore, #tpu.memory_space<semaphore_mem>>)
    %dma_start3A_33 = arith.constant 0 : i32
    %dma_start3A_34 = arith.constant 0 : i32
    %dma_start3A_35 = arith.constant 0 : i32
    %dma_start3A_36 = tpu.memref_slice %arg7[%dma_start3A_33, %dma_start3A_34, %dma_start3A_35] : memref<2x2x128xi32, #tpu.memory_space<vmem>> -> memref<1x2x128xi32, #tpu.memory_space<vmem>>
    %dma_start3A_37 = tpu.memref_squeeze %dma_start3A_36 : memref<1x2x128xi32, #tpu.memory_space<vmem>> -> memref<2x128xi32, #tpu.memory_space<vmem>>
    %dma_start3A_38 = arith.constant 0 : i32
    %dma_start3A_39 = tpu.memref_slice %arg4[%add3A_20, %dma_start3A_38] : memref<2560x128xi32, #tpu.memory_space<hbm>> -> memref<2x128xi32, #tpu.memory_space<hbm>>
    %dma_start3A_40 = arith.constant 0 : i32
    %dma_start3A_41 = arith.constant 0 : i32
    %dma_start3A_42 = tpu.memref_slice %arg7[%dma_start3A_33, %dma_start3A_40, %dma_start3A_41] : memref<2x2x128xi32, #tpu.memory_space<vmem>> -> memref<1x2x128xi32, #tpu.memory_space<vmem>>
    %dma_start3A_43 = tpu.memref_squeeze %dma_start3A_42 : memref<1x2x128xi32, #tpu.memory_space<vmem>> -> memref<2x128xi32, #tpu.memory_space<vmem>>
    %dma_start3A_44 = arith.constant 0 : i32
    %dma_start3A_45 = tpu.memref_slice %arg4[%add3A_20, %dma_start3A_44] : memref<2560x128xi32, #tpu.memory_space<hbm>> -> memref<2x128xi32, #tpu.memory_space<hbm>>
    tpu.enqueue_dma source(%dma_start3A_45 : memref<2x128xi32, #tpu.memory_space<hbm>>) target(%dma_start3A_43 : memref<2x128xi32, #tpu.memory_space<vmem>>) target_semaphore(%arg11 : memref<!tpu.dma_semaphore, #tpu.memory_space<semaphore_mem>>)
    %add3A_46 = arith.constant 2 : i32
    %add3A_47 = arith.addi %select_n3A, %add3A_46 : i32
    %dma_start3A_48 = arith.constant 1 : i32
    %dma_start3A_49 = arith.constant 0 : i32
    %dma_start3A_50 = arith.constant 0 : i32
    %dma_start3A_51 = tpu.memref_slice %arg6[%dma_start3A_48, %dma_start3A_49, %dma_start3A_50] : memref<2x2x128xi32, #tpu.memory_space<vmem>> -> memref<1x2x128xi32, #tpu.memory_space<vmem>>
    %dma_start3A_52 = tpu.memref_squeeze %dma_start3A_51 : memref<1x2x128xi32, #tpu.memory_space<vmem>> -> memref<2x128xi32, #tpu.memory_space<vmem>>
    %dma_start3A_53 = arith.constant 0 : i32
    %dma_start3A_54 = tpu.memref_slice %arg3[%add3A_47, %dma_start3A_53] : memref<2560x128xi32, #tpu.memory_space<hbm>> -> memref<2x128xi32, #tpu.memory_space<hbm>>
    %dma_start3A_55 = arith.constant 0 : i32
    %dma_start3A_56 = arith.constant 0 : i32
    %dma_start3A_57 = tpu.memref_slice %arg6[%dma_start3A_48, %dma_start3A_55, %dma_start3A_56] : memref<2x2x128xi32, #tpu.memory_space<vmem>> -> memref<1x2x128xi32, #tpu.memory_space<vmem>>
    %dma_start3A_58 = tpu.memref_squeeze %dma_start3A_57 : memref<1x2x128xi32, #tpu.memory_space<vmem>> -> memref<2x128xi32, #tpu.memory_space<vmem>>
    %dma_start3A_59 = arith.constant 0 : i32
    %dma_start3A_60 = tpu.memref_slice %arg3[%add3A_47, %dma_start3A_59] : memref<2560x128xi32, #tpu.memory_space<hbm>> -> memref<2x128xi32, #tpu.memory_space<hbm>>
    tpu.enqueue_dma source(%dma_start3A_60 : memref<2x128xi32, #tpu.memory_space<hbm>>) target(%dma_start3A_58 : memref<2x128xi32, #tpu.memory_space<vmem>>) target_semaphore(%arg12 : memref<!tpu.dma_semaphore, #tpu.memory_space<semaphore_mem>>)
    %dma_start3A_61 = arith.constant 1 : i32
    %dma_start3A_62 = arith.constant 0 : i32
    %dma_start3A_63 = arith.constant 0 : i32
    %dma_start3A_64 = tpu.memref_slice %arg7[%dma_start3A_61, %dma_start3A_62, %dma_start3A_63] : memref<2x2x128xi32, #tpu.memory_space<vmem>> -> memref<1x2x128xi32, #tpu.memory_space<vmem>>
    %dma_start3A_65 = tpu.memref_squeeze %dma_start3A_64 : memref<1x2x128xi32, #tpu.memory_space<vmem>> -> memref<2x128xi32, #tpu.memory_space<vmem>>
    %dma_start3A_66 = arith.constant 0 : i32
    %dma_start3A_67 = tpu.memref_slice %arg4[%add3A_47, %dma_start3A_66] : memref<2560x128xi32, #tpu.memory_space<hbm>> -> memref<2x128xi32, #tpu.memory_space<hbm>>
    %dma_start3A_68 = arith.constant 0 : i32
    %dma_start3A_69 = arith.constant 0 : i32
    %dma_start3A_70 = tpu.memref_slice %arg7[%dma_start3A_61, %dma_start3A_68, %dma_start3A_69] : memref<2x2x128xi32, #tpu.memory_space<vmem>> -> memref<1x2x128xi32, #tpu.memory_space<vmem>>
    %dma_start3A_71 = tpu.memref_squeeze %dma_start3A_70 : memref<1x2x128xi32, #tpu.memory_space<vmem>> -> memref<2x128xi32, #tpu.memory_space<vmem>>
    %dma_start3A_72 = arith.constant 0 : i32
    %dma_start3A_73 = tpu.memref_slice %arg4[%add3A_47, %dma_start3A_72] : memref<2560x128xi32, #tpu.memory_space<hbm>> -> memref<2x128xi32, #tpu.memory_space<hbm>>
    tpu.enqueue_dma source(%dma_start3A_73 : memref<2x128xi32, #tpu.memory_space<hbm>>) target(%dma_start3A_71 : memref<2x128xi32, #tpu.memory_space<vmem>>) target_semaphore(%arg12 : memref<!tpu.dma_semaphore, #tpu.memory_space<semaphore_mem>>)
    %dma_wait3A = arith.constant 0 : i32
    %dma_wait3A_74 = arith.constant 0 : i32
    %dma_wait3A_75 = arith.constant 0 : i32
    %dma_wait3A_76 = tpu.memref_slice %arg6[%dma_wait3A, %dma_wait3A_74, %dma_wait3A_75] : memref<2x2x128xi32, #tpu.memory_space<vmem>> -> memref<1x2x128xi32, #tpu.memory_space<vmem>>
    %dma_wait3A_77 = tpu.memref_squeeze %dma_wait3A_76 : memref<1x2x128xi32, #tpu.memory_space<vmem>> -> memref<2x128xi32, #tpu.memory_space<vmem>>
    %dma_wait3A_78 = arith.constant 0 : i32
    %dma_wait3A_79 = arith.constant 0 : i32
    %dma_wait3A_80 = tpu.memref_slice %arg3[%dma_wait3A_78, %dma_wait3A_79] : memref<2560x128xi32, #tpu.memory_space<hbm>> -> memref<2x128xi32, #tpu.memory_space<hbm>>
    %dma_wait3A_81 = arith.constant 0 : i32
    %dma_wait3A_82 = arith.constant 0 : i32
    %dma_wait3A_83 = tpu.memref_slice %arg6[%dma_wait3A, %dma_wait3A_81, %dma_wait3A_82] : memref<2x2x128xi32, #tpu.memory_space<vmem>> -> memref<1x2x128xi32, #tpu.memory_space<vmem>>
    %dma_wait3A_84 = tpu.memref_squeeze %dma_wait3A_83 : memref<1x2x128xi32, #tpu.memory_space<vmem>> -> memref<2x128xi32, #tpu.memory_space<vmem>>
    %dma_wait3A_85 = arith.constant 0 : i32
    %dma_wait3A_86 = arith.constant 0 : i32
    %dma_wait3A_87 = tpu.memref_slice %arg3[%dma_wait3A_85, %dma_wait3A_86] : memref<2560x128xi32, #tpu.memory_space<hbm>> -> memref<2x128xi32, #tpu.memory_space<hbm>>
    tpu.wait_dma2 semaphore(%arg11 : memref<!tpu.dma_semaphore, #tpu.memory_space<semaphore_mem>>) src(%dma_wait3A_87 : memref<2x128xi32, #tpu.memory_space<hbm>>) dst(%dma_wait3A_84 : memref<2x128xi32, #tpu.memory_space<vmem>>)
    %dma_wait3A_88 = arith.constant 0 : i32
    %dma_wait3A_89 = arith.constant 0 : i32
    %dma_wait3A_90 = arith.constant 0 : i32
    %dma_wait3A_91 = tpu.memref_slice %arg7[%dma_wait3A_88, %dma_wait3A_89, %dma_wait3A_90] : memref<2x2x128xi32, #tpu.memory_space<vmem>> -> memref<1x2x128xi32, #tpu.memory_space<vmem>>
    %dma_wait3A_92 = tpu.memref_squeeze %dma_wait3A_91 : memref<1x2x128xi32, #tpu.memory_space<vmem>> -> memref<2x128xi32, #tpu.memory_space<vmem>>
    %dma_wait3A_93 = arith.constant 0 : i32
    %dma_wait3A_94 = arith.constant 0 : i32
    %dma_wait3A_95 = tpu.memref_slice %arg4[%dma_wait3A_93, %dma_wait3A_94] : memref<2560x128xi32, #tpu.memory_space<hbm>> -> memref<2x128xi32, #tpu.memory_space<hbm>>
    %dma_wait3A_96 = arith.constant 0 : i32
    %dma_wait3A_97 = arith.constant 0 : i32
    %dma_wait3A_98 = tpu.memref_slice %arg7[%dma_wait3A_88, %dma_wait3A_96, %dma_wait3A_97] : memref<2x2x128xi32, #tpu.memory_space<vmem>> -> memref<1x2x128xi32, #tpu.memory_space<vmem>>
    %dma_wait3A_99 = tpu.memref_squeeze %dma_wait3A_98 : memref<1x2x128xi32, #tpu.memory_space<vmem>> -> memref<2x128xi32, #tpu.memory_space<vmem>>
    %dma_wait3A_100 = arith.constant 0 : i32
    %dma_wait3A_101 = arith.constant 0 : i32
    %dma_wait3A_102 = tpu.memref_slice %arg4[%dma_wait3A_100, %dma_wait3A_101] : memref<2560x128xi32, #tpu.memory_space<hbm>> -> memref<2x128xi32, #tpu.memory_space<hbm>>
    tpu.wait_dma2 semaphore(%arg11 : memref<!tpu.dma_semaphore, #tpu.memory_space<semaphore_mem>>) src(%dma_wait3A_102 : memref<2x128xi32, #tpu.memory_space<hbm>>) dst(%dma_wait3A_99 : memref<2x128xi32, #tpu.memory_space<vmem>>)
    %dma_start3A_103 = arith.constant 0 : i32
    %dma_start3A_104 = arith.constant 0 : i32
    %dma_start3A_105 = arith.constant 0 : i32
    %dma_start3A_106 = tpu.memref_slice %arg6[%dma_start3A_103, %dma_start3A_104, %dma_start3A_105] : memref<2x2x128xi32, #tpu.memory_space<vmem>> -> memref<1x1x128xi32, #tpu.memory_space<vmem>>
    %dma_start3A_107 = tpu.memref_squeeze %dma_start3A_106 : memref<1x1x128xi32, #tpu.memory_space<vmem>> -> memref<128xi32, #tpu.memory_space<vmem>>
    %dma_start3A_108 = arith.constant 0 : i32
    %dma_start3A_109 = arith.constant 0 : i32
    %dma_start3A_110 = tpu.memref_slice %arg2[%dma_start3A_108, %dma_start3A_109] : memref<10240x128xf32, #tpu.memory_space<hbm>> -> memref<10240x128xf32, #tpu.memory_space<hbm>>
    tpu.enqueue_indirect_dma source(%dma_start3A_110 : memref<10240x128xf32, #tpu.memory_space<hbm>>) target(%arg8 : memref<128x128xf32, #tpu.memory_space<vmem>>) offsets(%dma_start3A_107 : memref<128xi32, #tpu.memory_space<vmem>>) semaphore(%arg13 : memref<!tpu.dma_semaphore, #tpu.memory_space<semaphore_mem>>)
    %dma_start3A_111 = arith.constant 0 : i32
    %dma_start3A_112 = arith.constant 1 : i32
    %dma_start3A_113 = arith.constant 0 : i32
    %dma_start3A_114 = tpu.memref_slice %arg6[%dma_start3A_111, %dma_start3A_112, %dma_start3A_113] : memref<2x2x128xi32, #tpu.memory_space<vmem>> -> memref<1x1x128xi32, #tpu.memory_space<vmem>>
    %dma_start3A_115 = tpu.memref_squeeze %dma_start3A_114 : memref<1x1x128xi32, #tpu.memory_space<vmem>> -> memref<128xi32, #tpu.memory_space<vmem>>
    %dma_start3A_116 = arith.constant 0 : i32
    %dma_start3A_117 = arith.constant 0 : i32
    %dma_start3A_118 = tpu.memref_slice %arg2[%dma_start3A_116, %dma_start3A_117] : memref<10240x128xf32, #tpu.memory_space<hbm>> -> memref<10240x128xf32, #tpu.memory_space<hbm>>
    tpu.enqueue_indirect_dma source(%dma_start3A_118 : memref<10240x128xf32, #tpu.memory_space<hbm>>) target(%arg9 : memref<128x128xf32, #tpu.memory_space<vmem>>) offsets(%dma_start3A_115 : memref<128xi32, #tpu.memory_space<vmem>>) semaphore(%arg14 : memref<!tpu.dma_semaphore, #tpu.memory_space<semaphore_mem>>)
    %jit3A_119 = arith.constant 2 : i32
    %div3A = arith.divsi %select_n3A_10, %jit3A_119 : i32
    %sign3A = arith.constant 0 : i32
    %sign3A_120 = arith.cmpi sgt, %select_n3A_10, %sign3A : i32
    %sign3A_121 = arith.extui %sign3A_120 : i1 to i32
    %sign3A_122 = arith.constant 0 : i32
    %sign3A_123 = arith.cmpi slt, %select_n3A_10, %sign3A_122 : i32
    %sign3A_124 = arith.extui %sign3A_123 : i1 to i32
    %sign3A_125 = arith.subi %sign3A_121, %sign3A_124 : i32
    %sign3A_126 = arith.constant 0 : i32
    %sign3A_127 = arith.cmpi sgt, %jit3A_119, %sign3A_126 : i32
    %sign3A_128 = arith.extui %sign3A_127 : i1 to i32
    %sign3A_129 = arith.constant 0 : i32
    %sign3A_130 = arith.cmpi slt, %jit3A_119, %sign3A_129 : i32
    %sign3A_131 = arith.extui %sign3A_130 : i1 to i32
    %sign3A_132 = arith.subi %sign3A_128, %sign3A_131 : i32
    %ne3A = arith.cmpi ne, %sign3A_125, %sign3A_132 : i32
    %rem3A = arith.remsi %select_n3A_10, %jit3A_119 : i32
    %ne3A_133 = arith.constant 0 : i32
    %ne3A_134 = arith.cmpi ne, %rem3A, %ne3A_133 : i32
    %and3A = arith.andi %ne3A, %ne3A_134 : i1
    %sub3A = arith.constant 1 : i32
    %sub3A_135 = arith.subi %div3A, %sub3A : i32
    %select_n3A_136 = arith.select %and3A, %sub3A_135, %div3A : i32
    %while3A = arith.constant 0 : i32
    %while3A_137 = arith.constant 0 : i32
    %while3A_138 = arith.subi %select_n3A_136, %while3A_137 : i32
    %while3A_139 = arith.addi %while3A_137, %while3A_138 : i32
    %while3A_140 = arith.constant 1 : i32
    %while3A_141 = arith.divsi %while3A_138, %while3A_140 : i32
    %while3A_142 = arith.muli %while3A_141, %while3A_140 : i32
    %while3A_143 = arith.addi %while3A_137, %while3A_142 : i32
    %while3A_144 = arith.constant 1 : i32
    scf.for %while3A_173 = %while3A_137 to %while3A_143 step %while3A_144  : i32 {
      %mul3A_174 = arith.constant 2 : i32
      %mul3A_175 = arith.muli %mul3A_174, %while3A_173 : i32
      %dma_wait3A_176 = arith.constant 0 : i32
      %dma_wait3A_177 = arith.constant 0 : i32
      %dma_wait3A_178 = arith.constant 0 : i32
      %dma_wait3A_179 = tpu.memref_slice %arg6[%dma_wait3A_176, %dma_wait3A_177, %dma_wait3A_178] : memref<2x2x128xi32, #tpu.memory_space<vmem>> -> memref<1x1x128xi32, #tpu.memory_space<vmem>>
      %dma_wait3A_180 = tpu.memref_squeeze %dma_wait3A_179 : memref<1x1x128xi32, #tpu.memory_space<vmem>> -> memref<128xi32, #tpu.memory_space<vmem>>
      %dma_wait3A_181 = arith.constant 0 : i32
      %dma_wait3A_182 = arith.constant 0 : i32
      %dma_wait3A_183 = tpu.memref_slice %arg2[%dma_wait3A_181, %dma_wait3A_182] : memref<10240x128xf32, #tpu.memory_space<hbm>> -> memref<10240x128xf32, #tpu.memory_space<hbm>>
      tpu.wait_indirect_dma semaphore(%arg13 : memref<!tpu.dma_semaphore, #tpu.memory_space<semaphore_mem>>) src(%dma_wait3A_183 : memref<10240x128xf32, #tpu.memory_space<hbm>>) dst(%arg8 : memref<128x128xf32, #tpu.memory_space<vmem>>)
      %dma_start3A_184 = arith.constant 0 : i32
      %dma_start3A_185 = arith.constant 0 : i32
      %dma_start3A_186 = arith.constant 0 : i32
      %dma_start3A_187 = tpu.memref_slice %arg7[%dma_start3A_184, %dma_start3A_185, %dma_start3A_186] : memref<2x2x128xi32, #tpu.memory_space<vmem>> -> memref<1x1x128xi32, #tpu.memory_space<vmem>>
      %dma_start3A_188 = tpu.memref_squeeze %dma_start3A_187 : memref<1x1x128xi32, #tpu.memory_space<vmem>> -> memref<128xi32, #tpu.memory_space<vmem>>
      %dma_start3A_189 = arith.constant 0 : i32
      %dma_start3A_190 = arith.constant 0 : i32
      %dma_start3A_191 = tpu.memref_slice %arg10[%dma_start3A_189, %dma_start3A_190] : memref<10240x128xf32, #tpu.memory_space<vmem_shared>> -> memref<10240x128xf32, #tpu.memory_space<vmem_shared>>
      tpu.enqueue_indirect_dma source(%arg8 : memref<128x128xf32, #tpu.memory_space<vmem>>) target(%dma_start3A_191 : memref<10240x128xf32, #tpu.memory_space<vmem_shared>>) offsets(%dma_start3A_188 : memref<128xi32, #tpu.memory_space<vmem>>) semaphore(%arg15 : memref<!tpu.dma_semaphore, #tpu.memory_space<semaphore_mem>>) {add = true}
      %dma_wait3A_192 = arith.constant 0 : i32
      %dma_wait3A_193 = arith.constant 1 : i32
      %dma_wait3A_194 = arith.constant 0 : i32
      %dma_wait3A_195 = tpu.memref_slice %arg6[%dma_wait3A_192, %dma_wait3A_193, %dma_wait3A_194] : memref<2x2x128xi32, #tpu.memory_space<vmem>> -> memref<1x1x128xi32, #tpu.memory_space<vmem>>
      %dma_wait3A_196 = tpu.memref_squeeze %dma_wait3A_195 : memref<1x1x128xi32, #tpu.memory_space<vmem>> -> memref<128xi32, #tpu.memory_space<vmem>>
      %dma_wait3A_197 = arith.constant 0 : i32
      %dma_wait3A_198 = arith.constant 0 : i32
      %dma_wait3A_199 = tpu.memref_slice %arg2[%dma_wait3A_197, %dma_wait3A_198] : memref<10240x128xf32, #tpu.memory_space<hbm>> -> memref<10240x128xf32, #tpu.memory_space<hbm>>
      tpu.wait_indirect_dma semaphore(%arg14 : memref<!tpu.dma_semaphore, #tpu.memory_space<semaphore_mem>>) src(%dma_wait3A_199 : memref<10240x128xf32, #tpu.memory_space<hbm>>) dst(%arg9 : memref<128x128xf32, #tpu.memory_space<vmem>>)
      %dma_start3A_200 = arith.constant 0 : i32
      %dma_start3A_201 = arith.constant 1 : i32
      %dma_start3A_202 = arith.constant 0 : i32
      %dma_start3A_203 = tpu.memref_slice %arg7[%dma_start3A_200, %dma_start3A_201, %dma_start3A_202] : memref<2x2x128xi32, #tpu.memory_space<vmem>> -> memref<1x1x128xi32, #tpu.memory_space<vmem>>
      %dma_start3A_204 = tpu.memref_squeeze %dma_start3A_203 : memref<1x1x128xi32, #tpu.memory_space<vmem>> -> memref<128xi32, #tpu.memory_space<vmem>>
      %dma_start3A_205 = arith.constant 0 : i32
      %dma_start3A_206 = arith.constant 0 : i32
      %dma_start3A_207 = tpu.memref_slice %arg10[%dma_start3A_205, %dma_start3A_206] : memref<10240x128xf32, #tpu.memory_space<vmem_shared>> -> memref<10240x128xf32, #tpu.memory_space<vmem_shared>>
      tpu.enqueue_indirect_dma source(%arg9 : memref<128x128xf32, #tpu.memory_space<vmem>>) target(%dma_start3A_207 : memref<10240x128xf32, #tpu.memory_space<vmem_shared>>) offsets(%dma_start3A_204 : memref<128xi32, #tpu.memory_space<vmem>>) semaphore(%arg16 : memref<!tpu.dma_semaphore, #tpu.memory_space<semaphore_mem>>) {add = true}
      %add3A_208 = arith.constant 1 : i32
      %add3A_209 = arith.addi %mul3A_175, %add3A_208 : i32
      %lt3A = arith.cmpi slt, %add3A_209, %select_n3A_10 : i32
      %convert_element_type3A_210 = arith.extui %lt3A : i1 to i32
      %cond3A_211 = arith.constant 0 : i32
      %cond3A_212 = arith.cmpi ne, %convert_element_type3A_210, %cond3A_211 : i32
      scf.if %cond3A_212 {
        %dma_wait3A_267 = arith.constant 1 : i32
        %dma_wait3A_268 = arith.constant 0 : i32
        %dma_wait3A_269 = arith.constant 0 : i32
        %dma_wait3A_270 = tpu.memref_slice %arg6[%dma_wait3A_267, %dma_wait3A_268, %dma_wait3A_269] : memref<2x2x128xi32, #tpu.memory_space<vmem>> -> memref<1x2x128xi32, #tpu.memory_space<vmem>>
        %dma_wait3A_271 = tpu.memref_squeeze %dma_wait3A_270 : memref<1x2x128xi32, #tpu.memory_space<vmem>> -> memref<2x128xi32, #tpu.memory_space<vmem>>
        %dma_wait3A_272 = arith.constant 0 : i32
        %dma_wait3A_273 = arith.constant 0 : i32
        %dma_wait3A_274 = tpu.memref_slice %arg3[%dma_wait3A_272, %dma_wait3A_273] : memref<2560x128xi32, #tpu.memory_space<hbm>> -> memref<2x128xi32, #tpu.memory_space<hbm>>
        %dma_wait3A_275 = arith.constant 0 : i32
        %dma_wait3A_276 = arith.constant 0 : i32
        %dma_wait3A_277 = tpu.memref_slice %arg6[%dma_wait3A_267, %dma_wait3A_275, %dma_wait3A_276] : memref<2x2x128xi32, #tpu.memory_space<vmem>> -> memref<1x2x128xi32, #tpu.memory_space<vmem>>
        %dma_wait3A_278 = tpu.memref_squeeze %dma_wait3A_277 : memref<1x2x128xi32, #tpu.memory_space<vmem>> -> memref<2x128xi32, #tpu.memory_space<vmem>>
        %dma_wait3A_279 = arith.constant 0 : i32
        %dma_wait3A_280 = arith.constant 0 : i32
        %dma_wait3A_281 = tpu.memref_slice %arg3[%dma_wait3A_279, %dma_wait3A_280] : memref<2560x128xi32, #tpu.memory_space<hbm>> -> memref<2x128xi32, #tpu.memory_space<hbm>>
        tpu.wait_dma2 semaphore(%arg12 : memref<!tpu.dma_semaphore, #tpu.memory_space<semaphore_mem>>) src(%dma_wait3A_281 : memref<2x128xi32, #tpu.memory_space<hbm>>) dst(%dma_wait3A_278 : memref<2x128xi32, #tpu.memory_space<vmem>>)
        %dma_wait3A_282 = arith.constant 1 : i32
        %dma_wait3A_283 = arith.constant 0 : i32
        %dma_wait3A_284 = arith.constant 0 : i32
        %dma_wait3A_285 = tpu.memref_slice %arg7[%dma_wait3A_282, %dma_wait3A_283, %dma_wait3A_284] : memref<2x2x128xi32, #tpu.memory_space<vmem>> -> memref<1x2x128xi32, #tpu.memory_space<vmem>>
        %dma_wait3A_286 = tpu.memref_squeeze %dma_wait3A_285 : memref<1x2x128xi32, #tpu.memory_space<vmem>> -> memref<2x128xi32, #tpu.memory_space<vmem>>
        %dma_wait3A_287 = arith.constant 0 : i32
        %dma_wait3A_288 = arith.constant 0 : i32
        %dma_wait3A_289 = tpu.memref_slice %arg4[%dma_wait3A_287, %dma_wait3A_288] : memref<2560x128xi32, #tpu.memory_space<hbm>> -> memref<2x128xi32, #tpu.memory_space<hbm>>
        %dma_wait3A_290 = arith.constant 0 : i32
        %dma_wait3A_291 = arith.constant 0 : i32
        %dma_wait3A_292 = tpu.memref_slice %arg7[%dma_wait3A_282, %dma_wait3A_290, %dma_wait3A_291] : memref<2x2x128xi32, #tpu.memory_space<vmem>> -> memref<1x2x128xi32, #tpu.memory_space<vmem>>
        %dma_wait3A_293 = tpu.memref_squeeze %dma_wait3A_292 : memref<1x2x128xi32, #tpu.memory_space<vmem>> -> memref<2x128xi32, #tpu.memory_space<vmem>>
        %dma_wait3A_294 = arith.constant 0 : i32
        %dma_wait3A_295 = arith.constant 0 : i32
        %dma_wait3A_296 = tpu.memref_slice %arg4[%dma_wait3A_294, %dma_wait3A_295] : memref<2560x128xi32, #tpu.memory_space<hbm>> -> memref<2x128xi32, #tpu.memory_space<hbm>>
        tpu.wait_dma2 semaphore(%arg12 : memref<!tpu.dma_semaphore, #tpu.memory_space<semaphore_mem>>) src(%dma_wait3A_296 : memref<2x128xi32, #tpu.memory_space<hbm>>) dst(%dma_wait3A_293 : memref<2x128xi32, #tpu.memory_space<vmem>>)
        %dma_wait3A_297 = arith.constant 0 : i32
        %dma_wait3A_298 = arith.constant 0 : i32
        %dma_wait3A_299 = arith.constant 0 : i32
        %dma_wait3A_300 = tpu.memref_slice %arg7[%dma_wait3A_297, %dma_wait3A_298, %dma_wait3A_299] : memref<2x2x128xi32, #tpu.memory_space<vmem>> -> memref<1x1x128xi32, #tpu.memory_space<vmem>>
        %dma_wait3A_301 = tpu.memref_squeeze %dma_wait3A_300 : memref<1x1x128xi32, #tpu.memory_space<vmem>> -> memref<128xi32, #tpu.memory_space<vmem>>
        %dma_wait3A_302 = arith.constant 0 : i32
        %dma_wait3A_303 = arith.constant 0 : i32
        %dma_wait3A_304 = tpu.memref_slice %arg10[%dma_wait3A_302, %dma_wait3A_303] : memref<10240x128xf32, #tpu.memory_space<vmem_shared>> -> memref<10240x128xf32, #tpu.memory_space<vmem_shared>>
        tpu.wait_indirect_dma semaphore(%arg15 : memref<!tpu.dma_semaphore, #tpu.memory_space<semaphore_mem>>) src(%arg8 : memref<128x128xf32, #tpu.memory_space<vmem>>) dst(%dma_wait3A_304 : memref<10240x128xf32, #tpu.memory_space<vmem_shared>>)
        %dma_start3A_305 = arith.constant 1 : i32
        %dma_start3A_306 = arith.constant 0 : i32
        %dma_start3A_307 = arith.constant 0 : i32
        %dma_start3A_308 = tpu.memref_slice %arg6[%dma_start3A_305, %dma_start3A_306, %dma_start3A_307] : memref<2x2x128xi32, #tpu.memory_space<vmem>> -> memref<1x1x128xi32, #tpu.memory_space<vmem>>
        %dma_start3A_309 = tpu.memref_squeeze %dma_start3A_308 : memref<1x1x128xi32, #tpu.memory_space<vmem>> -> memref<128xi32, #tpu.memory_space<vmem>>
        %dma_start3A_310 = arith.constant 0 : i32
        %dma_start3A_311 = arith.constant 0 : i32
        %dma_start3A_312 = tpu.memref_slice %arg2[%dma_start3A_310, %dma_start3A_311] : memref<10240x128xf32, #tpu.memory_space<hbm>> -> memref<10240x128xf32, #tpu.memory_space<hbm>>
        tpu.enqueue_indirect_dma source(%dma_start3A_312 : memref<10240x128xf32, #tpu.memory_space<hbm>>) target(%arg8 : memref<128x128xf32, #tpu.memory_space<vmem>>) offsets(%dma_start3A_309 : memref<128xi32, #tpu.memory_space<vmem>>) semaphore(%arg13 : memref<!tpu.dma_semaphore, #tpu.memory_space<semaphore_mem>>)
        %dma_wait3A_313 = arith.constant 0 : i32
        %dma_wait3A_314 = arith.constant 1 : i32
        %dma_wait3A_315 = arith.constant 0 : i32
        %dma_wait3A_316 = tpu.memref_slice %arg7[%dma_wait3A_313, %dma_wait3A_314, %dma_wait3A_315] : memref<2x2x128xi32, #tpu.memory_space<vmem>> -> memref<1x1x128xi32, #tpu.memory_space<vmem>>
        %dma_wait3A_317 = tpu.memref_squeeze %dma_wait3A_316 : memref<1x1x128xi32, #tpu.memory_space<vmem>> -> memref<128xi32, #tpu.memory_space<vmem>>
        %dma_wait3A_318 = arith.constant 0 : i32
        %dma_wait3A_319 = arith.constant 0 : i32
        %dma_wait3A_320 = tpu.memref_slice %arg10[%dma_wait3A_318, %dma_wait3A_319] : memref<10240x128xf32, #tpu.memory_space<vmem_shared>> -> memref<10240x128xf32, #tpu.memory_space<vmem_shared>>
        tpu.wait_indirect_dma semaphore(%arg16 : memref<!tpu.dma_semaphore, #tpu.memory_space<semaphore_mem>>) src(%arg9 : memref<128x128xf32, #tpu.memory_space<vmem>>) dst(%dma_wait3A_320 : memref<10240x128xf32, #tpu.memory_space<vmem_shared>>)
        %dma_start3A_321 = arith.constant 1 : i32
        %dma_start3A_322 = arith.constant 1 : i32
        %dma_start3A_323 = arith.constant 0 : i32
        %dma_start3A_324 = tpu.memref_slice %arg6[%dma_start3A_321, %dma_start3A_322, %dma_start3A_323] : memref<2x2x128xi32, #tpu.memory_space<vmem>> -> memref<1x1x128xi32, #tpu.memory_space<vmem>>
        %dma_start3A_325 = tpu.memref_squeeze %dma_start3A_324 : memref<1x1x128xi32, #tpu.memory_space<vmem>> -> memref<128xi32, #tpu.memory_space<vmem>>
        %dma_start3A_326 = arith.constant 0 : i32
        %dma_start3A_327 = arith.constant 0 : i32
        %dma_start3A_328 = tpu.memref_slice %arg2[%dma_start3A_326, %dma_start3A_327] : memref<10240x128xf32, #tpu.memory_space<hbm>> -> memref<10240x128xf32, #tpu.memory_space<hbm>>
        tpu.enqueue_indirect_dma source(%dma_start3A_328 : memref<10240x128xf32, #tpu.memory_space<hbm>>) target(%arg9 : memref<128x128xf32, #tpu.memory_space<vmem>>) offsets(%dma_start3A_325 : memref<128xi32, #tpu.memory_space<vmem>>) semaphore(%arg14 : memref<!tpu.dma_semaphore, #tpu.memory_space<semaphore_mem>>)
      } else {
      }
      %add3A_213 = arith.constant 2 : i32
      %add3A_214 = arith.addi %mul3A_175, %add3A_213 : i32
      %lt3A_215 = arith.cmpi slt, %add3A_214, %select_n3A_10 : i32
      %convert_element_type3A_216 = arith.extui %lt3A_215 : i1 to i32
      %cond3A_217 = arith.constant 0 : i32
      %cond3A_218 = arith.cmpi ne, %convert_element_type3A_216, %cond3A_217 : i32
      scf.if %cond3A_218 {
        %add3A_267 = arith.constant 2 : i32
        %add3A_268 = arith.addi %mul3A_175, %add3A_267 : i32
        %mul3A_269 = arith.constant 2 : i32
        %mul3A_270 = arith.muli %add3A_268, %mul3A_269 : i32
        %add3A_271 = arith.addi %select_n3A, %mul3A_270 : i32
        %dma_start3A_272 = arith.constant 0 : i32
        %dma_start3A_273 = arith.constant 0 : i32
        %dma_start3A_274 = arith.constant 0 : i32
        %dma_start3A_275 = tpu.memref_slice %arg6[%dma_start3A_272, %dma_start3A_273, %dma_start3A_274] : memref<2x2x128xi32, #tpu.memory_space<vmem>> -> memref<1x2x128xi32, #tpu.memory_space<vmem>>
        %dma_start3A_276 = tpu.memref_squeeze %dma_start3A_275 : memref<1x2x128xi32, #tpu.memory_space<vmem>> -> memref<2x128xi32, #tpu.memory_space<vmem>>
        %dma_start3A_277 = arith.constant 0 : i32
        %dma_start3A_278 = tpu.memref_slice %arg3[%add3A_271, %dma_start3A_277] : memref<2560x128xi32, #tpu.memory_space<hbm>> -> memref<2x128xi32, #tpu.memory_space<hbm>>
        %dma_start3A_279 = arith.constant 0 : i32
        %dma_start3A_280 = arith.constant 0 : i32
        %dma_start3A_281 = tpu.memref_slice %arg6[%dma_start3A_272, %dma_start3A_279, %dma_start3A_280] : memref<2x2x128xi32, #tpu.memory_space<vmem>> -> memref<1x2x128xi32, #tpu.memory_space<vmem>>
        %dma_start3A_282 = tpu.memref_squeeze %dma_start3A_281 : memref<1x2x128xi32, #tpu.memory_space<vmem>> -> memref<2x128xi32, #tpu.memory_space<vmem>>
        %dma_start3A_283 = arith.constant 0 : i32
        %dma_start3A_284 = tpu.memref_slice %arg3[%add3A_271, %dma_start3A_283] : memref<2560x128xi32, #tpu.memory_space<hbm>> -> memref<2x128xi32, #tpu.memory_space<hbm>>
        tpu.enqueue_dma source(%dma_start3A_284 : memref<2x128xi32, #tpu.memory_space<hbm>>) target(%dma_start3A_282 : memref<2x128xi32, #tpu.memory_space<vmem>>) target_semaphore(%arg11 : memref<!tpu.dma_semaphore, #tpu.memory_space<semaphore_mem>>)
        %dma_start3A_285 = arith.constant 0 : i32
        %dma_start3A_286 = arith.constant 0 : i32
        %dma_start3A_287 = arith.constant 0 : i32
        %dma_start3A_288 = tpu.memref_slice %arg7[%dma_start3A_285, %dma_start3A_286, %dma_start3A_287] : memref<2x2x128xi32, #tpu.memory_space<vmem>> -> memref<1x2x128xi32, #tpu.memory_space<vmem>>
        %dma_start3A_289 = tpu.memref_squeeze %dma_start3A_288 : memref<1x2x128xi32, #tpu.memory_space<vmem>> -> memref<2x128xi32, #tpu.memory_space<vmem>>
        %dma_start3A_290 = arith.constant 0 : i32
        %dma_start3A_291 = tpu.memref_slice %arg4[%add3A_271, %dma_start3A_290] : memref<2560x128xi32, #tpu.memory_space<hbm>> -> memref<2x128xi32, #tpu.memory_space<hbm>>
        %dma_start3A_292 = arith.constant 0 : i32
        %dma_start3A_293 = arith.constant 0 : i32
        %dma_start3A_294 = tpu.memref_slice %arg7[%dma_start3A_285, %dma_start3A_292, %dma_start3A_293] : memref<2x2x128xi32, #tpu.memory_space<vmem>> -> memref<1x2x128xi32, #tpu.memory_space<vmem>>
        %dma_start3A_295 = tpu.memref_squeeze %dma_start3A_294 : memref<1x2x128xi32, #tpu.memory_space<vmem>> -> memref<2x128xi32, #tpu.memory_space<vmem>>
        %dma_start3A_296 = arith.constant 0 : i32
        %dma_start3A_297 = tpu.memref_slice %arg4[%add3A_271, %dma_start3A_296] : memref<2560x128xi32, #tpu.memory_space<hbm>> -> memref<2x128xi32, #tpu.memory_space<hbm>>
        tpu.enqueue_dma source(%dma_start3A_297 : memref<2x128xi32, #tpu.memory_space<hbm>>) target(%dma_start3A_295 : memref<2x128xi32, #tpu.memory_space<vmem>>) target_semaphore(%arg11 : memref<!tpu.dma_semaphore, #tpu.memory_space<semaphore_mem>>)
      } else {
      }
      %mul3A_219 = arith.constant 2 : i32
      %mul3A_220 = arith.muli %mul3A_219, %while3A_173 : i32
      %add3A_221 = arith.constant 1 : i32
      %add3A_222 = arith.addi %mul3A_220, %add3A_221 : i32
      %dma_wait3A_223 = arith.constant 1 : i32
      %dma_wait3A_224 = arith.constant 0 : i32
      %dma_wait3A_225 = arith.constant 0 : i32
      %dma_wait3A_226 = tpu.memref_slice %arg6[%dma_wait3A_223, %dma_wait3A_224, %dma_wait3A_225] : memref<2x2x128xi32, #tpu.memory_space<vmem>> -> memref<1x1x128xi32, #tpu.memory_space<vmem>>
      %dma_wait3A_227 = tpu.memref_squeeze %dma_wait3A_226 : memref<1x1x128xi32, #tpu.memory_space<vmem>> -> memref<128xi32, #tpu.memory_space<vmem>>
      %dma_wait3A_228 = arith.constant 0 : i32
      %dma_wait3A_229 = arith.constant 0 : i32
      %dma_wait3A_230 = tpu.memref_slice %arg2[%dma_wait3A_228, %dma_wait3A_229] : memref<10240x128xf32, #tpu.memory_space<hbm>> -> memref<10240x128xf32, #tpu.memory_space<hbm>>
      tpu.wait_indirect_dma semaphore(%arg13 : memref<!tpu.dma_semaphore, #tpu.memory_space<semaphore_mem>>) src(%dma_wait3A_230 : memref<10240x128xf32, #tpu.memory_space<hbm>>) dst(%arg8 : memref<128x128xf32, #tpu.memory_space<vmem>>)
      %dma_start3A_231 = arith.constant 1 : i32
      %dma_start3A_232 = arith.constant 0 : i32
      %dma_start3A_233 = arith.constant 0 : i32
      %dma_start3A_234 = tpu.memref_slice %arg7[%dma_start3A_231, %dma_start3A_232, %dma_start3A_233] : memref<2x2x128xi32, #tpu.memory_space<vmem>> -> memref<1x1x128xi32, #tpu.memory_space<vmem>>
      %dma_start3A_235 = tpu.memref_squeeze %dma_start3A_234 : memref<1x1x128xi32, #tpu.memory_space<vmem>> -> memref<128xi32, #tpu.memory_space<vmem>>
      %dma_start3A_236 = arith.constant 0 : i32
      %dma_start3A_237 = arith.constant 0 : i32
      %dma_start3A_238 = tpu.memref_slice %arg10[%dma_start3A_236, %dma_start3A_237] : memref<10240x128xf32, #tpu.memory_space<vmem_shared>> -> memref<10240x128xf32, #tpu.memory_space<vmem_shared>>
      tpu.enqueue_indirect_dma source(%arg8 : memref<128x128xf32, #tpu.memory_space<vmem>>) target(%dma_start3A_238 : memref<10240x128xf32, #tpu.memory_space<vmem_shared>>) offsets(%dma_start3A_235 : memref<128xi32, #tpu.memory_space<vmem>>) semaphore(%arg15 : memref<!tpu.dma_semaphore, #tpu.memory_space<semaphore_mem>>) {add = true}
      %dma_wait3A_239 = arith.constant 1 : i32
      %dma_wait3A_240 = arith.constant 1 : i32
      %dma_wait3A_241 = arith.constant 0 : i32
      %dma_wait3A_242 = tpu.memref_slice %arg6[%dma_wait3A_239, %dma_wait3A_240, %dma_wait3A_241] : memref<2x2x128xi32, #tpu.memory_space<vmem>> -> memref<1x1x128xi32, #tpu.memory_space<vmem>>
      %dma_wait3A_243 = tpu.memref_squeeze %dma_wait3A_242 : memref<1x1x128xi32, #tpu.memory_space<vmem>> -> memref<128xi32, #tpu.memory_space<vmem>>
      %dma_wait3A_244 = arith.constant 0 : i32
      %dma_wait3A_245 = arith.constant 0 : i32
      %dma_wait3A_246 = tpu.memref_slice %arg2[%dma_wait3A_244, %dma_wait3A_245] : memref<10240x128xf32, #tpu.memory_space<hbm>> -> memref<10240x128xf32, #tpu.memory_space<hbm>>
      tpu.wait_indirect_dma semaphore(%arg14 : memref<!tpu.dma_semaphore, #tpu.memory_space<semaphore_mem>>) src(%dma_wait3A_246 : memref<10240x128xf32, #tpu.memory_space<hbm>>) dst(%arg9 : memref<128x128xf32, #tpu.memory_space<vmem>>)
      %dma_start3A_247 = arith.constant 1 : i32
      %dma_start3A_248 = arith.constant 1 : i32
      %dma_start3A_249 = arith.constant 0 : i32
      %dma_start3A_250 = tpu.memref_slice %arg7[%dma_start3A_247, %dma_start3A_248, %dma_start3A_249] : memref<2x2x128xi32, #tpu.memory_space<vmem>> -> memref<1x1x128xi32, #tpu.memory_space<vmem>>
      %dma_start3A_251 = tpu.memref_squeeze %dma_start3A_250 : memref<1x1x128xi32, #tpu.memory_space<vmem>> -> memref<128xi32, #tpu.memory_space<vmem>>
      %dma_start3A_252 = arith.constant 0 : i32
      %dma_start3A_253 = arith.constant 0 : i32
      %dma_start3A_254 = tpu.memref_slice %arg10[%dma_start3A_252, %dma_start3A_253] : memref<10240x128xf32, #tpu.memory_space<vmem_shared>> -> memref<10240x128xf32, #tpu.memory_space<vmem_shared>>
      tpu.enqueue_indirect_dma source(%arg9 : memref<128x128xf32, #tpu.memory_space<vmem>>) target(%dma_start3A_254 : memref<10240x128xf32, #tpu.memory_space<vmem_shared>>) offsets(%dma_start3A_251 : memref<128xi32, #tpu.memory_space<vmem>>) semaphore(%arg16 : memref<!tpu.dma_semaphore, #tpu.memory_space<semaphore_mem>>) {add = true}
      %add3A_255 = arith.constant 1 : i32
      %add3A_256 = arith.addi %add3A_222, %add3A_255 : i32
      %lt3A_257 = arith.cmpi slt, %add3A_256, %select_n3A_10 : i32
      %convert_element_type3A_258 = arith.extui %lt3A_257 : i1 to i32
      %cond3A_259 = arith.constant 0 : i32
      %cond3A_260 = arith.cmpi ne, %convert_element_type3A_258, %cond3A_259 : i32
      scf.if %cond3A_260 {
        %dma_wait3A_267 = arith.constant 0 : i32
        %dma_wait3A_268 = arith.constant 0 : i32
        %dma_wait3A_269 = arith.constant 0 : i32
        %dma_wait3A_270 = tpu.memref_slice %arg6[%dma_wait3A_267, %dma_wait3A_268, %dma_wait3A_269] : memref<2x2x128xi32, #tpu.memory_space<vmem>> -> memref<1x2x128xi32, #tpu.memory_space<vmem>>
        %dma_wait3A_271 = tpu.memref_squeeze %dma_wait3A_270 : memref<1x2x128xi32, #tpu.memory_space<vmem>> -> memref<2x128xi32, #tpu.memory_space<vmem>>
        %dma_wait3A_272 = arith.constant 0 : i32
        %dma_wait3A_273 = arith.constant 0 : i32
        %dma_wait3A_274 = tpu.memref_slice %arg3[%dma_wait3A_272, %dma_wait3A_273] : memref<2560x128xi32, #tpu.memory_space<hbm>> -> memref<2x128xi32, #tpu.memory_space<hbm>>
        %dma_wait3A_275 = arith.constant 0 : i32
        %dma_wait3A_276 = arith.constant 0 : i32
        %dma_wait3A_277 = tpu.memref_slice %arg6[%dma_wait3A_267, %dma_wait3A_275, %dma_wait3A_276] : memref<2x2x128xi32, #tpu.memory_space<vmem>> -> memref<1x2x128xi32, #tpu.memory_space<vmem>>
        %dma_wait3A_278 = tpu.memref_squeeze %dma_wait3A_277 : memref<1x2x128xi32, #tpu.memory_space<vmem>> -> memref<2x128xi32, #tpu.memory_space<vmem>>
        %dma_wait3A_279 = arith.constant 0 : i32
        %dma_wait3A_280 = arith.constant 0 : i32
        %dma_wait3A_281 = tpu.memref_slice %arg3[%dma_wait3A_279, %dma_wait3A_280] : memref<2560x128xi32, #tpu.memory_space<hbm>> -> memref<2x128xi32, #tpu.memory_space<hbm>>
        tpu.wait_dma2 semaphore(%arg11 : memref<!tpu.dma_semaphore, #tpu.memory_space<semaphore_mem>>) src(%dma_wait3A_281 : memref<2x128xi32, #tpu.memory_space<hbm>>) dst(%dma_wait3A_278 : memref<2x128xi32, #tpu.memory_space<vmem>>)
        %dma_wait3A_282 = arith.constant 0 : i32
        %dma_wait3A_283 = arith.constant 0 : i32
        %dma_wait3A_284 = arith.constant 0 : i32
        %dma_wait3A_285 = tpu.memref_slice %arg7[%dma_wait3A_282, %dma_wait3A_283, %dma_wait3A_284] : memref<2x2x128xi32, #tpu.memory_space<vmem>> -> memref<1x2x128xi32, #tpu.memory_space<vmem>>
        %dma_wait3A_286 = tpu.memref_squeeze %dma_wait3A_285 : memref<1x2x128xi32, #tpu.memory_space<vmem>> -> memref<2x128xi32, #tpu.memory_space<vmem>>
        %dma_wait3A_287 = arith.constant 0 : i32
        %dma_wait3A_288 = arith.constant 0 : i32
        %dma_wait3A_289 = tpu.memref_slice %arg4[%dma_wait3A_287, %dma_wait3A_288] : memref<2560x128xi32, #tpu.memory_space<hbm>> -> memref<2x128xi32, #tpu.memory_space<hbm>>
        %dma_wait3A_290 = arith.constant 0 : i32
        %dma_wait3A_291 = arith.constant 0 : i32
        %dma_wait3A_292 = tpu.memref_slice %arg7[%dma_wait3A_282, %dma_wait3A_290, %dma_wait3A_291] : memref<2x2x128xi32, #tpu.memory_space<vmem>> -> memref<1x2x128xi32, #tpu.memory_space<vmem>>
        %dma_wait3A_293 = tpu.memref_squeeze %dma_wait3A_292 : memref<1x2x128xi32, #tpu.memory_space<vmem>> -> memref<2x128xi32, #tpu.memory_space<vmem>>
        %dma_wait3A_294 = arith.constant 0 : i32
        %dma_wait3A_295 = arith.constant 0 : i32
        %dma_wait3A_296 = tpu.memref_slice %arg4[%dma_wait3A_294, %dma_wait3A_295] : memref<2560x128xi32, #tpu.memory_space<hbm>> -> memref<2x128xi32, #tpu.memory_space<hbm>>
        tpu.wait_dma2 semaphore(%arg11 : memref<!tpu.dma_semaphore, #tpu.memory_space<semaphore_mem>>) src(%dma_wait3A_296 : memref<2x128xi32, #tpu.memory_space<hbm>>) dst(%dma_wait3A_293 : memref<2x128xi32, #tpu.memory_space<vmem>>)
        %dma_wait3A_297 = arith.constant 1 : i32
        %dma_wait3A_298 = arith.constant 0 : i32
        %dma_wait3A_299 = arith.constant 0 : i32
        %dma_wait3A_300 = tpu.memref_slice %arg7[%dma_wait3A_297, %dma_wait3A_298, %dma_wait3A_299] : memref<2x2x128xi32, #tpu.memory_space<vmem>> -> memref<1x1x128xi32, #tpu.memory_space<vmem>>
        %dma_wait3A_301 = tpu.memref_squeeze %dma_wait3A_300 : memref<1x1x128xi32, #tpu.memory_space<vmem>> -> memref<128xi32, #tpu.memory_space<vmem>>
        %dma_wait3A_302 = arith.constant 0 : i32
        %dma_wait3A_303 = arith.constant 0 : i32
        %dma_wait3A_304 = tpu.memref_slice %arg10[%dma_wait3A_302, %dma_wait3A_303] : memref<10240x128xf32, #tpu.memory_space<vmem_shared>> -> memref<10240x128xf32, #tpu.memory_space<vmem_shared>>
        tpu.wait_indirect_dma semaphore(%arg15 : memref<!tpu.dma_semaphore, #tpu.memory_space<semaphore_mem>>) src(%arg8 : memref<128x128xf32, #tpu.memory_space<vmem>>) dst(%dma_wait3A_304 : memref<10240x128xf32, #tpu.memory_space<vmem_shared>>)
        %dma_start3A_305 = arith.constant 0 : i32
        %dma_start3A_306 = arith.constant 0 : i32
        %dma_start3A_307 = arith.constant 0 : i32
        %dma_start3A_308 = tpu.memref_slice %arg6[%dma_start3A_305, %dma_start3A_306, %dma_start3A_307] : memref<2x2x128xi32, #tpu.memory_space<vmem>> -> memref<1x1x128xi32, #tpu.memory_space<vmem>>
        %dma_start3A_309 = tpu.memref_squeeze %dma_start3A_308 : memref<1x1x128xi32, #tpu.memory_space<vmem>> -> memref<128xi32, #tpu.memory_space<vmem>>
        %dma_start3A_310 = arith.constant 0 : i32
        %dma_start3A_311 = arith.constant 0 : i32
        %dma_start3A_312 = tpu.memref_slice %arg2[%dma_start3A_310, %dma_start3A_311] : memref<10240x128xf32, #tpu.memory_space<hbm>> -> memref<10240x128xf32, #tpu.memory_space<hbm>>
        tpu.enqueue_indirect_dma source(%dma_start3A_312 : memref<10240x128xf32, #tpu.memory_space<hbm>>) target(%arg8 : memref<128x128xf32, #tpu.memory_space<vmem>>) offsets(%dma_start3A_309 : memref<128xi32, #tpu.memory_space<vmem>>) semaphore(%arg13 : memref<!tpu.dma_semaphore, #tpu.memory_space<semaphore_mem>>)
        %dma_wait3A_313 = arith.constant 1 : i32
        %dma_wait3A_314 = arith.constant 1 : i32
        %dma_wait3A_315 = arith.constant 0 : i32
        %dma_wait3A_316 = tpu.memref_slice %arg7[%dma_wait3A_313, %dma_wait3A_314, %dma_wait3A_315] : memref<2x2x128xi32, #tpu.memory_space<vmem>> -> memref<1x1x128xi32, #tpu.memory_space<vmem>>
        %dma_wait3A_317 = tpu.memref_squeeze %dma_wait3A_316 : memref<1x1x128xi32, #tpu.memory_space<vmem>> -> memref<128xi32, #tpu.memory_space<vmem>>
        %dma_wait3A_318 = arith.constant 0 : i32
        %dma_wait3A_319 = arith.constant 0 : i32
        %dma_wait3A_320 = tpu.memref_slice %arg10[%dma_wait3A_318, %dma_wait3A_319] : memref<10240x128xf32, #tpu.memory_space<vmem_shared>> -> memref<10240x128xf32, #tpu.memory_space<vmem_shared>>
        tpu.wait_indirect_dma semaphore(%arg16 : memref<!tpu.dma_semaphore, #tpu.memory_space<semaphore_mem>>) src(%arg9 : memref<128x128xf32, #tpu.memory_space<vmem>>) dst(%dma_wait3A_320 : memref<10240x128xf32, #tpu.memory_space<vmem_shared>>)
        %dma_start3A_321 = arith.constant 0 : i32
        %dma_start3A_322 = arith.constant 1 : i32
        %dma_start3A_323 = arith.constant 0 : i32
        %dma_start3A_324 = tpu.memref_slice %arg6[%dma_start3A_321, %dma_start3A_322, %dma_start3A_323] : memref<2x2x128xi32, #tpu.memory_space<vmem>> -> memref<1x1x128xi32, #tpu.memory_space<vmem>>
        %dma_start3A_325 = tpu.memref_squeeze %dma_start3A_324 : memref<1x1x128xi32, #tpu.memory_space<vmem>> -> memref<128xi32, #tpu.memory_space<vmem>>
        %dma_start3A_326 = arith.constant 0 : i32
        %dma_start3A_327 = arith.constant 0 : i32
        %dma_start3A_328 = tpu.memref_slice %arg2[%dma_start3A_326, %dma_start3A_327] : memref<10240x128xf32, #tpu.memory_space<hbm>> -> memref<10240x128xf32, #tpu.memory_space<hbm>>
        tpu.enqueue_indirect_dma source(%dma_start3A_328 : memref<10240x128xf32, #tpu.memory_space<hbm>>) target(%arg9 : memref<128x128xf32, #tpu.memory_space<vmem>>) offsets(%dma_start3A_325 : memref<128xi32, #tpu.memory_space<vmem>>) semaphore(%arg14 : memref<!tpu.dma_semaphore, #tpu.memory_space<semaphore_mem>>)
      } else {
      }
      %add3A_261 = arith.constant 2 : i32
      %add3A_262 = arith.addi %add3A_222, %add3A_261 : i32
      %lt3A_263 = arith.cmpi slt, %add3A_262, %select_n3A_10 : i32
      %convert_element_type3A_264 = arith.extui %lt3A_263 : i1 to i32
      %cond3A_265 = arith.constant 0 : i32
      %cond3A_266 = arith.cmpi ne, %convert_element_type3A_264, %cond3A_265 : i32
      scf.if %cond3A_266 {
        %add3A_267 = arith.constant 2 : i32
        %add3A_268 = arith.addi %add3A_222, %add3A_267 : i32
        %mul3A_269 = arith.constant 2 : i32
        %mul3A_270 = arith.muli %add3A_268, %mul3A_269 : i32
        %add3A_271 = arith.addi %select_n3A, %mul3A_270 : i32
        %dma_start3A_272 = arith.constant 1 : i32
        %dma_start3A_273 = arith.constant 0 : i32
        %dma_start3A_274 = arith.constant 0 : i32
        %dma_start3A_275 = tpu.memref_slice %arg6[%dma_start3A_272, %dma_start3A_273, %dma_start3A_274] : memref<2x2x128xi32, #tpu.memory_space<vmem>> -> memref<1x2x128xi32, #tpu.memory_space<vmem>>
        %dma_start3A_276 = tpu.memref_squeeze %dma_start3A_275 : memref<1x2x128xi32, #tpu.memory_space<vmem>> -> memref<2x128xi32, #tpu.memory_space<vmem>>
        %dma_start3A_277 = arith.constant 0 : i32
        %dma_start3A_278 = tpu.memref_slice %arg3[%add3A_271, %dma_start3A_277] : memref<2560x128xi32, #tpu.memory_space<hbm>> -> memref<2x128xi32, #tpu.memory_space<hbm>>
        %dma_start3A_279 = arith.constant 0 : i32
        %dma_start3A_280 = arith.constant 0 : i32
        %dma_start3A_281 = tpu.memref_slice %arg6[%dma_start3A_272, %dma_start3A_279, %dma_start3A_280] : memref<2x2x128xi32, #tpu.memory_space<vmem>> -> memref<1x2x128xi32, #tpu.memory_space<vmem>>
        %dma_start3A_282 = tpu.memref_squeeze %dma_start3A_281 : memref<1x2x128xi32, #tpu.memory_space<vmem>> -> memref<2x128xi32, #tpu.memory_space<vmem>>
        %dma_start3A_283 = arith.constant 0 : i32
        %dma_start3A_284 = tpu.memref_slice %arg3[%add3A_271, %dma_start3A_283] : memref<2560x128xi32, #tpu.memory_space<hbm>> -> memref<2x128xi32, #tpu.memory_space<hbm>>
        tpu.enqueue_dma source(%dma_start3A_284 : memref<2x128xi32, #tpu.memory_space<hbm>>) target(%dma_start3A_282 : memref<2x128xi32, #tpu.memory_space<vmem>>) target_semaphore(%arg12 : memref<!tpu.dma_semaphore, #tpu.memory_space<semaphore_mem>>)
        %dma_start3A_285 = arith.constant 1 : i32
        %dma_start3A_286 = arith.constant 0 : i32
        %dma_start3A_287 = arith.constant 0 : i32
        %dma_start3A_288 = tpu.memref_slice %arg7[%dma_start3A_285, %dma_start3A_286, %dma_start3A_287] : memref<2x2x128xi32, #tpu.memory_space<vmem>> -> memref<1x2x128xi32, #tpu.memory_space<vmem>>
        %dma_start3A_289 = tpu.memref_squeeze %dma_start3A_288 : memref<1x2x128xi32, #tpu.memory_space<vmem>> -> memref<2x128xi32, #tpu.memory_space<vmem>>
        %dma_start3A_290 = arith.constant 0 : i32
        %dma_start3A_291 = tpu.memref_slice %arg4[%add3A_271, %dma_start3A_290] : memref<2560x128xi32, #tpu.memory_space<hbm>> -> memref<2x128xi32, #tpu.memory_space<hbm>>
        %dma_start3A_292 = arith.constant 0 : i32
        %dma_start3A_293 = arith.constant 0 : i32
        %dma_start3A_294 = tpu.memref_slice %arg7[%dma_start3A_285, %dma_start3A_292, %dma_start3A_293] : memref<2x2x128xi32, #tpu.memory_space<vmem>> -> memref<1x2x128xi32, #tpu.memory_space<vmem>>
        %dma_start3A_295 = tpu.memref_squeeze %dma_start3A_294 : memref<1x2x128xi32, #tpu.memory_space<vmem>> -> memref<2x128xi32, #tpu.memory_space<vmem>>
        %dma_start3A_296 = arith.constant 0 : i32
        %dma_start3A_297 = tpu.memref_slice %arg4[%add3A_271, %dma_start3A_296] : memref<2560x128xi32, #tpu.memory_space<hbm>> -> memref<2x128xi32, #tpu.memory_space<hbm>>
        tpu.enqueue_dma source(%dma_start3A_297 : memref<2x128xi32, #tpu.memory_space<hbm>>) target(%dma_start3A_295 : memref<2x128xi32, #tpu.memory_space<vmem>>) target_semaphore(%arg12 : memref<!tpu.dma_semaphore, #tpu.memory_space<semaphore_mem>>)
      } else {
      }
    }
    %while3A_145 = arith.constant 1 : i32
    scf.for %while3A_173 = %while3A_143 to %while3A_139 step %while3A_145  : i32 {
      %mul3A_174 = arith.constant 2 : i32
      %mul3A_175 = arith.muli %mul3A_174, %while3A_173 : i32
      %dma_wait3A_176 = arith.constant 0 : i32
      %dma_wait3A_177 = arith.constant 0 : i32
      %dma_wait3A_178 = arith.constant 0 : i32
      %dma_wait3A_179 = tpu.memref_slice %arg6[%dma_wait3A_176, %dma_wait3A_177, %dma_wait3A_178] : memref<2x2x128xi32, #tpu.memory_space<vmem>> -> memref<1x1x128xi32, #tpu.memory_space<vmem>>
      %dma_wait3A_180 = tpu.memref_squeeze %dma_wait3A_179 : memref<1x1x128xi32, #tpu.memory_space<vmem>> -> memref<128xi32, #tpu.memory_space<vmem>>
      %dma_wait3A_181 = arith.constant 0 : i32
      %dma_wait3A_182 = arith.constant 0 : i32
      %dma_wait3A_183 = tpu.memref_slice %arg2[%dma_wait3A_181, %dma_wait3A_182] : memref<10240x128xf32, #tpu.memory_space<hbm>> -> memref<10240x128xf32, #tpu.memory_space<hbm>>
      tpu.wait_indirect_dma semaphore(%arg13 : memref<!tpu.dma_semaphore, #tpu.memory_space<semaphore_mem>>) src(%dma_wait3A_183 : memref<10240x128xf32, #tpu.memory_space<hbm>>) dst(%arg8 : memref<128x128xf32, #tpu.memory_space<vmem>>)
      %dma_start3A_184 = arith.constant 0 : i32
      %dma_start3A_185 = arith.constant 0 : i32
      %dma_start3A_186 = arith.constant 0 : i32
      %dma_start3A_187 = tpu.memref_slice %arg7[%dma_start3A_184, %dma_start3A_185, %dma_start3A_186] : memref<2x2x128xi32, #tpu.memory_space<vmem>> -> memref<1x1x128xi32, #tpu.memory_space<vmem>>
      %dma_start3A_188 = tpu.memref_squeeze %dma_start3A_187 : memref<1x1x128xi32, #tpu.memory_space<vmem>> -> memref<128xi32, #tpu.memory_space<vmem>>
      %dma_start3A_189 = arith.constant 0 : i32
      %dma_start3A_190 = arith.constant 0 : i32
      %dma_start3A_191 = tpu.memref_slice %arg10[%dma_start3A_189, %dma_start3A_190] : memref<10240x128xf32, #tpu.memory_space<vmem_shared>> -> memref<10240x128xf32, #tpu.memory_space<vmem_shared>>
      tpu.enqueue_indirect_dma source(%arg8 : memref<128x128xf32, #tpu.memory_space<vmem>>) target(%dma_start3A_191 : memref<10240x128xf32, #tpu.memory_space<vmem_shared>>) offsets(%dma_start3A_188 : memref<128xi32, #tpu.memory_space<vmem>>) semaphore(%arg15 : memref<!tpu.dma_semaphore, #tpu.memory_space<semaphore_mem>>) {add = true}
      %dma_wait3A_192 = arith.constant 0 : i32
      %dma_wait3A_193 = arith.constant 1 : i32
      %dma_wait3A_194 = arith.constant 0 : i32
      %dma_wait3A_195 = tpu.memref_slice %arg6[%dma_wait3A_192, %dma_wait3A_193, %dma_wait3A_194] : memref<2x2x128xi32, #tpu.memory_space<vmem>> -> memref<1x1x128xi32, #tpu.memory_space<vmem>>
      %dma_wait3A_196 = tpu.memref_squeeze %dma_wait3A_195 : memref<1x1x128xi32, #tpu.memory_space<vmem>> -> memref<128xi32, #tpu.memory_space<vmem>>
      %dma_wait3A_197 = arith.constant 0 : i32
      %dma_wait3A_198 = arith.constant 0 : i32
      %dma_wait3A_199 = tpu.memref_slice %arg2[%dma_wait3A_197, %dma_wait3A_198] : memref<10240x128xf32, #tpu.memory_space<hbm>> -> memref<10240x128xf32, #tpu.memory_space<hbm>>
      tpu.wait_indirect_dma semaphore(%arg14 : memref<!tpu.dma_semaphore, #tpu.memory_space<semaphore_mem>>) src(%dma_wait3A_199 : memref<10240x128xf32, #tpu.memory_space<hbm>>) dst(%arg9 : memref<128x128xf32, #tpu.memory_space<vmem>>)
      %dma_start3A_200 = arith.constant 0 : i32
      %dma_start3A_201 = arith.constant 1 : i32
      %dma_start3A_202 = arith.constant 0 : i32
      %dma_start3A_203 = tpu.memref_slice %arg7[%dma_start3A_200, %dma_start3A_201, %dma_start3A_202] : memref<2x2x128xi32, #tpu.memory_space<vmem>> -> memref<1x1x128xi32, #tpu.memory_space<vmem>>
      %dma_start3A_204 = tpu.memref_squeeze %dma_start3A_203 : memref<1x1x128xi32, #tpu.memory_space<vmem>> -> memref<128xi32, #tpu.memory_space<vmem>>
      %dma_start3A_205 = arith.constant 0 : i32
      %dma_start3A_206 = arith.constant 0 : i32
      %dma_start3A_207 = tpu.memref_slice %arg10[%dma_start3A_205, %dma_start3A_206] : memref<10240x128xf32, #tpu.memory_space<vmem_shared>> -> memref<10240x128xf32, #tpu.memory_space<vmem_shared>>
      tpu.enqueue_indirect_dma source(%arg9 : memref<128x128xf32, #tpu.memory_space<vmem>>) target(%dma_start3A_207 : memref<10240x128xf32, #tpu.memory_space<vmem_shared>>) offsets(%dma_start3A_204 : memref<128xi32, #tpu.memory_space<vmem>>) semaphore(%arg16 : memref<!tpu.dma_semaphore, #tpu.memory_space<semaphore_mem>>) {add = true}
      %add3A_208 = arith.constant 1 : i32
      %add3A_209 = arith.addi %mul3A_175, %add3A_208 : i32
      %lt3A = arith.cmpi slt, %add3A_209, %select_n3A_10 : i32
      %convert_element_type3A_210 = arith.extui %lt3A : i1 to i32
      %cond3A_211 = arith.constant 0 : i32
      %cond3A_212 = arith.cmpi ne, %convert_element_type3A_210, %cond3A_211 : i32
      scf.if %cond3A_212 {
        %dma_wait3A_267 = arith.constant 1 : i32
        %dma_wait3A_268 = arith.constant 0 : i32
        %dma_wait3A_269 = arith.constant 0 : i32
        %dma_wait3A_270 = tpu.memref_slice %arg6[%dma_wait3A_267, %dma_wait3A_268, %dma_wait3A_269] : memref<2x2x128xi32, #tpu.memory_space<vmem>> -> memref<1x2x128xi32, #tpu.memory_space<vmem>>
        %dma_wait3A_271 = tpu.memref_squeeze %dma_wait3A_270 : memref<1x2x128xi32, #tpu.memory_space<vmem>> -> memref<2x128xi32, #tpu.memory_space<vmem>>
        %dma_wait3A_272 = arith.constant 0 : i32
        %dma_wait3A_273 = arith.constant 0 : i32
        %dma_wait3A_274 = tpu.memref_slice %arg3[%dma_wait3A_272, %dma_wait3A_273] : memref<2560x128xi32, #tpu.memory_space<hbm>> -> memref<2x128xi32, #tpu.memory_space<hbm>>
        %dma_wait3A_275 = arith.constant 0 : i32
        %dma_wait3A_276 = arith.constant 0 : i32
        %dma_wait3A_277 = tpu.memref_slice %arg6[%dma_wait3A_267, %dma_wait3A_275, %dma_wait3A_276] : memref<2x2x128xi32, #tpu.memory_space<vmem>> -> memref<1x2x128xi32, #tpu.memory_space<vmem>>
        %dma_wait3A_278 = tpu.memref_squeeze %dma_wait3A_277 : memref<1x2x128xi32, #tpu.memory_space<vmem>> -> memref<2x128xi32, #tpu.memory_space<vmem>>
        %dma_wait3A_279 = arith.constant 0 : i32
        %dma_wait3A_280 = arith.constant 0 : i32
        %dma_wait3A_281 = tpu.memref_slice %arg3[%dma_wait3A_279, %dma_wait3A_280] : memref<2560x128xi32, #tpu.memory_space<hbm>> -> memref<2x128xi32, #tpu.memory_space<hbm>>
        tpu.wait_dma2 semaphore(%arg12 : memref<!tpu.dma_semaphore, #tpu.memory_space<semaphore_mem>>) src(%dma_wait3A_281 : memref<2x128xi32, #tpu.memory_space<hbm>>) dst(%dma_wait3A_278 : memref<2x128xi32, #tpu.memory_space<vmem>>)
        %dma_wait3A_282 = arith.constant 1 : i32
        %dma_wait3A_283 = arith.constant 0 : i32
        %dma_wait3A_284 = arith.constant 0 : i32
        %dma_wait3A_285 = tpu.memref_slice %arg7[%dma_wait3A_282, %dma_wait3A_283, %dma_wait3A_284] : memref<2x2x128xi32, #tpu.memory_space<vmem>> -> memref<1x2x128xi32, #tpu.memory_space<vmem>>
        %dma_wait3A_286 = tpu.memref_squeeze %dma_wait3A_285 : memref<1x2x128xi32, #tpu.memory_space<vmem>> -> memref<2x128xi32, #tpu.memory_space<vmem>>
        %dma_wait3A_287 = arith.constant 0 : i32
        %dma_wait3A_288 = arith.constant 0 : i32
        %dma_wait3A_289 = tpu.memref_slice %arg4[%dma_wait3A_287, %dma_wait3A_288] : memref<2560x128xi32, #tpu.memory_space<hbm>> -> memref<2x128xi32, #tpu.memory_space<hbm>>
        %dma_wait3A_290 = arith.constant 0 : i32
        %dma_wait3A_291 = arith.constant 0 : i32
        %dma_wait3A_292 = tpu.memref_slice %arg7[%dma_wait3A_282, %dma_wait3A_290, %dma_wait3A_291] : memref<2x2x128xi32, #tpu.memory_space<vmem>> -> memref<1x2x128xi32, #tpu.memory_space<vmem>>
        %dma_wait3A_293 = tpu.memref_squeeze %dma_wait3A_292 : memref<1x2x128xi32, #tpu.memory_space<vmem>> -> memref<2x128xi32, #tpu.memory_space<vmem>>
        %dma_wait3A_294 = arith.constant 0 : i32
        %dma_wait3A_295 = arith.constant 0 : i32
        %dma_wait3A_296 = tpu.memref_slice %arg4[%dma_wait3A_294, %dma_wait3A_295] : memref<2560x128xi32, #tpu.memory_space<hbm>> -> memref<2x128xi32, #tpu.memory_space<hbm>>
        tpu.wait_dma2 semaphore(%arg12 : memref<!tpu.dma_semaphore, #tpu.memory_space<semaphore_mem>>) src(%dma_wait3A_296 : memref<2x128xi32, #tpu.memory_space<hbm>>) dst(%dma_wait3A_293 : memref<2x128xi32, #tpu.memory_space<vmem>>)
        %dma_wait3A_297 = arith.constant 0 : i32
        %dma_wait3A_298 = arith.constant 0 : i32
        %dma_wait3A_299 = arith.constant 0 : i32
        %dma_wait3A_300 = tpu.memref_slice %arg7[%dma_wait3A_297, %dma_wait3A_298, %dma_wait3A_299] : memref<2x2x128xi32, #tpu.memory_space<vmem>> -> memref<1x1x128xi32, #tpu.memory_space<vmem>>
        %dma_wait3A_301 = tpu.memref_squeeze %dma_wait3A_300 : memref<1x1x128xi32, #tpu.memory_space<vmem>> -> memref<128xi32, #tpu.memory_space<vmem>>
        %dma_wait3A_302 = arith.constant 0 : i32
        %dma_wait3A_303 = arith.constant 0 : i32
        %dma_wait3A_304 = tpu.memref_slice %arg10[%dma_wait3A_302, %dma_wait3A_303] : memref<10240x128xf32, #tpu.memory_space<vmem_shared>> -> memref<10240x128xf32, #tpu.memory_space<vmem_shared>>
        tpu.wait_indirect_dma semaphore(%arg15 : memref<!tpu.dma_semaphore, #tpu.memory_space<semaphore_mem>>) src(%arg8 : memref<128x128xf32, #tpu.memory_space<vmem>>) dst(%dma_wait3A_304 : memref<10240x128xf32, #tpu.memory_space<vmem_shared>>)
        %dma_start3A_305 = arith.constant 1 : i32
        %dma_start3A_306 = arith.constant 0 : i32
        %dma_start3A_307 = arith.constant 0 : i32
        %dma_start3A_308 = tpu.memref_slice %arg6[%dma_start3A_305, %dma_start3A_306, %dma_start3A_307] : memref<2x2x128xi32, #tpu.memory_space<vmem>> -> memref<1x1x128xi32, #tpu.memory_space<vmem>>
        %dma_start3A_309 = tpu.memref_squeeze %dma_start3A_308 : memref<1x1x128xi32, #tpu.memory_space<vmem>> -> memref<128xi32, #tpu.memory_space<vmem>>
        %dma_start3A_310 = arith.constant 0 : i32
        %dma_start3A_311 = arith.constant 0 : i32
        %dma_start3A_312 = tpu.memref_slice %arg2[%dma_start3A_310, %dma_start3A_311] : memref<10240x128xf32, #tpu.memory_space<hbm>> -> memref<10240x128xf32, #tpu.memory_space<hbm>>
        tpu.enqueue_indirect_dma source(%dma_start3A_312 : memref<10240x128xf32, #tpu.memory_space<hbm>>) target(%arg8 : memref<128x128xf32, #tpu.memory_space<vmem>>) offsets(%dma_start3A_309 : memref<128xi32, #tpu.memory_space<vmem>>) semaphore(%arg13 : memref<!tpu.dma_semaphore, #tpu.memory_space<semaphore_mem>>)
        %dma_wait3A_313 = arith.constant 0 : i32
        %dma_wait3A_314 = arith.constant 1 : i32
        %dma_wait3A_315 = arith.constant 0 : i32
        %dma_wait3A_316 = tpu.memref_slice %arg7[%dma_wait3A_313, %dma_wait3A_314, %dma_wait3A_315] : memref<2x2x128xi32, #tpu.memory_space<vmem>> -> memref<1x1x128xi32, #tpu.memory_space<vmem>>
        %dma_wait3A_317 = tpu.memref_squeeze %dma_wait3A_316 : memref<1x1x128xi32, #tpu.memory_space<vmem>> -> memref<128xi32, #tpu.memory_space<vmem>>
        %dma_wait3A_318 = arith.constant 0 : i32
        %dma_wait3A_319 = arith.constant 0 : i32
        %dma_wait3A_320 = tpu.memref_slice %arg10[%dma_wait3A_318, %dma_wait3A_319] : memref<10240x128xf32, #tpu.memory_space<vmem_shared>> -> memref<10240x128xf32, #tpu.memory_space<vmem_shared>>
        tpu.wait_indirect_dma semaphore(%arg16 : memref<!tpu.dma_semaphore, #tpu.memory_space<semaphore_mem>>) src(%arg9 : memref<128x128xf32, #tpu.memory_space<vmem>>) dst(%dma_wait3A_320 : memref<10240x128xf32, #tpu.memory_space<vmem_shared>>)
        %dma_start3A_321 = arith.constant 1 : i32
        %dma_start3A_322 = arith.constant 1 : i32
        %dma_start3A_323 = arith.constant 0 : i32
        %dma_start3A_324 = tpu.memref_slice %arg6[%dma_start3A_321, %dma_start3A_322, %dma_start3A_323] : memref<2x2x128xi32, #tpu.memory_space<vmem>> -> memref<1x1x128xi32, #tpu.memory_space<vmem>>
        %dma_start3A_325 = tpu.memref_squeeze %dma_start3A_324 : memref<1x1x128xi32, #tpu.memory_space<vmem>> -> memref<128xi32, #tpu.memory_space<vmem>>
        %dma_start3A_326 = arith.constant 0 : i32
        %dma_start3A_327 = arith.constant 0 : i32
        %dma_start3A_328 = tpu.memref_slice %arg2[%dma_start3A_326, %dma_start3A_327] : memref<10240x128xf32, #tpu.memory_space<hbm>> -> memref<10240x128xf32, #tpu.memory_space<hbm>>
        tpu.enqueue_indirect_dma source(%dma_start3A_328 : memref<10240x128xf32, #tpu.memory_space<hbm>>) target(%arg9 : memref<128x128xf32, #tpu.memory_space<vmem>>) offsets(%dma_start3A_325 : memref<128xi32, #tpu.memory_space<vmem>>) semaphore(%arg14 : memref<!tpu.dma_semaphore, #tpu.memory_space<semaphore_mem>>)
      } else {
      }
      %add3A_213 = arith.constant 2 : i32
      %add3A_214 = arith.addi %mul3A_175, %add3A_213 : i32
      %lt3A_215 = arith.cmpi slt, %add3A_214, %select_n3A_10 : i32
      %convert_element_type3A_216 = arith.extui %lt3A_215 : i1 to i32
      %cond3A_217 = arith.constant 0 : i32
      %cond3A_218 = arith.cmpi ne, %convert_element_type3A_216, %cond3A_217 : i32
      scf.if %cond3A_218 {
        %add3A_267 = arith.constant 2 : i32
        %add3A_268 = arith.addi %mul3A_175, %add3A_267 : i32
        %mul3A_269 = arith.constant 2 : i32
        %mul3A_270 = arith.muli %add3A_268, %mul3A_269 : i32
        %add3A_271 = arith.addi %select_n3A, %mul3A_270 : i32
        %dma_start3A_272 = arith.constant 0 : i32
        %dma_start3A_273 = arith.constant 0 : i32
        %dma_start3A_274 = arith.constant 0 : i32
        %dma_start3A_275 = tpu.memref_slice %arg6[%dma_start3A_272, %dma_start3A_273, %dma_start3A_274] : memref<2x2x128xi32, #tpu.memory_space<vmem>> -> memref<1x2x128xi32, #tpu.memory_space<vmem>>
        %dma_start3A_276 = tpu.memref_squeeze %dma_start3A_275 : memref<1x2x128xi32, #tpu.memory_space<vmem>> -> memref<2x128xi32, #tpu.memory_space<vmem>>
        %dma_start3A_277 = arith.constant 0 : i32
        %dma_start3A_278 = tpu.memref_slice %arg3[%add3A_271, %dma_start3A_277] : memref<2560x128xi32, #tpu.memory_space<hbm>> -> memref<2x128xi32, #tpu.memory_space<hbm>>
        %dma_start3A_279 = arith.constant 0 : i32
        %dma_start3A_280 = arith.constant 0 : i32
        %dma_start3A_281 = tpu.memref_slice %arg6[%dma_start3A_272, %dma_start3A_279, %dma_start3A_280] : memref<2x2x128xi32, #tpu.memory_space<vmem>> -> memref<1x2x128xi32, #tpu.memory_space<vmem>>
        %dma_start3A_282 = tpu.memref_squeeze %dma_start3A_281 : memref<1x2x128xi32, #tpu.memory_space<vmem>> -> memref<2x128xi32, #tpu.memory_space<vmem>>
        %dma_start3A_283 = arith.constant 0 : i32
        %dma_start3A_284 = tpu.memref_slice %arg3[%add3A_271, %dma_start3A_283] : memref<2560x128xi32, #tpu.memory_space<hbm>> -> memref<2x128xi32, #tpu.memory_space<hbm>>
        tpu.enqueue_dma source(%dma_start3A_284 : memref<2x128xi32, #tpu.memory_space<hbm>>) target(%dma_start3A_282 : memref<2x128xi32, #tpu.memory_space<vmem>>) target_semaphore(%arg11 : memref<!tpu.dma_semaphore, #tpu.memory_space<semaphore_mem>>)
        %dma_start3A_285 = arith.constant 0 : i32
        %dma_start3A_286 = arith.constant 0 : i32
        %dma_start3A_287 = arith.constant 0 : i32
        %dma_start3A_288 = tpu.memref_slice %arg7[%dma_start3A_285, %dma_start3A_286, %dma_start3A_287] : memref<2x2x128xi32, #tpu.memory_space<vmem>> -> memref<1x2x128xi32, #tpu.memory_space<vmem>>
        %dma_start3A_289 = tpu.memref_squeeze %dma_start3A_288 : memref<1x2x128xi32, #tpu.memory_space<vmem>> -> memref<2x128xi32, #tpu.memory_space<vmem>>
        %dma_start3A_290 = arith.constant 0 : i32
        %dma_start3A_291 = tpu.memref_slice %arg4[%add3A_271, %dma_start3A_290] : memref<2560x128xi32, #tpu.memory_space<hbm>> -> memref<2x128xi32, #tpu.memory_space<hbm>>
        %dma_start3A_292 = arith.constant 0 : i32
        %dma_start3A_293 = arith.constant 0 : i32
        %dma_start3A_294 = tpu.memref_slice %arg7[%dma_start3A_285, %dma_start3A_292, %dma_start3A_293] : memref<2x2x128xi32, #tpu.memory_space<vmem>> -> memref<1x2x128xi32, #tpu.memory_space<vmem>>
        %dma_start3A_295 = tpu.memref_squeeze %dma_start3A_294 : memref<1x2x128xi32, #tpu.memory_space<vmem>> -> memref<2x128xi32, #tpu.memory_space<vmem>>
        %dma_start3A_296 = arith.constant 0 : i32
        %dma_start3A_297 = tpu.memref_slice %arg4[%add3A_271, %dma_start3A_296] : memref<2560x128xi32, #tpu.memory_space<hbm>> -> memref<2x128xi32, #tpu.memory_space<hbm>>
        tpu.enqueue_dma source(%dma_start3A_297 : memref<2x128xi32, #tpu.memory_space<hbm>>) target(%dma_start3A_295 : memref<2x128xi32, #tpu.memory_space<vmem>>) target_semaphore(%arg11 : memref<!tpu.dma_semaphore, #tpu.memory_space<semaphore_mem>>)
      } else {
      }
      %mul3A_219 = arith.constant 2 : i32
      %mul3A_220 = arith.muli %mul3A_219, %while3A_173 : i32
      %add3A_221 = arith.constant 1 : i32
      %add3A_222 = arith.addi %mul3A_220, %add3A_221 : i32
      %dma_wait3A_223 = arith.constant 1 : i32
      %dma_wait3A_224 = arith.constant 0 : i32
      %dma_wait3A_225 = arith.constant 0 : i32
      %dma_wait3A_226 = tpu.memref_slice %arg6[%dma_wait3A_223, %dma_wait3A_224, %dma_wait3A_225] : memref<2x2x128xi32, #tpu.memory_space<vmem>> -> memref<1x1x128xi32, #tpu.memory_space<vmem>>
      %dma_wait3A_227 = tpu.memref_squeeze %dma_wait3A_226 : memref<1x1x128xi32, #tpu.memory_space<vmem>> -> memref<128xi32, #tpu.memory_space<vmem>>
      %dma_wait3A_228 = arith.constant 0 : i32
      %dma_wait3A_229 = arith.constant 0 : i32
      %dma_wait3A_230 = tpu.memref_slice %arg2[%dma_wait3A_228, %dma_wait3A_229] : memref<10240x128xf32, #tpu.memory_space<hbm>> -> memref<10240x128xf32, #tpu.memory_space<hbm>>
      tpu.wait_indirect_dma semaphore(%arg13 : memref<!tpu.dma_semaphore, #tpu.memory_space<semaphore_mem>>) src(%dma_wait3A_230 : memref<10240x128xf32, #tpu.memory_space<hbm>>) dst(%arg8 : memref<128x128xf32, #tpu.memory_space<vmem>>)
      %dma_start3A_231 = arith.constant 1 : i32
      %dma_start3A_232 = arith.constant 0 : i32
      %dma_start3A_233 = arith.constant 0 : i32
      %dma_start3A_234 = tpu.memref_slice %arg7[%dma_start3A_231, %dma_start3A_232, %dma_start3A_233] : memref<2x2x128xi32, #tpu.memory_space<vmem>> -> memref<1x1x128xi32, #tpu.memory_space<vmem>>
      %dma_start3A_235 = tpu.memref_squeeze %dma_start3A_234 : memref<1x1x128xi32, #tpu.memory_space<vmem>> -> memref<128xi32, #tpu.memory_space<vmem>>
      %dma_start3A_236 = arith.constant 0 : i32
      %dma_start3A_237 = arith.constant 0 : i32
      %dma_start3A_238 = tpu.memref_slice %arg10[%dma_start3A_236, %dma_start3A_237] : memref<10240x128xf32, #tpu.memory_space<vmem_shared>> -> memref<10240x128xf32, #tpu.memory_space<vmem_shared>>
      tpu.enqueue_indirect_dma source(%arg8 : memref<128x128xf32, #tpu.memory_space<vmem>>) target(%dma_start3A_238 : memref<10240x128xf32, #tpu.memory_space<vmem_shared>>) offsets(%dma_start3A_235 : memref<128xi32, #tpu.memory_space<vmem>>) semaphore(%arg15 : memref<!tpu.dma_semaphore, #tpu.memory_space<semaphore_mem>>) {add = true}
      %dma_wait3A_239 = arith.constant 1 : i32
      %dma_wait3A_240 = arith.constant 1 : i32
      %dma_wait3A_241 = arith.constant 0 : i32
      %dma_wait3A_242 = tpu.memref_slice %arg6[%dma_wait3A_239, %dma_wait3A_240, %dma_wait3A_241] : memref<2x2x128xi32, #tpu.memory_space<vmem>> -> memref<1x1x128xi32, #tpu.memory_space<vmem>>
      %dma_wait3A_243 = tpu.memref_squeeze %dma_wait3A_242 : memref<1x1x128xi32, #tpu.memory_space<vmem>> -> memref<128xi32, #tpu.memory_space<vmem>>
      %dma_wait3A_244 = arith.constant 0 : i32
      %dma_wait3A_245 = arith.constant 0 : i32
      %dma_wait3A_246 = tpu.memref_slice %arg2[%dma_wait3A_244, %dma_wait3A_245] : memref<10240x128xf32, #tpu.memory_space<hbm>> -> memref<10240x128xf32, #tpu.memory_space<hbm>>
      tpu.wait_indirect_dma semaphore(%arg14 : memref<!tpu.dma_semaphore, #tpu.memory_space<semaphore_mem>>) src(%dma_wait3A_246 : memref<10240x128xf32, #tpu.memory_space<hbm>>) dst(%arg9 : memref<128x128xf32, #tpu.memory_space<vmem>>)
      %dma_start3A_247 = arith.constant 1 : i32
      %dma_start3A_248 = arith.constant 1 : i32
      %dma_start3A_249 = arith.constant 0 : i32
      %dma_start3A_250 = tpu.memref_slice %arg7[%dma_start3A_247, %dma_start3A_248, %dma_start3A_249] : memref<2x2x128xi32, #tpu.memory_space<vmem>> -> memref<1x1x128xi32, #tpu.memory_space<vmem>>
      %dma_start3A_251 = tpu.memref_squeeze %dma_start3A_250 : memref<1x1x128xi32, #tpu.memory_space<vmem>> -> memref<128xi32, #tpu.memory_space<vmem>>
      %dma_start3A_252 = arith.constant 0 : i32
      %dma_start3A_253 = arith.constant 0 : i32
      %dma_start3A_254 = tpu.memref_slice %arg10[%dma_start3A_252, %dma_start3A_253] : memref<10240x128xf32, #tpu.memory_space<vmem_shared>> -> memref<10240x128xf32, #tpu.memory_space<vmem_shared>>
      tpu.enqueue_indirect_dma source(%arg9 : memref<128x128xf32, #tpu.memory_space<vmem>>) target(%dma_start3A_254 : memref<10240x128xf32, #tpu.memory_space<vmem_shared>>) offsets(%dma_start3A_251 : memref<128xi32, #tpu.memory_space<vmem>>) semaphore(%arg16 : memref<!tpu.dma_semaphore, #tpu.memory_space<semaphore_mem>>) {add = true}
      %add3A_255 = arith.constant 1 : i32
      %add3A_256 = arith.addi %add3A_222, %add3A_255 : i32
      %lt3A_257 = arith.cmpi slt, %add3A_256, %select_n3A_10 : i32
      %convert_element_type3A_258 = arith.extui %lt3A_257 : i1 to i32
      %cond3A_259 = arith.constant 0 : i32
      %cond3A_260 = arith.cmpi ne, %convert_element_type3A_258, %cond3A_259 : i32
      scf.if %cond3A_260 {
        %dma_wait3A_267 = arith.constant 0 : i32
        %dma_wait3A_268 = arith.constant 0 : i32
        %dma_wait3A_269 = arith.constant 0 : i32
        %dma_wait3A_270 = tpu.memref_slice %arg6[%dma_wait3A_267, %dma_wait3A_268, %dma_wait3A_269] : memref<2x2x128xi32, #tpu.memory_space<vmem>> -> memref<1x2x128xi32, #tpu.memory_space<vmem>>
        %dma_wait3A_271 = tpu.memref_squeeze %dma_wait3A_270 : memref<1x2x128xi32, #tpu.memory_space<vmem>> -> memref<2x128xi32, #tpu.memory_space<vmem>>
        %dma_wait3A_272 = arith.constant 0 : i32
        %dma_wait3A_273 = arith.constant 0 : i32
        %dma_wait3A_274 = tpu.memref_slice %arg3[%dma_wait3A_272, %dma_wait3A_273] : memref<2560x128xi32, #tpu.memory_space<hbm>> -> memref<2x128xi32, #tpu.memory_space<hbm>>
        %dma_wait3A_275 = arith.constant 0 : i32
        %dma_wait3A_276 = arith.constant 0 : i32
        %dma_wait3A_277 = tpu.memref_slice %arg6[%dma_wait3A_267, %dma_wait3A_275, %dma_wait3A_276] : memref<2x2x128xi32, #tpu.memory_space<vmem>> -> memref<1x2x128xi32, #tpu.memory_space<vmem>>
        %dma_wait3A_278 = tpu.memref_squeeze %dma_wait3A_277 : memref<1x2x128xi32, #tpu.memory_space<vmem>> -> memref<2x128xi32, #tpu.memory_space<vmem>>
        %dma_wait3A_279 = arith.constant 0 : i32
        %dma_wait3A_280 = arith.constant 0 : i32
        %dma_wait3A_281 = tpu.memref_slice %arg3[%dma_wait3A_279, %dma_wait3A_280] : memref<2560x128xi32, #tpu.memory_space<hbm>> -> memref<2x128xi32, #tpu.memory_space<hbm>>
        tpu.wait_dma2 semaphore(%arg11 : memref<!tpu.dma_semaphore, #tpu.memory_space<semaphore_mem>>) src(%dma_wait3A_281 : memref<2x128xi32, #tpu.memory_space<hbm>>) dst(%dma_wait3A_278 : memref<2x128xi32, #tpu.memory_space<vmem>>)
        %dma_wait3A_282 = arith.constant 0 : i32
        %dma_wait3A_283 = arith.constant 0 : i32
        %dma_wait3A_284 = arith.constant 0 : i32
        %dma_wait3A_285 = tpu.memref_slice %arg7[%dma_wait3A_282, %dma_wait3A_283, %dma_wait3A_284] : memref<2x2x128xi32, #tpu.memory_space<vmem>> -> memref<1x2x128xi32, #tpu.memory_space<vmem>>
        %dma_wait3A_286 = tpu.memref_squeeze %dma_wait3A_285 : memref<1x2x128xi32, #tpu.memory_space<vmem>> -> memref<2x128xi32, #tpu.memory_space<vmem>>
        %dma_wait3A_287 = arith.constant 0 : i32
        %dma_wait3A_288 = arith.constant 0 : i32
        %dma_wait3A_289 = tpu.memref_slice %arg4[%dma_wait3A_287, %dma_wait3A_288] : memref<2560x128xi32, #tpu.memory_space<hbm>> -> memref<2x128xi32, #tpu.memory_space<hbm>>
        %dma_wait3A_290 = arith.constant 0 : i32
        %dma_wait3A_291 = arith.constant 0 : i32
        %dma_wait3A_292 = tpu.memref_slice %arg7[%dma_wait3A_282, %dma_wait3A_290, %dma_wait3A_291] : memref<2x2x128xi32, #tpu.memory_space<vmem>> -> memref<1x2x128xi32, #tpu.memory_space<vmem>>
        %dma_wait3A_293 = tpu.memref_squeeze %dma_wait3A_292 : memref<1x2x128xi32, #tpu.memory_space<vmem>> -> memref<2x128xi32, #tpu.memory_space<vmem>>
        %dma_wait3A_294 = arith.constant 0 : i32
        %dma_wait3A_295 = arith.constant 0 : i32
        %dma_wait3A_296 = tpu.memref_slice %arg4[%dma_wait3A_294, %dma_wait3A_295] : memref<2560x128xi32, #tpu.memory_space<hbm>> -> memref<2x128xi32, #tpu.memory_space<hbm>>
        tpu.wait_dma2 semaphore(%arg11 : memref<!tpu.dma_semaphore, #tpu.memory_space<semaphore_mem>>) src(%dma_wait3A_296 : memref<2x128xi32, #tpu.memory_space<hbm>>) dst(%dma_wait3A_293 : memref<2x128xi32, #tpu.memory_space<vmem>>)
        %dma_wait3A_297 = arith.constant 1 : i32
        %dma_wait3A_298 = arith.constant 0 : i32
        %dma_wait3A_299 = arith.constant 0 : i32
        %dma_wait3A_300 = tpu.memref_slice %arg7[%dma_wait3A_297, %dma_wait3A_298, %dma_wait3A_299] : memref<2x2x128xi32, #tpu.memory_space<vmem>> -> memref<1x1x128xi32, #tpu.memory_space<vmem>>
        %dma_wait3A_301 = tpu.memref_squeeze %dma_wait3A_300 : memref<1x1x128xi32, #tpu.memory_space<vmem>> -> memref<128xi32, #tpu.memory_space<vmem>>
        %dma_wait3A_302 = arith.constant 0 : i32
        %dma_wait3A_303 = arith.constant 0 : i32
        %dma_wait3A_304 = tpu.memref_slice %arg10[%dma_wait3A_302, %dma_wait3A_303] : memref<10240x128xf32, #tpu.memory_space<vmem_shared>> -> memref<10240x128xf32, #tpu.memory_space<vmem_shared>>
        tpu.wait_indirect_dma semaphore(%arg15 : memref<!tpu.dma_semaphore, #tpu.memory_space<semaphore_mem>>) src(%arg8 : memref<128x128xf32, #tpu.memory_space<vmem>>) dst(%dma_wait3A_304 : memref<10240x128xf32, #tpu.memory_space<vmem_shared>>)
        %dma_start3A_305 = arith.constant 0 : i32
        %dma_start3A_306 = arith.constant 0 : i32
        %dma_start3A_307 = arith.constant 0 : i32
        %dma_start3A_308 = tpu.memref_slice %arg6[%dma_start3A_305, %dma_start3A_306, %dma_start3A_307] : memref<2x2x128xi32, #tpu.memory_space<vmem>> -> memref<1x1x128xi32, #tpu.memory_space<vmem>>
        %dma_start3A_309 = tpu.memref_squeeze %dma_start3A_308 : memref<1x1x128xi32, #tpu.memory_space<vmem>> -> memref<128xi32, #tpu.memory_space<vmem>>
        %dma_start3A_310 = arith.constant 0 : i32
        %dma_start3A_311 = arith.constant 0 : i32
        %dma_start3A_312 = tpu.memref_slice %arg2[%dma_start3A_310, %dma_start3A_311] : memref<10240x128xf32, #tpu.memory_space<hbm>> -> memref<10240x128xf32, #tpu.memory_space<hbm>>
        tpu.enqueue_indirect_dma source(%dma_start3A_312 : memref<10240x128xf32, #tpu.memory_space<hbm>>) target(%arg8 : memref<128x128xf32, #tpu.memory_space<vmem>>) offsets(%dma_start3A_309 : memref<128xi32, #tpu.memory_space<vmem>>) semaphore(%arg13 : memref<!tpu.dma_semaphore, #tpu.memory_space<semaphore_mem>>)
        %dma_wait3A_313 = arith.constant 1 : i32
        %dma_wait3A_314 = arith.constant 1 : i32
        %dma_wait3A_315 = arith.constant 0 : i32
        %dma_wait3A_316 = tpu.memref_slice %arg7[%dma_wait3A_313, %dma_wait3A_314, %dma_wait3A_315] : memref<2x2x128xi32, #tpu.memory_space<vmem>> -> memref<1x1x128xi32, #tpu.memory_space<vmem>>
        %dma_wait3A_317 = tpu.memref_squeeze %dma_wait3A_316 : memref<1x1x128xi32, #tpu.memory_space<vmem>> -> memref<128xi32, #tpu.memory_space<vmem>>
        %dma_wait3A_318 = arith.constant 0 : i32
        %dma_wait3A_319 = arith.constant 0 : i32
        %dma_wait3A_320 = tpu.memref_slice %arg10[%dma_wait3A_318, %dma_wait3A_319] : memref<10240x128xf32, #tpu.memory_space<vmem_shared>> -> memref<10240x128xf32, #tpu.memory_space<vmem_shared>>
        tpu.wait_indirect_dma semaphore(%arg16 : memref<!tpu.dma_semaphore, #tpu.memory_space<semaphore_mem>>) src(%arg9 : memref<128x128xf32, #tpu.memory_space<vmem>>) dst(%dma_wait3A_320 : memref<10240x128xf32, #tpu.memory_space<vmem_shared>>)
        %dma_start3A_321 = arith.constant 0 : i32
        %dma_start3A_322 = arith.constant 1 : i32
        %dma_start3A_323 = arith.constant 0 : i32
        %dma_start3A_324 = tpu.memref_slice %arg6[%dma_start3A_321, %dma_start3A_322, %dma_start3A_323] : memref<2x2x128xi32, #tpu.memory_space<vmem>> -> memref<1x1x128xi32, #tpu.memory_space<vmem>>
        %dma_start3A_325 = tpu.memref_squeeze %dma_start3A_324 : memref<1x1x128xi32, #tpu.memory_space<vmem>> -> memref<128xi32, #tpu.memory_space<vmem>>
        %dma_start3A_326 = arith.constant 0 : i32
        %dma_start3A_327 = arith.constant 0 : i32
        %dma_start3A_328 = tpu.memref_slice %arg2[%dma_start3A_326, %dma_start3A_327] : memref<10240x128xf32, #tpu.memory_space<hbm>> -> memref<10240x128xf32, #tpu.memory_space<hbm>>
        tpu.enqueue_indirect_dma source(%dma_start3A_328 : memref<10240x128xf32, #tpu.memory_space<hbm>>) target(%arg9 : memref<128x128xf32, #tpu.memory_space<vmem>>) offsets(%dma_start3A_325 : memref<128xi32, #tpu.memory_space<vmem>>) semaphore(%arg14 : memref<!tpu.dma_semaphore, #tpu.memory_space<semaphore_mem>>)
      } else {
      }
      %add3A_261 = arith.constant 2 : i32
      %add3A_262 = arith.addi %add3A_222, %add3A_261 : i32
      %lt3A_263 = arith.cmpi slt, %add3A_262, %select_n3A_10 : i32
      %convert_element_type3A_264 = arith.extui %lt3A_263 : i1 to i32
      %cond3A_265 = arith.constant 0 : i32
      %cond3A_266 = arith.cmpi ne, %convert_element_type3A_264, %cond3A_265 : i32
      scf.if %cond3A_266 {
        %add3A_267 = arith.constant 2 : i32
        %add3A_268 = arith.addi %add3A_222, %add3A_267 : i32
        %mul3A_269 = arith.constant 2 : i32
        %mul3A_270 = arith.muli %add3A_268, %mul3A_269 : i32
        %add3A_271 = arith.addi %select_n3A, %mul3A_270 : i32
        %dma_start3A_272 = arith.constant 1 : i32
        %dma_start3A_273 = arith.constant 0 : i32
        %dma_start3A_274 = arith.constant 0 : i32
        %dma_start3A_275 = tpu.memref_slice %arg6[%dma_start3A_272, %dma_start3A_273, %dma_start3A_274] : memref<2x2x128xi32, #tpu.memory_space<vmem>> -> memref<1x2x128xi32, #tpu.memory_space<vmem>>
        %dma_start3A_276 = tpu.memref_squeeze %dma_start3A_275 : memref<1x2x128xi32, #tpu.memory_space<vmem>> -> memref<2x128xi32, #tpu.memory_space<vmem>>
        %dma_start3A_277 = arith.constant 0 : i32
        %dma_start3A_278 = tpu.memref_slice %arg3[%add3A_271, %dma_start3A_277] : memref<2560x128xi32, #tpu.memory_space<hbm>> -> memref<2x128xi32, #tpu.memory_space<hbm>>
        %dma_start3A_279 = arith.constant 0 : i32
        %dma_start3A_280 = arith.constant 0 : i32
        %dma_start3A_281 = tpu.memref_slice %arg6[%dma_start3A_272, %dma_start3A_279, %dma_start3A_280] : memref<2x2x128xi32, #tpu.memory_space<vmem>> -> memref<1x2x128xi32, #tpu.memory_space<vmem>>
        %dma_start3A_282 = tpu.memref_squeeze %dma_start3A_281 : memref<1x2x128xi32, #tpu.memory_space<vmem>> -> memref<2x128xi32, #tpu.memory_space<vmem>>
        %dma_start3A_283 = arith.constant 0 : i32
        %dma_start3A_284 = tpu.memref_slice %arg3[%add3A_271, %dma_start3A_283] : memref<2560x128xi32, #tpu.memory_space<hbm>> -> memref<2x128xi32, #tpu.memory_space<hbm>>
        tpu.enqueue_dma source(%dma_start3A_284 : memref<2x128xi32, #tpu.memory_space<hbm>>) target(%dma_start3A_282 : memref<2x128xi32, #tpu.memory_space<vmem>>) target_semaphore(%arg12 : memref<!tpu.dma_semaphore, #tpu.memory_space<semaphore_mem>>)
        %dma_start3A_285 = arith.constant 1 : i32
        %dma_start3A_286 = arith.constant 0 : i32
        %dma_start3A_287 = arith.constant 0 : i32
        %dma_start3A_288 = tpu.memref_slice %arg7[%dma_start3A_285, %dma_start3A_286, %dma_start3A_287] : memref<2x2x128xi32, #tpu.memory_space<vmem>> -> memref<1x2x128xi32, #tpu.memory_space<vmem>>
        %dma_start3A_289 = tpu.memref_squeeze %dma_start3A_288 : memref<1x2x128xi32, #tpu.memory_space<vmem>> -> memref<2x128xi32, #tpu.memory_space<vmem>>
        %dma_start3A_290 = arith.constant 0 : i32
        %dma_start3A_291 = tpu.memref_slice %arg4[%add3A_271, %dma_start3A_290] : memref<2560x128xi32, #tpu.memory_space<hbm>> -> memref<2x128xi32, #tpu.memory_space<hbm>>
        %dma_start3A_292 = arith.constant 0 : i32
        %dma_start3A_293 = arith.constant 0 : i32
        %dma_start3A_294 = tpu.memref_slice %arg7[%dma_start3A_285, %dma_start3A_292, %dma_start3A_293] : memref<2x2x128xi32, #tpu.memory_space<vmem>> -> memref<1x2x128xi32, #tpu.memory_space<vmem>>
        %dma_start3A_295 = tpu.memref_squeeze %dma_start3A_294 : memref<1x2x128xi32, #tpu.memory_space<vmem>> -> memref<2x128xi32, #tpu.memory_space<vmem>>
        %dma_start3A_296 = arith.constant 0 : i32
        %dma_start3A_297 = tpu.memref_slice %arg4[%add3A_271, %dma_start3A_296] : memref<2560x128xi32, #tpu.memory_space<hbm>> -> memref<2x128xi32, #tpu.memory_space<hbm>>
        tpu.enqueue_dma source(%dma_start3A_297 : memref<2x128xi32, #tpu.memory_space<hbm>>) target(%dma_start3A_295 : memref<2x128xi32, #tpu.memory_space<vmem>>) target_semaphore(%arg12 : memref<!tpu.dma_semaphore, #tpu.memory_space<semaphore_mem>>)
      } else {
      }
    }
    %dma_wait3A_146 = arith.constant 0 : i32
    %dma_wait3A_147 = arith.constant 0 : i32
    %dma_wait3A_148 = arith.constant 0 : i32
    %dma_wait3A_149 = tpu.memref_slice %arg7[%dma_wait3A_146, %dma_wait3A_147, %dma_wait3A_148] : memref<2x2x128xi32, #tpu.memory_space<vmem>> -> memref<1x1x128xi32, #tpu.memory_space<vmem>>
    %dma_wait3A_150 = tpu.memref_squeeze %dma_wait3A_149 : memref<1x1x128xi32, #tpu.memory_space<vmem>> -> memref<128xi32, #tpu.memory_space<vmem>>
    %dma_wait3A_151 = arith.constant 0 : i32
    %dma_wait3A_152 = arith.constant 0 : i32
    %dma_wait3A_153 = tpu.memref_slice %arg10[%dma_wait3A_151, %dma_wait3A_152] : memref<10240x128xf32, #tpu.memory_space<vmem_shared>> -> memref<10240x128xf32, #tpu.memory_space<vmem_shared>>
    tpu.wait_indirect_dma semaphore(%arg15 : memref<!tpu.dma_semaphore, #tpu.memory_space<semaphore_mem>>) src(%arg8 : memref<128x128xf32, #tpu.memory_space<vmem>>) dst(%dma_wait3A_153 : memref<10240x128xf32, #tpu.memory_space<vmem_shared>>)
    %dma_wait3A_154 = arith.constant 0 : i32
    %dma_wait3A_155 = arith.constant 1 : i32
    %dma_wait3A_156 = arith.constant 0 : i32
    %dma_wait3A_157 = tpu.memref_slice %arg7[%dma_wait3A_154, %dma_wait3A_155, %dma_wait3A_156] : memref<2x2x128xi32, #tpu.memory_space<vmem>> -> memref<1x1x128xi32, #tpu.memory_space<vmem>>
    %dma_wait3A_158 = tpu.memref_squeeze %dma_wait3A_157 : memref<1x1x128xi32, #tpu.memory_space<vmem>> -> memref<128xi32, #tpu.memory_space<vmem>>
    %dma_wait3A_159 = arith.constant 0 : i32
    %dma_wait3A_160 = arith.constant 0 : i32
    %dma_wait3A_161 = tpu.memref_slice %arg10[%dma_wait3A_159, %dma_wait3A_160] : memref<10240x128xf32, #tpu.memory_space<vmem_shared>> -> memref<10240x128xf32, #tpu.memory_space<vmem_shared>>
    tpu.wait_indirect_dma semaphore(%arg16 : memref<!tpu.dma_semaphore, #tpu.memory_space<semaphore_mem>>) src(%arg9 : memref<128x128xf32, #tpu.memory_space<vmem>>) dst(%dma_wait3A_161 : memref<10240x128xf32, #tpu.memory_space<vmem_shared>>)
    %barrier3A_162 = arith.constant 0 : index
    tpu.barrier barrier_id(%barrier3A_162)
    %eq3A_163 = arith.constant 0 : i32
    %eq3A_164 = arith.cmpi eq, %arg0, %eq3A_163 : i32
    %convert_element_type3A_165 = arith.extui %eq3A_164 : i1 to i32
    %cond3A_166 = arith.constant 0 : i32
    %cond3A_167 = arith.cmpi ne, %convert_element_type3A_165, %cond3A_166 : i32
    scf.if %cond3A_167 {
      "tpu.region"() ({
        %run_scoped3A = tpu.sem_alloc : memref<!tpu.dma_semaphore, #tpu.memory_space<semaphore_mem>>
        %dma_start3A_173 = arith.constant 0 : i32
        %dma_start3A_174 = tpu.memref_slice %arg5[%arg0, %mul3A_0, %dma_start3A_173] : memref<2x10240x128xf32, #tpu.memory_space<hbm>> -> memref<1x640x128xf32, #tpu.memory_space<hbm>>
        %dma_start3A_175 = tpu.memref_squeeze %dma_start3A_174 : memref<1x640x128xf32, #tpu.memory_space<hbm>> -> memref<640x128xf32, #tpu.memory_space<hbm>>
        %dma_start3A_176 = arith.constant 0 : i32
        %dma_start3A_177 = tpu.memref_slice %arg10[%mul3A_0, %dma_start3A_176] : memref<10240x128xf32, #tpu.memory_space<vmem_shared>> -> memref<640x128xf32, #tpu.memory_space<vmem_shared>>
        tpu.enqueue_dma source(%dma_start3A_177 : memref<640x128xf32, #tpu.memory_space<vmem_shared>>) target(%dma_start3A_175 : memref<640x128xf32, #tpu.memory_space<hbm>>) target_semaphore(%run_scoped3A : memref<!tpu.dma_semaphore, #tpu.memory_space<semaphore_mem>>)
        %dma_wait3A_178 = arith.constant 0 : i32
        %dma_wait3A_179 = tpu.memref_slice %arg5[%arg0, %mul3A_0, %dma_wait3A_178] : memref<2x10240x128xf32, #tpu.memory_space<hbm>> -> memref<1x640x128xf32, #tpu.memory_space<hbm>>
        %dma_wait3A_180 = tpu.memref_squeeze %dma_wait3A_179 : memref<1x640x128xf32, #tpu.memory_space<hbm>> -> memref<640x128xf32, #tpu.memory_space<hbm>>
        %dma_wait3A_181 = arith.constant 0 : i32
        %dma_wait3A_182 = tpu.memref_slice %arg10[%mul3A_0, %dma_wait3A_181] : memref<10240x128xf32, #tpu.memory_space<vmem_shared>> -> memref<640x128xf32, #tpu.memory_space<vmem_shared>>
        tpu.wait_dma2 semaphore(%run_scoped3A : memref<!tpu.dma_semaphore, #tpu.memory_space<semaphore_mem>>) src(%dma_wait3A_182 : memref<640x128xf32, #tpu.memory_space<vmem_shared>>) dst(%dma_wait3A_180 : memref<640x128xf32, #tpu.memory_space<hbm>>)
        tpu.yield
      }) : () -> ()
    } else {
    }
    %eq3A_168 = arith.constant 1 : i32
    %eq3A_169 = arith.cmpi eq, %arg0, %eq3A_168 : i32
    %convert_element_type3A_170 = arith.extui %eq3A_169 : i1 to i32
    %cond3A_171 = arith.constant 0 : i32
    %cond3A_172 = arith.cmpi ne, %convert_element_type3A_170, %cond3A_171 : i32
    scf.if %cond3A_172 {
      "tpu.region"() ({
        %run_scoped3A = tpu.sem_alloc : memref<!tpu.dma_semaphore, #tpu.memory_space<semaphore_mem>>
        %dma_start3A_173 = arith.constant 0 : i32
        %dma_start3A_174 = tpu.memref_slice %arg5[%arg0, %mul3A_0, %dma_start3A_173] : memref<2x10240x128xf32, #tpu.memory_space<hbm>> -> memref<1x80x128xf32, #tpu.memory_space<hbm>>
        %dma_start3A_175 = tpu.memref_squeeze %dma_start3A_174 : memref<1x80x128xf32, #tpu.memory_space<hbm>> -> memref<80x128xf32, #tpu.memory_space<hbm>>
        %dma_start3A_176 = arith.constant 0 : i32
        %dma_start3A_177 = tpu.memref_slice %arg10[%mul3A_0, %dma_start3A_176] : memref<10240x128xf32, #tpu.memory_space<vmem_shared>> -> memref<80x128xf32, #tpu.memory_space<vmem_shared>>
        tpu.enqueue_dma source(%dma_start3A_177 : memref<80x128xf32, #tpu.memory_space<vmem_shared>>) target(%dma_start3A_175 : memref<80x128xf32, #tpu.memory_space<hbm>>) target_semaphore(%run_scoped3A : memref<!tpu.dma_semaphore, #tpu.memory_space<semaphore_mem>>)
        %dma_wait3A_178 = arith.constant 0 : i32
        %dma_wait3A_179 = tpu.memref_slice %arg5[%arg0, %mul3A_0, %dma_wait3A_178] : memref<2x10240x128xf32, #tpu.memory_space<hbm>> -> memref<1x80x128xf32, #tpu.memory_space<hbm>>
        %dma_wait3A_180 = tpu.memref_squeeze %dma_wait3A_179 : memref<1x80x128xf32, #tpu.memory_space<hbm>> -> memref<80x128xf32, #tpu.memory_space<hbm>>
        %dma_wait3A_181 = arith.constant 0 : i32
        %dma_wait3A_182 = tpu.memref_slice %arg10[%mul3A_0, %dma_wait3A_181] : memref<10240x128xf32, #tpu.memory_space<vmem_shared>> -> memref<80x128xf32, #tpu.memory_space<vmem_shared>>
        tpu.wait_dma2 semaphore(%run_scoped3A : memref<!tpu.dma_semaphore, #tpu.memory_space<semaphore_mem>>) src(%dma_wait3A_182 : memref<80x128xf32, #tpu.memory_space<vmem_shared>>) dst(%dma_wait3A_180 : memref<80x128xf32, #tpu.memory_space<hbm>>)
        tpu.yield
      }) : () -> ()
    } else {
    }
    return
  }
}

#map = affine_map<(d0, d1) -> (0)>
#map1 = affine_map<(d0, d1) -> (0, 0)>
module attributes {stable_mosaic.version = 14 : i64} {
  func.func @_deg_kernel(%arg0: i32, %arg1: i32, %arg2: memref<327680xi32, #tpu.memory_space<hbm>>, %arg3: memref<2x10240xf32, #tpu.memory_space<hbm>>, %arg4: memref<128xi32, #tpu.memory_space<vmem>>, %arg5: memref<10240xf32, #tpu.memory_space<vmem>>, %arg6: memref<640xf32, #tpu.memory_space<vmem>>, %arg7: memref<640xf32, #tpu.memory_space<vmem>>, %arg8: memref<16x10240xf32, #tpu.memory_space<vmem_shared>>) attributes {dimension_semantics = [#tpu.dimension_semantics<core_parallel>, #tpu.dimension_semantics<subcore_parallel>], iteration_bounds = array<i64: 2, 16>, scalar_prefetch = 0 : i64, scratch_operands = 5 : i64, tpu.core_type = #tpu.core_type<sc_vector_subcore>, window_params = [{transform_indices = #map}, {transform_indices = #map1}]} {
    %mul3A = arith.constant 2 : i32
    %mul3A_0 = arith.muli %arg1, %mul3A : i32
    %add3A = arith.addi %mul3A_0, %arg0 : i32
    %broadcast_in_dim3A = arith.constant 0.000000e+00 : f32
    %broadcast_in_dim3A_1 = vector.broadcast %broadcast_in_dim3A : f32 to vector<16xf32>
    %broadcast_in_dim3A_2 = arith.constant 1.000000e+00 : f32
    %broadcast_in_dim3A_3 = vector.broadcast %broadcast_in_dim3A_2 : f32 to vector<16xf32>
    %scan3A = arith.constant 0 : i32
    %scan3A_4 = arith.constant 0 : i32
    %scan3A_5 = arith.constant 640 : i32
    %scan3A_6 = arith.addi %scan3A_4, %scan3A_5 : i32
    %scan3A_7 = arith.constant 1 : i32
    scf.for %scan3A_29 = %scan3A_4 to %scan3A_6 step %scan3A_7  : i32 {
      %mul3A_30 = arith.constant 16 : i32
      %mul3A_31 = arith.muli %scan3A_29, %mul3A_30 : i32
      %swap3A = arith.index_cast %mul3A_31 : i32 to index
      %swap3A_32 = tpu.vector_load %arg5[%swap3A] {strides = array<i32>} : memref<10240xf32, #tpu.memory_space<vmem>>, vector<16xf32>,
      tpu.vector_store %arg5[%swap3A], %broadcast_in_dim3A_1 {strides = array<i32>} : memref<10240xf32, #tpu.memory_space<vmem>>, vector<16xf32>,
    }
    %scan3A_8 = arith.constant 640 : i32
    %scan3A_9 = arith.constant 0 : i32
    %scan3A_10 = arith.constant 0 : i32
    %scan3A_11 = arith.constant 80 : i32
    %scan3A_12 = arith.addi %scan3A_10, %scan3A_11 : i32
    %scan3A_13 = arith.constant 1 : i32
    scf.for %scan3A_29 = %scan3A_10 to %scan3A_12 step %scan3A_13  : i32 {
      %mul3A_30 = arith.constant 10240 : i32
      %mul3A_31 = arith.muli %add3A, %mul3A_30 : i32
      %mul3A_32 = arith.constant 128 : i32
      %mul3A_33 = arith.muli %scan3A_29, %mul3A_32 : i32
      %add3A_34 = arith.addi %mul3A_31, %mul3A_33 : i32
      "tpu.region"() ({
        %run_scoped3A = tpu.sem_alloc : memref<!tpu.dma_semaphore, #tpu.memory_space<semaphore_mem>>
        %dma_start3A = tpu.memref_slice %arg2[%add3A_34] : memref<327680xi32, #tpu.memory_space<hbm>> -> memref<128xi32, #tpu.memory_space<hbm>>
        %dma_start3A_41 = tpu.memref_slice %arg2[%add3A_34] : memref<327680xi32, #tpu.memory_space<hbm>> -> memref<128xi32, #tpu.memory_space<hbm>>
        tpu.enqueue_dma source(%dma_start3A_41 : memref<128xi32, #tpu.memory_space<hbm>>) target(%arg4 : memref<128xi32, #tpu.memory_space<vmem>>) target_semaphore(%run_scoped3A : memref<!tpu.dma_semaphore, #tpu.memory_space<semaphore_mem>>)
        %dma_wait3A = tpu.memref_slice %arg2[%add3A_34] : memref<327680xi32, #tpu.memory_space<hbm>> -> memref<128xi32, #tpu.memory_space<hbm>>
        %dma_wait3A_42 = tpu.memref_slice %arg2[%add3A_34] : memref<327680xi32, #tpu.memory_space<hbm>> -> memref<128xi32, #tpu.memory_space<hbm>>
        tpu.wait_dma2 semaphore(%run_scoped3A : memref<!tpu.dma_semaphore, #tpu.memory_space<semaphore_mem>>) src(%dma_wait3A_42 : memref<128xi32, #tpu.memory_space<hbm>>) dst(%arg4 : memref<128xi32, #tpu.memory_space<vmem>>)
        tpu.yield
      }) : () -> ()
      %scan3A_35 = arith.constant 0 : i32
      %scan3A_36 = arith.constant 0 : i32
      %scan3A_37 = arith.constant 8 : i32
      %scan3A_38 = arith.addi %scan3A_36, %scan3A_37 : i32
      %scan3A_39 = arith.constant 1 : i32
      scf.for %scan3A_41 = %scan3A_36 to %scan3A_38 step %scan3A_39  : i32 {
        %mul3A_42 = arith.constant 16 : i32
        %mul3A_43 = arith.muli %scan3A_41, %mul3A_42 : i32
        %get3A = arith.index_cast %mul3A_43 : i32 to index
        %get3A_44 = tpu.vector_load %arg4[%get3A] {strides = array<i32>} : memref<128xi32, #tpu.memory_space<vmem>>, vector<16xi32>,
        tpu.vector_store_idx %arg5[%get3A_44], %broadcast_in_dim3A_3 {add = true} : memref<10240xf32, #tpu.memory_space<vmem>>[vector<16xi32>], vector<16xf32>,
      }
      %scan3A_40 = arith.constant 8 : i32
    }
    %scan3A_14 = arith.constant 80 : i32
    "tpu.region"() ({
      %run_scoped3A = tpu.sem_alloc : memref<!tpu.dma_semaphore, #tpu.memory_space<semaphore_mem>>
      %dma_start3A = arith.constant 0 : i32
      %dma_start3A_29 = tpu.memref_slice %arg8[%arg1, %dma_start3A] : memref<16x10240xf32, #tpu.memory_space<vmem_shared>> -> memref<1x10240xf32, #tpu.memory_space<vmem_shared>>
      %dma_start3A_30 = tpu.memref_squeeze %dma_start3A_29 : memref<1x10240xf32, #tpu.memory_space<vmem_shared>> -> memref<10240xf32, #tpu.memory_space<vmem_shared>>
      %dma_start3A_31 = arith.constant 0 : i32
      %dma_start3A_32 = tpu.memref_slice %arg8[%arg1, %dma_start3A_31] : memref<16x10240xf32, #tpu.memory_space<vmem_shared>> -> memref<1x10240xf32, #tpu.memory_space<vmem_shared>>
      %dma_start3A_33 = tpu.memref_squeeze %dma_start3A_32 : memref<1x10240xf32, #tpu.memory_space<vmem_shared>> -> memref<10240xf32, #tpu.memory_space<vmem_shared>>
      tpu.enqueue_dma source(%arg5 : memref<10240xf32, #tpu.memory_space<vmem>>) target(%dma_start3A_33 : memref<10240xf32, #tpu.memory_space<vmem_shared>>) target_semaphore(%run_scoped3A : memref<!tpu.dma_semaphore, #tpu.memory_space<semaphore_mem>>)
      %dma_wait3A = arith.constant 0 : i32
      %dma_wait3A_34 = tpu.memref_slice %arg8[%arg1, %dma_wait3A] : memref<16x10240xf32, #tpu.memory_space<vmem_shared>> -> memref<1x10240xf32, #tpu.memory_space<vmem_shared>>
      %dma_wait3A_35 = tpu.memref_squeeze %dma_wait3A_34 : memref<1x10240xf32, #tpu.memory_space<vmem_shared>> -> memref<10240xf32, #tpu.memory_space<vmem_shared>>
      %dma_wait3A_36 = arith.constant 0 : i32
      %dma_wait3A_37 = tpu.memref_slice %arg8[%arg1, %dma_wait3A_36] : memref<16x10240xf32, #tpu.memory_space<vmem_shared>> -> memref<1x10240xf32, #tpu.memory_space<vmem_shared>>
      %dma_wait3A_38 = tpu.memref_squeeze %dma_wait3A_37 : memref<1x10240xf32, #tpu.memory_space<vmem_shared>> -> memref<10240xf32, #tpu.memory_space<vmem_shared>>
      tpu.wait_dma2 semaphore(%run_scoped3A : memref<!tpu.dma_semaphore, #tpu.memory_space<semaphore_mem>>) src(%arg5 : memref<10240xf32, #tpu.memory_space<vmem>>) dst(%dma_wait3A_38 : memref<10240xf32, #tpu.memory_space<vmem_shared>>)
      tpu.yield
    }) : () -> ()
    %barrier3A = arith.constant 0 : index
    tpu.barrier barrier_id(%barrier3A)
    %mul3A_15 = arith.constant 640 : i32
    %mul3A_16 = arith.muli %arg1, %mul3A_15 : i32
    %scan3A_17 = arith.constant 0 : i32
    %scan3A_18 = arith.constant 0 : i32
    %scan3A_19 = arith.constant 40 : i32
    %scan3A_20 = arith.addi %scan3A_18, %scan3A_19 : i32
    %scan3A_21 = arith.constant 1 : i32
    scf.for %scan3A_29 = %scan3A_18 to %scan3A_20 step %scan3A_21  : i32 {
      %mul3A_30 = arith.constant 16 : i32
      %mul3A_31 = arith.muli %scan3A_29, %mul3A_30 : i32
      %swap3A = arith.index_cast %mul3A_31 : i32 to index
      %swap3A_32 = tpu.vector_load %arg6[%swap3A] {strides = array<i32>} : memref<640xf32, #tpu.memory_space<vmem>>, vector<16xf32>,
      tpu.vector_store %arg6[%swap3A], %broadcast_in_dim3A_1 {strides = array<i32>} : memref<640xf32, #tpu.memory_space<vmem>>, vector<16xf32>,
    }
    %scan3A_22 = arith.constant 40 : i32
    %scan3A_23 = arith.constant 0 : i32
    %scan3A_24 = arith.constant 0 : i32
    %scan3A_25 = arith.constant 16 : i32
    %scan3A_26 = arith.addi %scan3A_24, %scan3A_25 : i32
    %scan3A_27 = arith.constant 1 : i32
    scf.for %scan3A_29 = %scan3A_24 to %scan3A_26 step %scan3A_27  : i32 {
      "tpu.region"() ({
        %run_scoped3A = tpu.sem_alloc : memref<!tpu.dma_semaphore, #tpu.memory_space<semaphore_mem>>
        %dma_start3A = tpu.memref_slice %arg8[%scan3A_29, %mul3A_16] : memref<16x10240xf32, #tpu.memory_space<vmem_shared>> -> memref<1x640xf32, #tpu.memory_space<vmem_shared>>
        %dma_start3A_36 = tpu.memref_squeeze %dma_start3A : memref<1x640xf32, #tpu.memory_space<vmem_shared>> -> memref<640xf32, #tpu.memory_space<vmem_shared>>
        %dma_start3A_37 = tpu.memref_slice %arg8[%scan3A_29, %mul3A_16] : memref<16x10240xf32, #tpu.memory_space<vmem_shared>> -> memref<1x640xf32, #tpu.memory_space<vmem_shared>>
        %dma_start3A_38 = tpu.memref_squeeze %dma_start3A_37 : memref<1x640xf32, #tpu.memory_space<vmem_shared>> -> memref<640xf32, #tpu.memory_space<vmem_shared>>
        tpu.enqueue_dma source(%dma_start3A_38 : memref<640xf32, #tpu.memory_space<vmem_shared>>) target(%arg7 : memref<640xf32, #tpu.memory_space<vmem>>) target_semaphore(%run_scoped3A : memref<!tpu.dma_semaphore, #tpu.memory_space<semaphore_mem>>)
        %dma_wait3A = tpu.memref_slice %arg8[%scan3A_29, %mul3A_16] : memref<16x10240xf32, #tpu.memory_space<vmem_shared>> -> memref<1x640xf32, #tpu.memory_space<vmem_shared>>
        %dma_wait3A_39 = tpu.memref_squeeze %dma_wait3A : memref<1x640xf32, #tpu.memory_space<vmem_shared>> -> memref<640xf32, #tpu.memory_space<vmem_shared>>
        %dma_wait3A_40 = tpu.memref_slice %arg8[%scan3A_29, %mul3A_16] : memref<16x10240xf32, #tpu.memory_space<vmem_shared>> -> memref<1x640xf32, #tpu.memory_space<vmem_shared>>
        %dma_wait3A_41 = tpu.memref_squeeze %dma_wait3A_40 : memref<1x640xf32, #tpu.memory_space<vmem_shared>> -> memref<640xf32, #tpu.memory_space<vmem_shared>>
        tpu.wait_dma2 semaphore(%run_scoped3A : memref<!tpu.dma_semaphore, #tpu.memory_space<semaphore_mem>>) src(%dma_wait3A_41 : memref<640xf32, #tpu.memory_space<vmem_shared>>) dst(%arg7 : memref<640xf32, #tpu.memory_space<vmem>>)
        tpu.yield
      }) : () -> ()
      %scan3A_30 = arith.constant 0 : i32
      %scan3A_31 = arith.constant 0 : i32
      %scan3A_32 = arith.constant 40 : i32
      %scan3A_33 = arith.addi %scan3A_31, %scan3A_32 : i32
      %scan3A_34 = arith.constant 1 : i32
      scf.for %scan3A_36 = %scan3A_31 to %scan3A_33 step %scan3A_34  : i32 {
        %mul3A_37 = arith.constant 16 : i32
        %mul3A_38 = arith.muli %scan3A_36, %mul3A_37 : i32
        %get3A = arith.index_cast %mul3A_38 : i32 to index
        %get3A_39 = tpu.vector_load %arg6[%get3A] {strides = array<i32>} : memref<640xf32, #tpu.memory_space<vmem>>, vector<16xf32>,
        %mul3A_40 = arith.constant 16 : i32
        %mul3A_41 = arith.muli %scan3A_36, %mul3A_40 : i32
        %get3A_42 = arith.index_cast %mul3A_41 : i32 to index
        %get3A_43 = tpu.vector_load %arg7[%get3A_42] {strides = array<i32>} : memref<640xf32, #tpu.memory_space<vmem>>, vector<16xf32>,
        %add3A_44 = arith.addf %get3A_39, %get3A_43 : vector<16xf32>
        %mul3A_45 = arith.constant 16 : i32
        %mul3A_46 = arith.muli %scan3A_36, %mul3A_45 : i32
        %swap3A = arith.index_cast %mul3A_46 : i32 to index
        %swap3A_47 = tpu.vector_load %arg6[%swap3A] {strides = array<i32>} : memref<640xf32, #tpu.memory_space<vmem>>, vector<16xf32>,
        tpu.vector_store %arg6[%swap3A], %add3A_44 {strides = array<i32>} : memref<640xf32, #tpu.memory_space<vmem>>, vector<16xf32>,
      }
      %scan3A_35 = arith.constant 40 : i32
    }
    %scan3A_28 = arith.constant 16 : i32
    "tpu.region"() ({
      %run_scoped3A = tpu.sem_alloc : memref<!tpu.dma_semaphore, #tpu.memory_space<semaphore_mem>>
      %dma_start3A = tpu.memref_slice %arg3[%arg0, %mul3A_16] : memref<2x10240xf32, #tpu.memory_space<hbm>> -> memref<1x640xf32, #tpu.memory_space<hbm>>
      %dma_start3A_29 = tpu.memref_squeeze %dma_start3A : memref<1x640xf32, #tpu.memory_space<hbm>> -> memref<640xf32, #tpu.memory_space<hbm>>
      %dma_start3A_30 = tpu.memref_slice %arg3[%arg0, %mul3A_16] : memref<2x10240xf32, #tpu.memory_space<hbm>> -> memref<1x640xf32, #tpu.memory_space<hbm>>
      %dma_start3A_31 = tpu.memref_squeeze %dma_start3A_30 : memref<1x640xf32, #tpu.memory_space<hbm>> -> memref<640xf32, #tpu.memory_space<hbm>>
      tpu.enqueue_dma source(%arg6 : memref<640xf32, #tpu.memory_space<vmem>>) target(%dma_start3A_31 : memref<640xf32, #tpu.memory_space<hbm>>) target_semaphore(%run_scoped3A : memref<!tpu.dma_semaphore, #tpu.memory_space<semaphore_mem>>)
      %dma_wait3A = tpu.memref_slice %arg3[%arg0, %mul3A_16] : memref<2x10240xf32, #tpu.memory_space<hbm>> -> memref<1x640xf32, #tpu.memory_space<hbm>>
      %dma_wait3A_32 = tpu.memref_squeeze %dma_wait3A : memref<1x640xf32, #tpu.memory_space<hbm>> -> memref<640xf32, #tpu.memory_space<hbm>>
      %dma_wait3A_33 = tpu.memref_slice %arg3[%arg0, %mul3A_16] : memref<2x10240xf32, #tpu.memory_space<hbm>> -> memref<1x640xf32, #tpu.memory_space<hbm>>
      %dma_wait3A_34 = tpu.memref_squeeze %dma_wait3A_33 : memref<1x640xf32, #tpu.memory_space<hbm>> -> memref<640xf32, #tpu.memory_space<hbm>>
      tpu.wait_dma2 semaphore(%run_scoped3A : memref<!tpu.dma_semaphore, #tpu.memory_space<semaphore_mem>>) src(%arg6 : memref<640xf32, #tpu.memory_space<vmem>>) dst(%dma_wait3A_34 : memref<640xf32, #tpu.memory_space<hbm>>)
      tpu.yield
    }) : () -> ()
    return
  }
}

#map = affine_map<(d0, d1) -> (0, 0)>
#map1 = affine_map<(d0, d1) -> (0, 0, 0)>
module attributes {stable_mosaic.version = 14 : i64} {
  func.func @_agg_kernel(%arg0: i32, %arg1: i32, %arg2: memref<10240x128xf32, #tpu.memory_space<hbm>>, %arg3: memref<2560x128xi32, #tpu.memory_space<hbm>>, %arg4: memref<2560x128xi32, #tpu.memory_space<hbm>>, %arg5: memref<2x10240x128xf32, #tpu.memory_space<hbm>>, %arg6: memref<2x2x128xi32, #tpu.memory_space<vmem>>, %arg7: memref<2x2x128xi32, #tpu.memory_space<vmem>>, %arg8: memref<128x128xf32, #tpu.memory_space<vmem>>, %arg9: memref<128x128xf32, #tpu.memory_space<vmem>>, %arg10: memref<10240x128xf32, #tpu.memory_space<vmem_shared>>, %arg11: memref<!tpu.dma_semaphore, #tpu.memory_space<semaphore_mem>>, %arg12: memref<!tpu.dma_semaphore, #tpu.memory_space<semaphore_mem>>, %arg13: memref<!tpu.dma_semaphore, #tpu.memory_space<semaphore_mem>>, %arg14: memref<!tpu.dma_semaphore, #tpu.memory_space<semaphore_mem>>, %arg15: memref<!tpu.dma_semaphore, #tpu.memory_space<semaphore_mem>>, %arg16: memref<!tpu.dma_semaphore, #tpu.memory_space<semaphore_mem>>) attributes {dimension_semantics = [#tpu.dimension_semantics<core_parallel>, #tpu.dimension_semantics<subcore_parallel>], iteration_bounds = array<i64: 2, 16>, scalar_prefetch = 0 : i64, scratch_operands = 11 : i64, tpu.core_type = #tpu.core_type<sc_vector_subcore>, window_params = [{transform_indices = #map}, {transform_indices = #map}, {transform_indices = #map}, {transform_indices = #map1}]} {
    %mul3A = arith.constant 640 : i32
    %mul3A_0 = arith.muli %arg1, %mul3A : i32
    %eq3A = arith.constant 0 : i32
    %eq3A_1 = arith.cmpi eq, %arg0, %eq3A : i32
    %mul3A_2 = arith.constant 156 : i32
    %mul3A_3 = arith.muli %arg1, %mul3A_2 : i32
    %mul3A_4 = arith.constant 4 : i32
    %mul3A_5 = arith.muli %arg1, %mul3A_4 : i32
    %add3A = arith.constant 2496 : i32
    %add3A_6 = arith.addi %add3A, %mul3A_5 : i32
    %select_n3A = arith.select %eq3A_1, %mul3A_3, %add3A_6 : i32
    %eq3A_7 = arith.constant 0 : i32
    %eq3A_8 = arith.cmpi eq, %arg0, %eq3A_7 : i32
    %jit3A = arith.constant 78 : i32
    %jit3A_9 = arith.constant 2 : i32
    %select_n3A_10 = arith.select %eq3A_8, %jit3A, %jit3A_9 : i32
    %eq3A_11 = arith.constant 0 : i32
    %eq3A_12 = arith.cmpi eq, %arg0, %eq3A_11 : i32
    %convert_element_type3A = arith.extui %eq3A_12 : i1 to i32
    %cond3A = arith.constant 0 : i32
    %cond3A_13 = arith.cmpi ne, %convert_element_type3A, %cond3A : i32
    scf.if %cond3A_13 {
      "tpu.region"() ({
        %run_scoped3A = tpu.sem_alloc : memref<!tpu.dma_semaphore, #tpu.memory_space<semaphore_mem>>
        %dma_start3A_173 = arith.constant 0 : i32
        %dma_start3A_174 = tpu.memref_slice %arg10[%mul3A_0, %dma_start3A_173] : memref<10240x128xf32, #tpu.memory_space<vmem_shared>> -> memref<640x128xf32, #tpu.memory_space<vmem_shared>>
        %dma_start3A_175 = arith.constant 0 : i32
        %dma_start3A_176 = tpu.memref_slice %arg2[%mul3A_0, %dma_start3A_175] : memref<10240x128xf32, #tpu.memory_space<hbm>> -> memref<640x128xf32, #tpu.memory_space<hbm>>
        tpu.enqueue_dma source(%dma_start3A_176 : memref<640x128xf32, #tpu.memory_space<hbm>>) target(%dma_start3A_174 : memref<640x128xf32, #tpu.memory_space<vmem_shared>>) target_semaphore(%run_scoped3A : memref<!tpu.dma_semaphore, #tpu.memory_space<semaphore_mem>>)
        %dma_wait3A_177 = arith.constant 0 : i32
        %dma_wait3A_178 = tpu.memref_slice %arg10[%mul3A_0, %dma_wait3A_177] : memref<10240x128xf32, #tpu.memory_space<vmem_shared>> -> memref<640x128xf32, #tpu.memory_space<vmem_shared>>
        %dma_wait3A_179 = arith.constant 0 : i32
        %dma_wait3A_180 = tpu.memref_slice %arg2[%mul3A_0, %dma_wait3A_179] : memref<10240x128xf32, #tpu.memory_space<hbm>> -> memref<640x128xf32, #tpu.memory_space<hbm>>
        tpu.wait_dma2 semaphore(%run_scoped3A : memref<!tpu.dma_semaphore, #tpu.memory_space<semaphore_mem>>) src(%dma_wait3A_180 : memref<640x128xf32, #tpu.memory_space<hbm>>) dst(%dma_wait3A_178 : memref<640x128xf32, #tpu.memory_space<vmem_shared>>)
        tpu.yield
      }) : () -> ()
    } else {
    }
    %eq3A_14 = arith.constant 1 : i32
    %eq3A_15 = arith.cmpi eq, %arg0, %eq3A_14 : i32
    %convert_element_type3A_16 = arith.extui %eq3A_15 : i1 to i32
    %cond3A_17 = arith.constant 0 : i32
    %cond3A_18 = arith.cmpi ne, %convert_element_type3A_16, %cond3A_17 : i32
    scf.if %cond3A_18 {
      %broadcast_in_dim3A = arith.constant 0.000000e+00 : f32
      %broadcast_in_dim3A_173 = vector.broadcast %broadcast_in_dim3A : f32 to vector<16xf32>
      %scan3A = arith.constant 0 : i32
      %scan3A_174 = arith.constant 0 : i32
      %scan3A_175 = arith.constant 128 : i32
      %scan3A_176 = arith.addi %scan3A_174, %scan3A_175 : i32
      %scan3A_177 = arith.constant 1 : i32
      scf.for %scan3A_189 = %scan3A_174 to %scan3A_176 step %scan3A_177  : i32 {
        %swap3A = arith.index_cast %scan3A_189 : i32 to index
        %swap3A_190 = arith.constant 0 : index
        %swap3A_191 = tpu.vector_load %arg8[%swap3A, %swap3A_190] {strides = array<i32>} : memref<128x128xf32, #tpu.memory_space<vmem>>, vector<16xf32>,
        tpu.vector_store %arg8[%swap3A, %swap3A_190], %broadcast_in_dim3A_173 {strides = array<i32>} : memref<128x128xf32, #tpu.memory_space<vmem>>, vector<16xf32>,
        %swap3A_192 = arith.index_cast %scan3A_189 : i32 to index
        %swap3A_193 = arith.constant 16 : index
        %swap3A_194 = tpu.vector_load %arg8[%swap3A_192, %swap3A_193] {strides = array<i32>} : memref<128x128xf32, #tpu.memory_space<vmem>>, vector<16xf32>,
        tpu.vector_store %arg8[%swap3A_192, %swap3A_193], %broadcast_in_dim3A_173 {strides = array<i32>} : memref<128x128xf32, #tpu.memory_space<vmem>>, vector<16xf32>,
        %swap3A_195 = arith.index_cast %scan3A_189 : i32 to index
        %swap3A_196 = arith.constant 32 : index
        %swap3A_197 = tpu.vector_load %arg8[%swap3A_195, %swap3A_196] {strides = array<i32>} : memref<128x128xf32, #tpu.memory_space<vmem>>, vector<16xf32>,
        tpu.vector_store %arg8[%swap3A_195, %swap3A_196], %broadcast_in_dim3A_173 {strides = array<i32>} : memref<128x128xf32, #tpu.memory_space<vmem>>, vector<16xf32>,
        %swap3A_198 = arith.index_cast %scan3A_189 : i32 to index
        %swap3A_199 = arith.constant 48 : index
        %swap3A_200 = tpu.vector_load %arg8[%swap3A_198, %swap3A_199] {strides = array<i32>} : memref<128x128xf32, #tpu.memory_space<vmem>>, vector<16xf32>,
        tpu.vector_store %arg8[%swap3A_198, %swap3A_199], %broadcast_in_dim3A_173 {strides = array<i32>} : memref<128x128xf32, #tpu.memory_space<vmem>>, vector<16xf32>,
        %swap3A_201 = arith.index_cast %scan3A_189 : i32 to index
        %swap3A_202 = arith.constant 64 : index
        %swap3A_203 = tpu.vector_load %arg8[%swap3A_201, %swap3A_202] {strides = array<i32>} : memref<128x128xf32, #tpu.memory_space<vmem>>, vector<16xf32>,
        tpu.vector_store %arg8[%swap3A_201, %swap3A_202], %broadcast_in_dim3A_173 {strides = array<i32>} : memref<128x128xf32, #tpu.memory_space<vmem>>, vector<16xf32>,
        %swap3A_204 = arith.index_cast %scan3A_189 : i32 to index
        %swap3A_205 = arith.constant 80 : index
        %swap3A_206 = tpu.vector_load %arg8[%swap3A_204, %swap3A_205] {strides = array<i32>} : memref<128x128xf32, #tpu.memory_space<vmem>>, vector<16xf32>,
        tpu.vector_store %arg8[%swap3A_204, %swap3A_205], %broadcast_in_dim3A_173 {strides = array<i32>} : memref<128x128xf32, #tpu.memory_space<vmem>>, vector<16xf32>,
        %swap3A_207 = arith.index_cast %scan3A_189 : i32 to index
        %swap3A_208 = arith.constant 96 : index
        %swap3A_209 = tpu.vector_load %arg8[%swap3A_207, %swap3A_208] {strides = array<i32>} : memref<128x128xf32, #tpu.memory_space<vmem>>, vector<16xf32>,
        tpu.vector_store %arg8[%swap3A_207, %swap3A_208], %broadcast_in_dim3A_173 {strides = array<i32>} : memref<128x128xf32, #tpu.memory_space<vmem>>, vector<16xf32>,
        %swap3A_210 = arith.index_cast %scan3A_189 : i32 to index
        %swap3A_211 = arith.constant 112 : index
        %swap3A_212 = tpu.vector_load %arg8[%swap3A_210, %swap3A_211] {strides = array<i32>} : memref<128x128xf32, #tpu.memory_space<vmem>>, vector<16xf32>,
        tpu.vector_store %arg8[%swap3A_210, %swap3A_211], %broadcast_in_dim3A_173 {strides = array<i32>} : memref<128x128xf32, #tpu.memory_space<vmem>>, vector<16xf32>,
      }
      %scan3A_178 = arith.constant 128 : i32
      %add3A_179 = arith.constant 0 : i32
      %add3A_180 = arith.addi %mul3A_0, %add3A_179 : i32
      "tpu.region"() ({
        %run_scoped3A = tpu.sem_alloc : memref<!tpu.dma_semaphore, #tpu.memory_space<semaphore_mem>>
        %dma_start3A_189 = arith.constant 0 : i32
        %dma_start3A_190 = tpu.memref_slice %arg10[%add3A_180, %dma_start3A_189] : memref<10240x128xf32, #tpu.memory_space<vmem_shared>> -> memref<128x128xf32, #tpu.memory_space<vmem_shared>>
        %dma_start3A_191 = arith.constant 0 : i32
        %dma_start3A_192 = tpu.memref_slice %arg10[%add3A_180, %dma_start3A_191] : memref<10240x128xf32, #tpu.memory_space<vmem_shared>> -> memref<128x128xf32, #tpu.memory_space<vmem_shared>>
        tpu.enqueue_dma source(%arg8 : memref<128x128xf32, #tpu.memory_space<vmem>>) target(%dma_start3A_192 : memref<128x128xf32, #tpu.memory_space<vmem_shared>>) target_semaphore(%run_scoped3A : memref<!tpu.dma_semaphore, #tpu.memory_space<semaphore_mem>>)
        %dma_wait3A_193 = arith.constant 0 : i32
        %dma_wait3A_194 = tpu.memref_slice %arg10[%add3A_180, %dma_wait3A_193] : memref<10240x128xf32, #tpu.memory_space<vmem_shared>> -> memref<128x128xf32, #tpu.memory_space<vmem_shared>>
        %dma_wait3A_195 = arith.constant 0 : i32
        %dma_wait3A_196 = tpu.memref_slice %arg10[%add3A_180, %dma_wait3A_195] : memref<10240x128xf32, #tpu.memory_space<vmem_shared>> -> memref<128x128xf32, #tpu.memory_space<vmem_shared>>
        tpu.wait_dma2 semaphore(%run_scoped3A : memref<!tpu.dma_semaphore, #tpu.memory_space<semaphore_mem>>) src(%arg8 : memref<128x128xf32, #tpu.memory_space<vmem>>) dst(%dma_wait3A_196 : memref<128x128xf32, #tpu.memory_space<vmem_shared>>)
        tpu.yield
      }) : () -> ()
      %add3A_181 = arith.constant 128 : i32
      %add3A_182 = arith.addi %mul3A_0, %add3A_181 : i32
      "tpu.region"() ({
        %run_scoped3A = tpu.sem_alloc : memref<!tpu.dma_semaphore, #tpu.memory_space<semaphore_mem>>
        %dma_start3A_189 = arith.constant 0 : i32
        %dma_start3A_190 = tpu.memref_slice %arg10[%add3A_182, %dma_start3A_189] : memref<10240x128xf32, #tpu.memory_space<vmem_shared>> -> memref<128x128xf32, #tpu.memory_space<vmem_shared>>
        %dma_start3A_191 = arith.constant 0 : i32
        %dma_start3A_192 = tpu.memref_slice %arg10[%add3A_182, %dma_start3A_191] : memref<10240x128xf32, #tpu.memory_space<vmem_shared>> -> memref<128x128xf32, #tpu.memory_space<vmem_shared>>
        tpu.enqueue_dma source(%arg8 : memref<128x128xf32, #tpu.memory_space<vmem>>) target(%dma_start3A_192 : memref<128x128xf32, #tpu.memory_space<vmem_shared>>) target_semaphore(%run_scoped3A : memref<!tpu.dma_semaphore, #tpu.memory_space<semaphore_mem>>)
        %dma_wait3A_193 = arith.constant 0 : i32
        %dma_wait3A_194 = tpu.memref_slice %arg10[%add3A_182, %dma_wait3A_193] : memref<10240x128xf32, #tpu.memory_space<vmem_shared>> -> memref<128x128xf32, #tpu.memory_space<vmem_shared>>
        %dma_wait3A_195 = arith.constant 0 : i32
        %dma_wait3A_196 = tpu.memref_slice %arg10[%add3A_182, %dma_wait3A_195] : memref<10240x128xf32, #tpu.memory_space<vmem_shared>> -> memref<128x128xf32, #tpu.memory_space<vmem_shared>>
        tpu.wait_dma2 semaphore(%run_scoped3A : memref<!tpu.dma_semaphore, #tpu.memory_space<semaphore_mem>>) src(%arg8 : memref<128x128xf32, #tpu.memory_space<vmem>>) dst(%dma_wait3A_196 : memref<128x128xf32, #tpu.memory_space<vmem_shared>>)
        tpu.yield
      }) : () -> ()
      %add3A_183 = arith.constant 256 : i32
      %add3A_184 = arith.addi %mul3A_0, %add3A_183 : i32
      "tpu.region"() ({
        %run_scoped3A = tpu.sem_alloc : memref<!tpu.dma_semaphore, #tpu.memory_space<semaphore_mem>>
        %dma_start3A_189 = arith.constant 0 : i32
        %dma_start3A_190 = tpu.memref_slice %arg10[%add3A_184, %dma_start3A_189] : memref<10240x128xf32, #tpu.memory_space<vmem_shared>> -> memref<128x128xf32, #tpu.memory_space<vmem_shared>>
        %dma_start3A_191 = arith.constant 0 : i32
        %dma_start3A_192 = tpu.memref_slice %arg10[%add3A_184, %dma_start3A_191] : memref<10240x128xf32, #tpu.memory_space<vmem_shared>> -> memref<128x128xf32, #tpu.memory_space<vmem_shared>>
        tpu.enqueue_dma source(%arg8 : memref<128x128xf32, #tpu.memory_space<vmem>>) target(%dma_start3A_192 : memref<128x128xf32, #tpu.memory_space<vmem_shared>>) target_semaphore(%run_scoped3A : memref<!tpu.dma_semaphore, #tpu.memory_space<semaphore_mem>>)
        %dma_wait3A_193 = arith.constant 0 : i32
        %dma_wait3A_194 = tpu.memref_slice %arg10[%add3A_184, %dma_wait3A_193] : memref<10240x128xf32, #tpu.memory_space<vmem_shared>> -> memref<128x128xf32, #tpu.memory_space<vmem_shared>>
        %dma_wait3A_195 = arith.constant 0 : i32
        %dma_wait3A_196 = tpu.memref_slice %arg10[%add3A_184, %dma_wait3A_195] : memref<10240x128xf32, #tpu.memory_space<vmem_shared>> -> memref<128x128xf32, #tpu.memory_space<vmem_shared>>
        tpu.wait_dma2 semaphore(%run_scoped3A : memref<!tpu.dma_semaphore, #tpu.memory_space<semaphore_mem>>) src(%arg8 : memref<128x128xf32, #tpu.memory_space<vmem>>) dst(%dma_wait3A_196 : memref<128x128xf32, #tpu.memory_space<vmem_shared>>)
        tpu.yield
      }) : () -> ()
      %add3A_185 = arith.constant 384 : i32
      %add3A_186 = arith.addi %mul3A_0, %add3A_185 : i32
      "tpu.region"() ({
        %run_scoped3A = tpu.sem_alloc : memref<!tpu.dma_semaphore, #tpu.memory_space<semaphore_mem>>
        %dma_start3A_189 = arith.constant 0 : i32
        %dma_start3A_190 = tpu.memref_slice %arg10[%add3A_186, %dma_start3A_189] : memref<10240x128xf32, #tpu.memory_space<vmem_shared>> -> memref<128x128xf32, #tpu.memory_space<vmem_shared>>
        %dma_start3A_191 = arith.constant 0 : i32
        %dma_start3A_192 = tpu.memref_slice %arg10[%add3A_186, %dma_start3A_191] : memref<10240x128xf32, #tpu.memory_space<vmem_shared>> -> memref<128x128xf32, #tpu.memory_space<vmem_shared>>
        tpu.enqueue_dma source(%arg8 : memref<128x128xf32, #tpu.memory_space<vmem>>) target(%dma_start3A_192 : memref<128x128xf32, #tpu.memory_space<vmem_shared>>) target_semaphore(%run_scoped3A : memref<!tpu.dma_semaphore, #tpu.memory_space<semaphore_mem>>)
        %dma_wait3A_193 = arith.constant 0 : i32
        %dma_wait3A_194 = tpu.memref_slice %arg10[%add3A_186, %dma_wait3A_193] : memref<10240x128xf32, #tpu.memory_space<vmem_shared>> -> memref<128x128xf32, #tpu.memory_space<vmem_shared>>
        %dma_wait3A_195 = arith.constant 0 : i32
        %dma_wait3A_196 = tpu.memref_slice %arg10[%add3A_186, %dma_wait3A_195] : memref<10240x128xf32, #tpu.memory_space<vmem_shared>> -> memref<128x128xf32, #tpu.memory_space<vmem_shared>>
        tpu.wait_dma2 semaphore(%run_scoped3A : memref<!tpu.dma_semaphore, #tpu.memory_space<semaphore_mem>>) src(%arg8 : memref<128x128xf32, #tpu.memory_space<vmem>>) dst(%dma_wait3A_196 : memref<128x128xf32, #tpu.memory_space<vmem_shared>>)
        tpu.yield
      }) : () -> ()
      %add3A_187 = arith.constant 512 : i32
      %add3A_188 = arith.addi %mul3A_0, %add3A_187 : i32
      "tpu.region"() ({
        %run_scoped3A = tpu.sem_alloc : memref<!tpu.dma_semaphore, #tpu.memory_space<semaphore_mem>>
        %dma_start3A_189 = arith.constant 0 : i32
        %dma_start3A_190 = tpu.memref_slice %arg10[%add3A_188, %dma_start3A_189] : memref<10240x128xf32, #tpu.memory_space<vmem_shared>> -> memref<128x128xf32, #tpu.memory_space<vmem_shared>>
        %dma_start3A_191 = arith.constant 0 : i32
        %dma_start3A_192 = tpu.memref_slice %arg10[%add3A_188, %dma_start3A_191] : memref<10240x128xf32, #tpu.memory_space<vmem_shared>> -> memref<128x128xf32, #tpu.memory_space<vmem_shared>>
        tpu.enqueue_dma source(%arg8 : memref<128x128xf32, #tpu.memory_space<vmem>>) target(%dma_start3A_192 : memref<128x128xf32, #tpu.memory_space<vmem_shared>>) target_semaphore(%run_scoped3A : memref<!tpu.dma_semaphore, #tpu.memory_space<semaphore_mem>>)
        %dma_wait3A_193 = arith.constant 0 : i32
        %dma_wait3A_194 = tpu.memref_slice %arg10[%add3A_188, %dma_wait3A_193] : memref<10240x128xf32, #tpu.memory_space<vmem_shared>> -> memref<128x128xf32, #tpu.memory_space<vmem_shared>>
        %dma_wait3A_195 = arith.constant 0 : i32
        %dma_wait3A_196 = tpu.memref_slice %arg10[%add3A_188, %dma_wait3A_195] : memref<10240x128xf32, #tpu.memory_space<vmem_shared>> -> memref<128x128xf32, #tpu.memory_space<vmem_shared>>
        tpu.wait_dma2 semaphore(%run_scoped3A : memref<!tpu.dma_semaphore, #tpu.memory_space<semaphore_mem>>) src(%arg8 : memref<128x128xf32, #tpu.memory_space<vmem>>) dst(%dma_wait3A_196 : memref<128x128xf32, #tpu.memory_space<vmem_shared>>)
        tpu.yield
      }) : () -> ()
    } else {
    }
    %barrier3A = arith.constant 0 : index
    tpu.barrier barrier_id(%barrier3A)
    %add3A_19 = arith.constant 0 : i32
    %add3A_20 = arith.addi %select_n3A, %add3A_19 : i32
    %dma_start3A = arith.constant 0 : i32
    %dma_start3A_21 = arith.constant 0 : i32
    %dma_start3A_22 = arith.constant 0 : i32
    %dma_start3A_23 = tpu.memref_slice %arg6[%dma_start3A, %dma_start3A_21, %dma_start3A_22] : memref<2x2x128xi32, #tpu.memory_space<vmem>> -> memref<1x2x128xi32, #tpu.memory_space<vmem>>
    %dma_start3A_24 = tpu.memref_squeeze %dma_start3A_23 : memref<1x2x128xi32, #tpu.memory_space<vmem>> -> memref<2x128xi32, #tpu.memory_space<vmem>>
    %dma_start3A_25 = arith.constant 0 : i32
    %dma_start3A_26 = tpu.memref_slice %arg3[%add3A_20, %dma_start3A_25] : memref<2560x128xi32, #tpu.memory_space<hbm>> -> memref<2x128xi32, #tpu.memory_space<hbm>>
    %dma_start3A_27 = arith.constant 0 : i32
    %dma_start3A_28 = arith.constant 0 : i32
    %dma_start3A_29 = tpu.memref_slice %arg6[%dma_start3A, %dma_start3A_27, %dma_start3A_28] : memref<2x2x128xi32, #tpu.memory_space<vmem>> -> memref<1x2x128xi32, #tpu.memory_space<vmem>>
    %dma_start3A_30 = tpu.memref_squeeze %dma_start3A_29 : memref<1x2x128xi32, #tpu.memory_space<vmem>> -> memref<2x128xi32, #tpu.memory_space<vmem>>
    %dma_start3A_31 = arith.constant 0 : i32
    %dma_start3A_32 = tpu.memref_slice %arg3[%add3A_20, %dma_start3A_31] : memref<2560x128xi32, #tpu.memory_space<hbm>> -> memref<2x128xi32, #tpu.memory_space<hbm>>
    tpu.enqueue_dma source(%dma_start3A_32 : memref<2x128xi32, #tpu.memory_space<hbm>>) target(%dma_start3A_30 : memref<2x128xi32, #tpu.memory_space<vmem>>) target_semaphore(%arg11 : memref<!tpu.dma_semaphore, #tpu.memory_space<semaphore_mem>>)
    %dma_start3A_33 = arith.constant 0 : i32
    %dma_start3A_34 = arith.constant 0 : i32
    %dma_start3A_35 = arith.constant 0 : i32
    %dma_start3A_36 = tpu.memref_slice %arg7[%dma_start3A_33, %dma_start3A_34, %dma_start3A_35] : memref<2x2x128xi32, #tpu.memory_space<vmem>> -> memref<1x2x128xi32, #tpu.memory_space<vmem>>
    %dma_start3A_37 = tpu.memref_squeeze %dma_start3A_36 : memref<1x2x128xi32, #tpu.memory_space<vmem>> -> memref<2x128xi32, #tpu.memory_space<vmem>>
    %dma_start3A_38 = arith.constant 0 : i32
    %dma_start3A_39 = tpu.memref_slice %arg4[%add3A_20, %dma_start3A_38] : memref<2560x128xi32, #tpu.memory_space<hbm>> -> memref<2x128xi32, #tpu.memory_space<hbm>>
    %dma_start3A_40 = arith.constant 0 : i32
    %dma_start3A_41 = arith.constant 0 : i32
    %dma_start3A_42 = tpu.memref_slice %arg7[%dma_start3A_33, %dma_start3A_40, %dma_start3A_41] : memref<2x2x128xi32, #tpu.memory_space<vmem>> -> memref<1x2x128xi32, #tpu.memory_space<vmem>>
    %dma_start3A_43 = tpu.memref_squeeze %dma_start3A_42 : memref<1x2x128xi32, #tpu.memory_space<vmem>> -> memref<2x128xi32, #tpu.memory_space<vmem>>
    %dma_start3A_44 = arith.constant 0 : i32
    %dma_start3A_45 = tpu.memref_slice %arg4[%add3A_20, %dma_start3A_44] : memref<2560x128xi32, #tpu.memory_space<hbm>> -> memref<2x128xi32, #tpu.memory_space<hbm>>
    tpu.enqueue_dma source(%dma_start3A_45 : memref<2x128xi32, #tpu.memory_space<hbm>>) target(%dma_start3A_43 : memref<2x128xi32, #tpu.memory_space<vmem>>) target_semaphore(%arg11 : memref<!tpu.dma_semaphore, #tpu.memory_space<semaphore_mem>>)
    %add3A_46 = arith.constant 2 : i32
    %add3A_47 = arith.addi %select_n3A, %add3A_46 : i32
    %dma_start3A_48 = arith.constant 1 : i32
    %dma_start3A_49 = arith.constant 0 : i32
    %dma_start3A_50 = arith.constant 0 : i32
    %dma_start3A_51 = tpu.memref_slice %arg6[%dma_start3A_48, %dma_start3A_49, %dma_start3A_50] : memref<2x2x128xi32, #tpu.memory_space<vmem>> -> memref<1x2x128xi32, #tpu.memory_space<vmem>>
    %dma_start3A_52 = tpu.memref_squeeze %dma_start3A_51 : memref<1x2x128xi32, #tpu.memory_space<vmem>> -> memref<2x128xi32, #tpu.memory_space<vmem>>
    %dma_start3A_53 = arith.constant 0 : i32
    %dma_start3A_54 = tpu.memref_slice %arg3[%add3A_47, %dma_start3A_53] : memref<2560x128xi32, #tpu.memory_space<hbm>> -> memref<2x128xi32, #tpu.memory_space<hbm>>
    %dma_start3A_55 = arith.constant 0 : i32
    %dma_start3A_56 = arith.constant 0 : i32
    %dma_start3A_57 = tpu.memref_slice %arg6[%dma_start3A_48, %dma_start3A_55, %dma_start3A_56] : memref<2x2x128xi32, #tpu.memory_space<vmem>> -> memref<1x2x128xi32, #tpu.memory_space<vmem>>
    %dma_start3A_58 = tpu.memref_squeeze %dma_start3A_57 : memref<1x2x128xi32, #tpu.memory_space<vmem>> -> memref<2x128xi32, #tpu.memory_space<vmem>>
    %dma_start3A_59 = arith.constant 0 : i32
    %dma_start3A_60 = tpu.memref_slice %arg3[%add3A_47, %dma_start3A_59] : memref<2560x128xi32, #tpu.memory_space<hbm>> -> memref<2x128xi32, #tpu.memory_space<hbm>>
    tpu.enqueue_dma source(%dma_start3A_60 : memref<2x128xi32, #tpu.memory_space<hbm>>) target(%dma_start3A_58 : memref<2x128xi32, #tpu.memory_space<vmem>>) target_semaphore(%arg12 : memref<!tpu.dma_semaphore, #tpu.memory_space<semaphore_mem>>)
    %dma_start3A_61 = arith.constant 1 : i32
    %dma_start3A_62 = arith.constant 0 : i32
    %dma_start3A_63 = arith.constant 0 : i32
    %dma_start3A_64 = tpu.memref_slice %arg7[%dma_start3A_61, %dma_start3A_62, %dma_start3A_63] : memref<2x2x128xi32, #tpu.memory_space<vmem>> -> memref<1x2x128xi32, #tpu.memory_space<vmem>>
    %dma_start3A_65 = tpu.memref_squeeze %dma_start3A_64 : memref<1x2x128xi32, #tpu.memory_space<vmem>> -> memref<2x128xi32, #tpu.memory_space<vmem>>
    %dma_start3A_66 = arith.constant 0 : i32
    %dma_start3A_67 = tpu.memref_slice %arg4[%add3A_47, %dma_start3A_66] : memref<2560x128xi32, #tpu.memory_space<hbm>> -> memref<2x128xi32, #tpu.memory_space<hbm>>
    %dma_start3A_68 = arith.constant 0 : i32
    %dma_start3A_69 = arith.constant 0 : i32
    %dma_start3A_70 = tpu.memref_slice %arg7[%dma_start3A_61, %dma_start3A_68, %dma_start3A_69] : memref<2x2x128xi32, #tpu.memory_space<vmem>> -> memref<1x2x128xi32, #tpu.memory_space<vmem>>
    %dma_start3A_71 = tpu.memref_squeeze %dma_start3A_70 : memref<1x2x128xi32, #tpu.memory_space<vmem>> -> memref<2x128xi32, #tpu.memory_space<vmem>>
    %dma_start3A_72 = arith.constant 0 : i32
    %dma_start3A_73 = tpu.memref_slice %arg4[%add3A_47, %dma_start3A_72] : memref<2560x128xi32, #tpu.memory_space<hbm>> -> memref<2x128xi32, #tpu.memory_space<hbm>>
    tpu.enqueue_dma source(%dma_start3A_73 : memref<2x128xi32, #tpu.memory_space<hbm>>) target(%dma_start3A_71 : memref<2x128xi32, #tpu.memory_space<vmem>>) target_semaphore(%arg12 : memref<!tpu.dma_semaphore, #tpu.memory_space<semaphore_mem>>)
    %dma_wait3A = arith.constant 0 : i32
    %dma_wait3A_74 = arith.constant 0 : i32
    %dma_wait3A_75 = arith.constant 0 : i32
    %dma_wait3A_76 = tpu.memref_slice %arg6[%dma_wait3A, %dma_wait3A_74, %dma_wait3A_75] : memref<2x2x128xi32, #tpu.memory_space<vmem>> -> memref<1x2x128xi32, #tpu.memory_space<vmem>>
    %dma_wait3A_77 = tpu.memref_squeeze %dma_wait3A_76 : memref<1x2x128xi32, #tpu.memory_space<vmem>> -> memref<2x128xi32, #tpu.memory_space<vmem>>
    %dma_wait3A_78 = arith.constant 0 : i32
    %dma_wait3A_79 = arith.constant 0 : i32
    %dma_wait3A_80 = tpu.memref_slice %arg3[%dma_wait3A_78, %dma_wait3A_79] : memref<2560x128xi32, #tpu.memory_space<hbm>> -> memref<2x128xi32, #tpu.memory_space<hbm>>
    %dma_wait3A_81 = arith.constant 0 : i32
    %dma_wait3A_82 = arith.constant 0 : i32
    %dma_wait3A_83 = tpu.memref_slice %arg6[%dma_wait3A, %dma_wait3A_81, %dma_wait3A_82] : memref<2x2x128xi32, #tpu.memory_space<vmem>> -> memref<1x2x128xi32, #tpu.memory_space<vmem>>
    %dma_wait3A_84 = tpu.memref_squeeze %dma_wait3A_83 : memref<1x2x128xi32, #tpu.memory_space<vmem>> -> memref<2x128xi32, #tpu.memory_space<vmem>>
    %dma_wait3A_85 = arith.constant 0 : i32
    %dma_wait3A_86 = arith.constant 0 : i32
    %dma_wait3A_87 = tpu.memref_slice %arg3[%dma_wait3A_85, %dma_wait3A_86] : memref<2560x128xi32, #tpu.memory_space<hbm>> -> memref<2x128xi32, #tpu.memory_space<hbm>>
    tpu.wait_dma2 semaphore(%arg11 : memref<!tpu.dma_semaphore, #tpu.memory_space<semaphore_mem>>) src(%dma_wait3A_87 : memref<2x128xi32, #tpu.memory_space<hbm>>) dst(%dma_wait3A_84 : memref<2x128xi32, #tpu.memory_space<vmem>>)
    %dma_wait3A_88 = arith.constant 0 : i32
    %dma_wait3A_89 = arith.constant 0 : i32
    %dma_wait3A_90 = arith.constant 0 : i32
    %dma_wait3A_91 = tpu.memref_slice %arg7[%dma_wait3A_88, %dma_wait3A_89, %dma_wait3A_90] : memref<2x2x128xi32, #tpu.memory_space<vmem>> -> memref<1x2x128xi32, #tpu.memory_space<vmem>>
    %dma_wait3A_92 = tpu.memref_squeeze %dma_wait3A_91 : memref<1x2x128xi32, #tpu.memory_space<vmem>> -> memref<2x128xi32, #tpu.memory_space<vmem>>
    %dma_wait3A_93 = arith.constant 0 : i32
    %dma_wait3A_94 = arith.constant 0 : i32
    %dma_wait3A_95 = tpu.memref_slice %arg4[%dma_wait3A_93, %dma_wait3A_94] : memref<2560x128xi32, #tpu.memory_space<hbm>> -> memref<2x128xi32, #tpu.memory_space<hbm>>
    %dma_wait3A_96 = arith.constant 0 : i32
    %dma_wait3A_97 = arith.constant 0 : i32
    %dma_wait3A_98 = tpu.memref_slice %arg7[%dma_wait3A_88, %dma_wait3A_96, %dma_wait3A_97] : memref<2x2x128xi32, #tpu.memory_space<vmem>> -> memref<1x2x128xi32, #tpu.memory_space<vmem>>
    %dma_wait3A_99 = tpu.memref_squeeze %dma_wait3A_98 : memref<1x2x128xi32, #tpu.memory_space<vmem>> -> memref<2x128xi32, #tpu.memory_space<vmem>>
    %dma_wait3A_100 = arith.constant 0 : i32
    %dma_wait3A_101 = arith.constant 0 : i32
    %dma_wait3A_102 = tpu.memref_slice %arg4[%dma_wait3A_100, %dma_wait3A_101] : memref<2560x128xi32, #tpu.memory_space<hbm>> -> memref<2x128xi32, #tpu.memory_space<hbm>>
    tpu.wait_dma2 semaphore(%arg11 : memref<!tpu.dma_semaphore, #tpu.memory_space<semaphore_mem>>) src(%dma_wait3A_102 : memref<2x128xi32, #tpu.memory_space<hbm>>) dst(%dma_wait3A_99 : memref<2x128xi32, #tpu.memory_space<vmem>>)
    %dma_start3A_103 = arith.constant 0 : i32
    %dma_start3A_104 = arith.constant 0 : i32
    %dma_start3A_105 = arith.constant 0 : i32
    %dma_start3A_106 = tpu.memref_slice %arg6[%dma_start3A_103, %dma_start3A_104, %dma_start3A_105] : memref<2x2x128xi32, #tpu.memory_space<vmem>> -> memref<1x1x128xi32, #tpu.memory_space<vmem>>
    %dma_start3A_107 = tpu.memref_squeeze %dma_start3A_106 : memref<1x1x128xi32, #tpu.memory_space<vmem>> -> memref<128xi32, #tpu.memory_space<vmem>>
    %dma_start3A_108 = arith.constant 0 : i32
    %dma_start3A_109 = arith.constant 0 : i32
    %dma_start3A_110 = tpu.memref_slice %arg2[%dma_start3A_108, %dma_start3A_109] : memref<10240x128xf32, #tpu.memory_space<hbm>> -> memref<10240x128xf32, #tpu.memory_space<hbm>>
    tpu.enqueue_indirect_dma source(%dma_start3A_110 : memref<10240x128xf32, #tpu.memory_space<hbm>>) target(%arg8 : memref<128x128xf32, #tpu.memory_space<vmem>>) offsets(%dma_start3A_107 : memref<128xi32, #tpu.memory_space<vmem>>) semaphore(%arg13 : memref<!tpu.dma_semaphore, #tpu.memory_space<semaphore_mem>>)
    %dma_start3A_111 = arith.constant 0 : i32
    %dma_start3A_112 = arith.constant 1 : i32
    %dma_start3A_113 = arith.constant 0 : i32
    %dma_start3A_114 = tpu.memref_slice %arg6[%dma_start3A_111, %dma_start3A_112, %dma_start3A_113] : memref<2x2x128xi32, #tpu.memory_space<vmem>> -> memref<1x1x128xi32, #tpu.memory_space<vmem>>
    %dma_start3A_115 = tpu.memref_squeeze %dma_start3A_114 : memref<1x1x128xi32, #tpu.memory_space<vmem>> -> memref<128xi32, #tpu.memory_space<vmem>>
    %dma_start3A_116 = arith.constant 0 : i32
    %dma_start3A_117 = arith.constant 0 : i32
    %dma_start3A_118 = tpu.memref_slice %arg2[%dma_start3A_116, %dma_start3A_117] : memref<10240x128xf32, #tpu.memory_space<hbm>> -> memref<10240x128xf32, #tpu.memory_space<hbm>>
    tpu.enqueue_indirect_dma source(%dma_start3A_118 : memref<10240x128xf32, #tpu.memory_space<hbm>>) target(%arg9 : memref<128x128xf32, #tpu.memory_space<vmem>>) offsets(%dma_start3A_115 : memref<128xi32, #tpu.memory_space<vmem>>) semaphore(%arg14 : memref<!tpu.dma_semaphore, #tpu.memory_space<semaphore_mem>>)
    %jit3A_119 = arith.constant 2 : i32
    %div3A = arith.divsi %select_n3A_10, %jit3A_119 : i32
    %sign3A = arith.constant 0 : i32
    %sign3A_120 = arith.cmpi sgt, %select_n3A_10, %sign3A : i32
    %sign3A_121 = arith.extui %sign3A_120 : i1 to i32
    %sign3A_122 = arith.constant 0 : i32
    %sign3A_123 = arith.cmpi slt, %select_n3A_10, %sign3A_122 : i32
    %sign3A_124 = arith.extui %sign3A_123 : i1 to i32
    %sign3A_125 = arith.subi %sign3A_121, %sign3A_124 : i32
    %sign3A_126 = arith.constant 0 : i32
    %sign3A_127 = arith.cmpi sgt, %jit3A_119, %sign3A_126 : i32
    %sign3A_128 = arith.extui %sign3A_127 : i1 to i32
    %sign3A_129 = arith.constant 0 : i32
    %sign3A_130 = arith.cmpi slt, %jit3A_119, %sign3A_129 : i32
    %sign3A_131 = arith.extui %sign3A_130 : i1 to i32
    %sign3A_132 = arith.subi %sign3A_128, %sign3A_131 : i32
    %ne3A = arith.cmpi ne, %sign3A_125, %sign3A_132 : i32
    %rem3A = arith.remsi %select_n3A_10, %jit3A_119 : i32
    %ne3A_133 = arith.constant 0 : i32
    %ne3A_134 = arith.cmpi ne, %rem3A, %ne3A_133 : i32
    %and3A = arith.andi %ne3A, %ne3A_134 : i1
    %sub3A = arith.constant 1 : i32
    %sub3A_135 = arith.subi %div3A, %sub3A : i32
    %select_n3A_136 = arith.select %and3A, %sub3A_135, %div3A : i32
    %while3A = arith.constant 0 : i32
    %while3A_137 = arith.constant 0 : i32
    %while3A_138 = arith.subi %select_n3A_136, %while3A_137 : i32
    %while3A_139 = arith.addi %while3A_137, %while3A_138 : i32
    %while3A_140 = arith.constant 1 : i32
    %while3A_141 = arith.divsi %while3A_138, %while3A_140 : i32
    %while3A_142 = arith.muli %while3A_141, %while3A_140 : i32
    %while3A_143 = arith.addi %while3A_137, %while3A_142 : i32
    %while3A_144 = arith.constant 1 : i32
    scf.for %while3A_173 = %while3A_137 to %while3A_143 step %while3A_144  : i32 {
      %mul3A_174 = arith.constant 2 : i32
      %mul3A_175 = arith.muli %mul3A_174, %while3A_173 : i32
      %dma_wait3A_176 = arith.constant 0 : i32
      %dma_wait3A_177 = arith.constant 0 : i32
      %dma_wait3A_178 = arith.constant 0 : i32
      %dma_wait3A_179 = tpu.memref_slice %arg6[%dma_wait3A_176, %dma_wait3A_177, %dma_wait3A_178] : memref<2x2x128xi32, #tpu.memory_space<vmem>> -> memref<1x1x128xi32, #tpu.memory_space<vmem>>
      %dma_wait3A_180 = tpu.memref_squeeze %dma_wait3A_179 : memref<1x1x128xi32, #tpu.memory_space<vmem>> -> memref<128xi32, #tpu.memory_space<vmem>>
      %dma_wait3A_181 = arith.constant 0 : i32
      %dma_wait3A_182 = arith.constant 0 : i32
      %dma_wait3A_183 = tpu.memref_slice %arg2[%dma_wait3A_181, %dma_wait3A_182] : memref<10240x128xf32, #tpu.memory_space<hbm>> -> memref<10240x128xf32, #tpu.memory_space<hbm>>
      tpu.wait_indirect_dma semaphore(%arg13 : memref<!tpu.dma_semaphore, #tpu.memory_space<semaphore_mem>>) src(%dma_wait3A_183 : memref<10240x128xf32, #tpu.memory_space<hbm>>) dst(%arg8 : memref<128x128xf32, #tpu.memory_space<vmem>>)
      %dma_start3A_184 = arith.constant 0 : i32
      %dma_start3A_185 = arith.constant 0 : i32
      %dma_start3A_186 = arith.constant 0 : i32
      %dma_start3A_187 = tpu.memref_slice %arg7[%dma_start3A_184, %dma_start3A_185, %dma_start3A_186] : memref<2x2x128xi32, #tpu.memory_space<vmem>> -> memref<1x1x128xi32, #tpu.memory_space<vmem>>
      %dma_start3A_188 = tpu.memref_squeeze %dma_start3A_187 : memref<1x1x128xi32, #tpu.memory_space<vmem>> -> memref<128xi32, #tpu.memory_space<vmem>>
      %dma_start3A_189 = arith.constant 0 : i32
      %dma_start3A_190 = arith.constant 0 : i32
      %dma_start3A_191 = tpu.memref_slice %arg10[%dma_start3A_189, %dma_start3A_190] : memref<10240x128xf32, #tpu.memory_space<vmem_shared>> -> memref<10240x128xf32, #tpu.memory_space<vmem_shared>>
      tpu.enqueue_indirect_dma source(%arg8 : memref<128x128xf32, #tpu.memory_space<vmem>>) target(%dma_start3A_191 : memref<10240x128xf32, #tpu.memory_space<vmem_shared>>) offsets(%dma_start3A_188 : memref<128xi32, #tpu.memory_space<vmem>>) semaphore(%arg15 : memref<!tpu.dma_semaphore, #tpu.memory_space<semaphore_mem>>) {add = true}
      %dma_wait3A_192 = arith.constant 0 : i32
      %dma_wait3A_193 = arith.constant 1 : i32
      %dma_wait3A_194 = arith.constant 0 : i32
      %dma_wait3A_195 = tpu.memref_slice %arg6[%dma_wait3A_192, %dma_wait3A_193, %dma_wait3A_194] : memref<2x2x128xi32, #tpu.memory_space<vmem>> -> memref<1x1x128xi32, #tpu.memory_space<vmem>>
      %dma_wait3A_196 = tpu.memref_squeeze %dma_wait3A_195 : memref<1x1x128xi32, #tpu.memory_space<vmem>> -> memref<128xi32, #tpu.memory_space<vmem>>
      %dma_wait3A_197 = arith.constant 0 : i32
      %dma_wait3A_198 = arith.constant 0 : i32
      %dma_wait3A_199 = tpu.memref_slice %arg2[%dma_wait3A_197, %dma_wait3A_198] : memref<10240x128xf32, #tpu.memory_space<hbm>> -> memref<10240x128xf32, #tpu.memory_space<hbm>>
      tpu.wait_indirect_dma semaphore(%arg14 : memref<!tpu.dma_semaphore, #tpu.memory_space<semaphore_mem>>) src(%dma_wait3A_199 : memref<10240x128xf32, #tpu.memory_space<hbm>>) dst(%arg9 : memref<128x128xf32, #tpu.memory_space<vmem>>)
      %dma_start3A_200 = arith.constant 0 : i32
      %dma_start3A_201 = arith.constant 1 : i32
      %dma_start3A_202 = arith.constant 0 : i32
      %dma_start3A_203 = tpu.memref_slice %arg7[%dma_start3A_200, %dma_start3A_201, %dma_start3A_202] : memref<2x2x128xi32, #tpu.memory_space<vmem>> -> memref<1x1x128xi32, #tpu.memory_space<vmem>>
      %dma_start3A_204 = tpu.memref_squeeze %dma_start3A_203 : memref<1x1x128xi32, #tpu.memory_space<vmem>> -> memref<128xi32, #tpu.memory_space<vmem>>
      %dma_start3A_205 = arith.constant 0 : i32
      %dma_start3A_206 = arith.constant 0 : i32
      %dma_start3A_207 = tpu.memref_slice %arg10[%dma_start3A_205, %dma_start3A_206] : memref<10240x128xf32, #tpu.memory_space<vmem_shared>> -> memref<10240x128xf32, #tpu.memory_space<vmem_shared>>
      tpu.enqueue_indirect_dma source(%arg9 : memref<128x128xf32, #tpu.memory_space<vmem>>) target(%dma_start3A_207 : memref<10240x128xf32, #tpu.memory_space<vmem_shared>>) offsets(%dma_start3A_204 : memref<128xi32, #tpu.memory_space<vmem>>) semaphore(%arg16 : memref<!tpu.dma_semaphore, #tpu.memory_space<semaphore_mem>>) {add = true}
      %add3A_208 = arith.constant 1 : i32
      %add3A_209 = arith.addi %mul3A_175, %add3A_208 : i32
      %lt3A = arith.cmpi slt, %add3A_209, %select_n3A_10 : i32
      %convert_element_type3A_210 = arith.extui %lt3A : i1 to i32
      %cond3A_211 = arith.constant 0 : i32
      %cond3A_212 = arith.cmpi ne, %convert_element_type3A_210, %cond3A_211 : i32
      scf.if %cond3A_212 {
        %dma_wait3A_267 = arith.constant 1 : i32
        %dma_wait3A_268 = arith.constant 0 : i32
        %dma_wait3A_269 = arith.constant 0 : i32
        %dma_wait3A_270 = tpu.memref_slice %arg6[%dma_wait3A_267, %dma_wait3A_268, %dma_wait3A_269] : memref<2x2x128xi32, #tpu.memory_space<vmem>> -> memref<1x2x128xi32, #tpu.memory_space<vmem>>
        %dma_wait3A_271 = tpu.memref_squeeze %dma_wait3A_270 : memref<1x2x128xi32, #tpu.memory_space<vmem>> -> memref<2x128xi32, #tpu.memory_space<vmem>>
        %dma_wait3A_272 = arith.constant 0 : i32
        %dma_wait3A_273 = arith.constant 0 : i32
        %dma_wait3A_274 = tpu.memref_slice %arg3[%dma_wait3A_272, %dma_wait3A_273] : memref<2560x128xi32, #tpu.memory_space<hbm>> -> memref<2x128xi32, #tpu.memory_space<hbm>>
        %dma_wait3A_275 = arith.constant 0 : i32
        %dma_wait3A_276 = arith.constant 0 : i32
        %dma_wait3A_277 = tpu.memref_slice %arg6[%dma_wait3A_267, %dma_wait3A_275, %dma_wait3A_276] : memref<2x2x128xi32, #tpu.memory_space<vmem>> -> memref<1x2x128xi32, #tpu.memory_space<vmem>>
        %dma_wait3A_278 = tpu.memref_squeeze %dma_wait3A_277 : memref<1x2x128xi32, #tpu.memory_space<vmem>> -> memref<2x128xi32, #tpu.memory_space<vmem>>
        %dma_wait3A_279 = arith.constant 0 : i32
        %dma_wait3A_280 = arith.constant 0 : i32
        %dma_wait3A_281 = tpu.memref_slice %arg3[%dma_wait3A_279, %dma_wait3A_280] : memref<2560x128xi32, #tpu.memory_space<hbm>> -> memref<2x128xi32, #tpu.memory_space<hbm>>
        tpu.wait_dma2 semaphore(%arg12 : memref<!tpu.dma_semaphore, #tpu.memory_space<semaphore_mem>>) src(%dma_wait3A_281 : memref<2x128xi32, #tpu.memory_space<hbm>>) dst(%dma_wait3A_278 : memref<2x128xi32, #tpu.memory_space<vmem>>)
        %dma_wait3A_282 = arith.constant 1 : i32
        %dma_wait3A_283 = arith.constant 0 : i32
        %dma_wait3A_284 = arith.constant 0 : i32
        %dma_wait3A_285 = tpu.memref_slice %arg7[%dma_wait3A_282, %dma_wait3A_283, %dma_wait3A_284] : memref<2x2x128xi32, #tpu.memory_space<vmem>> -> memref<1x2x128xi32, #tpu.memory_space<vmem>>
        %dma_wait3A_286 = tpu.memref_squeeze %dma_wait3A_285 : memref<1x2x128xi32, #tpu.memory_space<vmem>> -> memref<2x128xi32, #tpu.memory_space<vmem>>
        %dma_wait3A_287 = arith.constant 0 : i32
        %dma_wait3A_288 = arith.constant 0 : i32
        %dma_wait3A_289 = tpu.memref_slice %arg4[%dma_wait3A_287, %dma_wait3A_288] : memref<2560x128xi32, #tpu.memory_space<hbm>> -> memref<2x128xi32, #tpu.memory_space<hbm>>
        %dma_wait3A_290 = arith.constant 0 : i32
        %dma_wait3A_291 = arith.constant 0 : i32
        %dma_wait3A_292 = tpu.memref_slice %arg7[%dma_wait3A_282, %dma_wait3A_290, %dma_wait3A_291] : memref<2x2x128xi32, #tpu.memory_space<vmem>> -> memref<1x2x128xi32, #tpu.memory_space<vmem>>
        %dma_wait3A_293 = tpu.memref_squeeze %dma_wait3A_292 : memref<1x2x128xi32, #tpu.memory_space<vmem>> -> memref<2x128xi32, #tpu.memory_space<vmem>>
        %dma_wait3A_294 = arith.constant 0 : i32
        %dma_wait3A_295 = arith.constant 0 : i32
        %dma_wait3A_296 = tpu.memref_slice %arg4[%dma_wait3A_294, %dma_wait3A_295] : memref<2560x128xi32, #tpu.memory_space<hbm>> -> memref<2x128xi32, #tpu.memory_space<hbm>>
        tpu.wait_dma2 semaphore(%arg12 : memref<!tpu.dma_semaphore, #tpu.memory_space<semaphore_mem>>) src(%dma_wait3A_296 : memref<2x128xi32, #tpu.memory_space<hbm>>) dst(%dma_wait3A_293 : memref<2x128xi32, #tpu.memory_space<vmem>>)
        %dma_wait3A_297 = arith.constant 0 : i32
        %dma_wait3A_298 = arith.constant 0 : i32
        %dma_wait3A_299 = arith.constant 0 : i32
        %dma_wait3A_300 = tpu.memref_slice %arg7[%dma_wait3A_297, %dma_wait3A_298, %dma_wait3A_299] : memref<2x2x128xi32, #tpu.memory_space<vmem>> -> memref<1x1x128xi32, #tpu.memory_space<vmem>>
        %dma_wait3A_301 = tpu.memref_squeeze %dma_wait3A_300 : memref<1x1x128xi32, #tpu.memory_space<vmem>> -> memref<128xi32, #tpu.memory_space<vmem>>
        %dma_wait3A_302 = arith.constant 0 : i32
        %dma_wait3A_303 = arith.constant 0 : i32
        %dma_wait3A_304 = tpu.memref_slice %arg10[%dma_wait3A_302, %dma_wait3A_303] : memref<10240x128xf32, #tpu.memory_space<vmem_shared>> -> memref<10240x128xf32, #tpu.memory_space<vmem_shared>>
        tpu.wait_indirect_dma semaphore(%arg15 : memref<!tpu.dma_semaphore, #tpu.memory_space<semaphore_mem>>) src(%arg8 : memref<128x128xf32, #tpu.memory_space<vmem>>) dst(%dma_wait3A_304 : memref<10240x128xf32, #tpu.memory_space<vmem_shared>>)
        %dma_start3A_305 = arith.constant 1 : i32
        %dma_start3A_306 = arith.constant 0 : i32
        %dma_start3A_307 = arith.constant 0 : i32
        %dma_start3A_308 = tpu.memref_slice %arg6[%dma_start3A_305, %dma_start3A_306, %dma_start3A_307] : memref<2x2x128xi32, #tpu.memory_space<vmem>> -> memref<1x1x128xi32, #tpu.memory_space<vmem>>
        %dma_start3A_309 = tpu.memref_squeeze %dma_start3A_308 : memref<1x1x128xi32, #tpu.memory_space<vmem>> -> memref<128xi32, #tpu.memory_space<vmem>>
        %dma_start3A_310 = arith.constant 0 : i32
        %dma_start3A_311 = arith.constant 0 : i32
        %dma_start3A_312 = tpu.memref_slice %arg2[%dma_start3A_310, %dma_start3A_311] : memref<10240x128xf32, #tpu.memory_space<hbm>> -> memref<10240x128xf32, #tpu.memory_space<hbm>>
        tpu.enqueue_indirect_dma source(%dma_start3A_312 : memref<10240x128xf32, #tpu.memory_space<hbm>>) target(%arg8 : memref<128x128xf32, #tpu.memory_space<vmem>>) offsets(%dma_start3A_309 : memref<128xi32, #tpu.memory_space<vmem>>) semaphore(%arg13 : memref<!tpu.dma_semaphore, #tpu.memory_space<semaphore_mem>>)
        %dma_wait3A_313 = arith.constant 0 : i32
        %dma_wait3A_314 = arith.constant 1 : i32
        %dma_wait3A_315 = arith.constant 0 : i32
        %dma_wait3A_316 = tpu.memref_slice %arg7[%dma_wait3A_313, %dma_wait3A_314, %dma_wait3A_315] : memref<2x2x128xi32, #tpu.memory_space<vmem>> -> memref<1x1x128xi32, #tpu.memory_space<vmem>>
        %dma_wait3A_317 = tpu.memref_squeeze %dma_wait3A_316 : memref<1x1x128xi32, #tpu.memory_space<vmem>> -> memref<128xi32, #tpu.memory_space<vmem>>
        %dma_wait3A_318 = arith.constant 0 : i32
        %dma_wait3A_319 = arith.constant 0 : i32
        %dma_wait3A_320 = tpu.memref_slice %arg10[%dma_wait3A_318, %dma_wait3A_319] : memref<10240x128xf32, #tpu.memory_space<vmem_shared>> -> memref<10240x128xf32, #tpu.memory_space<vmem_shared>>
        tpu.wait_indirect_dma semaphore(%arg16 : memref<!tpu.dma_semaphore, #tpu.memory_space<semaphore_mem>>) src(%arg9 : memref<128x128xf32, #tpu.memory_space<vmem>>) dst(%dma_wait3A_320 : memref<10240x128xf32, #tpu.memory_space<vmem_shared>>)
        %dma_start3A_321 = arith.constant 1 : i32
        %dma_start3A_322 = arith.constant 1 : i32
        %dma_start3A_323 = arith.constant 0 : i32
        %dma_start3A_324 = tpu.memref_slice %arg6[%dma_start3A_321, %dma_start3A_322, %dma_start3A_323] : memref<2x2x128xi32, #tpu.memory_space<vmem>> -> memref<1x1x128xi32, #tpu.memory_space<vmem>>
        %dma_start3A_325 = tpu.memref_squeeze %dma_start3A_324 : memref<1x1x128xi32, #tpu.memory_space<vmem>> -> memref<128xi32, #tpu.memory_space<vmem>>
        %dma_start3A_326 = arith.constant 0 : i32
        %dma_start3A_327 = arith.constant 0 : i32
        %dma_start3A_328 = tpu.memref_slice %arg2[%dma_start3A_326, %dma_start3A_327] : memref<10240x128xf32, #tpu.memory_space<hbm>> -> memref<10240x128xf32, #tpu.memory_space<hbm>>
        tpu.enqueue_indirect_dma source(%dma_start3A_328 : memref<10240x128xf32, #tpu.memory_space<hbm>>) target(%arg9 : memref<128x128xf32, #tpu.memory_space<vmem>>) offsets(%dma_start3A_325 : memref<128xi32, #tpu.memory_space<vmem>>) semaphore(%arg14 : memref<!tpu.dma_semaphore, #tpu.memory_space<semaphore_mem>>)
      } else {
      }
      %add3A_213 = arith.constant 2 : i32
      %add3A_214 = arith.addi %mul3A_175, %add3A_213 : i32
      %lt3A_215 = arith.cmpi slt, %add3A_214, %select_n3A_10 : i32
      %convert_element_type3A_216 = arith.extui %lt3A_215 : i1 to i32
      %cond3A_217 = arith.constant 0 : i32
      %cond3A_218 = arith.cmpi ne, %convert_element_type3A_216, %cond3A_217 : i32
      scf.if %cond3A_218 {
        %add3A_267 = arith.constant 2 : i32
        %add3A_268 = arith.addi %mul3A_175, %add3A_267 : i32
        %mul3A_269 = arith.constant 2 : i32
        %mul3A_270 = arith.muli %add3A_268, %mul3A_269 : i32
        %add3A_271 = arith.addi %select_n3A, %mul3A_270 : i32
        %dma_start3A_272 = arith.constant 0 : i32
        %dma_start3A_273 = arith.constant 0 : i32
        %dma_start3A_274 = arith.constant 0 : i32
        %dma_start3A_275 = tpu.memref_slice %arg6[%dma_start3A_272, %dma_start3A_273, %dma_start3A_274] : memref<2x2x128xi32, #tpu.memory_space<vmem>> -> memref<1x2x128xi32, #tpu.memory_space<vmem>>
        %dma_start3A_276 = tpu.memref_squeeze %dma_start3A_275 : memref<1x2x128xi32, #tpu.memory_space<vmem>> -> memref<2x128xi32, #tpu.memory_space<vmem>>
        %dma_start3A_277 = arith.constant 0 : i32
        %dma_start3A_278 = tpu.memref_slice %arg3[%add3A_271, %dma_start3A_277] : memref<2560x128xi32, #tpu.memory_space<hbm>> -> memref<2x128xi32, #tpu.memory_space<hbm>>
        %dma_start3A_279 = arith.constant 0 : i32
        %dma_start3A_280 = arith.constant 0 : i32
        %dma_start3A_281 = tpu.memref_slice %arg6[%dma_start3A_272, %dma_start3A_279, %dma_start3A_280] : memref<2x2x128xi32, #tpu.memory_space<vmem>> -> memref<1x2x128xi32, #tpu.memory_space<vmem>>
        %dma_start3A_282 = tpu.memref_squeeze %dma_start3A_281 : memref<1x2x128xi32, #tpu.memory_space<vmem>> -> memref<2x128xi32, #tpu.memory_space<vmem>>
        %dma_start3A_283 = arith.constant 0 : i32
        %dma_start3A_284 = tpu.memref_slice %arg3[%add3A_271, %dma_start3A_283] : memref<2560x128xi32, #tpu.memory_space<hbm>> -> memref<2x128xi32, #tpu.memory_space<hbm>>
        tpu.enqueue_dma source(%dma_start3A_284 : memref<2x128xi32, #tpu.memory_space<hbm>>) target(%dma_start3A_282 : memref<2x128xi32, #tpu.memory_space<vmem>>) target_semaphore(%arg11 : memref<!tpu.dma_semaphore, #tpu.memory_space<semaphore_mem>>)
        %dma_start3A_285 = arith.constant 0 : i32
        %dma_start3A_286 = arith.constant 0 : i32
        %dma_start3A_287 = arith.constant 0 : i32
        %dma_start3A_288 = tpu.memref_slice %arg7[%dma_start3A_285, %dma_start3A_286, %dma_start3A_287] : memref<2x2x128xi32, #tpu.memory_space<vmem>> -> memref<1x2x128xi32, #tpu.memory_space<vmem>>
        %dma_start3A_289 = tpu.memref_squeeze %dma_start3A_288 : memref<1x2x128xi32, #tpu.memory_space<vmem>> -> memref<2x128xi32, #tpu.memory_space<vmem>>
        %dma_start3A_290 = arith.constant 0 : i32
        %dma_start3A_291 = tpu.memref_slice %arg4[%add3A_271, %dma_start3A_290] : memref<2560x128xi32, #tpu.memory_space<hbm>> -> memref<2x128xi32, #tpu.memory_space<hbm>>
        %dma_start3A_292 = arith.constant 0 : i32
        %dma_start3A_293 = arith.constant 0 : i32
        %dma_start3A_294 = tpu.memref_slice %arg7[%dma_start3A_285, %dma_start3A_292, %dma_start3A_293] : memref<2x2x128xi32, #tpu.memory_space<vmem>> -> memref<1x2x128xi32, #tpu.memory_space<vmem>>
        %dma_start3A_295 = tpu.memref_squeeze %dma_start3A_294 : memref<1x2x128xi32, #tpu.memory_space<vmem>> -> memref<2x128xi32, #tpu.memory_space<vmem>>
        %dma_start3A_296 = arith.constant 0 : i32
        %dma_start3A_297 = tpu.memref_slice %arg4[%add3A_271, %dma_start3A_296] : memref<2560x128xi32, #tpu.memory_space<hbm>> -> memref<2x128xi32, #tpu.memory_space<hbm>>
        tpu.enqueue_dma source(%dma_start3A_297 : memref<2x128xi32, #tpu.memory_space<hbm>>) target(%dma_start3A_295 : memref<2x128xi32, #tpu.memory_space<vmem>>) target_semaphore(%arg11 : memref<!tpu.dma_semaphore, #tpu.memory_space<semaphore_mem>>)
      } else {
      }
      %mul3A_219 = arith.constant 2 : i32
      %mul3A_220 = arith.muli %mul3A_219, %while3A_173 : i32
      %add3A_221 = arith.constant 1 : i32
      %add3A_222 = arith.addi %mul3A_220, %add3A_221 : i32
      %dma_wait3A_223 = arith.constant 1 : i32
      %dma_wait3A_224 = arith.constant 0 : i32
      %dma_wait3A_225 = arith.constant 0 : i32
      %dma_wait3A_226 = tpu.memref_slice %arg6[%dma_wait3A_223, %dma_wait3A_224, %dma_wait3A_225] : memref<2x2x128xi32, #tpu.memory_space<vmem>> -> memref<1x1x128xi32, #tpu.memory_space<vmem>>
      %dma_wait3A_227 = tpu.memref_squeeze %dma_wait3A_226 : memref<1x1x128xi32, #tpu.memory_space<vmem>> -> memref<128xi32, #tpu.memory_space<vmem>>
      %dma_wait3A_228 = arith.constant 0 : i32
      %dma_wait3A_229 = arith.constant 0 : i32
      %dma_wait3A_230 = tpu.memref_slice %arg2[%dma_wait3A_228, %dma_wait3A_229] : memref<10240x128xf32, #tpu.memory_space<hbm>> -> memref<10240x128xf32, #tpu.memory_space<hbm>>
      tpu.wait_indirect_dma semaphore(%arg13 : memref<!tpu.dma_semaphore, #tpu.memory_space<semaphore_mem>>) src(%dma_wait3A_230 : memref<10240x128xf32, #tpu.memory_space<hbm>>) dst(%arg8 : memref<128x128xf32, #tpu.memory_space<vmem>>)
      %dma_start3A_231 = arith.constant 1 : i32
      %dma_start3A_232 = arith.constant 0 : i32
      %dma_start3A_233 = arith.constant 0 : i32
      %dma_start3A_234 = tpu.memref_slice %arg7[%dma_start3A_231, %dma_start3A_232, %dma_start3A_233] : memref<2x2x128xi32, #tpu.memory_space<vmem>> -> memref<1x1x128xi32, #tpu.memory_space<vmem>>
      %dma_start3A_235 = tpu.memref_squeeze %dma_start3A_234 : memref<1x1x128xi32, #tpu.memory_space<vmem>> -> memref<128xi32, #tpu.memory_space<vmem>>
      %dma_start3A_236 = arith.constant 0 : i32
      %dma_start3A_237 = arith.constant 0 : i32
      %dma_start3A_238 = tpu.memref_slice %arg10[%dma_start3A_236, %dma_start3A_237] : memref<10240x128xf32, #tpu.memory_space<vmem_shared>> -> memref<10240x128xf32, #tpu.memory_space<vmem_shared>>
      tpu.enqueue_indirect_dma source(%arg8 : memref<128x128xf32, #tpu.memory_space<vmem>>) target(%dma_start3A_238 : memref<10240x128xf32, #tpu.memory_space<vmem_shared>>) offsets(%dma_start3A_235 : memref<128xi32, #tpu.memory_space<vmem>>) semaphore(%arg15 : memref<!tpu.dma_semaphore, #tpu.memory_space<semaphore_mem>>) {add = true}
      %dma_wait3A_239 = arith.constant 1 : i32
      %dma_wait3A_240 = arith.constant 1 : i32
      %dma_wait3A_241 = arith.constant 0 : i32
      %dma_wait3A_242 = tpu.memref_slice %arg6[%dma_wait3A_239, %dma_wait3A_240, %dma_wait3A_241] : memref<2x2x128xi32, #tpu.memory_space<vmem>> -> memref<1x1x128xi32, #tpu.memory_space<vmem>>
      %dma_wait3A_243 = tpu.memref_squeeze %dma_wait3A_242 : memref<1x1x128xi32, #tpu.memory_space<vmem>> -> memref<128xi32, #tpu.memory_space<vmem>>
      %dma_wait3A_244 = arith.constant 0 : i32
      %dma_wait3A_245 = arith.constant 0 : i32
      %dma_wait3A_246 = tpu.memref_slice %arg2[%dma_wait3A_244, %dma_wait3A_245] : memref<10240x128xf32, #tpu.memory_space<hbm>> -> memref<10240x128xf32, #tpu.memory_space<hbm>>
      tpu.wait_indirect_dma semaphore(%arg14 : memref<!tpu.dma_semaphore, #tpu.memory_space<semaphore_mem>>) src(%dma_wait3A_246 : memref<10240x128xf32, #tpu.memory_space<hbm>>) dst(%arg9 : memref<128x128xf32, #tpu.memory_space<vmem>>)
      %dma_start3A_247 = arith.constant 1 : i32
      %dma_start3A_248 = arith.constant 1 : i32
      %dma_start3A_249 = arith.constant 0 : i32
      %dma_start3A_250 = tpu.memref_slice %arg7[%dma_start3A_247, %dma_start3A_248, %dma_start3A_249] : memref<2x2x128xi32, #tpu.memory_space<vmem>> -> memref<1x1x128xi32, #tpu.memory_space<vmem>>
      %dma_start3A_251 = tpu.memref_squeeze %dma_start3A_250 : memref<1x1x128xi32, #tpu.memory_space<vmem>> -> memref<128xi32, #tpu.memory_space<vmem>>
      %dma_start3A_252 = arith.constant 0 : i32
      %dma_start3A_253 = arith.constant 0 : i32
      %dma_start3A_254 = tpu.memref_slice %arg10[%dma_start3A_252, %dma_start3A_253] : memref<10240x128xf32, #tpu.memory_space<vmem_shared>> -> memref<10240x128xf32, #tpu.memory_space<vmem_shared>>
      tpu.enqueue_indirect_dma source(%arg9 : memref<128x128xf32, #tpu.memory_space<vmem>>) target(%dma_start3A_254 : memref<10240x128xf32, #tpu.memory_space<vmem_shared>>) offsets(%dma_start3A_251 : memref<128xi32, #tpu.memory_space<vmem>>) semaphore(%arg16 : memref<!tpu.dma_semaphore, #tpu.memory_space<semaphore_mem>>) {add = true}
      %add3A_255 = arith.constant 1 : i32
      %add3A_256 = arith.addi %add3A_222, %add3A_255 : i32
      %lt3A_257 = arith.cmpi slt, %add3A_256, %select_n3A_10 : i32
      %convert_element_type3A_258 = arith.extui %lt3A_257 : i1 to i32
      %cond3A_259 = arith.constant 0 : i32
      %cond3A_260 = arith.cmpi ne, %convert_element_type3A_258, %cond3A_259 : i32
      scf.if %cond3A_260 {
        %dma_wait3A_267 = arith.constant 0 : i32
        %dma_wait3A_268 = arith.constant 0 : i32
        %dma_wait3A_269 = arith.constant 0 : i32
        %dma_wait3A_270 = tpu.memref_slice %arg6[%dma_wait3A_267, %dma_wait3A_268, %dma_wait3A_269] : memref<2x2x128xi32, #tpu.memory_space<vmem>> -> memref<1x2x128xi32, #tpu.memory_space<vmem>>
        %dma_wait3A_271 = tpu.memref_squeeze %dma_wait3A_270 : memref<1x2x128xi32, #tpu.memory_space<vmem>> -> memref<2x128xi32, #tpu.memory_space<vmem>>
        %dma_wait3A_272 = arith.constant 0 : i32
        %dma_wait3A_273 = arith.constant 0 : i32
        %dma_wait3A_274 = tpu.memref_slice %arg3[%dma_wait3A_272, %dma_wait3A_273] : memref<2560x128xi32, #tpu.memory_space<hbm>> -> memref<2x128xi32, #tpu.memory_space<hbm>>
        %dma_wait3A_275 = arith.constant 0 : i32
        %dma_wait3A_276 = arith.constant 0 : i32
        %dma_wait3A_277 = tpu.memref_slice %arg6[%dma_wait3A_267, %dma_wait3A_275, %dma_wait3A_276] : memref<2x2x128xi32, #tpu.memory_space<vmem>> -> memref<1x2x128xi32, #tpu.memory_space<vmem>>
        %dma_wait3A_278 = tpu.memref_squeeze %dma_wait3A_277 : memref<1x2x128xi32, #tpu.memory_space<vmem>> -> memref<2x128xi32, #tpu.memory_space<vmem>>
        %dma_wait3A_279 = arith.constant 0 : i32
        %dma_wait3A_280 = arith.constant 0 : i32
        %dma_wait3A_281 = tpu.memref_slice %arg3[%dma_wait3A_279, %dma_wait3A_280] : memref<2560x128xi32, #tpu.memory_space<hbm>> -> memref<2x128xi32, #tpu.memory_space<hbm>>
        tpu.wait_dma2 semaphore(%arg11 : memref<!tpu.dma_semaphore, #tpu.memory_space<semaphore_mem>>) src(%dma_wait3A_281 : memref<2x128xi32, #tpu.memory_space<hbm>>) dst(%dma_wait3A_278 : memref<2x128xi32, #tpu.memory_space<vmem>>)
        %dma_wait3A_282 = arith.constant 0 : i32
        %dma_wait3A_283 = arith.constant 0 : i32
        %dma_wait3A_284 = arith.constant 0 : i32
        %dma_wait3A_285 = tpu.memref_slice %arg7[%dma_wait3A_282, %dma_wait3A_283, %dma_wait3A_284] : memref<2x2x128xi32, #tpu.memory_space<vmem>> -> memref<1x2x128xi32, #tpu.memory_space<vmem>>
        %dma_wait3A_286 = tpu.memref_squeeze %dma_wait3A_285 : memref<1x2x128xi32, #tpu.memory_space<vmem>> -> memref<2x128xi32, #tpu.memory_space<vmem>>
        %dma_wait3A_287 = arith.constant 0 : i32
        %dma_wait3A_288 = arith.constant 0 : i32
        %dma_wait3A_289 = tpu.memref_slice %arg4[%dma_wait3A_287, %dma_wait3A_288] : memref<2560x128xi32, #tpu.memory_space<hbm>> -> memref<2x128xi32, #tpu.memory_space<hbm>>
        %dma_wait3A_290 = arith.constant 0 : i32
        %dma_wait3A_291 = arith.constant 0 : i32
        %dma_wait3A_292 = tpu.memref_slice %arg7[%dma_wait3A_282, %dma_wait3A_290, %dma_wait3A_291] : memref<2x2x128xi32, #tpu.memory_space<vmem>> -> memref<1x2x128xi32, #tpu.memory_space<vmem>>
        %dma_wait3A_293 = tpu.memref_squeeze %dma_wait3A_292 : memref<1x2x128xi32, #tpu.memory_space<vmem>> -> memref<2x128xi32, #tpu.memory_space<vmem>>
        %dma_wait3A_294 = arith.constant 0 : i32
        %dma_wait3A_295 = arith.constant 0 : i32
        %dma_wait3A_296 = tpu.memref_slice %arg4[%dma_wait3A_294, %dma_wait3A_295] : memref<2560x128xi32, #tpu.memory_space<hbm>> -> memref<2x128xi32, #tpu.memory_space<hbm>>
        tpu.wait_dma2 semaphore(%arg11 : memref<!tpu.dma_semaphore, #tpu.memory_space<semaphore_mem>>) src(%dma_wait3A_296 : memref<2x128xi32, #tpu.memory_space<hbm>>) dst(%dma_wait3A_293 : memref<2x128xi32, #tpu.memory_space<vmem>>)
        %dma_wait3A_297 = arith.constant 1 : i32
        %dma_wait3A_298 = arith.constant 0 : i32
        %dma_wait3A_299 = arith.constant 0 : i32
        %dma_wait3A_300 = tpu.memref_slice %arg7[%dma_wait3A_297, %dma_wait3A_298, %dma_wait3A_299] : memref<2x2x128xi32, #tpu.memory_space<vmem>> -> memref<1x1x128xi32, #tpu.memory_space<vmem>>
        %dma_wait3A_301 = tpu.memref_squeeze %dma_wait3A_300 : memref<1x1x128xi32, #tpu.memory_space<vmem>> -> memref<128xi32, #tpu.memory_space<vmem>>
        %dma_wait3A_302 = arith.constant 0 : i32
        %dma_wait3A_303 = arith.constant 0 : i32
        %dma_wait3A_304 = tpu.memref_slice %arg10[%dma_wait3A_302, %dma_wait3A_303] : memref<10240x128xf32, #tpu.memory_space<vmem_shared>> -> memref<10240x128xf32, #tpu.memory_space<vmem_shared>>
        tpu.wait_indirect_dma semaphore(%arg15 : memref<!tpu.dma_semaphore, #tpu.memory_space<semaphore_mem>>) src(%arg8 : memref<128x128xf32, #tpu.memory_space<vmem>>) dst(%dma_wait3A_304 : memref<10240x128xf32, #tpu.memory_space<vmem_shared>>)
        %dma_start3A_305 = arith.constant 0 : i32
        %dma_start3A_306 = arith.constant 0 : i32
        %dma_start3A_307 = arith.constant 0 : i32
        %dma_start3A_308 = tpu.memref_slice %arg6[%dma_start3A_305, %dma_start3A_306, %dma_start3A_307] : memref<2x2x128xi32, #tpu.memory_space<vmem>> -> memref<1x1x128xi32, #tpu.memory_space<vmem>>
        %dma_start3A_309 = tpu.memref_squeeze %dma_start3A_308 : memref<1x1x128xi32, #tpu.memory_space<vmem>> -> memref<128xi32, #tpu.memory_space<vmem>>
        %dma_start3A_310 = arith.constant 0 : i32
        %dma_start3A_311 = arith.constant 0 : i32
        %dma_start3A_312 = tpu.memref_slice %arg2[%dma_start3A_310, %dma_start3A_311] : memref<10240x128xf32, #tpu.memory_space<hbm>> -> memref<10240x128xf32, #tpu.memory_space<hbm>>
        tpu.enqueue_indirect_dma source(%dma_start3A_312 : memref<10240x128xf32, #tpu.memory_space<hbm>>) target(%arg8 : memref<128x128xf32, #tpu.memory_space<vmem>>) offsets(%dma_start3A_309 : memref<128xi32, #tpu.memory_space<vmem>>) semaphore(%arg13 : memref<!tpu.dma_semaphore, #tpu.memory_space<semaphore_mem>>)
        %dma_wait3A_313 = arith.constant 1 : i32
        %dma_wait3A_314 = arith.constant 1 : i32
        %dma_wait3A_315 = arith.constant 0 : i32
        %dma_wait3A_316 = tpu.memref_slice %arg7[%dma_wait3A_313, %dma_wait3A_314, %dma_wait3A_315] : memref<2x2x128xi32, #tpu.memory_space<vmem>> -> memref<1x1x128xi32, #tpu.memory_space<vmem>>
        %dma_wait3A_317 = tpu.memref_squeeze %dma_wait3A_316 : memref<1x1x128xi32, #tpu.memory_space<vmem>> -> memref<128xi32, #tpu.memory_space<vmem>>
        %dma_wait3A_318 = arith.constant 0 : i32
        %dma_wait3A_319 = arith.constant 0 : i32
        %dma_wait3A_320 = tpu.memref_slice %arg10[%dma_wait3A_318, %dma_wait3A_319] : memref<10240x128xf32, #tpu.memory_space<vmem_shared>> -> memref<10240x128xf32, #tpu.memory_space<vmem_shared>>
        tpu.wait_indirect_dma semaphore(%arg16 : memref<!tpu.dma_semaphore, #tpu.memory_space<semaphore_mem>>) src(%arg9 : memref<128x128xf32, #tpu.memory_space<vmem>>) dst(%dma_wait3A_320 : memref<10240x128xf32, #tpu.memory_space<vmem_shared>>)
        %dma_start3A_321 = arith.constant 0 : i32
        %dma_start3A_322 = arith.constant 1 : i32
        %dma_start3A_323 = arith.constant 0 : i32
        %dma_start3A_324 = tpu.memref_slice %arg6[%dma_start3A_321, %dma_start3A_322, %dma_start3A_323] : memref<2x2x128xi32, #tpu.memory_space<vmem>> -> memref<1x1x128xi32, #tpu.memory_space<vmem>>
        %dma_start3A_325 = tpu.memref_squeeze %dma_start3A_324 : memref<1x1x128xi32, #tpu.memory_space<vmem>> -> memref<128xi32, #tpu.memory_space<vmem>>
        %dma_start3A_326 = arith.constant 0 : i32
        %dma_start3A_327 = arith.constant 0 : i32
        %dma_start3A_328 = tpu.memref_slice %arg2[%dma_start3A_326, %dma_start3A_327] : memref<10240x128xf32, #tpu.memory_space<hbm>> -> memref<10240x128xf32, #tpu.memory_space<hbm>>
        tpu.enqueue_indirect_dma source(%dma_start3A_328 : memref<10240x128xf32, #tpu.memory_space<hbm>>) target(%arg9 : memref<128x128xf32, #tpu.memory_space<vmem>>) offsets(%dma_start3A_325 : memref<128xi32, #tpu.memory_space<vmem>>) semaphore(%arg14 : memref<!tpu.dma_semaphore, #tpu.memory_space<semaphore_mem>>)
      } else {
      }
      %add3A_261 = arith.constant 2 : i32
      %add3A_262 = arith.addi %add3A_222, %add3A_261 : i32
      %lt3A_263 = arith.cmpi slt, %add3A_262, %select_n3A_10 : i32
      %convert_element_type3A_264 = arith.extui %lt3A_263 : i1 to i32
      %cond3A_265 = arith.constant 0 : i32
      %cond3A_266 = arith.cmpi ne, %convert_element_type3A_264, %cond3A_265 : i32
      scf.if %cond3A_266 {
        %add3A_267 = arith.constant 2 : i32
        %add3A_268 = arith.addi %add3A_222, %add3A_267 : i32
        %mul3A_269 = arith.constant 2 : i32
        %mul3A_270 = arith.muli %add3A_268, %mul3A_269 : i32
        %add3A_271 = arith.addi %select_n3A, %mul3A_270 : i32
        %dma_start3A_272 = arith.constant 1 : i32
        %dma_start3A_273 = arith.constant 0 : i32
        %dma_start3A_274 = arith.constant 0 : i32
        %dma_start3A_275 = tpu.memref_slice %arg6[%dma_start3A_272, %dma_start3A_273, %dma_start3A_274] : memref<2x2x128xi32, #tpu.memory_space<vmem>> -> memref<1x2x128xi32, #tpu.memory_space<vmem>>
        %dma_start3A_276 = tpu.memref_squeeze %dma_start3A_275 : memref<1x2x128xi32, #tpu.memory_space<vmem>> -> memref<2x128xi32, #tpu.memory_space<vmem>>
        %dma_start3A_277 = arith.constant 0 : i32
        %dma_start3A_278 = tpu.memref_slice %arg3[%add3A_271, %dma_start3A_277] : memref<2560x128xi32, #tpu.memory_space<hbm>> -> memref<2x128xi32, #tpu.memory_space<hbm>>
        %dma_start3A_279 = arith.constant 0 : i32
        %dma_start3A_280 = arith.constant 0 : i32
        %dma_start3A_281 = tpu.memref_slice %arg6[%dma_start3A_272, %dma_start3A_279, %dma_start3A_280] : memref<2x2x128xi32, #tpu.memory_space<vmem>> -> memref<1x2x128xi32, #tpu.memory_space<vmem>>
        %dma_start3A_282 = tpu.memref_squeeze %dma_start3A_281 : memref<1x2x128xi32, #tpu.memory_space<vmem>> -> memref<2x128xi32, #tpu.memory_space<vmem>>
        %dma_start3A_283 = arith.constant 0 : i32
        %dma_start3A_284 = tpu.memref_slice %arg3[%add3A_271, %dma_start3A_283] : memref<2560x128xi32, #tpu.memory_space<hbm>> -> memref<2x128xi32, #tpu.memory_space<hbm>>
        tpu.enqueue_dma source(%dma_start3A_284 : memref<2x128xi32, #tpu.memory_space<hbm>>) target(%dma_start3A_282 : memref<2x128xi32, #tpu.memory_space<vmem>>) target_semaphore(%arg12 : memref<!tpu.dma_semaphore, #tpu.memory_space<semaphore_mem>>)
        %dma_start3A_285 = arith.constant 1 : i32
        %dma_start3A_286 = arith.constant 0 : i32
        %dma_start3A_287 = arith.constant 0 : i32
        %dma_start3A_288 = tpu.memref_slice %arg7[%dma_start3A_285, %dma_start3A_286, %dma_start3A_287] : memref<2x2x128xi32, #tpu.memory_space<vmem>> -> memref<1x2x128xi32, #tpu.memory_space<vmem>>
        %dma_start3A_289 = tpu.memref_squeeze %dma_start3A_288 : memref<1x2x128xi32, #tpu.memory_space<vmem>> -> memref<2x128xi32, #tpu.memory_space<vmem>>
        %dma_start3A_290 = arith.constant 0 : i32
        %dma_start3A_291 = tpu.memref_slice %arg4[%add3A_271, %dma_start3A_290] : memref<2560x128xi32, #tpu.memory_space<hbm>> -> memref<2x128xi32, #tpu.memory_space<hbm>>
        %dma_start3A_292 = arith.constant 0 : i32
        %dma_start3A_293 = arith.constant 0 : i32
        %dma_start3A_294 = tpu.memref_slice %arg7[%dma_start3A_285, %dma_start3A_292, %dma_start3A_293] : memref<2x2x128xi32, #tpu.memory_space<vmem>> -> memref<1x2x128xi32, #tpu.memory_space<vmem>>
        %dma_start3A_295 = tpu.memref_squeeze %dma_start3A_294 : memref<1x2x128xi32, #tpu.memory_space<vmem>> -> memref<2x128xi32, #tpu.memory_space<vmem>>
        %dma_start3A_296 = arith.constant 0 : i32
        %dma_start3A_297 = tpu.memref_slice %arg4[%add3A_271, %dma_start3A_296] : memref<2560x128xi32, #tpu.memory_space<hbm>> -> memref<2x128xi32, #tpu.memory_space<hbm>>
        tpu.enqueue_dma source(%dma_start3A_297 : memref<2x128xi32, #tpu.memory_space<hbm>>) target(%dma_start3A_295 : memref<2x128xi32, #tpu.memory_space<vmem>>) target_semaphore(%arg12 : memref<!tpu.dma_semaphore, #tpu.memory_space<semaphore_mem>>)
      } else {
      }
    }
    %while3A_145 = arith.constant 1 : i32
    scf.for %while3A_173 = %while3A_143 to %while3A_139 step %while3A_145  : i32 {
      %mul3A_174 = arith.constant 2 : i32
      %mul3A_175 = arith.muli %mul3A_174, %while3A_173 : i32
      %dma_wait3A_176 = arith.constant 0 : i32
      %dma_wait3A_177 = arith.constant 0 : i32
      %dma_wait3A_178 = arith.constant 0 : i32
      %dma_wait3A_179 = tpu.memref_slice %arg6[%dma_wait3A_176, %dma_wait3A_177, %dma_wait3A_178] : memref<2x2x128xi32, #tpu.memory_space<vmem>> -> memref<1x1x128xi32, #tpu.memory_space<vmem>>
      %dma_wait3A_180 = tpu.memref_squeeze %dma_wait3A_179 : memref<1x1x128xi32, #tpu.memory_space<vmem>> -> memref<128xi32, #tpu.memory_space<vmem>>
      %dma_wait3A_181 = arith.constant 0 : i32
      %dma_wait3A_182 = arith.constant 0 : i32
      %dma_wait3A_183 = tpu.memref_slice %arg2[%dma_wait3A_181, %dma_wait3A_182] : memref<10240x128xf32, #tpu.memory_space<hbm>> -> memref<10240x128xf32, #tpu.memory_space<hbm>>
      tpu.wait_indirect_dma semaphore(%arg13 : memref<!tpu.dma_semaphore, #tpu.memory_space<semaphore_mem>>) src(%dma_wait3A_183 : memref<10240x128xf32, #tpu.memory_space<hbm>>) dst(%arg8 : memref<128x128xf32, #tpu.memory_space<vmem>>)
      %dma_start3A_184 = arith.constant 0 : i32
      %dma_start3A_185 = arith.constant 0 : i32
      %dma_start3A_186 = arith.constant 0 : i32
      %dma_start3A_187 = tpu.memref_slice %arg7[%dma_start3A_184, %dma_start3A_185, %dma_start3A_186] : memref<2x2x128xi32, #tpu.memory_space<vmem>> -> memref<1x1x128xi32, #tpu.memory_space<vmem>>
      %dma_start3A_188 = tpu.memref_squeeze %dma_start3A_187 : memref<1x1x128xi32, #tpu.memory_space<vmem>> -> memref<128xi32, #tpu.memory_space<vmem>>
      %dma_start3A_189 = arith.constant 0 : i32
      %dma_start3A_190 = arith.constant 0 : i32
      %dma_start3A_191 = tpu.memref_slice %arg10[%dma_start3A_189, %dma_start3A_190] : memref<10240x128xf32, #tpu.memory_space<vmem_shared>> -> memref<10240x128xf32, #tpu.memory_space<vmem_shared>>
      tpu.enqueue_indirect_dma source(%arg8 : memref<128x128xf32, #tpu.memory_space<vmem>>) target(%dma_start3A_191 : memref<10240x128xf32, #tpu.memory_space<vmem_shared>>) offsets(%dma_start3A_188 : memref<128xi32, #tpu.memory_space<vmem>>) semaphore(%arg15 : memref<!tpu.dma_semaphore, #tpu.memory_space<semaphore_mem>>) {add = true}
      %dma_wait3A_192 = arith.constant 0 : i32
      %dma_wait3A_193 = arith.constant 1 : i32
      %dma_wait3A_194 = arith.constant 0 : i32
      %dma_wait3A_195 = tpu.memref_slice %arg6[%dma_wait3A_192, %dma_wait3A_193, %dma_wait3A_194] : memref<2x2x128xi32, #tpu.memory_space<vmem>> -> memref<1x1x128xi32, #tpu.memory_space<vmem>>
      %dma_wait3A_196 = tpu.memref_squeeze %dma_wait3A_195 : memref<1x1x128xi32, #tpu.memory_space<vmem>> -> memref<128xi32, #tpu.memory_space<vmem>>
      %dma_wait3A_197 = arith.constant 0 : i32
      %dma_wait3A_198 = arith.constant 0 : i32
      %dma_wait3A_199 = tpu.memref_slice %arg2[%dma_wait3A_197, %dma_wait3A_198] : memref<10240x128xf32, #tpu.memory_space<hbm>> -> memref<10240x128xf32, #tpu.memory_space<hbm>>
      tpu.wait_indirect_dma semaphore(%arg14 : memref<!tpu.dma_semaphore, #tpu.memory_space<semaphore_mem>>) src(%dma_wait3A_199 : memref<10240x128xf32, #tpu.memory_space<hbm>>) dst(%arg9 : memref<128x128xf32, #tpu.memory_space<vmem>>)
      %dma_start3A_200 = arith.constant 0 : i32
      %dma_start3A_201 = arith.constant 1 : i32
      %dma_start3A_202 = arith.constant 0 : i32
      %dma_start3A_203 = tpu.memref_slice %arg7[%dma_start3A_200, %dma_start3A_201, %dma_start3A_202] : memref<2x2x128xi32, #tpu.memory_space<vmem>> -> memref<1x1x128xi32, #tpu.memory_space<vmem>>
      %dma_start3A_204 = tpu.memref_squeeze %dma_start3A_203 : memref<1x1x128xi32, #tpu.memory_space<vmem>> -> memref<128xi32, #tpu.memory_space<vmem>>
      %dma_start3A_205 = arith.constant 0 : i32
      %dma_start3A_206 = arith.constant 0 : i32
      %dma_start3A_207 = tpu.memref_slice %arg10[%dma_start3A_205, %dma_start3A_206] : memref<10240x128xf32, #tpu.memory_space<vmem_shared>> -> memref<10240x128xf32, #tpu.memory_space<vmem_shared>>
      tpu.enqueue_indirect_dma source(%arg9 : memref<128x128xf32, #tpu.memory_space<vmem>>) target(%dma_start3A_207 : memref<10240x128xf32, #tpu.memory_space<vmem_shared>>) offsets(%dma_start3A_204 : memref<128xi32, #tpu.memory_space<vmem>>) semaphore(%arg16 : memref<!tpu.dma_semaphore, #tpu.memory_space<semaphore_mem>>) {add = true}
      %add3A_208 = arith.constant 1 : i32
      %add3A_209 = arith.addi %mul3A_175, %add3A_208 : i32
      %lt3A = arith.cmpi slt, %add3A_209, %select_n3A_10 : i32
      %convert_element_type3A_210 = arith.extui %lt3A : i1 to i32
      %cond3A_211 = arith.constant 0 : i32
      %cond3A_212 = arith.cmpi ne, %convert_element_type3A_210, %cond3A_211 : i32
      scf.if %cond3A_212 {
        %dma_wait3A_267 = arith.constant 1 : i32
        %dma_wait3A_268 = arith.constant 0 : i32
        %dma_wait3A_269 = arith.constant 0 : i32
        %dma_wait3A_270 = tpu.memref_slice %arg6[%dma_wait3A_267, %dma_wait3A_268, %dma_wait3A_269] : memref<2x2x128xi32, #tpu.memory_space<vmem>> -> memref<1x2x128xi32, #tpu.memory_space<vmem>>
        %dma_wait3A_271 = tpu.memref_squeeze %dma_wait3A_270 : memref<1x2x128xi32, #tpu.memory_space<vmem>> -> memref<2x128xi32, #tpu.memory_space<vmem>>
        %dma_wait3A_272 = arith.constant 0 : i32
        %dma_wait3A_273 = arith.constant 0 : i32
        %dma_wait3A_274 = tpu.memref_slice %arg3[%dma_wait3A_272, %dma_wait3A_273] : memref<2560x128xi32, #tpu.memory_space<hbm>> -> memref<2x128xi32, #tpu.memory_space<hbm>>
        %dma_wait3A_275 = arith.constant 0 : i32
        %dma_wait3A_276 = arith.constant 0 : i32
        %dma_wait3A_277 = tpu.memref_slice %arg6[%dma_wait3A_267, %dma_wait3A_275, %dma_wait3A_276] : memref<2x2x128xi32, #tpu.memory_space<vmem>> -> memref<1x2x128xi32, #tpu.memory_space<vmem>>
        %dma_wait3A_278 = tpu.memref_squeeze %dma_wait3A_277 : memref<1x2x128xi32, #tpu.memory_space<vmem>> -> memref<2x128xi32, #tpu.memory_space<vmem>>
        %dma_wait3A_279 = arith.constant 0 : i32
        %dma_wait3A_280 = arith.constant 0 : i32
        %dma_wait3A_281 = tpu.memref_slice %arg3[%dma_wait3A_279, %dma_wait3A_280] : memref<2560x128xi32, #tpu.memory_space<hbm>> -> memref<2x128xi32, #tpu.memory_space<hbm>>
        tpu.wait_dma2 semaphore(%arg12 : memref<!tpu.dma_semaphore, #tpu.memory_space<semaphore_mem>>) src(%dma_wait3A_281 : memref<2x128xi32, #tpu.memory_space<hbm>>) dst(%dma_wait3A_278 : memref<2x128xi32, #tpu.memory_space<vmem>>)
        %dma_wait3A_282 = arith.constant 1 : i32
        %dma_wait3A_283 = arith.constant 0 : i32
        %dma_wait3A_284 = arith.constant 0 : i32
        %dma_wait3A_285 = tpu.memref_slice %arg7[%dma_wait3A_282, %dma_wait3A_283, %dma_wait3A_284] : memref<2x2x128xi32, #tpu.memory_space<vmem>> -> memref<1x2x128xi32, #tpu.memory_space<vmem>>
        %dma_wait3A_286 = tpu.memref_squeeze %dma_wait3A_285 : memref<1x2x128xi32, #tpu.memory_space<vmem>> -> memref<2x128xi32, #tpu.memory_space<vmem>>
        %dma_wait3A_287 = arith.constant 0 : i32
        %dma_wait3A_288 = arith.constant 0 : i32
        %dma_wait3A_289 = tpu.memref_slice %arg4[%dma_wait3A_287, %dma_wait3A_288] : memref<2560x128xi32, #tpu.memory_space<hbm>> -> memref<2x128xi32, #tpu.memory_space<hbm>>
        %dma_wait3A_290 = arith.constant 0 : i32
        %dma_wait3A_291 = arith.constant 0 : i32
        %dma_wait3A_292 = tpu.memref_slice %arg7[%dma_wait3A_282, %dma_wait3A_290, %dma_wait3A_291] : memref<2x2x128xi32, #tpu.memory_space<vmem>> -> memref<1x2x128xi32, #tpu.memory_space<vmem>>
        %dma_wait3A_293 = tpu.memref_squeeze %dma_wait3A_292 : memref<1x2x128xi32, #tpu.memory_space<vmem>> -> memref<2x128xi32, #tpu.memory_space<vmem>>
        %dma_wait3A_294 = arith.constant 0 : i32
        %dma_wait3A_295 = arith.constant 0 : i32
        %dma_wait3A_296 = tpu.memref_slice %arg4[%dma_wait3A_294, %dma_wait3A_295] : memref<2560x128xi32, #tpu.memory_space<hbm>> -> memref<2x128xi32, #tpu.memory_space<hbm>>
        tpu.wait_dma2 semaphore(%arg12 : memref<!tpu.dma_semaphore, #tpu.memory_space<semaphore_mem>>) src(%dma_wait3A_296 : memref<2x128xi32, #tpu.memory_space<hbm>>) dst(%dma_wait3A_293 : memref<2x128xi32, #tpu.memory_space<vmem>>)
        %dma_wait3A_297 = arith.constant 0 : i32
        %dma_wait3A_298 = arith.constant 0 : i32
        %dma_wait3A_299 = arith.constant 0 : i32
        %dma_wait3A_300 = tpu.memref_slice %arg7[%dma_wait3A_297, %dma_wait3A_298, %dma_wait3A_299] : memref<2x2x128xi32, #tpu.memory_space<vmem>> -> memref<1x1x128xi32, #tpu.memory_space<vmem>>
        %dma_wait3A_301 = tpu.memref_squeeze %dma_wait3A_300 : memref<1x1x128xi32, #tpu.memory_space<vmem>> -> memref<128xi32, #tpu.memory_space<vmem>>
        %dma_wait3A_302 = arith.constant 0 : i32
        %dma_wait3A_303 = arith.constant 0 : i32
        %dma_wait3A_304 = tpu.memref_slice %arg10[%dma_wait3A_302, %dma_wait3A_303] : memref<10240x128xf32, #tpu.memory_space<vmem_shared>> -> memref<10240x128xf32, #tpu.memory_space<vmem_shared>>
        tpu.wait_indirect_dma semaphore(%arg15 : memref<!tpu.dma_semaphore, #tpu.memory_space<semaphore_mem>>) src(%arg8 : memref<128x128xf32, #tpu.memory_space<vmem>>) dst(%dma_wait3A_304 : memref<10240x128xf32, #tpu.memory_space<vmem_shared>>)
        %dma_start3A_305 = arith.constant 1 : i32
        %dma_start3A_306 = arith.constant 0 : i32
        %dma_start3A_307 = arith.constant 0 : i32
        %dma_start3A_308 = tpu.memref_slice %arg6[%dma_start3A_305, %dma_start3A_306, %dma_start3A_307] : memref<2x2x128xi32, #tpu.memory_space<vmem>> -> memref<1x1x128xi32, #tpu.memory_space<vmem>>
        %dma_start3A_309 = tpu.memref_squeeze %dma_start3A_308 : memref<1x1x128xi32, #tpu.memory_space<vmem>> -> memref<128xi32, #tpu.memory_space<vmem>>
        %dma_start3A_310 = arith.constant 0 : i32
        %dma_start3A_311 = arith.constant 0 : i32
        %dma_start3A_312 = tpu.memref_slice %arg2[%dma_start3A_310, %dma_start3A_311] : memref<10240x128xf32, #tpu.memory_space<hbm>> -> memref<10240x128xf32, #tpu.memory_space<hbm>>
        tpu.enqueue_indirect_dma source(%dma_start3A_312 : memref<10240x128xf32, #tpu.memory_space<hbm>>) target(%arg8 : memref<128x128xf32, #tpu.memory_space<vmem>>) offsets(%dma_start3A_309 : memref<128xi32, #tpu.memory_space<vmem>>) semaphore(%arg13 : memref<!tpu.dma_semaphore, #tpu.memory_space<semaphore_mem>>)
        %dma_wait3A_313 = arith.constant 0 : i32
        %dma_wait3A_314 = arith.constant 1 : i32
        %dma_wait3A_315 = arith.constant 0 : i32
        %dma_wait3A_316 = tpu.memref_slice %arg7[%dma_wait3A_313, %dma_wait3A_314, %dma_wait3A_315] : memref<2x2x128xi32, #tpu.memory_space<vmem>> -> memref<1x1x128xi32, #tpu.memory_space<vmem>>
        %dma_wait3A_317 = tpu.memref_squeeze %dma_wait3A_316 : memref<1x1x128xi32, #tpu.memory_space<vmem>> -> memref<128xi32, #tpu.memory_space<vmem>>
        %dma_wait3A_318 = arith.constant 0 : i32
        %dma_wait3A_319 = arith.constant 0 : i32
        %dma_wait3A_320 = tpu.memref_slice %arg10[%dma_wait3A_318, %dma_wait3A_319] : memref<10240x128xf32, #tpu.memory_space<vmem_shared>> -> memref<10240x128xf32, #tpu.memory_space<vmem_shared>>
        tpu.wait_indirect_dma semaphore(%arg16 : memref<!tpu.dma_semaphore, #tpu.memory_space<semaphore_mem>>) src(%arg9 : memref<128x128xf32, #tpu.memory_space<vmem>>) dst(%dma_wait3A_320 : memref<10240x128xf32, #tpu.memory_space<vmem_shared>>)
        %dma_start3A_321 = arith.constant 1 : i32
        %dma_start3A_322 = arith.constant 1 : i32
        %dma_start3A_323 = arith.constant 0 : i32
        %dma_start3A_324 = tpu.memref_slice %arg6[%dma_start3A_321, %dma_start3A_322, %dma_start3A_323] : memref<2x2x128xi32, #tpu.memory_space<vmem>> -> memref<1x1x128xi32, #tpu.memory_space<vmem>>
        %dma_start3A_325 = tpu.memref_squeeze %dma_start3A_324 : memref<1x1x128xi32, #tpu.memory_space<vmem>> -> memref<128xi32, #tpu.memory_space<vmem>>
        %dma_start3A_326 = arith.constant 0 : i32
        %dma_start3A_327 = arith.constant 0 : i32
        %dma_start3A_328 = tpu.memref_slice %arg2[%dma_start3A_326, %dma_start3A_327] : memref<10240x128xf32, #tpu.memory_space<hbm>> -> memref<10240x128xf32, #tpu.memory_space<hbm>>
        tpu.enqueue_indirect_dma source(%dma_start3A_328 : memref<10240x128xf32, #tpu.memory_space<hbm>>) target(%arg9 : memref<128x128xf32, #tpu.memory_space<vmem>>) offsets(%dma_start3A_325 : memref<128xi32, #tpu.memory_space<vmem>>) semaphore(%arg14 : memref<!tpu.dma_semaphore, #tpu.memory_space<semaphore_mem>>)
      } else {
      }
      %add3A_213 = arith.constant 2 : i32
      %add3A_214 = arith.addi %mul3A_175, %add3A_213 : i32
      %lt3A_215 = arith.cmpi slt, %add3A_214, %select_n3A_10 : i32
      %convert_element_type3A_216 = arith.extui %lt3A_215 : i1 to i32
      %cond3A_217 = arith.constant 0 : i32
      %cond3A_218 = arith.cmpi ne, %convert_element_type3A_216, %cond3A_217 : i32
      scf.if %cond3A_218 {
        %add3A_267 = arith.constant 2 : i32
        %add3A_268 = arith.addi %mul3A_175, %add3A_267 : i32
        %mul3A_269 = arith.constant 2 : i32
        %mul3A_270 = arith.muli %add3A_268, %mul3A_269 : i32
        %add3A_271 = arith.addi %select_n3A, %mul3A_270 : i32
        %dma_start3A_272 = arith.constant 0 : i32
        %dma_start3A_273 = arith.constant 0 : i32
        %dma_start3A_274 = arith.constant 0 : i32
        %dma_start3A_275 = tpu.memref_slice %arg6[%dma_start3A_272, %dma_start3A_273, %dma_start3A_274] : memref<2x2x128xi32, #tpu.memory_space<vmem>> -> memref<1x2x128xi32, #tpu.memory_space<vmem>>
        %dma_start3A_276 = tpu.memref_squeeze %dma_start3A_275 : memref<1x2x128xi32, #tpu.memory_space<vmem>> -> memref<2x128xi32, #tpu.memory_space<vmem>>
        %dma_start3A_277 = arith.constant 0 : i32
        %dma_start3A_278 = tpu.memref_slice %arg3[%add3A_271, %dma_start3A_277] : memref<2560x128xi32, #tpu.memory_space<hbm>> -> memref<2x128xi32, #tpu.memory_space<hbm>>
        %dma_start3A_279 = arith.constant 0 : i32
        %dma_start3A_280 = arith.constant 0 : i32
        %dma_start3A_281 = tpu.memref_slice %arg6[%dma_start3A_272, %dma_start3A_279, %dma_start3A_280] : memref<2x2x128xi32, #tpu.memory_space<vmem>> -> memref<1x2x128xi32, #tpu.memory_space<vmem>>
        %dma_start3A_282 = tpu.memref_squeeze %dma_start3A_281 : memref<1x2x128xi32, #tpu.memory_space<vmem>> -> memref<2x128xi32, #tpu.memory_space<vmem>>
        %dma_start3A_283 = arith.constant 0 : i32
        %dma_start3A_284 = tpu.memref_slice %arg3[%add3A_271, %dma_start3A_283] : memref<2560x128xi32, #tpu.memory_space<hbm>> -> memref<2x128xi32, #tpu.memory_space<hbm>>
        tpu.enqueue_dma source(%dma_start3A_284 : memref<2x128xi32, #tpu.memory_space<hbm>>) target(%dma_start3A_282 : memref<2x128xi32, #tpu.memory_space<vmem>>) target_semaphore(%arg11 : memref<!tpu.dma_semaphore, #tpu.memory_space<semaphore_mem>>)
        %dma_start3A_285 = arith.constant 0 : i32
        %dma_start3A_286 = arith.constant 0 : i32
        %dma_start3A_287 = arith.constant 0 : i32
        %dma_start3A_288 = tpu.memref_slice %arg7[%dma_start3A_285, %dma_start3A_286, %dma_start3A_287] : memref<2x2x128xi32, #tpu.memory_space<vmem>> -> memref<1x2x128xi32, #tpu.memory_space<vmem>>
        %dma_start3A_289 = tpu.memref_squeeze %dma_start3A_288 : memref<1x2x128xi32, #tpu.memory_space<vmem>> -> memref<2x128xi32, #tpu.memory_space<vmem>>
        %dma_start3A_290 = arith.constant 0 : i32
        %dma_start3A_291 = tpu.memref_slice %arg4[%add3A_271, %dma_start3A_290] : memref<2560x128xi32, #tpu.memory_space<hbm>> -> memref<2x128xi32, #tpu.memory_space<hbm>>
        %dma_start3A_292 = arith.constant 0 : i32
        %dma_start3A_293 = arith.constant 0 : i32
        %dma_start3A_294 = tpu.memref_slice %arg7[%dma_start3A_285, %dma_start3A_292, %dma_start3A_293] : memref<2x2x128xi32, #tpu.memory_space<vmem>> -> memref<1x2x128xi32, #tpu.memory_space<vmem>>
        %dma_start3A_295 = tpu.memref_squeeze %dma_start3A_294 : memref<1x2x128xi32, #tpu.memory_space<vmem>> -> memref<2x128xi32, #tpu.memory_space<vmem>>
        %dma_start3A_296 = arith.constant 0 : i32
        %dma_start3A_297 = tpu.memref_slice %arg4[%add3A_271, %dma_start3A_296] : memref<2560x128xi32, #tpu.memory_space<hbm>> -> memref<2x128xi32, #tpu.memory_space<hbm>>
        tpu.enqueue_dma source(%dma_start3A_297 : memref<2x128xi32, #tpu.memory_space<hbm>>) target(%dma_start3A_295 : memref<2x128xi32, #tpu.memory_space<vmem>>) target_semaphore(%arg11 : memref<!tpu.dma_semaphore, #tpu.memory_space<semaphore_mem>>)
      } else {
      }
      %mul3A_219 = arith.constant 2 : i32
      %mul3A_220 = arith.muli %mul3A_219, %while3A_173 : i32
      %add3A_221 = arith.constant 1 : i32
      %add3A_222 = arith.addi %mul3A_220, %add3A_221 : i32
      %dma_wait3A_223 = arith.constant 1 : i32
      %dma_wait3A_224 = arith.constant 0 : i32
      %dma_wait3A_225 = arith.constant 0 : i32
      %dma_wait3A_226 = tpu.memref_slice %arg6[%dma_wait3A_223, %dma_wait3A_224, %dma_wait3A_225] : memref<2x2x128xi32, #tpu.memory_space<vmem>> -> memref<1x1x128xi32, #tpu.memory_space<vmem>>
      %dma_wait3A_227 = tpu.memref_squeeze %dma_wait3A_226 : memref<1x1x128xi32, #tpu.memory_space<vmem>> -> memref<128xi32, #tpu.memory_space<vmem>>
      %dma_wait3A_228 = arith.constant 0 : i32
      %dma_wait3A_229 = arith.constant 0 : i32
      %dma_wait3A_230 = tpu.memref_slice %arg2[%dma_wait3A_228, %dma_wait3A_229] : memref<10240x128xf32, #tpu.memory_space<hbm>> -> memref<10240x128xf32, #tpu.memory_space<hbm>>
      tpu.wait_indirect_dma semaphore(%arg13 : memref<!tpu.dma_semaphore, #tpu.memory_space<semaphore_mem>>) src(%dma_wait3A_230 : memref<10240x128xf32, #tpu.memory_space<hbm>>) dst(%arg8 : memref<128x128xf32, #tpu.memory_space<vmem>>)
      %dma_start3A_231 = arith.constant 1 : i32
      %dma_start3A_232 = arith.constant 0 : i32
      %dma_start3A_233 = arith.constant 0 : i32
      %dma_start3A_234 = tpu.memref_slice %arg7[%dma_start3A_231, %dma_start3A_232, %dma_start3A_233] : memref<2x2x128xi32, #tpu.memory_space<vmem>> -> memref<1x1x128xi32, #tpu.memory_space<vmem>>
      %dma_start3A_235 = tpu.memref_squeeze %dma_start3A_234 : memref<1x1x128xi32, #tpu.memory_space<vmem>> -> memref<128xi32, #tpu.memory_space<vmem>>
      %dma_start3A_236 = arith.constant 0 : i32
      %dma_start3A_237 = arith.constant 0 : i32
      %dma_start3A_238 = tpu.memref_slice %arg10[%dma_start3A_236, %dma_start3A_237] : memref<10240x128xf32, #tpu.memory_space<vmem_shared>> -> memref<10240x128xf32, #tpu.memory_space<vmem_shared>>
      tpu.enqueue_indirect_dma source(%arg8 : memref<128x128xf32, #tpu.memory_space<vmem>>) target(%dma_start3A_238 : memref<10240x128xf32, #tpu.memory_space<vmem_shared>>) offsets(%dma_start3A_235 : memref<128xi32, #tpu.memory_space<vmem>>) semaphore(%arg15 : memref<!tpu.dma_semaphore, #tpu.memory_space<semaphore_mem>>) {add = true}
      %dma_wait3A_239 = arith.constant 1 : i32
      %dma_wait3A_240 = arith.constant 1 : i32
      %dma_wait3A_241 = arith.constant 0 : i32
      %dma_wait3A_242 = tpu.memref_slice %arg6[%dma_wait3A_239, %dma_wait3A_240, %dma_wait3A_241] : memref<2x2x128xi32, #tpu.memory_space<vmem>> -> memref<1x1x128xi32, #tpu.memory_space<vmem>>
      %dma_wait3A_243 = tpu.memref_squeeze %dma_wait3A_242 : memref<1x1x128xi32, #tpu.memory_space<vmem>> -> memref<128xi32, #tpu.memory_space<vmem>>
      %dma_wait3A_244 = arith.constant 0 : i32
      %dma_wait3A_245 = arith.constant 0 : i32
      %dma_wait3A_246 = tpu.memref_slice %arg2[%dma_wait3A_244, %dma_wait3A_245] : memref<10240x128xf32, #tpu.memory_space<hbm>> -> memref<10240x128xf32, #tpu.memory_space<hbm>>
      tpu.wait_indirect_dma semaphore(%arg14 : memref<!tpu.dma_semaphore, #tpu.memory_space<semaphore_mem>>) src(%dma_wait3A_246 : memref<10240x128xf32, #tpu.memory_space<hbm>>) dst(%arg9 : memref<128x128xf32, #tpu.memory_space<vmem>>)
      %dma_start3A_247 = arith.constant 1 : i32
      %dma_start3A_248 = arith.constant 1 : i32
      %dma_start3A_249 = arith.constant 0 : i32
      %dma_start3A_250 = tpu.memref_slice %arg7[%dma_start3A_247, %dma_start3A_248, %dma_start3A_249] : memref<2x2x128xi32, #tpu.memory_space<vmem>> -> memref<1x1x128xi32, #tpu.memory_space<vmem>>
      %dma_start3A_251 = tpu.memref_squeeze %dma_start3A_250 : memref<1x1x128xi32, #tpu.memory_space<vmem>> -> memref<128xi32, #tpu.memory_space<vmem>>
      %dma_start3A_252 = arith.constant 0 : i32
      %dma_start3A_253 = arith.constant 0 : i32
      %dma_start3A_254 = tpu.memref_slice %arg10[%dma_start3A_252, %dma_start3A_253] : memref<10240x128xf32, #tpu.memory_space<vmem_shared>> -> memref<10240x128xf32, #tpu.memory_space<vmem_shared>>
      tpu.enqueue_indirect_dma source(%arg9 : memref<128x128xf32, #tpu.memory_space<vmem>>) target(%dma_start3A_254 : memref<10240x128xf32, #tpu.memory_space<vmem_shared>>) offsets(%dma_start3A_251 : memref<128xi32, #tpu.memory_space<vmem>>) semaphore(%arg16 : memref<!tpu.dma_semaphore, #tpu.memory_space<semaphore_mem>>) {add = true}
      %add3A_255 = arith.constant 1 : i32
      %add3A_256 = arith.addi %add3A_222, %add3A_255 : i32
      %lt3A_257 = arith.cmpi slt, %add3A_256, %select_n3A_10 : i32
      %convert_element_type3A_258 = arith.extui %lt3A_257 : i1 to i32
      %cond3A_259 = arith.constant 0 : i32
      %cond3A_260 = arith.cmpi ne, %convert_element_type3A_258, %cond3A_259 : i32
      scf.if %cond3A_260 {
        %dma_wait3A_267 = arith.constant 0 : i32
        %dma_wait3A_268 = arith.constant 0 : i32
        %dma_wait3A_269 = arith.constant 0 : i32
        %dma_wait3A_270 = tpu.memref_slice %arg6[%dma_wait3A_267, %dma_wait3A_268, %dma_wait3A_269] : memref<2x2x128xi32, #tpu.memory_space<vmem>> -> memref<1x2x128xi32, #tpu.memory_space<vmem>>
        %dma_wait3A_271 = tpu.memref_squeeze %dma_wait3A_270 : memref<1x2x128xi32, #tpu.memory_space<vmem>> -> memref<2x128xi32, #tpu.memory_space<vmem>>
        %dma_wait3A_272 = arith.constant 0 : i32
        %dma_wait3A_273 = arith.constant 0 : i32
        %dma_wait3A_274 = tpu.memref_slice %arg3[%dma_wait3A_272, %dma_wait3A_273] : memref<2560x128xi32, #tpu.memory_space<hbm>> -> memref<2x128xi32, #tpu.memory_space<hbm>>
        %dma_wait3A_275 = arith.constant 0 : i32
        %dma_wait3A_276 = arith.constant 0 : i32
        %dma_wait3A_277 = tpu.memref_slice %arg6[%dma_wait3A_267, %dma_wait3A_275, %dma_wait3A_276] : memref<2x2x128xi32, #tpu.memory_space<vmem>> -> memref<1x2x128xi32, #tpu.memory_space<vmem>>
        %dma_wait3A_278 = tpu.memref_squeeze %dma_wait3A_277 : memref<1x2x128xi32, #tpu.memory_space<vmem>> -> memref<2x128xi32, #tpu.memory_space<vmem>>
        %dma_wait3A_279 = arith.constant 0 : i32
        %dma_wait3A_280 = arith.constant 0 : i32
        %dma_wait3A_281 = tpu.memref_slice %arg3[%dma_wait3A_279, %dma_wait3A_280] : memref<2560x128xi32, #tpu.memory_space<hbm>> -> memref<2x128xi32, #tpu.memory_space<hbm>>
        tpu.wait_dma2 semaphore(%arg11 : memref<!tpu.dma_semaphore, #tpu.memory_space<semaphore_mem>>) src(%dma_wait3A_281 : memref<2x128xi32, #tpu.memory_space<hbm>>) dst(%dma_wait3A_278 : memref<2x128xi32, #tpu.memory_space<vmem>>)
        %dma_wait3A_282 = arith.constant 0 : i32
        %dma_wait3A_283 = arith.constant 0 : i32
        %dma_wait3A_284 = arith.constant 0 : i32
        %dma_wait3A_285 = tpu.memref_slice %arg7[%dma_wait3A_282, %dma_wait3A_283, %dma_wait3A_284] : memref<2x2x128xi32, #tpu.memory_space<vmem>> -> memref<1x2x128xi32, #tpu.memory_space<vmem>>
        %dma_wait3A_286 = tpu.memref_squeeze %dma_wait3A_285 : memref<1x2x128xi32, #tpu.memory_space<vmem>> -> memref<2x128xi32, #tpu.memory_space<vmem>>
        %dma_wait3A_287 = arith.constant 0 : i32
        %dma_wait3A_288 = arith.constant 0 : i32
        %dma_wait3A_289 = tpu.memref_slice %arg4[%dma_wait3A_287, %dma_wait3A_288] : memref<2560x128xi32, #tpu.memory_space<hbm>> -> memref<2x128xi32, #tpu.memory_space<hbm>>
        %dma_wait3A_290 = arith.constant 0 : i32
        %dma_wait3A_291 = arith.constant 0 : i32
        %dma_wait3A_292 = tpu.memref_slice %arg7[%dma_wait3A_282, %dma_wait3A_290, %dma_wait3A_291] : memref<2x2x128xi32, #tpu.memory_space<vmem>> -> memref<1x2x128xi32, #tpu.memory_space<vmem>>
        %dma_wait3A_293 = tpu.memref_squeeze %dma_wait3A_292 : memref<1x2x128xi32, #tpu.memory_space<vmem>> -> memref<2x128xi32, #tpu.memory_space<vmem>>
        %dma_wait3A_294 = arith.constant 0 : i32
        %dma_wait3A_295 = arith.constant 0 : i32
        %dma_wait3A_296 = tpu.memref_slice %arg4[%dma_wait3A_294, %dma_wait3A_295] : memref<2560x128xi32, #tpu.memory_space<hbm>> -> memref<2x128xi32, #tpu.memory_space<hbm>>
        tpu.wait_dma2 semaphore(%arg11 : memref<!tpu.dma_semaphore, #tpu.memory_space<semaphore_mem>>) src(%dma_wait3A_296 : memref<2x128xi32, #tpu.memory_space<hbm>>) dst(%dma_wait3A_293 : memref<2x128xi32, #tpu.memory_space<vmem>>)
        %dma_wait3A_297 = arith.constant 1 : i32
        %dma_wait3A_298 = arith.constant 0 : i32
        %dma_wait3A_299 = arith.constant 0 : i32
        %dma_wait3A_300 = tpu.memref_slice %arg7[%dma_wait3A_297, %dma_wait3A_298, %dma_wait3A_299] : memref<2x2x128xi32, #tpu.memory_space<vmem>> -> memref<1x1x128xi32, #tpu.memory_space<vmem>>
        %dma_wait3A_301 = tpu.memref_squeeze %dma_wait3A_300 : memref<1x1x128xi32, #tpu.memory_space<vmem>> -> memref<128xi32, #tpu.memory_space<vmem>>
        %dma_wait3A_302 = arith.constant 0 : i32
        %dma_wait3A_303 = arith.constant 0 : i32
        %dma_wait3A_304 = tpu.memref_slice %arg10[%dma_wait3A_302, %dma_wait3A_303] : memref<10240x128xf32, #tpu.memory_space<vmem_shared>> -> memref<10240x128xf32, #tpu.memory_space<vmem_shared>>
        tpu.wait_indirect_dma semaphore(%arg15 : memref<!tpu.dma_semaphore, #tpu.memory_space<semaphore_mem>>) src(%arg8 : memref<128x128xf32, #tpu.memory_space<vmem>>) dst(%dma_wait3A_304 : memref<10240x128xf32, #tpu.memory_space<vmem_shared>>)
        %dma_start3A_305 = arith.constant 0 : i32
        %dma_start3A_306 = arith.constant 0 : i32
        %dma_start3A_307 = arith.constant 0 : i32
        %dma_start3A_308 = tpu.memref_slice %arg6[%dma_start3A_305, %dma_start3A_306, %dma_start3A_307] : memref<2x2x128xi32, #tpu.memory_space<vmem>> -> memref<1x1x128xi32, #tpu.memory_space<vmem>>
        %dma_start3A_309 = tpu.memref_squeeze %dma_start3A_308 : memref<1x1x128xi32, #tpu.memory_space<vmem>> -> memref<128xi32, #tpu.memory_space<vmem>>
        %dma_start3A_310 = arith.constant 0 : i32
        %dma_start3A_311 = arith.constant 0 : i32
        %dma_start3A_312 = tpu.memref_slice %arg2[%dma_start3A_310, %dma_start3A_311] : memref<10240x128xf32, #tpu.memory_space<hbm>> -> memref<10240x128xf32, #tpu.memory_space<hbm>>
        tpu.enqueue_indirect_dma source(%dma_start3A_312 : memref<10240x128xf32, #tpu.memory_space<hbm>>) target(%arg8 : memref<128x128xf32, #tpu.memory_space<vmem>>) offsets(%dma_start3A_309 : memref<128xi32, #tpu.memory_space<vmem>>) semaphore(%arg13 : memref<!tpu.dma_semaphore, #tpu.memory_space<semaphore_mem>>)
        %dma_wait3A_313 = arith.constant 1 : i32
        %dma_wait3A_314 = arith.constant 1 : i32
        %dma_wait3A_315 = arith.constant 0 : i32
        %dma_wait3A_316 = tpu.memref_slice %arg7[%dma_wait3A_313, %dma_wait3A_314, %dma_wait3A_315] : memref<2x2x128xi32, #tpu.memory_space<vmem>> -> memref<1x1x128xi32, #tpu.memory_space<vmem>>
        %dma_wait3A_317 = tpu.memref_squeeze %dma_wait3A_316 : memref<1x1x128xi32, #tpu.memory_space<vmem>> -> memref<128xi32, #tpu.memory_space<vmem>>
        %dma_wait3A_318 = arith.constant 0 : i32
        %dma_wait3A_319 = arith.constant 0 : i32
        %dma_wait3A_320 = tpu.memref_slice %arg10[%dma_wait3A_318, %dma_wait3A_319] : memref<10240x128xf32, #tpu.memory_space<vmem_shared>> -> memref<10240x128xf32, #tpu.memory_space<vmem_shared>>
        tpu.wait_indirect_dma semaphore(%arg16 : memref<!tpu.dma_semaphore, #tpu.memory_space<semaphore_mem>>) src(%arg9 : memref<128x128xf32, #tpu.memory_space<vmem>>) dst(%dma_wait3A_320 : memref<10240x128xf32, #tpu.memory_space<vmem_shared>>)
        %dma_start3A_321 = arith.constant 0 : i32
        %dma_start3A_322 = arith.constant 1 : i32
        %dma_start3A_323 = arith.constant 0 : i32
        %dma_start3A_324 = tpu.memref_slice %arg6[%dma_start3A_321, %dma_start3A_322, %dma_start3A_323] : memref<2x2x128xi32, #tpu.memory_space<vmem>> -> memref<1x1x128xi32, #tpu.memory_space<vmem>>
        %dma_start3A_325 = tpu.memref_squeeze %dma_start3A_324 : memref<1x1x128xi32, #tpu.memory_space<vmem>> -> memref<128xi32, #tpu.memory_space<vmem>>
        %dma_start3A_326 = arith.constant 0 : i32
        %dma_start3A_327 = arith.constant 0 : i32
        %dma_start3A_328 = tpu.memref_slice %arg2[%dma_start3A_326, %dma_start3A_327] : memref<10240x128xf32, #tpu.memory_space<hbm>> -> memref<10240x128xf32, #tpu.memory_space<hbm>>
        tpu.enqueue_indirect_dma source(%dma_start3A_328 : memref<10240x128xf32, #tpu.memory_space<hbm>>) target(%arg9 : memref<128x128xf32, #tpu.memory_space<vmem>>) offsets(%dma_start3A_325 : memref<128xi32, #tpu.memory_space<vmem>>) semaphore(%arg14 : memref<!tpu.dma_semaphore, #tpu.memory_space<semaphore_mem>>)
      } else {
      }
      %add3A_261 = arith.constant 2 : i32
      %add3A_262 = arith.addi %add3A_222, %add3A_261 : i32
      %lt3A_263 = arith.cmpi slt, %add3A_262, %select_n3A_10 : i32
      %convert_element_type3A_264 = arith.extui %lt3A_263 : i1 to i32
      %cond3A_265 = arith.constant 0 : i32
      %cond3A_266 = arith.cmpi ne, %convert_element_type3A_264, %cond3A_265 : i32
      scf.if %cond3A_266 {
        %add3A_267 = arith.constant 2 : i32
        %add3A_268 = arith.addi %add3A_222, %add3A_267 : i32
        %mul3A_269 = arith.constant 2 : i32
        %mul3A_270 = arith.muli %add3A_268, %mul3A_269 : i32
        %add3A_271 = arith.addi %select_n3A, %mul3A_270 : i32
        %dma_start3A_272 = arith.constant 1 : i32
        %dma_start3A_273 = arith.constant 0 : i32
        %dma_start3A_274 = arith.constant 0 : i32
        %dma_start3A_275 = tpu.memref_slice %arg6[%dma_start3A_272, %dma_start3A_273, %dma_start3A_274] : memref<2x2x128xi32, #tpu.memory_space<vmem>> -> memref<1x2x128xi32, #tpu.memory_space<vmem>>
        %dma_start3A_276 = tpu.memref_squeeze %dma_start3A_275 : memref<1x2x128xi32, #tpu.memory_space<vmem>> -> memref<2x128xi32, #tpu.memory_space<vmem>>
        %dma_start3A_277 = arith.constant 0 : i32
        %dma_start3A_278 = tpu.memref_slice %arg3[%add3A_271, %dma_start3A_277] : memref<2560x128xi32, #tpu.memory_space<hbm>> -> memref<2x128xi32, #tpu.memory_space<hbm>>
        %dma_start3A_279 = arith.constant 0 : i32
        %dma_start3A_280 = arith.constant 0 : i32
        %dma_start3A_281 = tpu.memref_slice %arg6[%dma_start3A_272, %dma_start3A_279, %dma_start3A_280] : memref<2x2x128xi32, #tpu.memory_space<vmem>> -> memref<1x2x128xi32, #tpu.memory_space<vmem>>
        %dma_start3A_282 = tpu.memref_squeeze %dma_start3A_281 : memref<1x2x128xi32, #tpu.memory_space<vmem>> -> memref<2x128xi32, #tpu.memory_space<vmem>>
        %dma_start3A_283 = arith.constant 0 : i32
        %dma_start3A_284 = tpu.memref_slice %arg3[%add3A_271, %dma_start3A_283] : memref<2560x128xi32, #tpu.memory_space<hbm>> -> memref<2x128xi32, #tpu.memory_space<hbm>>
        tpu.enqueue_dma source(%dma_start3A_284 : memref<2x128xi32, #tpu.memory_space<hbm>>) target(%dma_start3A_282 : memref<2x128xi32, #tpu.memory_space<vmem>>) target_semaphore(%arg12 : memref<!tpu.dma_semaphore, #tpu.memory_space<semaphore_mem>>)
        %dma_start3A_285 = arith.constant 1 : i32
        %dma_start3A_286 = arith.constant 0 : i32
        %dma_start3A_287 = arith.constant 0 : i32
        %dma_start3A_288 = tpu.memref_slice %arg7[%dma_start3A_285, %dma_start3A_286, %dma_start3A_287] : memref<2x2x128xi32, #tpu.memory_space<vmem>> -> memref<1x2x128xi32, #tpu.memory_space<vmem>>
        %dma_start3A_289 = tpu.memref_squeeze %dma_start3A_288 : memref<1x2x128xi32, #tpu.memory_space<vmem>> -> memref<2x128xi32, #tpu.memory_space<vmem>>
        %dma_start3A_290 = arith.constant 0 : i32
        %dma_start3A_291 = tpu.memref_slice %arg4[%add3A_271, %dma_start3A_290] : memref<2560x128xi32, #tpu.memory_space<hbm>> -> memref<2x128xi32, #tpu.memory_space<hbm>>
        %dma_start3A_292 = arith.constant 0 : i32
        %dma_start3A_293 = arith.constant 0 : i32
        %dma_start3A_294 = tpu.memref_slice %arg7[%dma_start3A_285, %dma_start3A_292, %dma_start3A_293] : memref<2x2x128xi32, #tpu.memory_space<vmem>> -> memref<1x2x128xi32, #tpu.memory_space<vmem>>
        %dma_start3A_295 = tpu.memref_squeeze %dma_start3A_294 : memref<1x2x128xi32, #tpu.memory_space<vmem>> -> memref<2x128xi32, #tpu.memory_space<vmem>>
        %dma_start3A_296 = arith.constant 0 : i32
        %dma_start3A_297 = tpu.memref_slice %arg4[%add3A_271, %dma_start3A_296] : memref<2560x128xi32, #tpu.memory_space<hbm>> -> memref<2x128xi32, #tpu.memory_space<hbm>>
        tpu.enqueue_dma source(%dma_start3A_297 : memref<2x128xi32, #tpu.memory_space<hbm>>) target(%dma_start3A_295 : memref<2x128xi32, #tpu.memory_space<vmem>>) target_semaphore(%arg12 : memref<!tpu.dma_semaphore, #tpu.memory_space<semaphore_mem>>)
      } else {
      }
    }
    %dma_wait3A_146 = arith.constant 0 : i32
    %dma_wait3A_147 = arith.constant 0 : i32
    %dma_wait3A_148 = arith.constant 0 : i32
    %dma_wait3A_149 = tpu.memref_slice %arg7[%dma_wait3A_146, %dma_wait3A_147, %dma_wait3A_148] : memref<2x2x128xi32, #tpu.memory_space<vmem>> -> memref<1x1x128xi32, #tpu.memory_space<vmem>>
    %dma_wait3A_150 = tpu.memref_squeeze %dma_wait3A_149 : memref<1x1x128xi32, #tpu.memory_space<vmem>> -> memref<128xi32, #tpu.memory_space<vmem>>
    %dma_wait3A_151 = arith.constant 0 : i32
    %dma_wait3A_152 = arith.constant 0 : i32
    %dma_wait3A_153 = tpu.memref_slice %arg10[%dma_wait3A_151, %dma_wait3A_152] : memref<10240x128xf32, #tpu.memory_space<vmem_shared>> -> memref<10240x128xf32, #tpu.memory_space<vmem_shared>>
    tpu.wait_indirect_dma semaphore(%arg15 : memref<!tpu.dma_semaphore, #tpu.memory_space<semaphore_mem>>) src(%arg8 : memref<128x128xf32, #tpu.memory_space<vmem>>) dst(%dma_wait3A_153 : memref<10240x128xf32, #tpu.memory_space<vmem_shared>>)
    %dma_wait3A_154 = arith.constant 0 : i32
    %dma_wait3A_155 = arith.constant 1 : i32
    %dma_wait3A_156 = arith.constant 0 : i32
    %dma_wait3A_157 = tpu.memref_slice %arg7[%dma_wait3A_154, %dma_wait3A_155, %dma_wait3A_156] : memref<2x2x128xi32, #tpu.memory_space<vmem>> -> memref<1x1x128xi32, #tpu.memory_space<vmem>>
    %dma_wait3A_158 = tpu.memref_squeeze %dma_wait3A_157 : memref<1x1x128xi32, #tpu.memory_space<vmem>> -> memref<128xi32, #tpu.memory_space<vmem>>
    %dma_wait3A_159 = arith.constant 0 : i32
    %dma_wait3A_160 = arith.constant 0 : i32
    %dma_wait3A_161 = tpu.memref_slice %arg10[%dma_wait3A_159, %dma_wait3A_160] : memref<10240x128xf32, #tpu.memory_space<vmem_shared>> -> memref<10240x128xf32, #tpu.memory_space<vmem_shared>>
    tpu.wait_indirect_dma semaphore(%arg16 : memref<!tpu.dma_semaphore, #tpu.memory_space<semaphore_mem>>) src(%arg9 : memref<128x128xf32, #tpu.memory_space<vmem>>) dst(%dma_wait3A_161 : memref<10240x128xf32, #tpu.memory_space<vmem_shared>>)
    %barrier3A_162 = arith.constant 0 : index
    tpu.barrier barrier_id(%barrier3A_162)
    %eq3A_163 = arith.constant 0 : i32
    %eq3A_164 = arith.cmpi eq, %arg0, %eq3A_163 : i32
    %convert_element_type3A_165 = arith.extui %eq3A_164 : i1 to i32
    %cond3A_166 = arith.constant 0 : i32
    %cond3A_167 = arith.cmpi ne, %convert_element_type3A_165, %cond3A_166 : i32
    scf.if %cond3A_167 {
      "tpu.region"() ({
        %run_scoped3A = tpu.sem_alloc : memref<!tpu.dma_semaphore, #tpu.memory_space<semaphore_mem>>
        %dma_start3A_173 = arith.constant 0 : i32
        %dma_start3A_174 = tpu.memref_slice %arg5[%arg0, %mul3A_0, %dma_start3A_173] : memref<2x10240x128xf32, #tpu.memory_space<hbm>> -> memref<1x640x128xf32, #tpu.memory_space<hbm>>
        %dma_start3A_175 = tpu.memref_squeeze %dma_start3A_174 : memref<1x640x128xf32, #tpu.memory_space<hbm>> -> memref<640x128xf32, #tpu.memory_space<hbm>>
        %dma_start3A_176 = arith.constant 0 : i32
        %dma_start3A_177 = tpu.memref_slice %arg10[%mul3A_0, %dma_start3A_176] : memref<10240x128xf32, #tpu.memory_space<vmem_shared>> -> memref<640x128xf32, #tpu.memory_space<vmem_shared>>
        tpu.enqueue_dma source(%dma_start3A_177 : memref<640x128xf32, #tpu.memory_space<vmem_shared>>) target(%dma_start3A_175 : memref<640x128xf32, #tpu.memory_space<hbm>>) target_semaphore(%run_scoped3A : memref<!tpu.dma_semaphore, #tpu.memory_space<semaphore_mem>>)
        %dma_wait3A_178 = arith.constant 0 : i32
        %dma_wait3A_179 = tpu.memref_slice %arg5[%arg0, %mul3A_0, %dma_wait3A_178] : memref<2x10240x128xf32, #tpu.memory_space<hbm>> -> memref<1x640x128xf32, #tpu.memory_space<hbm>>
        %dma_wait3A_180 = tpu.memref_squeeze %dma_wait3A_179 : memref<1x640x128xf32, #tpu.memory_space<hbm>> -> memref<640x128xf32, #tpu.memory_space<hbm>>
        %dma_wait3A_181 = arith.constant 0 : i32
        %dma_wait3A_182 = tpu.memref_slice %arg10[%mul3A_0, %dma_wait3A_181] : memref<10240x128xf32, #tpu.memory_space<vmem_shared>> -> memref<640x128xf32, #tpu.memory_space<vmem_shared>>
        tpu.wait_dma2 semaphore(%run_scoped3A : memref<!tpu.dma_semaphore, #tpu.memory_space<semaphore_mem>>) src(%dma_wait3A_182 : memref<640x128xf32, #tpu.memory_space<vmem_shared>>) dst(%dma_wait3A_180 : memref<640x128xf32, #tpu.memory_space<hbm>>)
        tpu.yield
      }) : () -> ()
    } else {
    }
    %eq3A_168 = arith.constant 1 : i32
    %eq3A_169 = arith.cmpi eq, %arg0, %eq3A_168 : i32
    %convert_element_type3A_170 = arith.extui %eq3A_169 : i1 to i32
    %cond3A_171 = arith.constant 0 : i32
    %cond3A_172 = arith.cmpi ne, %convert_element_type3A_170, %cond3A_171 : i32
    scf.if %cond3A_172 {
      "tpu.region"() ({
        %run_scoped3A = tpu.sem_alloc : memref<!tpu.dma_semaphore, #tpu.memory_space<semaphore_mem>>
        %dma_start3A_173 = arith.constant 0 : i32
        %dma_start3A_174 = tpu.memref_slice %arg5[%arg0, %mul3A_0, %dma_start3A_173] : memref<2x10240x128xf32, #tpu.memory_space<hbm>> -> memref<1x80x128xf32, #tpu.memory_space<hbm>>
        %dma_start3A_175 = tpu.memref_squeeze %dma_start3A_174 : memref<1x80x128xf32, #tpu.memory_space<hbm>> -> memref<80x128xf32, #tpu.memory_space<hbm>>
        %dma_start3A_176 = arith.constant 0 : i32
        %dma_start3A_177 = tpu.memref_slice %arg10[%mul3A_0, %dma_start3A_176] : memref<10240x128xf32, #tpu.memory_space<vmem_shared>> -> memref<80x128xf32, #tpu.memory_space<vmem_shared>>
        tpu.enqueue_dma source(%dma_start3A_177 : memref<80x128xf32, #tpu.memory_space<vmem_shared>>) target(%dma_start3A_175 : memref<80x128xf32, #tpu.memory_space<hbm>>) target_semaphore(%run_scoped3A : memref<!tpu.dma_semaphore, #tpu.memory_space<semaphore_mem>>)
        %dma_wait3A_178 = arith.constant 0 : i32
        %dma_wait3A_179 = tpu.memref_slice %arg5[%arg0, %mul3A_0, %dma_wait3A_178] : memref<2x10240x128xf32, #tpu.memory_space<hbm>> -> memref<1x80x128xf32, #tpu.memory_space<hbm>>
        %dma_wait3A_180 = tpu.memref_squeeze %dma_wait3A_179 : memref<1x80x128xf32, #tpu.memory_space<hbm>> -> memref<80x128xf32, #tpu.memory_space<hbm>>
        %dma_wait3A_181 = arith.constant 0 : i32
        %dma_wait3A_182 = tpu.memref_slice %arg10[%mul3A_0, %dma_wait3A_181] : memref<10240x128xf32, #tpu.memory_space<vmem_shared>> -> memref<80x128xf32, #tpu.memory_space<vmem_shared>>
        tpu.wait_dma2 semaphore(%run_scoped3A : memref<!tpu.dma_semaphore, #tpu.memory_space<semaphore_mem>>) src(%dma_wait3A_182 : memref<80x128xf32, #tpu.memory_space<vmem_shared>>) dst(%dma_wait3A_180 : memref<80x128xf32, #tpu.memory_space<hbm>>)
        tpu.yield
      }) : () -> ()
    } else {
    }
    return
  }
}

module attributes {stable_mosaic.version = 14 : i64} {
  func.func @_h_body(%arg0: i32, %arg1: memref<2x1024x1xf32, #tpu.memory_space<vmem>>, %arg2: memref<1024x128xf32, #tpu.memory_space<vmem>>, %arg3: memref<128x128xf32, #tpu.memory_space<vmem>>, %arg4: memref<1024x128xf32, #tpu.memory_space<vmem>>) attributes {dimension_semantics = [#tpu.dimension_semantics<arbitrary>], iteration_bounds = array<i64: 10>, scalar_prefetch = 0 : i64, scratch_operands = 0 : i64, tpu.core_type = #tpu.core_type<tc>, window_params = [{transform_indices = @transform_0, window_bounds = array<i64: 2, 1024, 1>}, {transform_indices = @transform_1, window_bounds = array<i64: 1024, 128>}, {pipeline_mode = #tpu.pipeline_mode<synchronous>, transform_indices = @transform_2, window_bounds = array<i64: 128, 128>}, {transform_indices = @transform_3, window_bounds = array<i64: 1024, 128>}]} {
    %get3A = arith.constant 0 : index
    %get3A_0 = arith.constant 0 : index
    %get3A_1 = arith.constant 0 : index
    %get3A_2 = vector.load %arg1[%get3A, %get3A_0, %get3A_1] : memref<2x1024x1xf32, #tpu.memory_space<vmem>>, vector<1x1024x1xf32>
    %get3A_3 = vector.shape_cast %get3A_2 : vector<1x1024x1xf32> to vector<1024x1xf32>
    %add3A = arith.constant 1.000000e+00 : f32
    %add3A_4 = vector.broadcast %add3A : f32 to vector<1024x1xf32>
    %add3A_5 = arith.addf %add3A_4, %get3A_3 : vector<1024x1xf32>
    %get3A_6 = arith.constant 1 : index
    %get3A_7 = arith.constant 0 : index
    %get3A_8 = arith.constant 0 : index
    %get3A_9 = vector.load %arg1[%get3A_6, %get3A_7, %get3A_8] : memref<2x1024x1xf32, #tpu.memory_space<vmem>>, vector<1x1024x1xf32>
    %get3A_10 = vector.shape_cast %get3A_9 : vector<1x1024x1xf32> to vector<1024x1xf32>
    %add3A_11 = arith.addf %add3A_5, %get3A_10 : vector<1024x1xf32>
    %rsqrt3A = math.rsqrt %add3A_11 : vector<1024x1xf32>
    %get3A_12 = arith.constant 0 : index
    %get3A_13 = arith.constant 0 : index
    %get3A_14 = vector.load %arg2[%get3A_12, %get3A_13] : memref<1024x128xf32, #tpu.memory_space<vmem>>, vector<1024x128xf32>
    %get3A_15 = arith.constant 0 : index
    %get3A_16 = arith.constant 0 : index
    %get3A_17 = vector.load %arg3[%get3A_15, %get3A_16] : memref<128x128xf32, #tpu.memory_space<vmem>>, vector<128x128xf32>
    %dot_general3A = arith.constant dense<0.000000e+00> : vector<1024x128xf32>
    %dot_general3A_18 = tpu.matmul %get3A_14, %get3A_17, %dot_general3A {dimension_numbers = #tpu.dot_dimension_numbers<[1], [1], [0], [0], [0, 0, 1, 0], [], []>, precision = #tpu.contract_precision<fp32>, transpose_lhs_hint = false} : vector<1024x128xf32>, vector<128x128xf32>, vector<1024x128xf32> -> vector<1024x128xf32>
    %mul3A = vector.broadcast %rsqrt3A : vector<1024x1xf32> to vector<1024x128xf32>
    %mul3A_19 = arith.mulf %mul3A, %dot_general3A_18 : vector<1024x128xf32>
    %swap3A = arith.constant 0 : index
    %swap3A_20 = arith.constant 0 : index
    %swap3A_21 = vector.load %arg4[%swap3A, %swap3A_20] : memref<1024x128xf32, #tpu.memory_space<vmem>>, vector<1024x128xf32>
    tpu.vector_store %arg4[%swap3A, %swap3A_20], %mul3A_19 {strides = array<i32>} : memref<1024x128xf32, #tpu.memory_space<vmem>>, vector<1024x128xf32>,
    return
  }
  func.func @transform_0(%arg0: i32) -> (i32, i32, i32) {
    %c0_i32 = arith.constant 0 : i32
    %c0_i32_0 = arith.constant 0 : i32
    %c0_i32_1 = arith.constant 0 : i32
    return %c0_i32, %arg0, %c0_i32_0 : i32, i32, i32
  }
  func.func @transform_1(%arg0: i32) -> (i32, i32) {
    %c0_i32 = arith.constant 0 : i32
    %c0_i32_0 = arith.constant 0 : i32
    return %arg0, %c0_i32 : i32, i32
  }
  func.func @transform_2(%arg0: i32) -> (i32, i32) {
    %c0_i32 = arith.constant 0 : i32
    %c0_i32_0 = arith.constant 0 : i32
    %c0_i32_1 = arith.constant 0 : i32
    return %c0_i32, %c0_i32_0 : i32, i32
  }
  func.func @transform_3(%arg0: i32) -> (i32, i32) {
    %c0_i32 = arith.constant 0 : i32
    %c0_i32_0 = arith.constant 0 : i32
    return %arg0, %c0_i32 : i32, i32
  }
}

module attributes {stable_mosaic.version = 14 : i64} {
  func.func @_mid_body(%arg0: i32, %arg1: memref<2x1024x1xf32, #tpu.memory_space<vmem>>, %arg2: memref<2x1024x128xf32, #tpu.memory_space<vmem>>, %arg3: memref<1x128xf32, #tpu.memory_space<vmem>>, %arg4: memref<128x128xf32, #tpu.memory_space<vmem>>, %arg5: memref<1024x128xf32, #tpu.memory_space<vmem>>) attributes {dimension_semantics = [#tpu.dimension_semantics<arbitrary>], iteration_bounds = array<i64: 10>, scalar_prefetch = 0 : i64, scratch_operands = 0 : i64, tpu.core_type = #tpu.core_type<tc>, window_params = [{transform_indices = @transform_0, window_bounds = array<i64: 2, 1024, 1>}, {transform_indices = @transform_1, window_bounds = array<i64: 2, 1024, 128>}, {pipeline_mode = #tpu.pipeline_mode<synchronous>, transform_indices = @transform_2, window_bounds = array<i64: 1, 128>}, {pipeline_mode = #tpu.pipeline_mode<synchronous>, transform_indices = @transform_3, window_bounds = array<i64: 128, 128>}, {transform_indices = @transform_4, window_bounds = array<i64: 1024, 128>}]} {
    %get3A = arith.constant 0 : index
    %get3A_0 = arith.constant 0 : index
    %get3A_1 = arith.constant 0 : index
    %get3A_2 = vector.load %arg1[%get3A, %get3A_0, %get3A_1] : memref<2x1024x1xf32, #tpu.memory_space<vmem>>, vector<1x1024x1xf32>
    %get3A_3 = vector.shape_cast %get3A_2 : vector<1x1024x1xf32> to vector<1024x1xf32>
    %add3A = arith.constant 1.000000e+00 : f32
    %add3A_4 = vector.broadcast %add3A : f32 to vector<1024x1xf32>
    %add3A_5 = arith.addf %add3A_4, %get3A_3 : vector<1024x1xf32>
    %get3A_6 = arith.constant 1 : index
    %get3A_7 = arith.constant 0 : index
    %get3A_8 = arith.constant 0 : index
    %get3A_9 = vector.load %arg1[%get3A_6, %get3A_7, %get3A_8] : memref<2x1024x1xf32, #tpu.memory_space<vmem>>, vector<1x1024x1xf32>
    %get3A_10 = vector.shape_cast %get3A_9 : vector<1x1024x1xf32> to vector<1024x1xf32>
    %add3A_11 = arith.addf %add3A_5, %get3A_10 : vector<1024x1xf32>
    %rsqrt3A = math.rsqrt %add3A_11 : vector<1024x1xf32>
    %get3A_12 = arith.constant 0 : index
    %get3A_13 = arith.constant 0 : index
    %get3A_14 = arith.constant 0 : index
    %get3A_15 = vector.load %arg2[%get3A_12, %get3A_13, %get3A_14] : memref<2x1024x128xf32, #tpu.memory_space<vmem>>, vector<1x1024x128xf32>
    %get3A_16 = vector.shape_cast %get3A_15 : vector<1x1024x128xf32> to vector<1024x128xf32>
    %get3A_17 = arith.constant 1 : index
    %get3A_18 = arith.constant 0 : index
    %get3A_19 = arith.constant 0 : index
    %get3A_20 = vector.load %arg2[%get3A_17, %get3A_18, %get3A_19] : memref<2x1024x128xf32, #tpu.memory_space<vmem>>, vector<1x1024x128xf32>
    %get3A_21 = vector.shape_cast %get3A_20 : vector<1x1024x128xf32> to vector<1024x128xf32>
    %add3A_22 = arith.addf %get3A_16, %get3A_21 : vector<1024x128xf32>
    %mul3A = vector.broadcast %rsqrt3A : vector<1024x1xf32> to vector<1024x128xf32>
    %mul3A_23 = arith.mulf %mul3A, %add3A_22 : vector<1024x128xf32>
    %get3A_24 = arith.constant 0 : index
    %get3A_25 = arith.constant 0 : index
    %get3A_26 = vector.load %arg3[%get3A_24, %get3A_25] : memref<1x128xf32, #tpu.memory_space<vmem>>, vector<1x128xf32>
    %add3A_27 = vector.broadcast %get3A_26 : vector<1x128xf32> to vector<1024x128xf32>
    %add3A_28 = arith.addf %mul3A_23, %add3A_27 : vector<1024x128xf32>
    %get3A_29 = arith.constant 0 : index
    %get3A_30 = arith.constant 0 : index
    %get3A_31 = vector.load %arg4[%get3A_29, %get3A_30] : memref<128x128xf32, #tpu.memory_space<vmem>>, vector<128x128xf32>
    %dot_general3A = arith.constant dense<0.000000e+00> : vector<1024x128xf32>
    %dot_general3A_32 = tpu.matmul %add3A_28, %get3A_31, %dot_general3A {dimension_numbers = #tpu.dot_dimension_numbers<[1], [1], [0], [0], [0, 0, 1, 0], [], []>, precision = #tpu.contract_precision<fp32>, transpose_lhs_hint = false} : vector<1024x128xf32>, vector<128x128xf32>, vector<1024x128xf32> -> vector<1024x128xf32>
    %mul3A_33 = vector.broadcast %rsqrt3A : vector<1024x1xf32> to vector<1024x128xf32>
    %mul3A_34 = arith.mulf %mul3A_33, %dot_general3A_32 : vector<1024x128xf32>
    %swap3A = arith.constant 0 : index
    %swap3A_35 = arith.constant 0 : index
    %swap3A_36 = vector.load %arg5[%swap3A, %swap3A_35] : memref<1024x128xf32, #tpu.memory_space<vmem>>, vector<1024x128xf32>
    tpu.vector_store %arg5[%swap3A, %swap3A_35], %mul3A_34 {strides = array<i32>} : memref<1024x128xf32, #tpu.memory_space<vmem>>, vector<1024x128xf32>,
    return
  }
  func.func @transform_0(%arg0: i32) -> (i32, i32, i32) {
    %c0_i32 = arith.constant 0 : i32
    %c0_i32_0 = arith.constant 0 : i32
    %c0_i32_1 = arith.constant 0 : i32
    return %c0_i32, %arg0, %c0_i32_0 : i32, i32, i32
  }
  func.func @transform_1(%arg0: i32) -> (i32, i32, i32) {
    %c0_i32 = arith.constant 0 : i32
    %c0_i32_0 = arith.constant 0 : i32
    %c0_i32_1 = arith.constant 0 : i32
    return %c0_i32, %arg0, %c0_i32_0 : i32, i32, i32
  }
  func.func @transform_2(%arg0: i32) -> (i32, i32) {
    %c0_i32 = arith.constant 0 : i32
    %c0_i32_0 = arith.constant 0 : i32
    %c0_i32_1 = arith.constant 0 : i32
    return %c0_i32, %c0_i32_0 : i32, i32
  }
  func.func @transform_3(%arg0: i32) -> (i32, i32) {
    %c0_i32 = arith.constant 0 : i32
    %c0_i32_0 = arith.constant 0 : i32
    %c0_i32_1 = arith.constant 0 : i32
    return %c0_i32, %c0_i32_0 : i32, i32
  }
  func.func @transform_4(%arg0: i32) -> (i32, i32) {
    %c0_i32 = arith.constant 0 : i32
    %c0_i32_0 = arith.constant 0 : i32
    return %arg0, %c0_i32 : i32, i32
  }
}

module attributes {stable_mosaic.version = 14 : i64} {
  func.func @_final_body(%arg0: i32, %arg1: memref<2x1024x1xf32, #tpu.memory_space<vmem>>, %arg2: memref<2x1024x128xf32, #tpu.memory_space<vmem>>, %arg3: memref<1x128xf32, #tpu.memory_space<vmem>>, %arg4: memref<1024x128xf32, #tpu.memory_space<vmem>>) attributes {dimension_semantics = [#tpu.dimension_semantics<arbitrary>], iteration_bounds = array<i64: 10>, scalar_prefetch = 0 : i64, scratch_operands = 0 : i64, tpu.core_type = #tpu.core_type<tc>, window_params = [{transform_indices = @transform_0, window_bounds = array<i64: 2, 1024, 1>}, {transform_indices = @transform_1, window_bounds = array<i64: 2, 1024, 128>}, {pipeline_mode = #tpu.pipeline_mode<synchronous>, transform_indices = @transform_2, window_bounds = array<i64: 1, 128>}, {transform_indices = @transform_3, window_bounds = array<i64: 1024, 128>}]} {
    %get3A = arith.constant 0 : index
    %get3A_0 = arith.constant 0 : index
    %get3A_1 = arith.constant 0 : index
    %get3A_2 = vector.load %arg1[%get3A, %get3A_0, %get3A_1] : memref<2x1024x1xf32, #tpu.memory_space<vmem>>, vector<1x1024x1xf32>
    %get3A_3 = vector.shape_cast %get3A_2 : vector<1x1024x1xf32> to vector<1024x1xf32>
    %add3A = arith.constant 1.000000e+00 : f32
    %add3A_4 = vector.broadcast %add3A : f32 to vector<1024x1xf32>
    %add3A_5 = arith.addf %add3A_4, %get3A_3 : vector<1024x1xf32>
    %get3A_6 = arith.constant 1 : index
    %get3A_7 = arith.constant 0 : index
    %get3A_8 = arith.constant 0 : index
    %get3A_9 = vector.load %arg1[%get3A_6, %get3A_7, %get3A_8] : memref<2x1024x1xf32, #tpu.memory_space<vmem>>, vector<1x1024x1xf32>
    %get3A_10 = vector.shape_cast %get3A_9 : vector<1x1024x1xf32> to vector<1024x1xf32>
    %add3A_11 = arith.addf %add3A_5, %get3A_10 : vector<1024x1xf32>
    %rsqrt3A = math.rsqrt %add3A_11 : vector<1024x1xf32>
    %get3A_12 = arith.constant 0 : index
    %get3A_13 = arith.constant 0 : index
    %get3A_14 = arith.constant 0 : index
    %get3A_15 = vector.load %arg2[%get3A_12, %get3A_13, %get3A_14] : memref<2x1024x128xf32, #tpu.memory_space<vmem>>, vector<1x1024x128xf32>
    %get3A_16 = vector.shape_cast %get3A_15 : vector<1x1024x128xf32> to vector<1024x128xf32>
    %get3A_17 = arith.constant 1 : index
    %get3A_18 = arith.constant 0 : index
    %get3A_19 = arith.constant 0 : index
    %get3A_20 = vector.load %arg2[%get3A_17, %get3A_18, %get3A_19] : memref<2x1024x128xf32, #tpu.memory_space<vmem>>, vector<1x1024x128xf32>
    %get3A_21 = vector.shape_cast %get3A_20 : vector<1x1024x128xf32> to vector<1024x128xf32>
    %add3A_22 = arith.addf %get3A_16, %get3A_21 : vector<1024x128xf32>
    %mul3A = vector.broadcast %rsqrt3A : vector<1024x1xf32> to vector<1024x128xf32>
    %mul3A_23 = arith.mulf %mul3A, %add3A_22 : vector<1024x128xf32>
    %get3A_24 = arith.constant 0 : index
    %get3A_25 = arith.constant 0 : index
    %get3A_26 = vector.load %arg3[%get3A_24, %get3A_25] : memref<1x128xf32, #tpu.memory_space<vmem>>, vector<1x128xf32>
    %add3A_27 = vector.broadcast %get3A_26 : vector<1x128xf32> to vector<1024x128xf32>
    %add3A_28 = arith.addf %mul3A_23, %add3A_27 : vector<1024x128xf32>
    %swap3A = arith.constant 0 : index
    %swap3A_29 = arith.constant 0 : index
    %swap3A_30 = vector.load %arg4[%swap3A, %swap3A_29] : memref<1024x128xf32, #tpu.memory_space<vmem>>, vector<1024x128xf32>
    tpu.vector_store %arg4[%swap3A, %swap3A_29], %add3A_28 {strides = array<i32>} : memref<1024x128xf32, #tpu.memory_space<vmem>>, vector<1024x128xf32>,
    return
  }
  func.func @transform_0(%arg0: i32) -> (i32, i32, i32) {
    %c0_i32 = arith.constant 0 : i32
    %c0_i32_0 = arith.constant 0 : i32
    %c0_i32_1 = arith.constant 0 : i32
    return %c0_i32, %arg0, %c0_i32_0 : i32, i32, i32
  }
  func.func @transform_1(%arg0: i32) -> (i32, i32, i32) {
    %c0_i32 = arith.constant 0 : i32
    %c0_i32_0 = arith.constant 0 : i32
    %c0_i32_1 = arith.constant 0 : i32
    return %c0_i32, %arg0, %c0_i32_0 : i32, i32, i32
  }
  func.func @transform_2(%arg0: i32) -> (i32, i32) {
    %c0_i32 = arith.constant 0 : i32
    %c0_i32_0 = arith.constant 0 : i32
    %c0_i32_1 = arith.constant 0 : i32
    return %c0_i32, %c0_i32_0 : i32, i32
  }
  func.func @transform_3(%arg0: i32) -> (i32, i32) {
    %c0_i32 = arith.constant 0 : i32
    %c0_i32_0 = arith.constant 0 : i32
    return %arg0, %c0_i32 : i32, i32
  }
}

</mosaic_0001>

<sc_bundles>
// kernel: kernel.11.cloned.1.call-start
scs
__scs_entry_jumppad:
0x0: {  	(pc) =	sbr.rel $0x88, $3  }
0x1: {  	(tag) =	ssettag $0x0;
	lr =	simm.s32 $0x1  }
0x2: {  	[smem:$0x3F9B] =	sst lr;
	_ =	strace $0xD0000000  }
0x3: {  	_ = 	snop  }
0x4: {  	_ = 	snop  }
0x5: {  	_ = 	snop  }
0x6: {  	_ = 	snop  }
0x7: {  	_ = 	snop  }
__scs_overlays_trampoline_lowered:
0x8: {  	[smem:$0x3FAA] =	sst s0  }
0x9: {  	[smem:$0x3FAB] =	sst s1  }
0xa: {  	[smem:$0x3FAC] =	sst s2  }
0xb: {  	[smem:$0x3FAD] =	sst s3  }
0xc: {  	[smem:$0x3FAE] =	sst s4  }
0xd: {  	[smem:$0x3FAF] =	sst s5  }
0xe: {  	[smem:$0x3FB0] =	sst s6  }
0xf: {  	[smem:$0x3FB1] =	sst s7  }
0x10: {  	[smem:$0x3FB2] =	sst s8  }
0x11: {  	[smem:$0x3FB3] =	sst s9;
	s0 =	simm.s32 @!p0 $0x0  }
0x12: {  	s1 =	sld [smem:$0x3F99];
	s0 =	simm.s32 @p0 $0x1  }
0x13: {  	[smem:$0x3FB4] =	sst s0;
	s0 =	simm.s32 @!p1 $0x0  }
0x14: {  	s2 =	sld [smem:$0x3F98];
	s0 =	simm.s32 @p1 $0x1  }
0x15: {  	[smem:$0x3FB5] =	sst s0;
	s0 =	simm.s32 @!p2 $0x0  }
0x16: {  	s3 =	sld [smem:$0x3FDB];
	s0 =	simm.s32 @p2 $0x1  }
0x17: {  	s4 =	simm.s32 $0x1BF5;
	[smem:$0x3FB7] =	sst s0  }
0x18: {  	s0 =	sld [smem:$0x3F9A];
	_ =	swait.ge [sflag:s4], $0x0  }
0x19: {  	s7 =	sld [smem:$0x3F9B]  }
0x1a: {  	s8 =	sadd.s32 $0xFFFFE003, lr  }
0x1b: {  	s9 =	sadd.s32 $0xFFFFFEF7, lr;
	s5 =	simm.s32 $0xFFFFFFFF;
	p2 =	slt.u32 s8, $0xFFFFF086  }
0x1c: {  	p1 =	slt.u32 s9, $0xF7A;
	s5 =	simm.s32 @!p2 $0x0  }
0x1d: {  	s5 =	simm.s32 @p1 $0x1;
	p0 =	seq.s32 s7, s2  }
0x1e: {  	s7 =	smul.u32 @!p0 $0xF7A, s2;
	p2 =	seq.s32 @!p0 s5, $0x0  }
0x1f: {  	s9 =	smul.u32 $0xF7A, s1;
	s8 =	simm.s32 @!p0 $0x1BF5;
	p2 =	por !p2, p0  }
0x20: {  	[sflag:s8] =	ssyncset.s32 @!p0 $0xFFFFF086;
	s6 =	sadd.s32 @!p0 s3, s7;
	s7 =	simm.s32 @!p0 $0x108  }
0x21: {  	s3 =	sadd.s32 s3, s9;
	s6 =	sadd.s32 @!p0 $0x88, s6;
	s7 =	simm.s32 @p2 $0x1082  }
0x22: {  	[simem:s7], [sflag:s8] =	dma.local @!p0 [hbm:s6], $0xF7A  }
0x23: {  	s9 =	sor.u32 $0xD0000000, s2;
	s6 =	simm.s32 $0x108;
	_ =	swait.ge @!p0 [sflag:s8], $0x0  }
0x24: {  	s3 =	sadd.s32 $0x88, s3;
	s6 =	simm.s32 @!p1 $0x1082;
	[sflag:s4] =	ssyncset.s32 $0xFFFFF086  }
0x25: {  	[simem:s6], [sflag:s4] =	dma.local [hbm:s3], $0xF7A  }
0x26: {  	[smem:$0x3F9B] =	sst s1;
	(tag) =	ssettag s2;
	_ =	strace s9  }
0x27: {  	s1 =	sld [smem:$0x3FAB]  }
0x28: {  	s2 =	sld [smem:$0x3FAC]  }
0x29: {  	s4 =	sld [smem:$0x3FAE]  }
0x2a: {  	p0 =	seq.s32 s5, $0x0;
	s5 =	sld [smem:$0x3FAF]  }
0x2b: {  	s6 =	sld [smem:$0x3FB0]  }
0x2c: {  	s7 =	sld [smem:$0x3FB1]  }
0x2d: {  	s3 =	simm.s32 $0x108;
	s8 =	sld [smem:$0x3FB2]  }
0x2e: {  	s3 =	simm.s32 @!p0 $0x1082;
	s9 =	sld [smem:$0x3FB3]  }
0x2f: {  	lr =	sadd.s32 s0, s3;
	s0 =	sld [smem:$0x3FAA]  }
0x30: {  	s3 =	sld [smem:$0x3FAD]  }
0x31: {  	[smem:$0x3FB6] =	sst s10  }
0x32: {  	s10 =	sld [smem:$0x3FB4];
	_ =	sdelay $0x3  }
0x33: {  	p0 =	seq.s32 s10, $0x1;
	s10 =	sld [smem:$0x3FB6];
	_ =	sdelay $0x3  }
0x34: {  	[smem:$0x3FB6] =	sst s10  }
0x35: {  	s10 =	sld [smem:$0x3FB5];
	_ =	sdelay $0x3  }
0x36: {  	p1 =	seq.s32 s10, $0x1;
	s10 =	sld [smem:$0x3FB6];
	_ =	sdelay $0x3  }
0x37: {  	[smem:$0x3FB6] =	sst s10  }
0x38: {  	s10 =	sld [smem:$0x3FB7]  }
0x39: {  	_ = 	snop;
	(pc) =	sbr.ind lr, $3  }
0x3a: {  	_ = 	snop  }
0x3b: {  	_ = 	snop  }
0x3c: {  	p2 =	seq.s32 s10, $0x1;
	s10 =	sld [smem:$0x3FB6]  }
0x3d: {  	_ =	shalt  }
0x3e: {  	_ =	shalt  }
0x3f: {  	_ =	shalt  }
0x40: {  	_ =	shalt  }
0x41: {  	_ =	shalt  }
0x42: {  	_ =	shalt  }
0x43: {  	_ =	shalt  }
0x44: {  	_ =	shalt  }
0x45: {  	_ =	shalt  }
0x46: {  	_ =	shalt  }
0x47: {  	_ =	shalt  }
0x48: {  	_ =	shalt  }
0x49: {  	_ =	shalt  }
0x4a: {  	_ =	shalt  }
0x4b: {  	_ =	shalt  }
0x4c: {  	_ =	shalt  }
0x4d: {  	_ =	shalt  }
0x4e: {  	_ =	shalt  }
0x4f: {  	_ =	shalt  }
0x50: {  	_ =	shalt  }
0x51: {  	_ =	shalt  }
0x52: {  	_ =	shalt  }
0x53: {  	_ =	shalt  }
0x54: {  	_ =	shalt  }
0x55: {  	_ =	shalt  }
0x56: {  	_ =	shalt  }
0x57: {  	_ =	shalt  }
0x58: {  	_ =	shalt  }
0x59: {  	_ =	shalt  }
0x5a: {  	_ =	shalt  }
0x5b: {  	_ =	shalt  }
0x5c: {  	_ =	shalt  }
0x5d: {  	_ =	shalt  }
0x5e: {  	_ =	shalt  }
0x5f: {  	_ =	shalt  }
0x60: {  	_ =	shalt  }
0x61: {  	_ =	shalt  }
0x62: {  	_ =	shalt  }
0x63: {  	_ =	shalt  }
0x64: {  	_ =	shalt  }
0x65: {  	_ =	shalt  }
0x66: {  	_ =	shalt  }
0x67: {  	_ =	shalt  }
0x68: {  	_ =	shalt  }
0x69: {  	_ =	shalt  }
0x6a: {  	_ =	shalt  }
0x6b: {  	_ =	shalt  }
0x6c: {  	_ =	shalt  }
0x6d: {  	_ =	shalt  }
0x6e: {  	_ =	shalt  }
0x6f: {  	_ =	shalt  }
0x70: {  	_ =	shalt  }
0x71: {  	_ =	shalt  }
0x72: {  	_ =	shalt  }
0x73: {  	_ =	shalt  }
0x74: {  	_ =	shalt  }
0x75: {  	_ =	shalt  }
0x76: {  	_ =	shalt  }
0x77: {  	_ =	shalt  }
0x78: {  	_ =	shalt  }
0x79: {  	_ =	shalt  }
0x7a: {  	_ =	shalt  }
0x7b: {  	_ =	shalt  }
0x7c: {  	_ =	shalt  }
0x7d: {  	_ =	shalt  }
0x7e: {  	_ =	shalt  }
0x7f: {  	_ =	shalt  }
0x80: {  	_ =	shalt  }
0x81: {  	_ =	shalt  }
0x82: {  	_ =	shalt  }
0x83: {  	_ =	shalt  }
0x84: {  	_ =	shalt  }
0x85: {  	_ =	shalt  }
0x86: {  	_ =	shalt  }
0x87: {  	_ =	shalt  }
.Lfunc_end0:
.L_simem_size_0:
called_computation.1_lowered:
.L_overlay_start_0:
0x88: {  	s2 =	sld [smem:$0x3FD9]  }
0x89: {  	s3 =	sld [smem:$0x3FFE];
	_ =	sdelay $0x1  }
0x8a: {  	s1 =	srdreg.scid  }
0x8b: {  	s0 =	sand.u32 $0x1, s1  }
0x8c: {  	s17 =	sshll.u32 s0, $0xA;
	s2 =	sadd.s32 s3, s2  }
0x8d: {  	s2 =	sadd.s32 s2, s17  }
0x8e: {  	[smem:$0x3FC2] =	sst s2  }
0x8f: {  	_ = 	snop  }
0x90: {  	s2 =	sld [smem:$0x3FD0];
	(tm) =	ssettm $0x1  }
0x91: {  	s18 =	sld [smem:$0x3FFB];
	_ =	sdelay $0x3  }
0x92: {  	_ =	strace s18  }
0x93: {  	s3 =	sld [smem:$0x3FFC];
	_ =	sdelay $0x3  }
0x94: {  	_ =	strace s3  }
0x95: {  	s3 =	sld [smem:$0x3FFD];
	_ =	sdelay $0x3  }
0x96: {  	_ =	strace s3  }
0x97: {  	_ =	strace $0x8FFFFFFF  }
0x98: {  	s19 =	sld [smem:$0x3FDB];
	_ =	sdelay $0x1  }
0x99: {  	s4 =	simm.s32 $_scs_section_size  }
0x9a: {  	s5 =	simm.s32 $_size__tile_overlayer_lowered;
	s6 =	simm.s32 $_tile_overlayer_lowered  }
0x9b: {  	s22 =	simm.s32 $0x1BFF;
	s21 =	sshll.u32 s6, $0x1;
	s3 =	sadd.s32 s4, s19  }
0x9c: {  	s7 =	simm.s32 $0x0;
	s20 =	sshll.u32 s5, $0x1;
	s5 =	sadd.s32 s21, s3  }
0x9d: {  	[timem:s7], [sflag:s22] =	dma.local [hbm:s5], s20  }
0x9e: {  	_ =	swait.ge [sflag:s22], s20  }
0x9f: {  	s4 =	ssub.s32 $0x0, s20;
	[sflag:s22] =	ssyncset.done $0x0  }
0xa0: {  	[sflag:s22] =	ssyncadd.s32 s4;
	_ =	sdelay $0x1  }
0xa1: {  	s23 =	simm.s32 $0x1B8B  }
0xa2: {  	_ =	swait.ge [sflag:s23], $0x1  }
0xa3: {  	[sflag:s23] =	ssyncset.done $0x0  }
0xa4: {  	s25 =	simm.s32 $0x1B8E;
	s24 =	sld [smem:$0x3FFE];
	[sflag:s23] =	ssyncadd.s32 $0xFFFFFFFF  }
0xa5: {  	s26 =	simm.s32 $execute0_lowered;
	[smem:$0x3FD2] =	sst s25  }
0xa6: {  	s5 =	sshll.u32 s26, $0x1;
	_ =	strace $0x80000049;
	[dreg:$0x1] =	wrdreg $0xFFFFFFFF  }
0xa7: {  	s28 =	simm.s32 $_size_execute0_lowered;
	s3 =	sadd.s32 s3, s5;
	[dreg:$0x0] =	wrdreg $0x0  }
0xa8: {  	s5 =	sshll.u32 s28, $0x1;
	[dreg:$0x2] =	wrdreg s3  }
0xa9: {  	[dreg:$0x3] =	wrdreg s5  }
0xaa: {  	[dreg:$0x4] =	wrdreg $0xC0  }
0xab: {  	_ =	task [dreg:s7], $0x5FFFF  }
0xac: {  	[dreg:$0x1] =	wrdreg $0xFFFFFFFF  }
0xad: {  	[dreg:$0x0] =	wrdreg $0x60  }
0xae: {  	[dreg:$0x2] =	wrdreg s24  }
0xaf: {  	[dreg:$0x3] =	wrdreg s2  }
0xb0: {  	[dreg:$0x4] =	wrdreg $0x84000  }
0xb1: {  	[dreg:$0x5] =	wrdreg $0x9  }
0xb2: {  	_ =	task.clear_ibuf [dreg:s7], $0x6FFFF;
	_ =	strace $0x90000049  }
0xb3: {  	s29 =	simm.s32 $0x9;
	_ =	strace $0x8000004B  }
0xb4: {  	_ =	swait.ge [sflag:s29], $0x1  }
0xb5: {  	[sflag:s29] =	ssyncadd.s32 $0xFFFFFFFF  }
0xb6: {  	_ =	strace $0x9000004B  }
0xb7: {  	_ =	sfence  }
0xb8: {  	s30 =	sld [smem:$0x0];
	_ =	sdelay $0x2  }
0xb9: {  	s31 =	sshll.u32 s1, $0xD;
	s1 =	sshrl.u32 s1, $0x2  }
0xba: {  	s3 =	sand.u32 $0x4000, s31;
	s1 =	sadd.s32 s1, s30  }
0xbb: {  	s0 =	sor.u32 s3, s0;
	s1 =	sshll.u32 s1, $0x11  }
0xbc: {  	s0 =	sor.u32 s1, s0  }
0xbd: {  	s0 =	sadd.s32 $0x8F2B, s0  }
0xbe: {  	[sflag:s0] =	ssyncadd.remote.s32 $0x1  }
0xbf: {  	_ =	sfence.sel $0xFFFF  }
0xc0: {  	[dreg:$0x0] =	wrdreg $0xFFFFFFFF;
	(pc) =	sbr.abs _section_cstart, $3  }
0xc1: {  	[dreg:$0x1] =	wrdreg $0xFFFFFFFF  }
0xc2: {  	_ =	task.clear_ibuf [dreg:s7], $0x2FFFF;
	_ =	strace $0x9FFFFFFF  }
0xc3: {  	(tm) =	ssettm $0x7FFFFFFF  }
tec
execute0_lowered:
.L_overlay_start_1:
0x0: {  	(tag) =	ssettag $0x1  }
0x1: {  	s0 =	rddreg [dreg:$0x0]  }
0x2: {  	s2 =	rddreg [dreg:$0x1]  }
0x3: {  	s1 =	rddreg [dreg:$0x2]  }
0x4: {  	s3 =	simm.s32 $0x0;
	s15 =	srdreg.scid;
	s26 =	simm.s32 $0x280  }
0x5: {  	s28 =	simm.s32 $0x3;
	s29 =	simm.s32 $0x4;
	s30 =	simm.s32 $0x5  }
0x6: {  	s31 =	simm.s32 $0x6;
	[smem:$0x7FF] =	sst s3;
	s4 =	sadd.s32 $0x16400, s0  }
0x7: {  	s7 =	sand.u32 $0x1, s15;
	s8 =	sadd.s32 $0xC400, s0;
	s3 =	stileid.u32  }
0x8: {  	s0 =	sadd.s32 $0x3E400, s0;
	_ =	strace $0x8000004A;
	s9 =	smul.u32 $0x50000, s3  }
0x9: {  	s5 =	ssub.s32 $0x2, s7;
	s16 =	sshll.u32 s3, $0x2;
	s19 =	smul.u32 $0x2800, s3  }
0xa: {  	p0 =	seq.s32 s7, $0x0;
	s15 =	smul.u32 $0x14000, s3;
	[dreg:$0x4] =	wrdreg s26  }
0xb: {  	s26 =	simm.s32 $0x4400;
	s6 =	sshrl.u32 s5, $0x1;
	s11 =	sor.u32 $0x9C0, s16  }
0xc: {  	s10 =	ssub.s32 s5, s6;
	s5 =	smul.u32 $0x9C, s3;
	s17 =	sshrl.u32 s9, $0x2  }
0xd: {  	s22 =	sadd.s32 s4, s19;
	s16 =	sshrl.u32 s15, $0x3;
	s6 =	sadd.s32 s17, s1  }
0xe: {  	[dreg:$0xb] =	wrdreg s22;
	s24 =	sadd.s32 s0, s16;
	s17 =	sadd.s32 s0, s19  }
0xf: {  	s19 =	simm.s32 $0x7;
	s0 =	simm.s32 $0x0;
	s18 =	sadd.s32 $0x4000, s6  }
0x10: {  	s11 =	smov.u32 @p0 s5;
	s12 =	sadd.s32 $0x8000, s6;
	[dreg:$0x7] =	wrdreg s18  }
0x11: {  	s5 =	simm.s32 $0x4E;
	s20 =	sadd.s32 $0xC000, s6;
	[dreg:$0x8] =	wrdreg s12  }
0x12: {  	s21 =	sadd.s32 $0x10000, s6;
	s5 =	simm.s32 @!p0 $0x2;
	[dreg:$0x9] =	wrdreg s20  }
0x13: {  	[dreg:$0xa] =	wrdreg s21;
	s11 =	sshll.u32 s11, $0x4;
	s18 =	smax.u32 s10, $0x1  }
0x14: {  	s12 =	sadd.s32 s8, s11;
	s13 =	sadd.s32 s2, s11;
	s23 =	sadd.s32 $0xFFFFFFFF, s5  }
0x15: {  	s11 =	sor.u32 $0x20, s11;
	s25 =	sshll.u32 s5, $0x5;
	[dreg:$0x5] =	wrdreg s23  }
0x16: {  	p0 =	sne.s32 s7, $0x0;
	s8 =	sadd.s32 s8, s11;
	[dreg:$0x6] =	wrdreg s25  }
0x17: {  	s20 =	simm.s32 $0x200;
	s2 =	sadd.s32 s2, s11;
	[dreg:$0xc] =	wrdreg s8  }
0x18: {  	s23 =	simm.s32 $0x1;
	[dreg:$0xd] =	wrdreg s2;
	s2 =	sadd.s32 $0x28000, s24  }
0x19: {  	v0 =	vimm.f32 $0.0e+00;
	s25 =	simm.s32 $0x400;
	s24 =	simm.s32 $0x80;
	[dreg:$0xe] =	wrdreg s2  }
.LBB2_1:
.Ltmp0:
0x1a: {  	(pc) =	sbr.rel @p0 .LBB2_3-.Ltmp0, $1  }
0x1b: {  	_ =	sdelay $0x3  }
0x1c: {  	s2 =	sshll.u32 s3, $0x6;
	s7 =	sshrl.u32 s6, $0x3  }
.Ltmp1:
0x1d: {  	s8 =	rddreg [dreg:$0xb];
	s2 =	sor.u32 $0x1C07, s2;
	(pc) =	sbr.rel .LBB2_6-.Ltmp1, $4  }
0x1e: {  	[spmem:s7], [sflag:s2] =	dma.local [hbm:s8], $0x2800  }
0x1f: {  	_ =	swait.ge [sflag:s19], $0x2800  }
0x20: {  	[sflag:s19] =	ssyncset.done $0x0  }
0x21: {  	[sflag:s19] =	ssyncadd.s32 $0xFFFFD800  }
.LBB2_3:
0x22: {  	s7 =	simm.s32 $0x0  }
0x23: {  	s2 =	sshra.s32 s7, $0x2;
	s7 =	sadd.s32 $0x200, s7  }
.LBB2_4:
0x24: {  	p1 =	sne.s32 s7, $0xFE00;
	[tilespmem:s2+$0x470] =	vst v0  }
0x25: {  	[tilespmem:s2+$0x400] =	vst v0  }
0x26: {  	[tilespmem:s2+$0x410] =	vst v0  }
.Ltmp2:
0x27: {  	[tilespmem:s2+$0x420] =	vst v0;
	(pc) =	sbr.rel @p1 .LBB2_4-.Ltmp2, $4  }
0x28: {  	[tilespmem:s2+$0x430] =	vst v0  }
0x29: {  	[tilespmem:s2+$0x440] =	vst v0  }
0x2a: {  	[tilespmem:s2+$0x450] =	vst v0  }
0x2b: {  	[tilespmem:s2+$0x460] =	vst v0;
	s2 =	sshra.s32 s7, $0x2;
	s7 =	sadd.s32 $0x200, s7  }
0x2c: {  	[tilespmem:s2+$0x470] =	vst v0  }
0x2d: {  	[tilespmem:s2+$0x400] =	vst v0  }
0x2e: {  	[tilespmem:s2+$0x410] =	vst v0  }
0x2f: {  	[tilespmem:s2+$0x420] =	vst v0  }
0x30: {  	[tilespmem:s2+$0x430] =	vst v0  }
0x31: {  	[tilespmem:s2+$0x440] =	vst v0  }
0x32: {  	[tilespmem:s2+$0x450] =	vst v0  }
0x33: {  	[tilespmem:s2+$0x460] =	vst v0  }
0x34: {  	[spmem:s6] =	stream.linear.scatter [tilespmem:s25], [sflag:$0x7], $0x4000, $0x38;
	[tilespmem:$0x1C400] =	vst v63  }
0x35: {  	_ =	swait.ge [sflag:s19], $0x4000  }
0x36: {  	[sflag:s19] =	ssyncset.done $0x0  }
0x37: {  	s15 =	rddreg [dreg:$0x7];
	[sflag:s19] =	ssyncadd.s32 $0xFFFFC000  }
0x38: {  	[spmem:s15] =	stream.linear.scatter [tilespmem:s25], [sflag:$0x7], $0x4000, $0x38;
	[tilespmem:$0x1C400] =	vst v63  }
0x39: {  	_ =	swait.ge [sflag:s19], $0x4000  }
0x3a: {  	[sflag:s19] =	ssyncset.done $0x0  }
0x3b: {  	s16 =	rddreg [dreg:$0x8];
	[sflag:s19] =	ssyncadd.s32 $0xFFFFC000  }
0x3c: {  	[spmem:s16] =	stream.linear.scatter [tilespmem:s25], [sflag:$0x7], $0x4000, $0x38;
	[tilespmem:$0x1C400] =	vst v63  }
0x3d: {  	_ =	swait.ge [sflag:s19], $0x4000  }
0x3e: {  	[sflag:s19] =	ssyncset.done $0x0  }
0x3f: {  	s21 =	rddreg [dreg:$0x9];
	[sflag:s19] =	ssyncadd.s32 $0xFFFFC000  }
0x40: {  	[spmem:s21] =	stream.linear.scatter [tilespmem:s25], [sflag:$0x7], $0x4000, $0x38;
	[tilespmem:$0x1C400] =	vst v63  }
0x41: {  	_ =	swait.ge [sflag:s19], $0x4000  }
0x42: {  	[sflag:s19] =	ssyncset.done $0x0  }
0x43: {  	s22 =	rddreg [dreg:$0xa];
	[sflag:s19] =	ssyncadd.s32 $0xFFFFC000  }
0x44: {  	[spmem:s22] =	stream.linear.scatter [tilespmem:s25], [sflag:$0x7], $0x4000, $0x38;
	[tilespmem:$0x1C400] =	vst v63  }
0x45: {  	_ =	swait.ge [sflag:s19], $0x4000  }
0x46: {  	[sflag:s19] =	ssyncset.done $0x0  }
0x47: {  	[sflag:s19] =	ssyncadd.s32 $0xFFFFC000  }
.LBB2_6:
0x48: {  	[bflag:$0x0] =	sbarrier.arrive $0xFFFF;
	s2 =	simm.s32 $0x0  }
0x49: {  	[tilespmem:s2], [sflag:$0x1] =	stream.linear.gather [hbm4b:s12+s2], $0x100, $0x38;
	[tilespmem:$0x1C400] =	vst v63  }
0x4a: {  	_ = 	snop  }
0x4b: {  	[tilespmem:s20], [sflag:$0x1] =	stream.linear.gather [hbm4b:s13+s2], $0x100, $0x38;
	[tilespmem:$0x1C400] =	vst v63  }
0x4c: {  	s8 =	simm.s32 $0x100;
	s7 =	rddreg [dreg:$0xc]  }
0x4d: {  	[tilespmem:s8], [sflag:$0x2] =	stream.linear.gather [hbm4b:s7+s2], $0x100, $0x38;
	[tilespmem:$0x1C400] =	vst v63  }
0x4e: {  	s16 =	simm.s32 $0x300;
	s15 =	rddreg [dreg:$0xd]  }
0x4f: {  	[tilespmem:s16], [sflag:$0x2] =	stream.linear.gather [hbm4b:s15+s2], $0x100, $0x38;
	[tilespmem:$0x1C400] =	vst v63  }
0x50: {  	_ =	swait.ge [sflag:s23], $0x100  }
0x51: {  	[sflag:s23] =	ssyncset.done $0x0  }
0x52: {  	[sflag:s23] =	ssyncadd.s32 $0xFFFFFF00  }
0x53: {  	_ =	swait.ge [sflag:s23], $0x100  }
0x54: {  	[sflag:s23] =	ssyncset.done $0x0  }
0x55: {  	[sflag:s23] =	ssyncadd.s32 $0xFFFFFF00  }
0x56: {  	[tilespmem:s25], [sflag:$0x3] =	stream.indirect.gather [hbm4b:s4+s24], $0x80, s2, s24, $0xb8;
	[tilespmem:$0x1C400] =	vst v63  }
0x57: {  	_ = 	snop  }
0x58: {  	[tilespmem:s26], [sflag:$0x4] =	stream.indirect.gather [hbm4b:s4+s24], $0x80, s24, s24, $0xb8;
	[tilespmem:$0x1C400] =	vst v63  }
0x59: {  	_ =	swait.ge [sflag:s28], $0x4000  }
0x5a: {  	[sflag:s28] =	ssyncset.done $0x0  }
0x5b: {  	[sflag:s28] =	ssyncadd.s32 $0xFFFFC000  }
0x5c: {  	[spmem:s1] =	stream.indirect.scatter.add.f32 [tilespmem:s25], [sflag:$0x5], $0x80, s20, s24, $0xb8;
	[tilespmem:$0x1C400] =	vst v63  }
0x5d: {  	_ =	swait.ge [sflag:s29], $0x4000  }
0x5e: {  	s21 =	rddreg [dreg:$0x5]  }
0x5f: {  	[sflag:s29] =	ssyncset.done $0x0;
	p2 =	sle.u32 s21, $0x0  }
0x60: {  	s22 =	rddreg [dreg:$0x4];
	[sflag:s29] =	ssyncadd.s32 $0xFFFFC000;
	s2 =	simm.s32 @!p2 $0x2  }
0x61: {  	[spmem:s1] =	stream.indirect.scatter.add.f32 [tilespmem:s26], [sflag:$0x6], $0x80, s22, s24, $0xb8;
	[tilespmem:$0x1C400] =	vst v63  }
0x62: {  	_ =	swait.ge @!p2 [sflag:s2], $0x100  }
0x63: {  	[sflag:s2] =	ssyncset.done @!p2 $0x0  }
0x64: {  	[sflag:s2] =	ssyncadd.s32 @!p2 $0xFFFFFF00  }
0x65: {  	_ =	swait.ge @!p2 [sflag:s2], $0x100  }
0x66: {  	[sflag:s2] =	ssyncset.done @!p2 $0x0  }
0x67: {  	s7 =	simm.s32 @!p2 $0x5;
	[sflag:s2] =	ssyncadd.s32 @!p2 $0xFFFFFF00  }
0x68: {  	_ =	swait.ge @!p2 [sflag:s7], $0x4000  }
0x69: {  	s8 =	simm.s32 @!p2 $0x80;
	s9 =	simm.s32 @!p2 $0x100;
	[sflag:s7] =	ssyncset.done @!p2 $0x0  }
0x6a: {  	s2 =	simm.s32 @!p2 $0x400;
	[sflag:s7] =	ssyncadd.s32 @!p2 $0xFFFFC000;
	s7 =	simm.s32 @!p2 $0x6  }
0x6b: {  	[tilespmem:s2], [sflag:$0x3] =	stream.indirect.gather @!p2 [hbm4b:s4+s8], $0x80, s9, s8, $0xb8;
	[tilespmem:$0x1C400] =	vst v63  }
0x6c: {  	_ =	swait.ge @!p2 [sflag:s7], $0x4000  }
0x6d: {  	p1 =	sle.u32 s5, $0x2;
	s2 =	simm.s32 @!p2 $0x4400;
	[sflag:s7] =	ssyncset.done @!p2 $0x0  }
0x6e: {  	s9 =	simm.s32 @!p2 $0x180;
	[sflag:s7] =	ssyncadd.s32 @!p2 $0xFFFFC000;
	s7 =	simm.s32 @p1 $0x3  }
0x6f: {  	[tilespmem:s2], [sflag:$0x4] =	stream.indirect.gather @!p2 [hbm4b:s4+s8], $0x80, s9, s8, $0xb8;
	[tilespmem:$0x1C400] =	vst v63  }
0x70: {  	_ =	swait.ge @p1 [sflag:s7], $0x4000  }
0x71: {  	s2 =	simm.s32 @p1 $0x400;
	s8 =	simm.s32 @p1 $0x80;
	[sflag:s7] =	ssyncset.done @p1 $0x0  }
0x72: {  	s9 =	simm.s32 @p1 $0x300;
	[sflag:s7] =	ssyncadd.s32 @p1 $0xFFFFC000;
	s7 =	simm.s32 @p1 $0x4  }
0x73: {  	[spmem:s1] =	stream.indirect.scatter.add.f32 @p1 [tilespmem:s2], [sflag:$0x5], $0x80, s9, s8, $0xb8;
	[tilespmem:$0x1C400] =	vst v63  }
0x74: {  	_ =	swait.ge @p1 [sflag:s7], $0x4000  }
0x75: {  	s10 =	simm.s32 @p1 $0x4400;
	[sflag:s7] =	ssyncset.done @p1 $0x0  }
0x76: {  	s2 =	sadd.s32 @!p1 $0x0, s12;
	s9 =	simm.s32 @p1 $0x380;
	[sflag:s7] =	ssyncadd.s32 @p1 $0xFFFFC000  }
0x77: {  	[spmem:s1] =	stream.indirect.scatter.add.f32 @p1 [tilespmem:s10], [sflag:$0x6], $0x80, s9, s8, $0xb8;
	[tilespmem:$0x1C400] =	vst v63  }
0x78: {  	s2 =	sadd.s32 @!p1 $0x40, s2;
	s7 =	sadd.s32 @!p1 $0x0, s13;
	s8 =	simm.s32 @!p1 $0x0  }
0x79: {  	[tilespmem:s8], [sflag:$0x1] =	stream.linear.gather @!p1 [hbm4b:s2+s8], $0x100, $0x38;
	[tilespmem:$0x1C400] =	vst v63  }
0x7a: {  	s9 =	simm.s32 @!p1 $0x3;
	s2 =	sadd.s32 @!p1 $0x40, s7;
	s7 =	simm.s32 @!p1 $0x200  }
0x7b: {  	[tilespmem:s7], [sflag:$0x1] =	stream.linear.gather @!p1 [hbm4b:s2+s8], $0x100, $0x38;
	[tilespmem:$0x1C400] =	vst v63  }
0x7c: {  	_ =	swait.ge @!p1 [sflag:s9], $0x4000  }
0x7d: {  	s10 =	simm.s32 @!p1 $0x80;
	s2 =	simm.s32 @!p1 $0x400;
	[sflag:s9] =	ssyncset.done @!p1 $0x0  }
0x7e: {  	s7 =	simm.s32 @!p1 $0x300;
	[sflag:s9] =	ssyncadd.s32 @!p1 $0xFFFFC000;
	s9 =	simm.s32 @!p1 $0x4  }
0x7f: {  	[spmem:s1] =	stream.indirect.scatter.add.f32 @!p1 [tilespmem:s2], [sflag:$0x5], $0x80, s7, s10, $0xb8;
	[tilespmem:$0x1C400] =	vst v63  }
0x80: {  	_ =	swait.ge @!p1 [sflag:s9], $0x4000  }
0x81: {  	s11 =	simm.s32 @!p1 $0x4400;
	[sflag:s9] =	ssyncset.done @!p1 $0x0  }
0x82: {  	s7 =	simm.s32 @!p1 $0x380;
	[sflag:s9] =	ssyncadd.s32 @!p1 $0xFFFFC000;
	s9 =	simm.s32 @!p1 $0x1  }
0x83: {  	[spmem:s1] =	stream.indirect.scatter.add.f32 @!p1 [tilespmem:s11], [sflag:$0x6], $0x80, s7, s10, $0xb8;
	[tilespmem:$0x1C400] =	vst v63  }
0x84: {  	_ =	swait.ge @!p1 [sflag:s9], $0x100  }
0x85: {  	[sflag:s9] =	ssyncset.done @!p1 $0x0  }
0x86: {  	[sflag:s9] =	ssyncadd.s32 @!p1 $0xFFFFFF00  }
0x87: {  	_ =	swait.ge @!p1 [sflag:s9], $0x100  }
0x88: {  	[sflag:s9] =	ssyncset.done @!p1 $0x0  }
0x89: {  	s7 =	simm.s32 @!p1 $0x5;
	[sflag:s9] =	ssyncadd.s32 @!p1 $0xFFFFFF00  }
0x8a: {  	_ =	swait.ge @!p1 [sflag:s7], $0x4000  }
0x8b: {  	[sflag:s7] =	ssyncset.done @!p1 $0x0  }
0x8c: {  	s9 =	simm.s32 @!p1 $0x6;
	[sflag:s7] =	ssyncadd.s32 @!p1 $0xFFFFC000  }
0x8d: {  	[tilespmem:s2], [sflag:$0x3] =	stream.indirect.gather @!p1 [hbm4b:s4+s10], $0x80, s8, s10, $0xb8;
	[tilespmem:$0x1C400] =	vst v63  }
0x8e: {  	_ =	swait.ge @!p1 [sflag:s9], $0x4000  }
0x8f: {  	[sflag:s9] =	ssyncset.done @!p1 $0x0  }
0x90: {  	s21 =	rddreg [dreg:$0x6];
	[sflag:s9] =	ssyncadd.s32 @!p1 $0xFFFFC000  }
0x91: {  	[tilespmem:s11], [sflag:$0x4] =	stream.indirect.gather @!p1 [hbm4b:s4+s10], $0x80, s10, s10, $0xb8;
	[tilespmem:$0x1C400] =	vst v63  }
0x92: {  	p1 =	sne.s32 s21, $0x40  }
.Ltmp3:
0x93: {  	_ = 	snop;
	(pc) =	sbr.rel @!p1 .LBB2_8-.Ltmp3, $4  }
0x94: {  	p2 =	sle.u32 s5, $0x3  }
0x95: {  	s22 =	sadd.s32 @!p2 $0x0, s13;
	s7 =	simm.s32 $0x2;
	s8 =	sadd.s32 @!p2 $0x0, s12  }
0x96: {  	s2 =	simm.s32 $0x40;
	s8 =	sadd.s32 @!p2 $0x60, s8;
	s9 =	simm.s32 @!p2 $0x100  }
0x97: {  	s10 =	simm.s32 @!p2 $0x0;
	s11 =	sadd.s32 @!p2 $0x60, s22;
	s21 =	simm.s32 @!p2 $0x300  }
.LBB2_7:
0x98: {  	[tilespmem:s9], [sflag:$0x2] =	stream.linear.gather @!p2 [hbm4b:s8+s10], $0x100, $0x38;
	[tilespmem:$0x1C400] =	vst v63  }
0x99: {  	_ = 	snop  }
0x9a: {  	[tilespmem:s21], [sflag:$0x2] =	stream.linear.gather @!p2 [hbm4b:s11+s10], $0x100, $0x38;
	[tilespmem:$0x1C400] =	vst v63  }
0x9b: {  	_ =	swait.ge [sflag:s28], $0x4000  }
0x9c: {  	[sflag:s28] =	ssyncset.done $0x0  }
0x9d: {  	[sflag:s28] =	ssyncadd.s32 $0xFFFFC000  }
0x9e: {  	[spmem:s1] =	stream.indirect.scatter.add.f32 [tilespmem:s25], [sflag:$0x5], $0x80, s20, s24, $0xb8;
	[tilespmem:$0x1C400] =	vst v63  }
0x9f: {  	_ =	swait.ge [sflag:s29], $0x4000  }
0xa0: {  	s21 =	rddreg [dreg:$0x5]  }
0xa1: {  	[sflag:s29] =	ssyncset.done $0x0;
	p2 =	sge.u32 s7, s21  }
0xa2: {  	s22 =	rddreg [dreg:$0x4];
	[sflag:s29] =	ssyncadd.s32 $0xFFFFC000;
	s10 =	simm.s32 @!p2 $0x2  }
0xa3: {  	[spmem:s1] =	stream.indirect.scatter.add.f32 [tilespmem:s26], [sflag:$0x6], $0x80, s22, s24, $0xb8;
	[tilespmem:$0x1C400] =	vst v63  }
0xa4: {  	_ =	swait.ge @!p2 [sflag:s10], $0x100  }
0xa5: {  	[sflag:s10] =	ssyncset.done @!p2 $0x0  }
0xa6: {  	[sflag:s10] =	ssyncadd.s32 @!p2 $0xFFFFFF00  }
0xa7: {  	_ =	swait.ge @!p2 [sflag:s10], $0x100  }
0xa8: {  	[sflag:s10] =	ssyncset.done @!p2 $0x0  }
0xa9: {  	s11 =	simm.s32 @!p2 $0x5;
	[sflag:s10] =	ssyncadd.s32 @!p2 $0xFFFFFF00  }
0xaa: {  	_ =	swait.ge @!p2 [sflag:s11], $0x4000  }
0xab: {  	s21 =	simm.s32 @!p2 $0x80;
	s22 =	simm.s32 @!p2 $0x100;
	[sflag:s11] =	ssyncset.done @!p2 $0x0  }
0xac: {  	s10 =	simm.s32 @!p2 $0x400;
	[sflag:s11] =	ssyncadd.s32 @!p2 $0xFFFFC000;
	s11 =	simm.s32 @!p2 $0x6  }
0xad: {  	[tilespmem:s10], [sflag:$0x3] =	stream.indirect.gather @!p2 [hbm4b:s4+s21], $0x80, s22, s21, $0xb8;
	[tilespmem:$0x1C400] =	vst v63  }
0xae: {  	s16 =	smov.u32 s7;
	s7 =	sadd.s32 $0x2, s7;
	_ =	swait.ge @!p2 [sflag:s11], $0x4000  }
0xaf: {  	p1 =	sge.u32 s7, s5;
	s10 =	simm.s32 @!p2 $0x4400;
	[sflag:s11] =	ssyncset.done @!p2 $0x0  }
0xb0: {  	s22 =	simm.s32 @!p2 $0x180;
	[sflag:s11] =	ssyncadd.s32 @!p2 $0xFFFFC000;
	s11 =	simm.s32 @p1 $0x3  }
0xb1: {  	[tilespmem:s10], [sflag:$0x4] =	stream.indirect.gather @!p2 [hbm4b:s4+s21], $0x80, s22, s21, $0xb8;
	[tilespmem:$0x1C400] =	vst v63  }
0xb2: {  	s8 =	smov.u32 s2;
	_ =	swait.ge @p1 [sflag:s11], $0x4000  }
0xb3: {  	s10 =	simm.s32 @p1 $0x400;
	s21 =	simm.s32 @p1 $0x80;
	[sflag:s11] =	ssyncset.done @p1 $0x0  }
0xb4: {  	s22 =	simm.s32 @p1 $0x300;
	[sflag:s11] =	ssyncadd.s32 @p1 $0xFFFFC000;
	s11 =	simm.s32 @p1 $0x4  }
0xb5: {  	[spmem:s1] =	stream.indirect.scatter.add.f32 @p1 [tilespmem:s10], [sflag:$0x5], $0x80, s22, s21, $0xb8;
	[tilespmem:$0x1C400] =	vst v63  }
0xb6: {  	s15 =	sadd.s32 @!p1 s8, s13;
	_ =	swait.ge @p1 [sflag:s11], $0x4000  }
0xb7: {  	s14 =	sadd.s32 @!p1 s8, s12;
	s10 =	sadd.s32 @!p1 $0x40, s15;
	[sflag:s11] =	ssyncset.done @p1 $0x0  }
0xb8: {  	s15 =	simm.s32 @p1 $0x380;
	s22 =	simm.s32 @p1 $0x4400;
	[sflag:s11] =	ssyncadd.s32 @p1 $0xFFFFC000  }
0xb9: {  	[spmem:s1] =	stream.indirect.scatter.add.f32 @p1 [tilespmem:s22], [sflag:$0x6], $0x80, s15, s21, $0xb8;
	[tilespmem:$0x1C400] =	vst v63  }
0xba: {  	s14 =	sadd.s32 @!p1 $0x40, s14;
	s11 =	simm.s32 @!p1 $0x0  }
0xbb: {  	[tilespmem:s11], [sflag:$0x1] =	stream.linear.gather @!p1 [hbm4b:s14+s11], $0x100, $0x38;
	[tilespmem:$0x1C400] =	vst v63  }
0xbc: {  	s15 =	simm.s32 @!p1 $0x200;
	s14 =	simm.s32 @!p1 $0x3  }
0xbd: {  	[tilespmem:s15], [sflag:$0x1] =	stream.linear.gather @!p1 [hbm4b:s10+s11], $0x100, $0x38;
	[tilespmem:$0x1C400] =	vst v63  }
0xbe: {  	_ =	swait.ge @!p1 [sflag:s14], $0x4000  }
0xbf: {  	s21 =	simm.s32 @!p1 $0x300;
	s10 =	simm.s32 @!p1 $0x400;
	[sflag:s14] =	ssyncset.done @!p1 $0x0  }
0xc0: {  	s15 =	simm.s32 @!p1 $0x80;
	[sflag:s14] =	ssyncadd.s32 @!p1 $0xFFFFC000;
	s14 =	simm.s32 @!p1 $0x4  }
0xc1: {  	[spmem:s1] =	stream.indirect.scatter.add.f32 @!p1 [tilespmem:s10], [sflag:$0x5], $0x80, s21, s15, $0xb8;
	[tilespmem:$0x1C400] =	vst v63  }
0xc2: {  	_ =	swait.ge @!p1 [sflag:s14], $0x4000  }
0xc3: {  	s22 =	simm.s32 @!p1 $0x4400;
	[sflag:s14] =	ssyncset.done @!p1 $0x0  }
0xc4: {  	s21 =	simm.s32 @!p1 $0x380;
	[sflag:s14] =	ssyncadd.s32 @!p1 $0xFFFFC000;
	s14 =	simm.s32 @!p1 $0x1  }
0xc5: {  	[spmem:s1] =	stream.indirect.scatter.add.f32 @!p1 [tilespmem:s22], [sflag:$0x6], $0x80, s21, s15, $0xb8;
	[tilespmem:$0x1C400] =	vst v63  }
0xc6: {  	_ =	swait.ge @!p1 [sflag:s14], $0x100  }
0xc7: {  	[sflag:s14] =	ssyncset.done @!p1 $0x0  }
0xc8: {  	[sflag:s14] =	ssyncadd.s32 @!p1 $0xFFFFFF00  }
0xc9: {  	_ =	swait.ge @!p1 [sflag:s14], $0x100  }
0xca: {  	[sflag:s14] =	ssyncset.done @!p1 $0x0  }
0xcb: {  	s21 =	simm.s32 @!p1 $0x5;
	[sflag:s14] =	ssyncadd.s32 @!p1 $0xFFFFFF00  }
0xcc: {  	_ =	swait.ge @!p1 [sflag:s21], $0x4000  }
0xcd: {  	[sflag:s21] =	ssyncset.done @!p1 $0x0  }
0xce: {  	s14 =	simm.s32 @!p1 $0x6;
	[sflag:s21] =	ssyncadd.s32 @!p1 $0xFFFFC000  }
0xcf: {  	[tilespmem:s10], [sflag:$0x3] =	stream.indirect.gather @!p1 [hbm4b:s4+s15], $0x80, s11, s15, $0xb8;
	[tilespmem:$0x1C400] =	vst v63  }
0xd0: {  	_ =	swait.ge @!p1 [sflag:s14], $0x4000  }
0xd1: {  	s2 =	sadd.s32 $0x40, s2;
	[sflag:s14] =	ssyncset.done @!p1 $0x0  }
0xd2: {  	s9 =	sadd.s32 $0x3, s16;
	s16 =	rddreg [dreg:$0x6];
	[sflag:s14] =	ssyncadd.s32 @!p1 $0xFFFFC000  }
0xd3: {  	[tilespmem:s22], [sflag:$0x4] =	stream.indirect.gather @!p1 [hbm4b:s4+s15], $0x80, s15, s15, $0xb8;
	[tilespmem:$0x1C400] =	vst v63  }
0xd4: {  	p1 =	sne.s32 s16, s2  }
.Ltmp4:
0xd5: {  	_ = 	snop;
	(pc) =	sbr.rel @p1 .LBB2_7-.Ltmp4, $4  }
0xd6: {  	p2 =	sge.u32 s9, s5  }
0xd7: {  	s9 =	sadd.s32 @!p2 s8, s12  }
0xd8: {  	s21 =	simm.s32 @!p2 $0x300;
	s11 =	sadd.s32 @!p2 s8, s13;
	s8 =	sadd.s32 @!p2 $0x60, s9  }
0xd9: {  	s10 =	simm.s32 @!p2 $0x0;
	s9 =	simm.s32 @!p2 $0x100;
	s11 =	sadd.s32 @!p2 $0x60, s11  }
.LBB2_8:
0xda: {  	[tilespmem:s9], [sflag:$0x2] =	stream.linear.gather @!p2 [hbm4b:s8+s10], $0x100, $0x38;
	[tilespmem:$0x1C400] =	vst v63  }
0xdb: {  	_ = 	snop  }
0xdc: {  	[tilespmem:s21], [sflag:$0x2] =	stream.linear.gather @!p2 [hbm4b:s11+s10], $0x100, $0x38;
	[tilespmem:$0x1C400] =	vst v63  }
0xdd: {  	_ =	swait.ge [sflag:s30], $0x4000  }
0xde: {  	[sflag:s30] =	ssyncset.done $0x0  }
0xdf: {  	[sflag:s30] =	ssyncadd.s32 $0xFFFFC000  }
0xe0: {  	_ =	swait.ge [sflag:s31], $0x4000  }
0xe1: {  	[sflag:s31] =	ssyncset.done $0x0  }
0xe2: {  	[sflag:s31] =	ssyncadd.s32 $0xFFFFC000  }
0xe3: {  	s2 =	sshll.u32 @p0 s3, $0x6;
	[bflag:$0x0] =	sbarrier.arrive $0xFFFF  }
0xe4: {  	s7 =	sshrl.u32 @p0 s6, $0x3;
	s2 =	sor.u32 @p0 $0x1C07, s2;
	s8 =	rddreg [dreg:$0xe]  }
0xe5: {  	[hbm:s8], [sflag:s2] =	dma.local @p0 [spmem:s7], $0x500  }
0xe6: {  	s2 =	simm.s32 @p0 $0x7  }
0xe7: {  	s0 =	sadd.s32 $0x1, s0;
	_ =	swait.ge @p0 [sflag:s2], $0x500  }
0xe8: {  	p1 =	sne.s32 s0, s18;
	s7 =	sshll.u32 @!p0 s3, $0x6;
	[sflag:s2] =	ssyncset.done @p0 $0x0  }
0xe9: {  	[sflag:s2] =	ssyncadd.s32 @p0 $0xFFFFFB00;
	s2 =	sor.u32 @!p0 $0x1C07, s7;
	s7 =	sshrl.u32 @!p0 s6, $0x3  }
0xea: {  	[hbm:s17], [sflag:s2] =	dma.local @!p0 [spmem:s7], $0x2800  }
.Ltmp5:
0xeb: {  	_ = 	snop;
	(pc) =	sbr.rel @p1 .LBB2_1-.Ltmp5, $4  }
0xec: {  	s2 =	simm.s32 @!p0 $0x7  }
0xed: {  	_ =	swait.ge @!p0 [sflag:s2], $0x2800  }
0xee: {  	[sflag:s2] =	ssyncset.done @!p0 $0x0  }
0xef: {  	[sflag:s2] =	ssyncadd.s32 @!p0 $0xFFFFD800  }
0xf0: {  	_ =	sfence.sel $0x180000  }
0xf1: {  	[bflag:$0x0] =	sbarrier.arrive $0xFFFF  }
0xf2: {  	_ =	strace $0x9000004A  }
0xf3: {  	[bflag:$0x2] =	sbarrier.arrive $0xFFFF  }
0xf4: {  	p0 =	sne.s32 s3, $0x0;
	s0 =	rddreg [dreg:$0x3]  }
0xf5: {  	s0 =	sadd.s32 @!p0 $0x100000, s0  }
0xf6: {  	[sflag:s0] =	ssyncadd.tile.s32 @!p0 $0x1;
	_ =	shalt  }
.Lfunc_end2:
_tile_overlayer_lowered:
.L_overlay_start_2:
0xf7: {  	(tag) =	ssettag $0x2  }
0xf8: {  	s0 =	rddreg [dreg:$0x0];
	s2 =	stileid.u32  }
0xf9: {  	s1 =	rddreg [dreg:$0x1];
	p0 =	sne.s32 s2, $0x0  }
0xfa: {  	s3 =	rddreg [dreg:$0x2];
	[bflag:$0x3] =	sbarrier.arrive $0xFFFF;
	s2 =	simm.s32 @!p0 $0x1C07  }
0xfb: {  	[timem:s3], [sflag:s2] =	dma.local @!p0 [hbm:s0], s1  }
0xfc: {  	s0 =	simm.s32 @!p0 $0x7  }
0xfd: {  	_ =	swait.ge @!p0 [sflag:s0], s1  }
0xfe: {  	s1 =	ssub.s32 @!p0 $0x0, s1;
	[sflag:s0] =	ssyncset.done @!p0 $0x0  }
0xff: {  	[sflag:s0] =	ssyncadd.s32 @!p0 s1  }
0x100: {  	[bflag:$0x3] =	sbarrier.arrive $0xFFFF  }
0x101: {  	_ =	shalt  }

// kernel: kernel.14.cloned.1.call-start
scs
__scs_entry_jumppad:
0x0: {  	(pc) =	sbr.rel $0x88, $3  }
0x1: {  	(tag) =	ssettag $0x0;
	lr =	simm.s32 $0x1  }
0x2: {  	[smem:$0x3F9B] =	sst lr;
	_ =	strace $0xD0000000  }
0x3: {  	_ = 	snop  }
0x4: {  	_ = 	snop  }
0x5: {  	_ = 	snop  }
0x6: {  	_ = 	snop  }
0x7: {  	_ = 	snop  }
__scs_overlays_trampoline_lowered:
0x8: {  	[smem:$0x3FAA] =	sst s0  }
0x9: {  	[smem:$0x3FAB] =	sst s1  }
0xa: {  	[smem:$0x3FAC] =	sst s2  }
0xb: {  	[smem:$0x3FAD] =	sst s3  }
0xc: {  	[smem:$0x3FAE] =	sst s4  }
0xd: {  	[smem:$0x3FAF] =	sst s5  }
0xe: {  	[smem:$0x3FB0] =	sst s6  }
0xf: {  	[smem:$0x3FB1] =	sst s7  }
0x10: {  	[smem:$0x3FB2] =	sst s8  }
0x11: {  	[smem:$0x3FB3] =	sst s9;
	s0 =	simm.s32 @!p0 $0x0  }
0x12: {  	s1 =	sld [smem:$0x3F99];
	s0 =	simm.s32 @p0 $0x1  }
0x13: {  	[smem:$0x3FB4] =	sst s0;
	s0 =	simm.s32 @!p1 $0x0  }
0x14: {  	s2 =	sld [smem:$0x3F98];
	s0 =	simm.s32 @p1 $0x1  }
0x15: {  	[smem:$0x3FB5] =	sst s0;
	s0 =	simm.s32 @!p2 $0x0  }
0x16: {  	s3 =	sld [smem:$0x3FDB];
	s0 =	simm.s32 @p2 $0x1  }
0x17: {  	s4 =	simm.s32 $0x1BF5;
	[smem:$0x3FB7] =	sst s0  }
0x18: {  	s0 =	sld [smem:$0x3F9A];
	_ =	swait.ge [sflag:s4], $0x0  }
0x19: {  	s7 =	sld [smem:$0x3F9B]  }
0x1a: {  	s8 =	sadd.s32 $0xFFFFE003, lr  }
0x1b: {  	s9 =	sadd.s32 $0xFFFFFEF7, lr;
	s5 =	simm.s32 $0xFFFFFFFF;
	p2 =	slt.u32 s8, $0xFFFFF086  }
0x1c: {  	p1 =	slt.u32 s9, $0xF7A;
	s5 =	simm.s32 @!p2 $0x0  }
0x1d: {  	s5 =	simm.s32 @p1 $0x1;
	p0 =	seq.s32 s7, s2  }
0x1e: {  	s7 =	smul.u32 @!p0 $0xF7A, s2;
	p2 =	seq.s32 @!p0 s5, $0x0  }
0x1f: {  	s9 =	smul.u32 $0xF7A, s1;
	s8 =	simm.s32 @!p0 $0x1BF5;
	p2 =	por !p2, p0  }
0x20: {  	[sflag:s8] =	ssyncset.s32 @!p0 $0xFFFFF086;
	s6 =	sadd.s32 @!p0 s3, s7;
	s7 =	simm.s32 @!p0 $0x108  }
0x21: {  	s3 =	sadd.s32 s3, s9;
	s6 =	sadd.s32 @!p0 $0x88, s6;
	s7 =	simm.s32 @p2 $0x1082  }
0x22: {  	[simem:s7], [sflag:s8] =	dma.local @!p0 [hbm:s6], $0xF7A  }
0x23: {  	s9 =	sor.u32 $0xD0000000, s2;
	s6 =	simm.s32 $0x108;
	_ =	swait.ge @!p0 [sflag:s8], $0x0  }
0x24: {  	s3 =	sadd.s32 $0x88, s3;
	s6 =	simm.s32 @!p1 $0x1082;
	[sflag:s4] =	ssyncset.s32 $0xFFFFF086  }
0x25: {  	[simem:s6], [sflag:s4] =	dma.local [hbm:s3], $0xF7A  }
0x26: {  	[smem:$0x3F9B] =	sst s1;
	(tag) =	ssettag s2;
	_ =	strace s9  }
0x27: {  	s1 =	sld [smem:$0x3FAB]  }
0x28: {  	s2 =	sld [smem:$0x3FAC]  }
0x29: {  	s4 =	sld [smem:$0x3FAE]  }
0x2a: {  	p0 =	seq.s32 s5, $0x0;
	s5 =	sld [smem:$0x3FAF]  }
0x2b: {  	s6 =	sld [smem:$0x3FB0]  }
0x2c: {  	s7 =	sld [smem:$0x3FB1]  }
0x2d: {  	s3 =	simm.s32 $0x108;
	s8 =	sld [smem:$0x3FB2]  }
0x2e: {  	s3 =	simm.s32 @!p0 $0x1082;
	s9 =	sld [smem:$0x3FB3]  }
0x2f: {  	lr =	sadd.s32 s0, s3;
	s0 =	sld [smem:$0x3FAA]  }
0x30: {  	s3 =	sld [smem:$0x3FAD]  }
0x31: {  	[smem:$0x3FB6] =	sst s10  }
0x32: {  	s10 =	sld [smem:$0x3FB4];
	_ =	sdelay $0x3  }
0x33: {  	p0 =	seq.s32 s10, $0x1;
	s10 =	sld [smem:$0x3FB6];
	_ =	sdelay $0x3  }
0x34: {  	[smem:$0x3FB6] =	sst s10  }
0x35: {  	s10 =	sld [smem:$0x3FB5];
	_ =	sdelay $0x3  }
0x36: {  	p1 =	seq.s32 s10, $0x1;
	s10 =	sld [smem:$0x3FB6];
	_ =	sdelay $0x3  }
0x37: {  	[smem:$0x3FB6] =	sst s10  }
0x38: {  	s10 =	sld [smem:$0x3FB7]  }
0x39: {  	_ = 	snop;
	(pc) =	sbr.ind lr, $3  }
0x3a: {  	_ = 	snop  }
0x3b: {  	_ = 	snop  }
0x3c: {  	p2 =	seq.s32 s10, $0x1;
	s10 =	sld [smem:$0x3FB6]  }
0x3d: {  	_ =	shalt  }
0x3e: {  	_ =	shalt  }
0x3f: {  	_ =	shalt  }
0x40: {  	_ =	shalt  }
0x41: {  	_ =	shalt  }
0x42: {  	_ =	shalt  }
0x43: {  	_ =	shalt  }
0x44: {  	_ =	shalt  }
0x45: {  	_ =	shalt  }
0x46: {  	_ =	shalt  }
0x47: {  	_ =	shalt  }
0x48: {  	_ =	shalt  }
0x49: {  	_ =	shalt  }
0x4a: {  	_ =	shalt  }
0x4b: {  	_ =	shalt  }
0x4c: {  	_ =	shalt  }
0x4d: {  	_ =	shalt  }
0x4e: {  	_ =	shalt  }
0x4f: {  	_ =	shalt  }
0x50: {  	_ =	shalt  }
0x51: {  	_ =	shalt  }
0x52: {  	_ =	shalt  }
0x53: {  	_ =	shalt  }
0x54: {  	_ =	shalt  }
0x55: {  	_ =	shalt  }
0x56: {  	_ =	shalt  }
0x57: {  	_ =	shalt  }
0x58: {  	_ =	shalt  }
0x59: {  	_ =	shalt  }
0x5a: {  	_ =	shalt  }
0x5b: {  	_ =	shalt  }
0x5c: {  	_ =	shalt  }
0x5d: {  	_ =	shalt  }
0x5e: {  	_ =	shalt  }
0x5f: {  	_ =	shalt  }
0x60: {  	_ =	shalt  }
0x61: {  	_ =	shalt  }
0x62: {  	_ =	shalt  }
0x63: {  	_ =	shalt  }
0x64: {  	_ =	shalt  }
0x65: {  	_ =	shalt  }
0x66: {  	_ =	shalt  }
0x67: {  	_ =	shalt  }
0x68: {  	_ =	shalt  }
0x69: {  	_ =	shalt  }
0x6a: {  	_ =	shalt  }
0x6b: {  	_ =	shalt  }
0x6c: {  	_ =	shalt  }
0x6d: {  	_ =	shalt  }
0x6e: {  	_ =	shalt  }
0x6f: {  	_ =	shalt  }
0x70: {  	_ =	shalt  }
0x71: {  	_ =	shalt  }
0x72: {  	_ =	shalt  }
0x73: {  	_ =	shalt  }
0x74: {  	_ =	shalt  }
0x75: {  	_ =	shalt  }
0x76: {  	_ =	shalt  }
0x77: {  	_ =	shalt  }
0x78: {  	_ =	shalt  }
0x79: {  	_ =	shalt  }
0x7a: {  	_ =	shalt  }
0x7b: {  	_ =	shalt  }
0x7c: {  	_ =	shalt  }
0x7d: {  	_ =	shalt  }
0x7e: {  	_ =	shalt  }
0x7f: {  	_ =	shalt  }
0x80: {  	_ =	shalt  }
0x81: {  	_ =	shalt  }
0x82: {  	_ =	shalt  }
0x83: {  	_ =	shalt  }
0x84: {  	_ =	shalt  }
0x85: {  	_ =	shalt  }
0x86: {  	_ =	shalt  }
0x87: {  	_ =	shalt  }
.Lfunc_end0:
.L_simem_size_0:
called_computation.2_lowered:
.L_overlay_start_0:
0x88: {  	s2 =	sld [smem:$0x3FD9]  }
0x89: {  	s3 =	sld [smem:$0x3FFE];
	_ =	sdelay $0x1  }
0x8a: {  	s1 =	srdreg.scid  }
0x8b: {  	s0 =	sand.u32 $0x1, s1  }
0x8c: {  	s17 =	sshll.u32 s0, $0xA;
	s2 =	sadd.s32 s3, s2  }
0x8d: {  	s2 =	sadd.s32 s2, s17  }
0x8e: {  	[smem:$0x3FC2] =	sst s2  }
0x8f: {  	_ = 	snop  }
0x90: {  	s2 =	sld [smem:$0x3FD0];
	(tm) =	ssettm $0x1  }
0x91: {  	s18 =	sld [smem:$0x3FFB];
	_ =	sdelay $0x3  }
0x92: {  	_ =	strace s18  }
0x93: {  	s3 =	sld [smem:$0x3FFC];
	_ =	sdelay $0x3  }
0x94: {  	_ =	strace s3  }
0x95: {  	s3 =	sld [smem:$0x3FFD];
	_ =	sdelay $0x3  }
0x96: {  	_ =	strace s3  }
0x97: {  	_ =	strace $0x8FFFFFFF  }
0x98: {  	s19 =	sld [smem:$0x3FDB];
	_ =	sdelay $0x1  }
0x99: {  	s4 =	simm.s32 $_scs_section_size  }
0x9a: {  	s5 =	simm.s32 $_size__tile_overlayer_lowered;
	s6 =	simm.s32 $_tile_overlayer_lowered  }
0x9b: {  	s22 =	simm.s32 $0x1BFF;
	s21 =	sshll.u32 s6, $0x1;
	s3 =	sadd.s32 s4, s19  }
0x9c: {  	s7 =	simm.s32 $0x0;
	s20 =	sshll.u32 s5, $0x1;
	s5 =	sadd.s32 s21, s3  }
0x9d: {  	[timem:s7], [sflag:s22] =	dma.local [hbm:s5], s20  }
0x9e: {  	_ =	swait.ge [sflag:s22], s20  }
0x9f: {  	s4 =	ssub.s32 $0x0, s20;
	[sflag:s22] =	ssyncset.done $0x0  }
0xa0: {  	[sflag:s22] =	ssyncadd.s32 s4;
	_ =	sdelay $0x1  }
0xa1: {  	s23 =	simm.s32 $0x1B8B  }
0xa2: {  	_ =	swait.ge [sflag:s23], $0x1  }
0xa3: {  	[sflag:s23] =	ssyncset.done $0x0  }
0xa4: {  	s25 =	simm.s32 $0x1B8E;
	s24 =	sld [smem:$0x3FFE];
	[sflag:s23] =	ssyncadd.s32 $0xFFFFFFFF  }
0xa5: {  	s26 =	simm.s32 $execute0_lowered;
	[smem:$0x3FD2] =	sst s25  }
0xa6: {  	s5 =	sshll.u32 s26, $0x1;
	_ =	strace $0x8000004C;
	[dreg:$0x1] =	wrdreg $0xFFFFFFFF  }
0xa7: {  	s28 =	simm.s32 $_size_execute0_lowered;
	s3 =	sadd.s32 s3, s5;
	[dreg:$0x0] =	wrdreg $0x0  }
0xa8: {  	s5 =	sshll.u32 s28, $0x1;
	[dreg:$0x2] =	wrdreg s3  }
0xa9: {  	[dreg:$0x3] =	wrdreg s5  }
0xaa: {  	[dreg:$0x4] =	wrdreg $0xC0  }
0xab: {  	_ =	task [dreg:s7], $0x5FFFF  }
0xac: {  	[dreg:$0x1] =	wrdreg $0xFFFFFFFF  }
0xad: {  	[dreg:$0x0] =	wrdreg $0x60  }
0xae: {  	[dreg:$0x2] =	wrdreg s24  }
0xaf: {  	[dreg:$0x3] =	wrdreg s2  }
0xb0: {  	[dreg:$0x4] =	wrdreg $0x84000  }
0xb1: {  	[dreg:$0x5] =	wrdreg $0x9  }
0xb2: {  	_ =	task.clear_ibuf [dreg:s7], $0x6FFFF;
	_ =	strace $0x9000004C  }
0xb3: {  	s29 =	simm.s32 $0x9;
	_ =	strace $0x8000004E  }
0xb4: {  	_ =	swait.ge [sflag:s29], $0x1  }
0xb5: {  	[sflag:s29] =	ssyncadd.s32 $0xFFFFFFFF  }
0xb6: {  	_ =	strace $0x9000004E  }
0xb7: {  	_ =	sfence  }
0xb8: {  	s30 =	sld [smem:$0x0];
	_ =	sdelay $0x2  }
0xb9: {  	s31 =	sshll.u32 s1, $0xD;
	s1 =	sshrl.u32 s1, $0x2  }
0xba: {  	s3 =	sand.u32 $0x4000, s31;
	s1 =	sadd.s32 s1, s30  }
0xbb: {  	s0 =	sor.u32 s3, s0;
	s1 =	sshll.u32 s1, $0x11  }
0xbc: {  	s0 =	sor.u32 s1, s0  }
0xbd: {  	s0 =	sadd.s32 $0x8F2B, s0  }
0xbe: {  	[sflag:s0] =	ssyncadd.remote.s32 $0x1  }
0xbf: {  	_ =	sfence.sel $0xFFFF  }
0xc0: {  	[dreg:$0x0] =	wrdreg $0xFFFFFFFF;
	(pc) =	sbr.abs _section_cstart, $3  }
0xc1: {  	[dreg:$0x1] =	wrdreg $0xFFFFFFFF  }
0xc2: {  	_ =	task.clear_ibuf [dreg:s7], $0x2FFFF;
	_ =	strace $0x9FFFFFFF  }
0xc3: {  	(tm) =	ssettm $0x7FFFFFFF  }
tec
execute0_lowered:
.L_overlay_start_1:
0x0: {  	(tag) =	ssettag $0x1  }
0x1: {  	s0 =	rddreg [dreg:$0x0]  }
0x2: {  	s2 =	rddreg [dreg:$0x1]  }
0x3: {  	s1 =	rddreg [dreg:$0x2]  }
0x4: {  	s3 =	simm.s32 $0x0;
	s15 =	srdreg.scid;
	s26 =	simm.s32 $0x280  }
0x5: {  	s28 =	simm.s32 $0x3;
	s29 =	simm.s32 $0x4;
	s30 =	simm.s32 $0x5  }
0x6: {  	s31 =	simm.s32 $0x6;
	[smem:$0x7FF] =	sst s3;
	s4 =	sadd.s32 $0x16400, s0  }
0x7: {  	s7 =	sand.u32 $0x1, s15;
	s8 =	sadd.s32 $0xC400, s0;
	s3 =	stileid.u32  }
0x8: {  	s0 =	sadd.s32 $0x3E400, s0;
	_ =	strace $0x8000004D;
	s9 =	smul.u32 $0x50000, s3  }
0x9: {  	s5 =	ssub.s32 $0x2, s7;
	s16 =	sshll.u32 s3, $0x2;
	s19 =	smul.u32 $0x2800, s3  }
0xa: {  	p0 =	seq.s32 s7, $0x0;
	s15 =	smul.u32 $0x14000, s3;
	[dreg:$0x4] =	wrdreg s26  }
0xb: {  	s26 =	simm.s32 $0x4400;
	s6 =	sshrl.u32 s5, $0x1;
	s11 =	sor.u32 $0x9C0, s16  }
0xc: {  	s10 =	ssub.s32 s5, s6;
	s5 =	smul.u32 $0x9C, s3;
	s17 =	sshrl.u32 s9, $0x2  }
0xd: {  	s22 =	sadd.s32 s4, s19;
	s16 =	sshrl.u32 s15, $0x3;
	s6 =	sadd.s32 s17, s1  }
0xe: {  	[dreg:$0xb] =	wrdreg s22;
	s24 =	sadd.s32 s0, s16;
	s17 =	sadd.s32 s0, s19  }
0xf: {  	s19 =	simm.s32 $0x7;
	s0 =	simm.s32 $0x0;
	s18 =	sadd.s32 $0x4000, s6  }
0x10: {  	s11 =	smov.u32 @p0 s5;
	s12 =	sadd.s32 $0x8000, s6;
	[dreg:$0x7] =	wrdreg s18  }
0x11: {  	s5 =	simm.s32 $0x4E;
	s20 =	sadd.s32 $0xC000, s6;
	[dreg:$0x8] =	wrdreg s12  }
0x12: {  	s21 =	sadd.s32 $0x10000, s6;
	s5 =	simm.s32 @!p0 $0x2;
	[dreg:$0x9] =	wrdreg s20  }
0x13: {  	[dreg:$0xa] =	wrdreg s21;
	s11 =	sshll.u32 s11, $0x4;
	s18 =	smax.u32 s10, $0x1  }
0x14: {  	s12 =	sadd.s32 s8, s11;
	s13 =	sadd.s32 s2, s11;
	s23 =	sadd.s32 $0xFFFFFFFF, s5  }
0x15: {  	s11 =	sor.u32 $0x20, s11;
	s25 =	sshll.u32 s5, $0x5;
	[dreg:$0x5] =	wrdreg s23  }
0x16: {  	p0 =	sne.s32 s7, $0x0;
	s8 =	sadd.s32 s8, s11;
	[dreg:$0x6] =	wrdreg s25  }
0x17: {  	s20 =	simm.s32 $0x200;
	s2 =	sadd.s32 s2, s11;
	[dreg:$0xc] =	wrdreg s8  }
0x18: {  	s23 =	simm.s32 $0x1;
	[dreg:$0xd] =	wrdreg s2;
	s2 =	sadd.s32 $0x28000, s24  }
0x19: {  	v0 =	vimm.f32 $0.0e+00;
	s25 =	simm.s32 $0x400;
	s24 =	simm.s32 $0x80;
	[dreg:$0xe] =	wrdreg s2  }
.LBB2_1:
.Ltmp0:
0x1a: {  	(pc) =	sbr.rel @p0 .LBB2_3-.Ltmp0, $1  }
0x1b: {  	_ =	sdelay $0x3  }
0x1c: {  	s2 =	sshll.u32 s3, $0x6;
	s7 =	sshrl.u32 s6, $0x3  }
.Ltmp1:
0x1d: {  	s8 =	rddreg [dreg:$0xb];
	s2 =	sor.u32 $0x1C07, s2;
	(pc) =	sbr.rel .LBB2_6-.Ltmp1, $4  }
0x1e: {  	[spmem:s7], [sflag:s2] =	dma.local [hbm:s8], $0x2800  }
0x1f: {  	_ =	swait.ge [sflag:s19], $0x2800  }
0x20: {  	[sflag:s19] =	ssyncset.done $0x0  }
0x21: {  	[sflag:s19] =	ssyncadd.s32 $0xFFFFD800  }
.LBB2_3:
0x22: {  	s7 =	simm.s32 $0x0  }
0x23: {  	s2 =	sshra.s32 s7, $0x2;
	s7 =	sadd.s32 $0x200, s7  }
.LBB2_4:
0x24: {  	p1 =	sne.s32 s7, $0xFE00;
	[tilespmem:s2+$0x470] =	vst v0  }
0x25: {  	[tilespmem:s2+$0x400] =	vst v0  }
0x26: {  	[tilespmem:s2+$0x410] =	vst v0  }
.Ltmp2:
0x27: {  	[tilespmem:s2+$0x420] =	vst v0;
	(pc) =	sbr.rel @p1 .LBB2_4-.Ltmp2, $4  }
0x28: {  	[tilespmem:s2+$0x430] =	vst v0  }
0x29: {  	[tilespmem:s2+$0x440] =	vst v0  }
0x2a: {  	[tilespmem:s2+$0x450] =	vst v0  }
0x2b: {  	[tilespmem:s2+$0x460] =	vst v0;
	s2 =	sshra.s32 s7, $0x2;
	s7 =	sadd.s32 $0x200, s7  }
0x2c: {  	[tilespmem:s2+$0x470] =	vst v0  }
0x2d: {  	[tilespmem:s2+$0x400] =	vst v0  }
0x2e: {  	[tilespmem:s2+$0x410] =	vst v0  }
0x2f: {  	[tilespmem:s2+$0x420] =	vst v0  }
0x30: {  	[tilespmem:s2+$0x430] =	vst v0  }
0x31: {  	[tilespmem:s2+$0x440] =	vst v0  }
0x32: {  	[tilespmem:s2+$0x450] =	vst v0  }
0x33: {  	[tilespmem:s2+$0x460] =	vst v0  }
0x34: {  	[spmem:s6] =	stream.linear.scatter [tilespmem:s25], [sflag:$0x7], $0x4000, $0x38;
	[tilespmem:$0x1C400] =	vst v63  }
0x35: {  	_ =	swait.ge [sflag:s19], $0x4000  }
0x36: {  	[sflag:s19] =	ssyncset.done $0x0  }
0x37: {  	s15 =	rddreg [dreg:$0x7];
	[sflag:s19] =	ssyncadd.s32 $0xFFFFC000  }
0x38: {  	[spmem:s15] =	stream.linear.scatter [tilespmem:s25], [sflag:$0x7], $0x4000, $0x38;
	[tilespmem:$0x1C400] =	vst v63  }
0x39: {  	_ =	swait.ge [sflag:s19], $0x4000  }
0x3a: {  	[sflag:s19] =	ssyncset.done $0x0  }
0x3b: {  	s16 =	rddreg [dreg:$0x8];
	[sflag:s19] =	ssyncadd.s32 $0xFFFFC000  }
0x3c: {  	[spmem:s16] =	stream.linear.scatter [tilespmem:s25], [sflag:$0x7], $0x4000, $0x38;
	[tilespmem:$0x1C400] =	vst v63  }
0x3d: {  	_ =	swait.ge [sflag:s19], $0x4000  }
0x3e: {  	[sflag:s19] =	ssyncset.done $0x0  }
0x3f: {  	s21 =	rddreg [dreg:$0x9];
	[sflag:s19] =	ssyncadd.s32 $0xFFFFC000  }
0x40: {  	[spmem:s21] =	stream.linear.scatter [tilespmem:s25], [sflag:$0x7], $0x4000, $0x38;
	[tilespmem:$0x1C400] =	vst v63  }
0x41: {  	_ =	swait.ge [sflag:s19], $0x4000  }
0x42: {  	[sflag:s19] =	ssyncset.done $0x0  }
0x43: {  	s22 =	rddreg [dreg:$0xa];
	[sflag:s19] =	ssyncadd.s32 $0xFFFFC000  }
0x44: {  	[spmem:s22] =	stream.linear.scatter [tilespmem:s25], [sflag:$0x7], $0x4000, $0x38;
	[tilespmem:$0x1C400] =	vst v63  }
0x45: {  	_ =	swait.ge [sflag:s19], $0x4000  }
0x46: {  	[sflag:s19] =	ssyncset.done $0x0  }
0x47: {  	[sflag:s19] =	ssyncadd.s32 $0xFFFFC000  }
.LBB2_6:
0x48: {  	[bflag:$0x0] =	sbarrier.arrive $0xFFFF;
	s2 =	simm.s32 $0x0  }
0x49: {  	[tilespmem:s2], [sflag:$0x1] =	stream.linear.gather [hbm4b:s12+s2], $0x100, $0x38;
	[tilespmem:$0x1C400] =	vst v63  }
0x4a: {  	_ = 	snop  }
0x4b: {  	[tilespmem:s20], [sflag:$0x1] =	stream.linear.gather [hbm4b:s13+s2], $0x100, $0x38;
	[tilespmem:$0x1C400] =	vst v63  }
0x4c: {  	s8 =	simm.s32 $0x100;
	s7 =	rddreg [dreg:$0xc]  }
0x4d: {  	[tilespmem:s8], [sflag:$0x2] =	stream.linear.gather [hbm4b:s7+s2], $0x100, $0x38;
	[tilespmem:$0x1C400] =	vst v63  }
0x4e: {  	s16 =	simm.s32 $0x300;
	s15 =	rddreg [dreg:$0xd]  }
0x4f: {  	[tilespmem:s16], [sflag:$0x2] =	stream.linear.gather [hbm4b:s15+s2], $0x100, $0x38;
	[tilespmem:$0x1C400] =	vst v63  }
0x50: {  	_ =	swait.ge [sflag:s23], $0x100  }
0x51: {  	[sflag:s23] =	ssyncset.done $0x0  }
0x52: {  	[sflag:s23] =	ssyncadd.s32 $0xFFFFFF00  }
0x53: {  	_ =	swait.ge [sflag:s23], $0x100  }
0x54: {  	[sflag:s23] =	ssyncset.done $0x0  }
0x55: {  	[sflag:s23] =	ssyncadd.s32 $0xFFFFFF00  }
0x56: {  	[tilespmem:s25], [sflag:$0x3] =	stream.indirect.gather [hbm4b:s4+s24], $0x80, s2, s24, $0xb8;
	[tilespmem:$0x1C400] =	vst v63  }
0x57: {  	_ = 	snop  }
0x58: {  	[tilespmem:s26], [sflag:$0x4] =	stream.indirect.gather [hbm4b:s4+s24], $0x80, s24, s24, $0xb8;
	[tilespmem:$0x1C400] =	vst v63  }
0x59: {  	_ =	swait.ge [sflag:s28], $0x4000  }
0x5a: {  	[sflag:s28] =	ssyncset.done $0x0  }
0x5b: {  	[sflag:s28] =	ssyncadd.s32 $0xFFFFC000  }
0x5c: {  	[spmem:s1] =	stream.indirect.scatter.add.f32 [tilespmem:s25], [sflag:$0x5], $0x80, s20, s24, $0xb8;
	[tilespmem:$0x1C400] =	vst v63  }
0x5d: {  	_ =	swait.ge [sflag:s29], $0x4000  }
0x5e: {  	s21 =	rddreg [dreg:$0x5]  }
0x5f: {  	[sflag:s29] =	ssyncset.done $0x0;
	p2 =	sle.u32 s21, $0x0  }
0x60: {  	s22 =	rddreg [dreg:$0x4];
	[sflag:s29] =	ssyncadd.s32 $0xFFFFC000;
	s2 =	simm.s32 @!p2 $0x2  }
0x61: {  	[spmem:s1] =	stream.indirect.scatter.add.f32 [tilespmem:s26], [sflag:$0x6], $0x80, s22, s24, $0xb8;
	[tilespmem:$0x1C400] =	vst v63  }
0x62: {  	_ =	swait.ge @!p2 [sflag:s2], $0x100  }
0x63: {  	[sflag:s2] =	ssyncset.done @!p2 $0x0  }
0x64: {  	[sflag:s2] =	ssyncadd.s32 @!p2 $0xFFFFFF00  }
0x65: {  	_ =	swait.ge @!p2 [sflag:s2], $0x100  }
0x66: {  	[sflag:s2] =	ssyncset.done @!p2 $0x0  }
0x67: {  	s7 =	simm.s32 @!p2 $0x5;
	[sflag:s2] =	ssyncadd.s32 @!p2 $0xFFFFFF00  }
0x68: {  	_ =	swait.ge @!p2 [sflag:s7], $0x4000  }
0x69: {  	s8 =	simm.s32 @!p2 $0x80;
	s9 =	simm.s32 @!p2 $0x100;
	[sflag:s7] =	ssyncset.done @!p2 $0x0  }
0x6a: {  	s2 =	simm.s32 @!p2 $0x400;
	[sflag:s7] =	ssyncadd.s32 @!p2 $0xFFFFC000;
	s7 =	simm.s32 @!p2 $0x6  }
0x6b: {  	[tilespmem:s2], [sflag:$0x3] =	stream.indirect.gather @!p2 [hbm4b:s4+s8], $0x80, s9, s8, $0xb8;
	[tilespmem:$0x1C400] =	vst v63  }
0x6c: {  	_ =	swait.ge @!p2 [sflag:s7], $0x4000  }
0x6d: {  	p1 =	sle.u32 s5, $0x2;
	s2 =	simm.s32 @!p2 $0x4400;
	[sflag:s7] =	ssyncset.done @!p2 $0x0  }
0x6e: {  	s9 =	simm.s32 @!p2 $0x180;
	[sflag:s7] =	ssyncadd.s32 @!p2 $0xFFFFC000;
	s7 =	simm.s32 @p1 $0x3  }
0x6f: {  	[tilespmem:s2], [sflag:$0x4] =	stream.indirect.gather @!p2 [hbm4b:s4+s8], $0x80, s9, s8, $0xb8;
	[tilespmem:$0x1C400] =	vst v63  }
0x70: {  	_ =	swait.ge @p1 [sflag:s7], $0x4000  }
0x71: {  	s2 =	simm.s32 @p1 $0x400;
	s8 =	simm.s32 @p1 $0x80;
	[sflag:s7] =	ssyncset.done @p1 $0x0  }
0x72: {  	s9 =	simm.s32 @p1 $0x300;
	[sflag:s7] =	ssyncadd.s32 @p1 $0xFFFFC000;
	s7 =	simm.s32 @p1 $0x4  }
0x73: {  	[spmem:s1] =	stream.indirect.scatter.add.f32 @p1 [tilespmem:s2], [sflag:$0x5], $0x80, s9, s8, $0xb8;
	[tilespmem:$0x1C400] =	vst v63  }
0x74: {  	_ =	swait.ge @p1 [sflag:s7], $0x4000  }
0x75: {  	s10 =	simm.s32 @p1 $0x4400;
	[sflag:s7] =	ssyncset.done @p1 $0x0  }
0x76: {  	s2 =	sadd.s32 @!p1 $0x0, s12;
	s9 =	simm.s32 @p1 $0x380;
	[sflag:s7] =	ssyncadd.s32 @p1 $0xFFFFC000  }
0x77: {  	[spmem:s1] =	stream.indirect.scatter.add.f32 @p1 [tilespmem:s10], [sflag:$0x6], $0x80, s9, s8, $0xb8;
	[tilespmem:$0x1C400] =	vst v63  }
0x78: {  	s2 =	sadd.s32 @!p1 $0x40, s2;
	s7 =	sadd.s32 @!p1 $0x0, s13;
	s8 =	simm.s32 @!p1 $0x0  }
0x79: {  	[tilespmem:s8], [sflag:$0x1] =	stream.linear.gather @!p1 [hbm4b:s2+s8], $0x100, $0x38;
	[tilespmem:$0x1C400] =	vst v63  }
0x7a: {  	s9 =	simm.s32 @!p1 $0x3;
	s2 =	sadd.s32 @!p1 $0x40, s7;
	s7 =	simm.s32 @!p1 $0x200  }
0x7b: {  	[tilespmem:s7], [sflag:$0x1] =	stream.linear.gather @!p1 [hbm4b:s2+s8], $0x100, $0x38;
	[tilespmem:$0x1C400] =	vst v63  }
0x7c: {  	_ =	swait.ge @!p1 [sflag:s9], $0x4000  }
0x7d: {  	s10 =	simm.s32 @!p1 $0x80;
	s2 =	simm.s32 @!p1 $0x400;
	[sflag:s9] =	ssyncset.done @!p1 $0x0  }
0x7e: {  	s7 =	simm.s32 @!p1 $0x300;
	[sflag:s9] =	ssyncadd.s32 @!p1 $0xFFFFC000;
	s9 =	simm.s32 @!p1 $0x4  }
0x7f: {  	[spmem:s1] =	stream.indirect.scatter.add.f32 @!p1 [tilespmem:s2], [sflag:$0x5], $0x80, s7, s10, $0xb8;
	[tilespmem:$0x1C400] =	vst v63  }
0x80: {  	_ =	swait.ge @!p1 [sflag:s9], $0x4000  }
0x81: {  	s11 =	simm.s32 @!p1 $0x4400;
	[sflag:s9] =	ssyncset.done @!p1 $0x0  }
0x82: {  	s7 =	simm.s32 @!p1 $0x380;
	[sflag:s9] =	ssyncadd.s32 @!p1 $0xFFFFC000;
	s9 =	simm.s32 @!p1 $0x1  }
0x83: {  	[spmem:s1] =	stream.indirect.scatter.add.f32 @!p1 [tilespmem:s11], [sflag:$0x6], $0x80, s7, s10, $0xb8;
	[tilespmem:$0x1C400] =	vst v63  }
0x84: {  	_ =	swait.ge @!p1 [sflag:s9], $0x100  }
0x85: {  	[sflag:s9] =	ssyncset.done @!p1 $0x0  }
0x86: {  	[sflag:s9] =	ssyncadd.s32 @!p1 $0xFFFFFF00  }
0x87: {  	_ =	swait.ge @!p1 [sflag:s9], $0x100  }
0x88: {  	[sflag:s9] =	ssyncset.done @!p1 $0x0  }
0x89: {  	s7 =	simm.s32 @!p1 $0x5;
	[sflag:s9] =	ssyncadd.s32 @!p1 $0xFFFFFF00  }
0x8a: {  	_ =	swait.ge @!p1 [sflag:s7], $0x4000  }
0x8b: {  	[sflag:s7] =	ssyncset.done @!p1 $0x0  }
0x8c: {  	s9 =	simm.s32 @!p1 $0x6;
	[sflag:s7] =	ssyncadd.s32 @!p1 $0xFFFFC000  }
0x8d: {  	[tilespmem:s2], [sflag:$0x3] =	stream.indirect.gather @!p1 [hbm4b:s4+s10], $0x80, s8, s10, $0xb8;
	[tilespmem:$0x1C400] =	vst v63  }
0x8e: {  	_ =	swait.ge @!p1 [sflag:s9], $0x4000  }
0x8f: {  	[sflag:s9] =	ssyncset.done @!p1 $0x0  }
0x90: {  	s21 =	rddreg [dreg:$0x6];
	[sflag:s9] =	ssyncadd.s32 @!p1 $0xFFFFC000  }
0x91: {  	[tilespmem:s11], [sflag:$0x4] =	stream.indirect.gather @!p1 [hbm4b:s4+s10], $0x80, s10, s10, $0xb8;
	[tilespmem:$0x1C400] =	vst v63  }
0x92: {  	p1 =	sne.s32 s21, $0x40  }
.Ltmp3:
0x93: {  	_ = 	snop;
	(pc) =	sbr.rel @!p1 .LBB2_8-.Ltmp3, $4  }
0x94: {  	p2 =	sle.u32 s5, $0x3  }
0x95: {  	s22 =	sadd.s32 @!p2 $0x0, s13;
	s7 =	simm.s32 $0x2;
	s8 =	sadd.s32 @!p2 $0x0, s12  }
0x96: {  	s2 =	simm.s32 $0x40;
	s8 =	sadd.s32 @!p2 $0x60, s8;
	s9 =	simm.s32 @!p2 $0x100  }
0x97: {  	s10 =	simm.s32 @!p2 $0x0;
	s11 =	sadd.s32 @!p2 $0x60, s22;
	s21 =	simm.s32 @!p2 $0x300  }
.LBB2_7:
0x98: {  	[tilespmem:s9], [sflag:$0x2] =	stream.linear.gather @!p2 [hbm4b:s8+s10], $0x100, $0x38;
	[tilespmem:$0x1C400] =	vst v63  }
0x99: {  	_ = 	snop  }
0x9a: {  	[tilespmem:s21], [sflag:$0x2] =	stream.linear.gather @!p2 [hbm4b:s11+s10], $0x100, $0x38;
	[tilespmem:$0x1C400] =	vst v63  }
0x9b: {  	_ =	swait.ge [sflag:s28], $0x4000  }
0x9c: {  	[sflag:s28] =	ssyncset.done $0x0  }
0x9d: {  	[sflag:s28] =	ssyncadd.s32 $0xFFFFC000  }
0x9e: {  	[spmem:s1] =	stream.indirect.scatter.add.f32 [tilespmem:s25], [sflag:$0x5], $0x80, s20, s24, $0xb8;
	[tilespmem:$0x1C400] =	vst v63  }
0x9f: {  	_ =	swait.ge [sflag:s29], $0x4000  }
0xa0: {  	s21 =	rddreg [dreg:$0x5]  }
0xa1: {  	[sflag:s29] =	ssyncset.done $0x0;
	p2 =	sge.u32 s7, s21  }
0xa2: {  	s22 =	rddreg [dreg:$0x4];
	[sflag:s29] =	ssyncadd.s32 $0xFFFFC000;
	s10 =	simm.s32 @!p2 $0x2  }
0xa3: {  	[spmem:s1] =	stream.indirect.scatter.add.f32 [tilespmem:s26], [sflag:$0x6], $0x80, s22, s24, $0xb8;
	[tilespmem:$0x1C400] =	vst v63  }
0xa4: {  	_ =	swait.ge @!p2 [sflag:s10], $0x100  }
0xa5: {  	[sflag:s10] =	ssyncset.done @!p2 $0x0  }
0xa6: {  	[sflag:s10] =	ssyncadd.s32 @!p2 $0xFFFFFF00  }
0xa7: {  	_ =	swait.ge @!p2 [sflag:s10], $0x100  }
0xa8: {  	[sflag:s10] =	ssyncset.done @!p2 $0x0  }
0xa9: {  	s11 =	simm.s32 @!p2 $0x5;
	[sflag:s10] =	ssyncadd.s32 @!p2 $0xFFFFFF00  }
0xaa: {  	_ =	swait.ge @!p2 [sflag:s11], $0x4000  }
0xab: {  	s21 =	simm.s32 @!p2 $0x80;
	s22 =	simm.s32 @!p2 $0x100;
	[sflag:s11] =	ssyncset.done @!p2 $0x0  }
0xac: {  	s10 =	simm.s32 @!p2 $0x400;
	[sflag:s11] =	ssyncadd.s32 @!p2 $0xFFFFC000;
	s11 =	simm.s32 @!p2 $0x6  }
0xad: {  	[tilespmem:s10], [sflag:$0x3] =	stream.indirect.gather @!p2 [hbm4b:s4+s21], $0x80, s22, s21, $0xb8;
	[tilespmem:$0x1C400] =	vst v63  }
0xae: {  	s16 =	smov.u32 s7;
	s7 =	sadd.s32 $0x2, s7;
	_ =	swait.ge @!p2 [sflag:s11], $0x4000  }
0xaf: {  	p1 =	sge.u32 s7, s5;
	s10 =	simm.s32 @!p2 $0x4400;
	[sflag:s11] =	ssyncset.done @!p2 $0x0  }
0xb0: {  	s22 =	simm.s32 @!p2 $0x180;
	[sflag:s11] =	ssyncadd.s32 @!p2 $0xFFFFC000;
	s11 =	simm.s32 @p1 $0x3  }
0xb1: {  	[tilespmem:s10], [sflag:$0x4] =	stream.indirect.gather @!p2 [hbm4b:s4+s21], $0x80, s22, s21, $0xb8;
	[tilespmem:$0x1C400] =	vst v63  }
0xb2: {  	s8 =	smov.u32 s2;
	_ =	swait.ge @p1 [sflag:s11], $0x4000  }
0xb3: {  	s10 =	simm.s32 @p1 $0x400;
	s21 =	simm.s32 @p1 $0x80;
	[sflag:s11] =	ssyncset.done @p1 $0x0  }
0xb4: {  	s22 =	simm.s32 @p1 $0x300;
	[sflag:s11] =	ssyncadd.s32 @p1 $0xFFFFC000;
	s11 =	simm.s32 @p1 $0x4  }
0xb5: {  	[spmem:s1] =	stream.indirect.scatter.add.f32 @p1 [tilespmem:s10], [sflag:$0x5], $0x80, s22, s21, $0xb8;
	[tilespmem:$0x1C400] =	vst v63  }
0xb6: {  	s15 =	sadd.s32 @!p1 s8, s13;
	_ =	swait.ge @p1 [sflag:s11], $0x4000  }
0xb7: {  	s14 =	sadd.s32 @!p1 s8, s12;
	s10 =	sadd.s32 @!p1 $0x40, s15;
	[sflag:s11] =	ssyncset.done @p1 $0x0  }
0xb8: {  	s15 =	simm.s32 @p1 $0x380;
	s22 =	simm.s32 @p1 $0x4400;
	[sflag:s11] =	ssyncadd.s32 @p1 $0xFFFFC000  }
0xb9: {  	[spmem:s1] =	stream.indirect.scatter.add.f32 @p1 [tilespmem:s22], [sflag:$0x6], $0x80, s15, s21, $0xb8;
	[tilespmem:$0x1C400] =	vst v63  }
0xba: {  	s14 =	sadd.s32 @!p1 $0x40, s14;
	s11 =	simm.s32 @!p1 $0x0  }
0xbb: {  	[tilespmem:s11], [sflag:$0x1] =	stream.linear.gather @!p1 [hbm4b:s14+s11], $0x100, $0x38;
	[tilespmem:$0x1C400] =	vst v63  }
0xbc: {  	s15 =	simm.s32 @!p1 $0x200;
	s14 =	simm.s32 @!p1 $0x3  }
0xbd: {  	[tilespmem:s15], [sflag:$0x1] =	stream.linear.gather @!p1 [hbm4b:s10+s11], $0x100, $0x38;
	[tilespmem:$0x1C400] =	vst v63  }
0xbe: {  	_ =	swait.ge @!p1 [sflag:s14], $0x4000  }
0xbf: {  	s21 =	simm.s32 @!p1 $0x300;
	s10 =	simm.s32 @!p1 $0x400;
	[sflag:s14] =	ssyncset.done @!p1 $0x0  }
0xc0: {  	s15 =	simm.s32 @!p1 $0x80;
	[sflag:s14] =	ssyncadd.s32 @!p1 $0xFFFFC000;
	s14 =	simm.s32 @!p1 $0x4  }
0xc1: {  	[spmem:s1] =	stream.indirect.scatter.add.f32 @!p1 [tilespmem:s10], [sflag:$0x5], $0x80, s21, s15, $0xb8;
	[tilespmem:$0x1C400] =	vst v63  }
0xc2: {  	_ =	swait.ge @!p1 [sflag:s14], $0x4000  }
0xc3: {  	s22 =	simm.s32 @!p1 $0x4400;
	[sflag:s14] =	ssyncset.done @!p1 $0x0  }
0xc4: {  	s21 =	simm.s32 @!p1 $0x380;
	[sflag:s14] =	ssyncadd.s32 @!p1 $0xFFFFC000;
	s14 =	simm.s32 @!p1 $0x1  }
0xc5: {  	[spmem:s1] =	stream.indirect.scatter.add.f32 @!p1 [tilespmem:s22], [sflag:$0x6], $0x80, s21, s15, $0xb8;
	[tilespmem:$0x1C400] =	vst v63  }
0xc6: {  	_ =	swait.ge @!p1 [sflag:s14], $0x100  }
0xc7: {  	[sflag:s14] =	ssyncset.done @!p1 $0x0  }
0xc8: {  	[sflag:s14] =	ssyncadd.s32 @!p1 $0xFFFFFF00  }
0xc9: {  	_ =	swait.ge @!p1 [sflag:s14], $0x100  }
0xca: {  	[sflag:s14] =	ssyncset.done @!p1 $0x0  }
0xcb: {  	s21 =	simm.s32 @!p1 $0x5;
	[sflag:s14] =	ssyncadd.s32 @!p1 $0xFFFFFF00  }
0xcc: {  	_ =	swait.ge @!p1 [sflag:s21], $0x4000  }
0xcd: {  	[sflag:s21] =	ssyncset.done @!p1 $0x0  }
0xce: {  	s14 =	simm.s32 @!p1 $0x6;
	[sflag:s21] =	ssyncadd.s32 @!p1 $0xFFFFC000  }
0xcf: {  	[tilespmem:s10], [sflag:$0x3] =	stream.indirect.gather @!p1 [hbm4b:s4+s15], $0x80, s11, s15, $0xb8;
	[tilespmem:$0x1C400] =	vst v63  }
0xd0: {  	_ =	swait.ge @!p1 [sflag:s14], $0x4000  }
0xd1: {  	s2 =	sadd.s32 $0x40, s2;
	[sflag:s14] =	ssyncset.done @!p1 $0x0  }
0xd2: {  	s9 =	sadd.s32 $0x3, s16;
	s16 =	rddreg [dreg:$0x6];
	[sflag:s14] =	ssyncadd.s32 @!p1 $0xFFFFC000  }
0xd3: {  	[tilespmem:s22], [sflag:$0x4] =	stream.indirect.gather @!p1 [hbm4b:s4+s15], $0x80, s15, s15, $0xb8;
	[tilespmem:$0x1C400] =	vst v63  }
0xd4: {  	p1 =	sne.s32 s16, s2  }
.Ltmp4:
0xd5: {  	_ = 	snop;
	(pc) =	sbr.rel @p1 .LBB2_7-.Ltmp4, $4  }
0xd6: {  	p2 =	sge.u32 s9, s5  }
0xd7: {  	s9 =	sadd.s32 @!p2 s8, s12  }
0xd8: {  	s21 =	simm.s32 @!p2 $0x300;
	s11 =	sadd.s32 @!p2 s8, s13;
	s8 =	sadd.s32 @!p2 $0x60, s9  }
0xd9: {  	s10 =	simm.s32 @!p2 $0x0;
	s9 =	simm.s32 @!p2 $0x100;
	s11 =	sadd.s32 @!p2 $0x60, s11  }
.LBB2_8:
0xda: {  	[tilespmem:s9], [sflag:$0x2] =	stream.linear.gather @!p2 [hbm4b:s8+s10], $0x100, $0x38;
	[tilespmem:$0x1C400] =	vst v63  }
0xdb: {  	_ = 	snop  }
0xdc: {  	[tilespmem:s21], [sflag:$0x2] =	stream.linear.gather @!p2 [hbm4b:s11+s10], $0x100, $0x38;
	[tilespmem:$0x1C400] =	vst v63  }
0xdd: {  	_ =	swait.ge [sflag:s30], $0x4000  }
0xde: {  	[sflag:s30] =	ssyncset.done $0x0  }
0xdf: {  	[sflag:s30] =	ssyncadd.s32 $0xFFFFC000  }
0xe0: {  	_ =	swait.ge [sflag:s31], $0x4000  }
0xe1: {  	[sflag:s31] =	ssyncset.done $0x0  }
0xe2: {  	[sflag:s31] =	ssyncadd.s32 $0xFFFFC000  }
0xe3: {  	s2 =	sshll.u32 @p0 s3, $0x6;
	[bflag:$0x0] =	sbarrier.arrive $0xFFFF  }
0xe4: {  	s7 =	sshrl.u32 @p0 s6, $0x3;
	s2 =	sor.u32 @p0 $0x1C07, s2;
	s8 =	rddreg [dreg:$0xe]  }
0xe5: {  	[hbm:s8], [sflag:s2] =	dma.local @p0 [spmem:s7], $0x500  }
0xe6: {  	s2 =	simm.s32 @p0 $0x7  }
0xe7: {  	s0 =	sadd.s32 $0x1, s0;
	_ =	swait.ge @p0 [sflag:s2], $0x500  }
0xe8: {  	p1 =	sne.s32 s0, s18;
	s7 =	sshll.u32 @!p0 s3, $0x6;
	[sflag:s2] =	ssyncset.done @p0 $0x0  }
0xe9: {  	[sflag:s2] =	ssyncadd.s32 @p0 $0xFFFFFB00;
	s2 =	sor.u32 @!p0 $0x1C07, s7;
	s7 =	sshrl.u32 @!p0 s6, $0x3  }
0xea: {  	[hbm:s17], [sflag:s2] =	dma.local @!p0 [spmem:s7], $0x2800  }
.Ltmp5:
0xeb: {  	_ = 	snop;
	(pc) =	sbr.rel @p1 .LBB2_1-.Ltmp5, $4  }
0xec: {  	s2 =	simm.s32 @!p0 $0x7  }
0xed: {  	_ =	swait.ge @!p0 [sflag:s2], $0x2800  }
0xee: {  	[sflag:s2] =	ssyncset.done @!p0 $0x0  }
0xef: {  	[sflag:s2] =	ssyncadd.s32 @!p0 $0xFFFFD800  }
0xf0: {  	_ =	sfence.sel $0x180000  }
0xf1: {  	[bflag:$0x0] =	sbarrier.arrive $0xFFFF  }
0xf2: {  	_ =	strace $0x9000004D  }
0xf3: {  	[bflag:$0x2] =	sbarrier.arrive $0xFFFF  }
0xf4: {  	p0 =	sne.s32 s3, $0x0;
	s0 =	rddreg [dreg:$0x3]  }
0xf5: {  	s0 =	sadd.s32 @!p0 $0x100000, s0  }
0xf6: {  	[sflag:s0] =	ssyncadd.tile.s32 @!p0 $0x1;
	_ =	shalt  }
.Lfunc_end2:
_tile_overlayer_lowered:
.L_overlay_start_2:
0xf7: {  	(tag) =	ssettag $0x2  }
0xf8: {  	s0 =	rddreg [dreg:$0x0];
	s2 =	stileid.u32  }
0xf9: {  	s1 =	rddreg [dreg:$0x1];
	p0 =	sne.s32 s2, $0x0  }
0xfa: {  	s3 =	rddreg [dreg:$0x2];
	[bflag:$0x3] =	sbarrier.arrive $0xFFFF;
	s2 =	simm.s32 @!p0 $0x1C07  }
0xfb: {  	[timem:s3], [sflag:s2] =	dma.local @!p0 [hbm:s0], s1  }
0xfc: {  	s0 =	simm.s32 @!p0 $0x7  }
0xfd: {  	_ =	swait.ge @!p0 [sflag:s0], s1  }
0xfe: {  	s1 =	ssub.s32 @!p0 $0x0, s1;
	[sflag:s0] =	ssyncset.done @!p0 $0x0  }
0xff: {  	[sflag:s0] =	ssyncadd.s32 @!p0 s1  }
0x100: {  	[bflag:$0x3] =	sbarrier.arrive $0xFFFF  }
0x101: {  	_ =	shalt  }

// kernel: kernel.8.cloned.1.call-start
scs
__scs_entry_jumppad:
0x0: {  	(pc) =	sbr.rel $0x88, $3  }
0x1: {  	(tag) =	ssettag $0x0;
	lr =	simm.s32 $0x1  }
0x2: {  	[smem:$0x3F9B] =	sst lr;
	_ =	strace $0xD0000000  }
0x3: {  	_ = 	snop  }
0x4: {  	_ = 	snop  }
0x5: {  	_ = 	snop  }
0x6: {  	_ = 	snop  }
0x7: {  	_ = 	snop  }
__scs_overlays_trampoline_lowered:
0x8: {  	[smem:$0x3FAA] =	sst s0  }
0x9: {  	[smem:$0x3FAB] =	sst s1  }
0xa: {  	[smem:$0x3FAC] =	sst s2  }
0xb: {  	[smem:$0x3FAD] =	sst s3  }
0xc: {  	[smem:$0x3FAE] =	sst s4  }
0xd: {  	[smem:$0x3FAF] =	sst s5  }
0xe: {  	[smem:$0x3FB0] =	sst s6  }
0xf: {  	[smem:$0x3FB1] =	sst s7  }
0x10: {  	[smem:$0x3FB2] =	sst s8  }
0x11: {  	[smem:$0x3FB3] =	sst s9;
	s0 =	simm.s32 @!p0 $0x0  }
0x12: {  	s1 =	sld [smem:$0x3F99];
	s0 =	simm.s32 @p0 $0x1  }
0x13: {  	[smem:$0x3FB4] =	sst s0;
	s0 =	simm.s32 @!p1 $0x0  }
0x14: {  	s2 =	sld [smem:$0x3F98];
	s0 =	simm.s32 @p1 $0x1  }
0x15: {  	[smem:$0x3FB5] =	sst s0;
	s0 =	simm.s32 @!p2 $0x0  }
0x16: {  	s3 =	sld [smem:$0x3FDB];
	s0 =	simm.s32 @p2 $0x1  }
0x17: {  	s4 =	simm.s32 $0x1BF5;
	[smem:$0x3FB7] =	sst s0  }
0x18: {  	s0 =	sld [smem:$0x3F9A];
	_ =	swait.ge [sflag:s4], $0x0  }
0x19: {  	s7 =	sld [smem:$0x3F9B]  }
0x1a: {  	s8 =	sadd.s32 $0xFFFFE003, lr  }
0x1b: {  	s9 =	sadd.s32 $0xFFFFFEF7, lr;
	s5 =	simm.s32 $0xFFFFFFFF;
	p2 =	slt.u32 s8, $0xFFFFF086  }
0x1c: {  	p1 =	slt.u32 s9, $0xF7A;
	s5 =	simm.s32 @!p2 $0x0  }
0x1d: {  	s5 =	simm.s32 @p1 $0x1;
	p0 =	seq.s32 s7, s2  }
0x1e: {  	s7 =	smul.u32 @!p0 $0xF7A, s2;
	p2 =	seq.s32 @!p0 s5, $0x0  }
0x1f: {  	s9 =	smul.u32 $0xF7A, s1;
	s8 =	simm.s32 @!p0 $0x1BF5;
	p2 =	por !p2, p0  }
0x20: {  	[sflag:s8] =	ssyncset.s32 @!p0 $0xFFFFF086;
	s6 =	sadd.s32 @!p0 s3, s7;
	s7 =	simm.s32 @!p0 $0x108  }
0x21: {  	s3 =	sadd.s32 s3, s9;
	s6 =	sadd.s32 @!p0 $0x88, s6;
	s7 =	simm.s32 @p2 $0x1082  }
0x22: {  	[simem:s7], [sflag:s8] =	dma.local @!p0 [hbm:s6], $0xF7A  }
0x23: {  	s9 =	sor.u32 $0xD0000000, s2;
	s6 =	simm.s32 $0x108;
	_ =	swait.ge @!p0 [sflag:s8], $0x0  }
0x24: {  	s3 =	sadd.s32 $0x88, s3;
	s6 =	simm.s32 @!p1 $0x1082;
	[sflag:s4] =	ssyncset.s32 $0xFFFFF086  }
0x25: {  	[simem:s6], [sflag:s4] =	dma.local [hbm:s3], $0xF7A  }
0x26: {  	[smem:$0x3F9B] =	sst s1;
	(tag) =	ssettag s2;
	_ =	strace s9  }
0x27: {  	s1 =	sld [smem:$0x3FAB]  }
0x28: {  	s2 =	sld [smem:$0x3FAC]  }
0x29: {  	s4 =	sld [smem:$0x3FAE]  }
0x2a: {  	p0 =	seq.s32 s5, $0x0;
	s5 =	sld [smem:$0x3FAF]  }
0x2b: {  	s6 =	sld [smem:$0x3FB0]  }
0x2c: {  	s7 =	sld [smem:$0x3FB1]  }
0x2d: {  	s3 =	simm.s32 $0x108;
	s8 =	sld [smem:$0x3FB2]  }
0x2e: {  	s3 =	simm.s32 @!p0 $0x1082;
	s9 =	sld [smem:$0x3FB3]  }
0x2f: {  	lr =	sadd.s32 s0, s3;
	s0 =	sld [smem:$0x3FAA]  }
0x30: {  	s3 =	sld [smem:$0x3FAD]  }
0x31: {  	[smem:$0x3FB6] =	sst s10  }
0x32: {  	s10 =	sld [smem:$0x3FB4];
	_ =	sdelay $0x3  }
0x33: {  	p0 =	seq.s32 s10, $0x1;
	s10 =	sld [smem:$0x3FB6];
	_ =	sdelay $0x3  }
0x34: {  	[smem:$0x3FB6] =	sst s10  }
0x35: {  	s10 =	sld [smem:$0x3FB5];
	_ =	sdelay $0x3  }
0x36: {  	p1 =	seq.s32 s10, $0x1;
	s10 =	sld [smem:$0x3FB6];
	_ =	sdelay $0x3  }
0x37: {  	[smem:$0x3FB6] =	sst s10  }
0x38: {  	s10 =	sld [smem:$0x3FB7]  }
0x39: {  	_ = 	snop;
	(pc) =	sbr.ind lr, $3  }
0x3a: {  	_ = 	snop  }
0x3b: {  	_ = 	snop  }
0x3c: {  	p2 =	seq.s32 s10, $0x1;
	s10 =	sld [smem:$0x3FB6]  }
0x3d: {  	_ =	shalt  }
0x3e: {  	_ =	shalt  }
0x3f: {  	_ =	shalt  }
0x40: {  	_ =	shalt  }
0x41: {  	_ =	shalt  }
0x42: {  	_ =	shalt  }
0x43: {  	_ =	shalt  }
0x44: {  	_ =	shalt  }
0x45: {  	_ =	shalt  }
0x46: {  	_ =	shalt  }
0x47: {  	_ =	shalt  }
0x48: {  	_ =	shalt  }
0x49: {  	_ =	shalt  }
0x4a: {  	_ =	shalt  }
0x4b: {  	_ =	shalt  }
0x4c: {  	_ =	shalt  }
0x4d: {  	_ =	shalt  }
0x4e: {  	_ =	shalt  }
0x4f: {  	_ =	shalt  }
0x50: {  	_ =	shalt  }
0x51: {  	_ =	shalt  }
0x52: {  	_ =	shalt  }
0x53: {  	_ =	shalt  }
0x54: {  	_ =	shalt  }
0x55: {  	_ =	shalt  }
0x56: {  	_ =	shalt  }
0x57: {  	_ =	shalt  }
0x58: {  	_ =	shalt  }
0x59: {  	_ =	shalt  }
0x5a: {  	_ =	shalt  }
0x5b: {  	_ =	shalt  }
0x5c: {  	_ =	shalt  }
0x5d: {  	_ =	shalt  }
0x5e: {  	_ =	shalt  }
0x5f: {  	_ =	shalt  }
0x60: {  	_ =	shalt  }
0x61: {  	_ =	shalt  }
0x62: {  	_ =	shalt  }
0x63: {  	_ =	shalt  }
0x64: {  	_ =	shalt  }
0x65: {  	_ =	shalt  }
0x66: {  	_ =	shalt  }
0x67: {  	_ =	shalt  }
0x68: {  	_ =	shalt  }
0x69: {  	_ =	shalt  }
0x6a: {  	_ =	shalt  }
0x6b: {  	_ =	shalt  }
0x6c: {  	_ =	shalt  }
0x6d: {  	_ =	shalt  }
0x6e: {  	_ =	shalt  }
0x6f: {  	_ =	shalt  }
0x70: {  	_ =	shalt  }
0x71: {  	_ =	shalt  }
0x72: {  	_ =	shalt  }
0x73: {  	_ =	shalt  }
0x74: {  	_ =	shalt  }
0x75: {  	_ =	shalt  }
0x76: {  	_ =	shalt  }
0x77: {  	_ =	shalt  }
0x78: {  	_ =	shalt  }
0x79: {  	_ =	shalt  }
0x7a: {  	_ =	shalt  }
0x7b: {  	_ =	shalt  }
0x7c: {  	_ =	shalt  }
0x7d: {  	_ =	shalt  }
0x7e: {  	_ =	shalt  }
0x7f: {  	_ =	shalt  }
0x80: {  	_ =	shalt  }
0x81: {  	_ =	shalt  }
0x82: {  	_ =	shalt  }
0x83: {  	_ =	shalt  }
0x84: {  	_ =	shalt  }
0x85: {  	_ =	shalt  }
0x86: {  	_ =	shalt  }
0x87: {  	_ =	shalt  }
.Lfunc_end0:
.L_simem_size_0:
called_computation_lowered:
.L_overlay_start_0:
0x88: {  	s2 =	sld [smem:$0x3FD9]  }
0x89: {  	s3 =	sld [smem:$0x3FFE];
	_ =	sdelay $0x1  }
0x8a: {  	s1 =	srdreg.scid  }
0x8b: {  	s0 =	sand.u32 $0x1, s1  }
0x8c: {  	s16 =	sshll.u32 s0, $0xA;
	s2 =	sadd.s32 s3, s2  }
0x8d: {  	s2 =	sadd.s32 s2, s16  }
0x8e: {  	[smem:$0x3FC2] =	sst s2  }
0x8f: {  	_ = 	snop  }
0x90: {  	(tm) =	ssettm $0x1  }
0x91: {  	s17 =	sld [smem:$0x3FFB];
	_ =	sdelay $0x3  }
0x92: {  	_ =	strace s17  }
0x93: {  	s2 =	sld [smem:$0x3FFC];
	_ =	sdelay $0x3  }
0x94: {  	_ =	strace s2  }
0x95: {  	s2 =	sld [smem:$0x3FFD];
	_ =	sdelay $0x3  }
0x96: {  	_ =	strace s2  }
0x97: {  	_ =	strace $0x8FFFFFFF  }
0x98: {  	s18 =	sld [smem:$0x3FDB];
	_ =	sdelay $0x1  }
0x99: {  	s19 =	simm.s32 $_scs_section_size  }
0x9a: {  	s4 =	simm.s32 $_size__tile_overlayer_lowered;
	s5 =	simm.s32 $_tile_overlayer_lowered  }
0x9b: {  	s22 =	simm.s32 $0x1BFF;
	s21 =	sshll.u32 s5, $0x1;
	s2 =	sadd.s32 s19, s18  }
0x9c: {  	s6 =	simm.s32 $0x0;
	s20 =	sshll.u32 s4, $0x1;
	s4 =	sadd.s32 s21, s2  }
0x9d: {  	[timem:s6], [sflag:s22] =	dma.local [hbm:s4], s20  }
0x9e: {  	_ =	swait.ge [sflag:s22], s20  }
0x9f: {  	s3 =	ssub.s32 $0x0, s20;
	[sflag:s22] =	ssyncset.done $0x0  }
0xa0: {  	[sflag:s22] =	ssyncadd.s32 s3;
	_ =	sdelay $0x1  }
0xa1: {  	s23 =	simm.s32 $0x1B8B  }
0xa2: {  	_ =	swait.ge [sflag:s23], $0x1  }
0xa3: {  	[sflag:s23] =	ssyncset.done $0x0  }
0xa4: {  	s25 =	simm.s32 $0x1B8E;
	s24 =	sld [smem:$0x3FFE];
	[sflag:s23] =	ssyncadd.s32 $0xFFFFFFFF  }
0xa5: {  	s26 =	simm.s32 $execute0_lowered;
	[smem:$0x3FD2] =	sst s25  }
0xa6: {  	s4 =	sshll.u32 s26, $0x1;
	_ =	strace $0x80000046;
	[dreg:$0x1] =	wrdreg $0xFFFFFFFF  }
0xa7: {  	s28 =	simm.s32 $_size_execute0_lowered;
	s2 =	sadd.s32 s2, s4;
	[dreg:$0x0] =	wrdreg $0x0  }
0xa8: {  	s4 =	sshll.u32 s28, $0x1;
	[dreg:$0x2] =	wrdreg s2  }
0xa9: {  	[dreg:$0x3] =	wrdreg s4  }
0xaa: {  	[dreg:$0x4] =	wrdreg $0xC0  }
0xab: {  	_ =	task [dreg:s6], $0x5FFFF  }
0xac: {  	[dreg:$0x1] =	wrdreg $0xFFFFFFFF  }
0xad: {  	[dreg:$0x0] =	wrdreg $0x60  }
0xae: {  	[dreg:$0x2] =	wrdreg s24  }
0xaf: {  	[dreg:$0x3] =	wrdreg $0x2D800  }
0xb0: {  	[dreg:$0x4] =	wrdreg $0x9  }
0xb1: {  	_ =	task.clear_ibuf [dreg:s6], $0x5FFFF;
	_ =	strace $0x90000046  }
0xb2: {  	s29 =	simm.s32 $0x9;
	_ =	strace $0x80000048  }
0xb3: {  	_ =	swait.ge [sflag:s29], $0x1  }
0xb4: {  	[sflag:s29] =	ssyncadd.s32 $0xFFFFFFFF  }
0xb5: {  	_ =	strace $0x90000048  }
0xb6: {  	_ =	sfence  }
0xb7: {  	s30 =	sld [smem:$0x0];
	_ =	sdelay $0x2  }
0xb8: {  	s31 =	sshll.u32 s1, $0xD;
	s1 =	sshrl.u32 s1, $0x2  }
0xb9: {  	s3 =	sand.u32 $0x4000, s31;
	s1 =	sadd.s32 s1, s30  }
0xba: {  	s0 =	sor.u32 s3, s0;
	s1 =	sshll.u32 s1, $0x11  }
0xbb: {  	s0 =	sor.u32 s1, s0  }
0xbc: {  	s0 =	sadd.s32 $0x8F2B, s0  }
0xbd: {  	[sflag:s0] =	ssyncadd.remote.s32 $0x1  }
0xbe: {  	_ =	sfence.sel $0xFFFF  }
0xbf: {  	[dreg:$0x0] =	wrdreg $0xFFFFFFFF;
	(pc) =	sbr.abs _section_cstart, $3  }
0xc0: {  	[dreg:$0x1] =	wrdreg $0xFFFFFFFF  }
0xc1: {  	_ =	task.clear_ibuf [dreg:s6], $0x2FFFF;
	_ =	strace $0x9FFFFFFF  }
0xc2: {  	(tm) =	ssettm $0x7FFFFFFF  }
0xc3: {  	_ =	shalt  }
tec
execute0_lowered:
.L_overlay_start_1:
0x0: {  	(tag) =	ssettag $0x1  }
0x1: {  	s3 =	rddreg [dreg:$0x0]  }
0x2: {  	s4 =	rddreg [dreg:$0x1]  }
0x3: {  	s0 =	rddreg [dreg:$0x2];
	s2 =	simm.s32 $0x0;
	s1 =	stileid.u32  }
0x4: {  	s5 =	srdreg.scid;
	s13 =	simm.s32 $0x2880;
	s14 =	simm.s32 $0x0  }
0x5: {  	[smem:$0x7FF] =	sst s2;
	s5 =	sand.u32 $0x1, s5;
	s6 =	smul.u32 $0x500, s1  }
0x6: {  	s8 =	smul.u32 $0xA00, s1;
	s28 =	sshrl.u32 s1, $0x3;
	s10 =	sshll.u32 s1, $0x7  }
0x7: {  	s11 =	smul.u32 $0x5000, s1;
	_ =	strace $0x80000047;
	s7 =	sshll.u32 s5, $0x7  }
0x8: {  	s9 =	ssub.s32 $0x2, s5;
	s10 =	sand.u32 $0x380, s10;
	s12 =	smul.u32 $0x500, s5  }
0x9: {  	s6 =	sor.u32 s7, s6;
	s7 =	smul.u32 $0x50000, s28;
	s8 =	sadd.s32 s8, s3  }
0xa: {  	s29 =	sshrl.u32 s9, $0x1;
	s30 =	sshrl.u32 s11, $0x2;
	s11 =	simm.s32 $0x2B00  }
0xb: {  	s6 =	sshrl.u32 s6, $0x3;
	s9 =	ssub.s32 s9, s29;
	s31 =	sadd.s32 s12, s8  }
0xc: {  	s8 =	simm.s32 $0x1;
	s12 =	simm.s32 $0x100;
	s7 =	sshrl.u32 s7, $0x2  }
0xd: {  	s6 =	sadd.s32 s6, s3;
	s7 =	sadd.s32 s7, s4;
	s4 =	sadd.s32 s30, s4  }
0xe: {  	s5 =	sadd.s32 $0xBA00, s6;
	s6 =	smax.u32 s9, $0x1;
	s9 =	simm.s32 $0x80  }
0xf: {  	v0 =	vimm.f32 $0.0e+00;
	v1 =	vimm.f32 $1.000000000e+00;
	s3 =	sadd.s32 s10, s7;
	s7 =	sadd.s32 $0x1A00, s31;
	s10 =	simm.s32 $0x400  }
.LBB2_1:
0x10: {  	s15 =	simm.s32 $0x0  }
.LBB2_2:
0x11: {  	p0 =	sne.s32 s15, $0x9FC0  }
.Ltmp0:
0x12: {  	_ = 	snop;
	(pc) =	sbr.rel @p0 .LBB2_2-.Ltmp0, $3  }
0x13: {  	_ =	sdelay $0x1  }
0x14: {  	s16 =	sshra.s32 s15, $0x2  }
0x15: {  	s15 =	sadd.s32 $0x40, s15;
	[tilespmem:s16+$0x80] =	vst v0  }
0x16: {  	s15 =	simm.s32 $0x0  }
.LBB2_4:
0x17: {  	s16 =	sadd.s32 s15, s7  }
0x18: {  	[tilespmem:s2], [sflag:$0x1] =	stream.linear.gather [hbm4b:s16+s2], $0x80, $0x38;
	[tilespmem:$0x5580] =	vst v63  }
0x19: {  	_ =	swait.ge [sflag:s8], $0x80  }
0x1a: {  	[sflag:s8] =	ssyncset.done $0x0  }
0x1b: {  	[sflag:s8] =	ssyncadd.s32 $0xFFFFFF80  }
0x1c: {  	v2 =	vld [tilespmem:$0x0];
	_ =	sdelay $0x7  }
0x1d: {  	[tilespmem:v2+s9+$0x0] =	vst.idx.add.f32.msk $0xffff, v1  }
0x1e: {  	v2 =	vld [tilespmem:$0x10];
	_ =	sdelay $0x7  }
0x1f: {  	[tilespmem:v2+s9+$0x0] =	vst.idx.add.f32.msk $0xffff, v1  }
0x20: {  	v2 =	vld [tilespmem:$0x20];
	_ =	sdelay $0x7  }
0x21: {  	[tilespmem:v2+s9+$0x0] =	vst.idx.add.f32.msk $0xffff, v1  }
0x22: {  	v2 =	vld [tilespmem:$0x30];
	_ =	sdelay $0x7  }
0x23: {  	[tilespmem:v2+s9+$0x0] =	vst.idx.add.f32.msk $0xffff, v1  }
0x24: {  	v2 =	vld [tilespmem:$0x40];
	_ =	sdelay $0x7  }
0x25: {  	[tilespmem:v2+s9+$0x0] =	vst.idx.add.f32.msk $0xffff, v1  }
0x26: {  	v2 =	vld [tilespmem:$0x50];
	_ =	sdelay $0x7  }
0x27: {  	[tilespmem:v2+s9+$0x0] =	vst.idx.add.f32.msk $0xffff, v1  }
0x28: {  	v2 =	vld [tilespmem:$0x60];
	_ =	sdelay $0x7  }
0x29: {  	[tilespmem:v2+s9+$0x0] =	vst.idx.add.f32.msk $0xffff, v1  }
0x2a: {  	v2 =	vld [tilespmem:$0x70];
	_ =	sdelay $0x2  }
0x2b: {  	p0 =	sne.s32 s15, $0x4F0  }
.Ltmp1:
0x2c: {  	_ = 	snop;
	(pc) =	sbr.rel @p0 .LBB2_4-.Ltmp1, $2  }
0x2d: {  	_ =	sdelay $0x2  }
0x2e: {  	s15 =	sadd.s32 $0x10, s15;
	[tilespmem:v2+s9+$0x0] =	vst.idx.add.f32.msk $0xffff, v1  }
0x2f: {  	[spmem:s3] =	stream.strided.scatter [tilespmem:s9], [sflag:$0x1], $0x2800, s10, s9, $0x38;
	[tilespmem:$0x5580] =	vst v63  }
0x30: {  	_ =	swait.ge [sflag:s8], $0x2800  }
0x31: {  	[sflag:s8] =	ssyncset.done $0x0  }
0x32: {  	[sflag:s8] =	ssyncadd.s32 $0xFFFFD800  }
0x33: {  	[bflag:$0x0] =	sbarrier.arrive $0xFFFF  }
0x34: {  	[tilespmem:$0x2880] =	vst v0  }
0x35: {  	[tilespmem:$0x2890] =	vst v0  }
0x36: {  	[tilespmem:$0x28A0] =	vst v0  }
0x37: {  	[tilespmem:$0x28B0] =	vst v0  }
0x38: {  	[tilespmem:$0x28C0] =	vst v0  }
0x39: {  	[tilespmem:$0x28D0] =	vst v0  }
0x3a: {  	[tilespmem:$0x28E0] =	vst v0  }
0x3b: {  	[tilespmem:$0x28F0] =	vst v0  }
0x3c: {  	[tilespmem:$0x2900] =	vst v0  }
0x3d: {  	[tilespmem:$0x2910] =	vst v0  }
0x3e: {  	[tilespmem:$0x2920] =	vst v0  }
0x3f: {  	[tilespmem:$0x2930] =	vst v0  }
0x40: {  	[tilespmem:$0x2940] =	vst v0  }
0x41: {  	[tilespmem:$0x2950] =	vst v0  }
0x42: {  	[tilespmem:$0x2960] =	vst v0  }
0x43: {  	[tilespmem:$0x2970] =	vst v0  }
0x44: {  	[tilespmem:$0x2980] =	vst v0  }
0x45: {  	[tilespmem:$0x2990] =	vst v0  }
0x46: {  	[tilespmem:$0x29A0] =	vst v0  }
0x47: {  	[tilespmem:$0x29B0] =	vst v0  }
0x48: {  	[tilespmem:$0x29C0] =	vst v0  }
0x49: {  	[tilespmem:$0x29D0] =	vst v0  }
0x4a: {  	[tilespmem:$0x29E0] =	vst v0  }
0x4b: {  	[tilespmem:$0x29F0] =	vst v0  }
0x4c: {  	[tilespmem:$0x2A00] =	vst v0  }
0x4d: {  	[tilespmem:$0x2A10] =	vst v0  }
0x4e: {  	[tilespmem:$0x2A20] =	vst v0  }
0x4f: {  	[tilespmem:$0x2A30] =	vst v0  }
0x50: {  	[tilespmem:$0x2A40] =	vst v0  }
0x51: {  	[tilespmem:$0x2A50] =	vst v0  }
0x52: {  	[tilespmem:$0x2A60] =	vst v0  }
0x53: {  	[tilespmem:$0x2A70] =	vst v0  }
0x54: {  	[tilespmem:$0x2A80] =	vst v0  }
0x55: {  	[tilespmem:$0x2A90] =	vst v0  }
0x56: {  	[tilespmem:$0x2AA0] =	vst v0  }
0x57: {  	[tilespmem:$0x2AB0] =	vst v0  }
0x58: {  	[tilespmem:$0x2AC0] =	vst v0  }
0x59: {  	[tilespmem:$0x2AD0] =	vst v0  }
0x5a: {  	[tilespmem:$0x2AE0] =	vst v0  }
0x5b: {  	s15 =	simm.s32 $0x0;
	[tilespmem:$0x2AF0] =	vst v0  }
.LBB2_6:
0x5c: {  	s16 =	sshrl.u32 s15, $0x3  }
0x5d: {  	s16 =	smul.u32 $0x50000, s16;
	_ =	sdelay $0x1  }
0x5e: {  	s17 =	sshll.u32 s15, $0x7;
	s16 =	sshra.s32 s16, $0x2  }
0x5f: {  	s17 =	sand.u32 $0x380, s17;
	s16 =	sadd.s32 s16, s4  }
0x60: {  	s16 =	sadd.s32 s17, s16  }
0x61: {  	[tilespmem:s11], [sflag:$0x1] =	stream.strided.gather [spmem:s16], $0x280, s10, s9, $0x38;
	[tilespmem:$0x5580] =	vst v63  }
0x62: {  	_ =	swait.ge [sflag:s8], $0x280  }
0x63: {  	[sflag:s8] =	ssyncset.done $0x0  }
0x64: {  	s16 =	simm.s32 $0x0;
	[sflag:s8] =	ssyncadd.s32 $0xFFFFFD80  }
0x65: {  	s17 =	simm.s32 $0x40;
	v2 =	vld [tilespmem:s16+$0x2B00]  }
.LBB2_7:
0x66: {  	p0 =	sne.s32 s17, $0x9C0;
	v3 =	vld [tilespmem:s16+$0x2880];
	_ =	sdelay $0x2  }
.Ltmp2:
0x67: {  	(pc) =	sbr.rel @p0 .LBB2_7-.Ltmp2, $4  }
0x68: {  	_ = 	snop  }
0x69: {  	v3 =	vadd.f32 v2, v3  }
0x6a: {  	s18 =	sshra.s32 s17, $0x2  }
0x6b: {  	s17 =	sadd.s32 $0x40, s17;
	v2 =	vld [tilespmem:s18+$0x2B00];
	[tilespmem:s16+$0x2880] =	vst v3;
	s16 =	smov.u32 s18  }
0x6c: {  	v3 =	vld [tilespmem:s16+$0x2880]  }
0x6d: {  	s15 =	sadd.s32 $0x1, s15  }
0x6e: {  	p0 =	sne.s32 s15, $0x10  }
.Ltmp3:
0x6f: {  	_ = 	snop;
	(pc) =	sbr.rel @p0 .LBB2_6-.Ltmp3, $3  }
0x70: {  	_ = 	snop  }
0x71: {  	v2 =	vadd.f32 v2, v3;
	_ =	sdelay $0x1  }
0x72: {  	[tilespmem:s16+$0x2880] =	vst v2  }
0x73: {  	s14 =	sadd.s32 $0x1, s14  }
0x74: {  	p0 =	sne.s32 s14, s6  }
.Ltmp4:
0x75: {  	_ = 	snop;
	(pc) =	sbr.rel @p0 .LBB2_1-.Ltmp4, $4  }
0x76: {  	[hbm4b:s5+s9] =	stream.strided.scatter [tilespmem:s13], [sflag:$0x1], $0x280, s12, s9, $0x38;
	[tilespmem:$0x5580] =	vst v63  }
0x77: {  	_ =	swait.ge [sflag:s8], $0x280  }
0x78: {  	[sflag:s8] =	ssyncset.done $0x0  }
0x79: {  	[sflag:s8] =	ssyncadd.s32 $0xFFFFFD80  }
0x7a: {  	_ =	sfence.sel $0x180000  }
0x7b: {  	[bflag:$0x0] =	sbarrier.arrive $0xFFFF  }
0x7c: {  	p0 =	sne.s32 s1, $0x0;
	_ =	strace $0x90000047  }
0x7d: {  	s0 =	sadd.s32 @!p0 $0x100000, s0;
	[bflag:$0x2] =	sbarrier.arrive $0xFFFF  }
0x7e: {  	[sflag:s0] =	ssyncadd.tile.s32 @!p0 $0x1;
	_ =	shalt  }
.Lfunc_end2:
_tile_overlayer_lowered:
.L_overlay_start_2:
0x7f: {  	(tag) =	ssettag $0x2  }
0x80: {  	s0 =	rddreg [dreg:$0x0];
	s2 =	stileid.u32  }
0x81: {  	s1 =	rddreg [dreg:$0x1];
	p0 =	sne.s32 s2, $0x0  }
0x82: {  	s3 =	rddreg [dreg:$0x2];
	[bflag:$0x3] =	sbarrier.arrive $0xFFFF;
	s2 =	simm.s32 @!p0 $0x1C01  }
0x83: {  	[timem:s3], [sflag:s2] =	dma.local @!p0 [hbm:s0], s1  }
0x84: {  	s0 =	simm.s32 @!p0 $0x1  }
0x85: {  	_ =	swait.ge @!p0 [sflag:s0], s1  }
0x86: {  	s1 =	ssub.s32 @!p0 $0x0, s1;
	[sflag:s0] =	ssyncset.done @!p0 $0x0  }
0x87: {  	[sflag:s0] =	ssyncadd.s32 @!p0 s1  }
0x88: {  	[bflag:$0x3] =	sbarrier.arrive $0xFFFF  }
0x89: {  	_ =	shalt  }

</sc_bundles>
